<compile_context>
chip_gen: v7x
topology: tpu7x:2x2x1
jax: 0.10.2.dev20260603
libtpu: 0.0.44.dev20260713+nightly
codegen_flags: <defaults>
</compile_context>

<pallas_src>
import functools

import jax
import jax.numpy as jnp
from jax import lax
from jax.experimental import pallas as pl
from jax.experimental.pallas import tpu as pltpu
from jax.experimental.pallas import tpu_sc as plsc

_NUM_CLASSES = 1000000
_FEAT = 64
_BATCH = 16384
_LAMBDA = 0.003

_INFO = plsc.get_sparse_core_info()
_NC, _NS, _L = _INFO.num_cores, _INFO.num_subcores, _INFO.num_lanes
_NW = _NC * _NS
_BPW = _BATCH // _NW
_NG = _BPW // _L
_NBUF = 4
_AHEAD = 3
_FVEC = _FEAT // _L
_EROW = _BPW * _FEAT // 128

_TCOLS = _NUM_CLASSES // 128
_TPW = _TCOLS // _NW
_TEXTRA = _TCOLS - _TPW * _NW
_TAIL = _TCOLS * 128
_STR = 137

_COMPILER = pltpu.CompilerParams(
    use_tc_tiling_on_sc=True, needs_layout_passes=False)


def _transpose_body(centersT_hbm, out_hbm, in_v, out_v, sem_i, sem_o):
    wid = lax.axis_index("s") * _NC + lax.axis_index("c")
    base = wid * _TPW
    iota = lax.iota(jnp.int32, _L)

    def in_descr(i, tc):
        s = lax.rem(i, 2)
        return pltpu.make_async_copy(
            centersT_hbm.at[:, pl.ds(tc * 128, 128)],
            in_v.at[s, :, pl.ds(0, 128)], sem_i)

    def out_descr(i, tc):
        s = lax.rem(i, 2)
        return pltpu.make_async_copy(
            out_v.at[s], out_hbm.at[pl.ds(tc * 128, 128), :], sem_o)

    def compute(i):
        s = lax.rem(i, 2)
        sv = jnp.full((_L,), s, jnp.int32)

        def row(r8, carry):
            for u in range(8):
                r = r8 * 8 + u
                rv = jnp.full((_L,), r, jnp.int32)
                for c in range(_FVEC):
                    v = plsc.load_gather(in_v, [sv, iota + (c * _L), rv])
                    out_v[s, r, pl.ds(c * _L, _L)] = v
            return carry

        lax.fori_loop(0, 16, row, 0)

    in_descr(0, base).start()

    def step(i, carry):
        @pl.when(i < _TPW - 1)
        def _():
            in_descr(i + 1, base + i + 1).start()
        in_descr(i, base + i).wait()

        @pl.when(i >= 2)
        def _():
            out_descr(i - 2, base + i - 2).wait()
        compute(i)
        out_descr(i, base + i).start()
        return carry

    lax.fori_loop(0, _TPW, step, 0)
    out_descr(_TPW - 2, base + _TPW - 2).wait()
    out_descr(_TPW - 1, base + _TPW - 1).wait()

    @pl.when(wid < _TEXTRA)
    def _():
        tc = _NW * _TPW + wid
        in_descr(0, tc).start()
        in_descr(0, tc).wait()
        compute(0)
        out_descr(0, tc).start()
        out_descr(0, tc).wait()


def _loss_body(labels_hbm, emb_hbm, table_hbm, tail_hbm, out_hbm,
               lab_v, blocks_v, emb_v, tail_v, out_v, sem_b, sem_e):
    wid = lax.axis_index("s") * _NC + lax.axis_index("c")
    base = wid * _BPW

    pltpu.sync_copy(labels_hbm.at[pl.ds(base, _BPW)], lab_v)
    pltpu.sync_copy(tail_hbm, tail_v)
    emb_cp = pltpu.async_copy(
        emb_hbm.at[pl.ds(wid * _EROW, _EROW), :], emb_v, sem_e)

    def fire(g):
        lv = lab_v[pl.ds(g * _L, _L)]
        av = lax.shift_left(lax.shift_right_logical(lv, 3), 3)
        s = lax.rem(g, _NBUF)
        for b in range(_L):
            al = pl.multiple_of(av[b], 8)
            pltpu.async_copy(
                table_hbm.at[pl.ds(al, 8), :], blocks_v.at[s, b], sem_b)

    for g in range(_AHEAD):
        fire(g)
    emb_cp.wait()

    def step(g, accs):
        @pl.when(g < _NG - _AHEAD)
        def _():
            fire(g + _AHEAD)
        s = lax.rem(g, _NBUF)
        for b in range(_L):
            pltpu.make_async_copy(
                table_hbm.at[pl.ds(0, 8), :],
                blocks_v.at[s, b], sem_b).wait()
        lv = lab_v[pl.ds(g * _L, _L)]
        out = list(accs)
        for b in range(_L):
            lb = lv[b]
            ob = lax.bitwise_and(lb, 7)
            in_tail = lb >= _TAIL
            tl = lax.max(lb - _TAIL, 0)
            k = g * (_L // 2) + (b // 2)
            for c in range(_FVEC):
                ev = emb_v[k, pl.ds((b % 2) * _FEAT + c * _L, _L)]
                cv = blocks_v[s, b, ob, pl.ds(c * _L, _L)]
                tv = tail_v[tl, pl.ds(c * _L, _L)]
                d = ev - jnp.where(in_tail, tv, cv)
                out[c] = out[c] + d * d
        return tuple(out)

    zero = jnp.zeros((_L,), jnp.float32)
    accs = lax.fori_loop(0, _NG, step, (zero,) * _FVEC)
    out_v[...] = (accs[0] + accs[1]) + (accs[2] + accs[3])
    pltpu.sync_copy(out_v, out_hbm.at[pl.ds(wid * _L, _L)])


@jax.jit
def _center_loss_partials(labels, emb128, centersT, tail):
    mesh = plsc.VectorSubcoreMesh(core_axis_name="c", subcore_axis_name="s")
    table = functools.partial(
        pl.kernel,
        mesh=mesh,
        out_type=jax.ShapeDtypeStruct((_NUM_CLASSES, _FEAT), jnp.float32),
        scratch_types=[
            pltpu.VMEM((2, _FEAT, _STR), jnp.float32),
            pltpu.VMEM((2, 128, _FEAT), jnp.float32),
            pltpu.SemaphoreType.DMA,
            pltpu.SemaphoreType.DMA,
        ],
        compiler_params=_COMPILER,
    )(_transpose_body)(centersT)
    partials = functools.partial(
        pl.kernel,
        mesh=mesh,
        out_type=jax.ShapeDtypeStruct((_NW * _L,), jnp.float32),
        scratch_types=[
            pltpu.VMEM((_BPW,), jnp.int32),
            pltpu.VMEM((_NBUF, _L, 8, _FEAT), jnp.float32),
            pltpu.VMEM((_EROW, 128), jnp.float32),
            pltpu.VMEM((_FEAT, _FEAT), jnp.float32),
            pltpu.VMEM((_L,), jnp.float32),
            pltpu.SemaphoreType.DMA,
            pltpu.SemaphoreType.DMA,
        ],
        compiler_params=_COMPILER,
    )(_loss_body)(labels, emb128, table, tail)
    return partials


def kernel(embeddings, labels, centers):
    emb128 = embeddings.reshape(_BATCH * _FEAT // 128, 128)
    tail = centers[_TAIL:]
    partials = _center_loss_partials(
        labels.astype(jnp.int32), emb128, centers.T, tail)
    return jnp.sum(partials) * (_LAMBDA / (_BATCH * _FEAT))

# --- scband reference (transcript-rebuilt; emitter-appended) ---
"""Pipeline reference for scband-center-loss-83262236000886 (READ-ONLY COPY).

The authoritative reference and input builder live on the scoring server;
editing this copy changes nothing except your own understanding.
"""

import jax, jax.numpy as jnp
import numpy as np

NUM_CLASSES = 1000000
FEAT_DIM = 64
BATCH = 16384
LAMBDA_C = 0.003

def setup_inputs(seed: int = 0) -> dict:
    key = jax.random.key(seed)
    k1, k2, k3 = jax.random.split(key, 3)
    embeddings = jax.random.normal(k1, (BATCH, FEAT_DIM), dtype=jnp.float32)
    labels = jax.random.randint(k2, (BATCH,), 0, NUM_CLASSES, dtype=jnp.int64)
    # learned parameter: class centers, init normal(0, 0.1) as in nn.init.normal_
    centers = 0.1 * jax.random.normal(k3, (NUM_CLASSES, FEAT_DIM), dtype=jnp.float32)
    return {"embeddings": embeddings, "labels": labels, "centers": centers}

def reference(embeddings, labels, centers):
    # centers_batch = self.centers[labels]  (gather)
    centers_batch = jnp.take(centers, labels, axis=0)
    # F.mse_loss with default 'mean' reduction
    center_loss = jnp.mean((embeddings - centers_batch) ** 2)
    return LAMBDA_C * center_loss

if __name__ == "__main__":
    import jax
    _d = setup_inputs()
    print(jax.jit(kernel)(*tuple(_d.values())))

</pallas_src>

<mosaic_0001>
#map = affine_map<(d0, d1) -> (0)>
#map1 = affine_map<(d0, d1) -> (0, 0)>
module attributes {stable_mosaic.version = 14 : i64} {
  func.func @_loss_body(%arg0: i32, %arg1: i32, %arg2: memref<16384xi32, #tpu.memory_space<hbm>>, %arg3: memref<8192x128xf32, #tpu.memory_space<hbm>>, %arg4: memref<1000000x64xf32, #tpu.memory_space<hbm>>, %arg5: memref<64x64xf32, #tpu.memory_space<hbm>>, %arg6: memref<512xf32, #tpu.memory_space<hbm>>, %arg7: memref<512xi32, #tpu.memory_space<vmem>>, %arg8: memref<4x16x8x64xf32, #tpu.memory_space<vmem>>, %arg9: memref<256x128xf32, #tpu.memory_space<vmem>>, %arg10: memref<64x64xf32, #tpu.memory_space<vmem>>, %arg11: memref<16xf32, #tpu.memory_space<vmem>>, %arg12: memref<!tpu.dma_semaphore, #tpu.memory_space<semaphore_mem>>, %arg13: memref<!tpu.dma_semaphore, #tpu.memory_space<semaphore_mem>>) attributes {dimension_semantics = [#tpu.dimension_semantics<core_parallel>, #tpu.dimension_semantics<subcore_parallel>], iteration_bounds = array<i64: 2, 16>, scalar_prefetch = 0 : i64, scratch_operands = 7 : i64, tpu.core_type = #tpu.core_type<sc_vector_subcore>, window_params = [{transform_indices = #map}, {transform_indices = #map1}, {transform_indices = #map1}, {transform_indices = #map1}, {transform_indices = #map}]} {
    %mul3A = arith.constant 2 : i32
    %mul3A_0 = arith.muli %arg1, %mul3A : i32
    %add3A = arith.addi %mul3A_0, %arg0 : i32
    %mul3A_1 = arith.constant 512 : i32
    %mul3A_2 = arith.muli %add3A, %mul3A_1 : i32
    "tpu.region"() ({
      %run_scoped3A = tpu.sem_alloc : memref<!tpu.dma_semaphore, #tpu.memory_space<semaphore_mem>>
      %dma_start3A_817 = tpu.memref_slice %arg2[%mul3A_2] : memref<16384xi32, #tpu.memory_space<hbm>> -> memref<512xi32, #tpu.memory_space<hbm>>
      %dma_start3A_818 = tpu.memref_slice %arg2[%mul3A_2] : memref<16384xi32, #tpu.memory_space<hbm>> -> memref<512xi32, #tpu.memory_space<hbm>>
      tpu.enqueue_dma source(%dma_start3A_818 : memref<512xi32, #tpu.memory_space<hbm>>) target(%arg7 : memref<512xi32, #tpu.memory_space<vmem>>) target_semaphore(%run_scoped3A : memref<!tpu.dma_semaphore, #tpu.memory_space<semaphore_mem>>)
      %dma_wait3A_819 = tpu.memref_slice %arg2[%mul3A_2] : memref<16384xi32, #tpu.memory_space<hbm>> -> memref<512xi32, #tpu.memory_space<hbm>>
      %dma_wait3A_820 = tpu.memref_slice %arg2[%mul3A_2] : memref<16384xi32, #tpu.memory_space<hbm>> -> memref<512xi32, #tpu.memory_space<hbm>>
      tpu.wait_dma2 semaphore(%run_scoped3A : memref<!tpu.dma_semaphore, #tpu.memory_space<semaphore_mem>>) src(%dma_wait3A_820 : memref<512xi32, #tpu.memory_space<hbm>>) dst(%arg7 : memref<512xi32, #tpu.memory_space<vmem>>)
      tpu.yield
    }) : () -> ()
    "tpu.region"() ({
      %run_scoped3A = tpu.sem_alloc : memref<!tpu.dma_semaphore, #tpu.memory_space<semaphore_mem>>
      tpu.enqueue_dma source(%arg5 : memref<64x64xf32, #tpu.memory_space<hbm>>) target(%arg10 : memref<64x64xf32, #tpu.memory_space<vmem>>) target_semaphore(%run_scoped3A : memref<!tpu.dma_semaphore, #tpu.memory_space<semaphore_mem>>)
      tpu.wait_dma2 semaphore(%run_scoped3A : memref<!tpu.dma_semaphore, #tpu.memory_space<semaphore_mem>>) src(%arg5 : memref<64x64xf32, #tpu.memory_space<hbm>>) dst(%arg10 : memref<64x64xf32, #tpu.memory_space<vmem>>)
      tpu.yield
    }) : () -> ()
    %mul3A_3 = arith.constant 256 : i32
    %mul3A_4 = arith.muli %add3A, %mul3A_3 : i32
    %dma_start3A = arith.constant 0 : i32
    %dma_start3A_5 = tpu.memref_slice %arg3[%mul3A_4, %dma_start3A] : memref<8192x128xf32, #tpu.memory_space<hbm>> -> memref<256x128xf32, #tpu.memory_space<hbm>>
    %dma_start3A_6 = arith.constant 0 : i32
    %dma_start3A_7 = tpu.memref_slice %arg3[%mul3A_4, %dma_start3A_6] : memref<8192x128xf32, #tpu.memory_space<hbm>> -> memref<256x128xf32, #tpu.memory_space<hbm>>
    tpu.enqueue_dma source(%dma_start3A_7 : memref<256x128xf32, #tpu.memory_space<hbm>>) target(%arg9 : memref<256x128xf32, #tpu.memory_space<vmem>>) target_semaphore(%arg13 : memref<!tpu.dma_semaphore, #tpu.memory_space<semaphore_mem>>)
    %get3A = arith.constant 0 : index
    %get3A_8 = tpu.vector_load %arg7[%get3A] {strides = array<i32>} : memref<512xi32, #tpu.memory_space<vmem>>, vector<16xi32>,
    %shift_right_logical3A = arith.constant 3 : i32
    %shift_right_logical3A_9 = vector.broadcast %shift_right_logical3A : i32 to vector<16xi32>
    %shift_right_logical3A_10 = arith.shrui %get3A_8, %shift_right_logical3A_9 : vector<16xi32>
    %shift_left3A = arith.constant 3 : i32
    %shift_left3A_11 = vector.broadcast %shift_left3A : i32 to vector<16xi32>
    %shift_left3A_12 = arith.shli %shift_right_logical3A_10, %shift_left3A_11 : vector<16xi32>
    %rem3A = arith.constant 0 : i32
    %rem3A_13 = arith.constant 4 : i32
    %rem3A_14 = arith.remsi %rem3A, %rem3A_13 : i32
    %slice3A = vector.extract_strided_slice %shift_left3A_12 {offsets = [0], sizes = [1], strides = [1]} : vector<16xi32> to vector<1xi32>
    %squeeze3A = vector.extract %slice3A[0] : i32 from vector<1xi32>
    %multiple_of3A = tpu.assume_multiple %squeeze3A, 8 : i32
    %dma_start3A_15 = arith.constant 0 : i32
    %dma_start3A_16 = arith.constant 0 : i32
    %dma_start3A_17 = arith.constant 0 : i32
    %dma_start3A_18 = tpu.memref_slice %arg8[%rem3A_14, %dma_start3A_15, %dma_start3A_16, %dma_start3A_17] : memref<4x16x8x64xf32, #tpu.memory_space<vmem>> -> memref<1x1x8x64xf32, #tpu.memory_space<vmem>>
    %dma_start3A_19 = tpu.memref_squeeze %dma_start3A_18 : memref<1x1x8x64xf32, #tpu.memory_space<vmem>> -> memref<8x64xf32, #tpu.memory_space<vmem>>
    %dma_start3A_20 = arith.constant 0 : i32
    %dma_start3A_21 = tpu.memref_slice %arg4[%multiple_of3A, %dma_start3A_20] : memref<1000000x64xf32, #tpu.memory_space<hbm>> -> memref<8x64xf32, #tpu.memory_space<hbm>>
    %dma_start3A_22 = arith.constant 0 : i32
    %dma_start3A_23 = arith.constant 0 : i32
    %dma_start3A_24 = tpu.memref_slice %arg8[%rem3A_14, %dma_start3A_15, %dma_start3A_22, %dma_start3A_23] : memref<4x16x8x64xf32, #tpu.memory_space<vmem>> -> memref<1x1x8x64xf32, #tpu.memory_space<vmem>>
    %dma_start3A_25 = tpu.memref_squeeze %dma_start3A_24 : memref<1x1x8x64xf32, #tpu.memory_space<vmem>> -> memref<8x64xf32, #tpu.memory_space<vmem>>
    %dma_start3A_26 = arith.constant 0 : i32
    %dma_start3A_27 = tpu.memref_slice %arg4[%multiple_of3A, %dma_start3A_26] : memref<1000000x64xf32, #tpu.memory_space<hbm>> -> memref<8x64xf32, #tpu.memory_space<hbm>>
    tpu.enqueue_dma source(%dma_start3A_27 : memref<8x64xf32, #tpu.memory_space<hbm>>) target(%dma_start3A_25 : memref<8x64xf32, #tpu.memory_space<vmem>>) target_semaphore(%arg12 : memref<!tpu.dma_semaphore, #tpu.memory_space<semaphore_mem>>)
    %slice3A_28 = vector.extract_strided_slice %shift_left3A_12 {offsets = [1], sizes = [1], strides = [1]} : vector<16xi32> to vector<1xi32>
    %squeeze3A_29 = vector.extract %slice3A_28[0] : i32 from vector<1xi32>
    %multiple_of3A_30 = tpu.assume_multiple %squeeze3A_29, 8 : i32
    %dma_start3A_31 = arith.constant 1 : i32
    %dma_start3A_32 = arith.constant 0 : i32
    %dma_start3A_33 = arith.constant 0 : i32
    %dma_start3A_34 = tpu.memref_slice %arg8[%rem3A_14, %dma_start3A_31, %dma_start3A_32, %dma_start3A_33] : memref<4x16x8x64xf32, #tpu.memory_space<vmem>> -> memref<1x1x8x64xf32, #tpu.memory_space<vmem>>
    %dma_start3A_35 = tpu.memref_squeeze %dma_start3A_34 : memref<1x1x8x64xf32, #tpu.memory_space<vmem>> -> memref<8x64xf32, #tpu.memory_space<vmem>>
    %dma_start3A_36 = arith.constant 0 : i32
    %dma_start3A_37 = tpu.memref_slice %arg4[%multiple_of3A_30, %dma_start3A_36] : memref<1000000x64xf32, #tpu.memory_space<hbm>> -> memref<8x64xf32, #tpu.memory_space<hbm>>
    %dma_start3A_38 = arith.constant 0 : i32
    %dma_start3A_39 = arith.constant 0 : i32
    %dma_start3A_40 = tpu.memref_slice %arg8[%rem3A_14, %dma_start3A_31, %dma_start3A_38, %dma_start3A_39] : memref<4x16x8x64xf32, #tpu.memory_space<vmem>> -> memref<1x1x8x64xf32, #tpu.memory_space<vmem>>
    %dma_start3A_41 = tpu.memref_squeeze %dma_start3A_40 : memref<1x1x8x64xf32, #tpu.memory_space<vmem>> -> memref<8x64xf32, #tpu.memory_space<vmem>>
    %dma_start3A_42 = arith.constant 0 : i32
    %dma_start3A_43 = tpu.memref_slice %arg4[%multiple_of3A_30, %dma_start3A_42] : memref<1000000x64xf32, #tpu.memory_space<hbm>> -> memref<8x64xf32, #tpu.memory_space<hbm>>
    tpu.enqueue_dma source(%dma_start3A_43 : memref<8x64xf32, #tpu.memory_space<hbm>>) target(%dma_start3A_41 : memref<8x64xf32, #tpu.memory_space<vmem>>) target_semaphore(%arg12 : memref<!tpu.dma_semaphore, #tpu.memory_space<semaphore_mem>>)
    %slice3A_44 = vector.extract_strided_slice %shift_left3A_12 {offsets = [2], sizes = [1], strides = [1]} : vector<16xi32> to vector<1xi32>
    %squeeze3A_45 = vector.extract %slice3A_44[0] : i32 from vector<1xi32>
    %multiple_of3A_46 = tpu.assume_multiple %squeeze3A_45, 8 : i32
    %dma_start3A_47 = arith.constant 2 : i32
    %dma_start3A_48 = arith.constant 0 : i32
    %dma_start3A_49 = arith.constant 0 : i32
    %dma_start3A_50 = tpu.memref_slice %arg8[%rem3A_14, %dma_start3A_47, %dma_start3A_48, %dma_start3A_49] : memref<4x16x8x64xf32, #tpu.memory_space<vmem>> -> memref<1x1x8x64xf32, #tpu.memory_space<vmem>>
    %dma_start3A_51 = tpu.memref_squeeze %dma_start3A_50 : memref<1x1x8x64xf32, #tpu.memory_space<vmem>> -> memref<8x64xf32, #tpu.memory_space<vmem>>
    %dma_start3A_52 = arith.constant 0 : i32
    %dma_start3A_53 = tpu.memref_slice %arg4[%multiple_of3A_46, %dma_start3A_52] : memref<1000000x64xf32, #tpu.memory_space<hbm>> -> memref<8x64xf32, #tpu.memory_space<hbm>>
    %dma_start3A_54 = arith.constant 0 : i32
    %dma_start3A_55 = arith.constant 0 : i32
    %dma_start3A_56 = tpu.memref_slice %arg8[%rem3A_14, %dma_start3A_47, %dma_start3A_54, %dma_start3A_55] : memref<4x16x8x64xf32, #tpu.memory_space<vmem>> -> memref<1x1x8x64xf32, #tpu.memory_space<vmem>>
    %dma_start3A_57 = tpu.memref_squeeze %dma_start3A_56 : memref<1x1x8x64xf32, #tpu.memory_space<vmem>> -> memref<8x64xf32, #tpu.memory_space<vmem>>
    %dma_start3A_58 = arith.constant 0 : i32
    %dma_start3A_59 = tpu.memref_slice %arg4[%multiple_of3A_46, %dma_start3A_58] : memref<1000000x64xf32, #tpu.memory_space<hbm>> -> memref<8x64xf32, #tpu.memory_space<hbm>>
    tpu.enqueue_dma source(%dma_start3A_59 : memref<8x64xf32, #tpu.memory_space<hbm>>) target(%dma_start3A_57 : memref<8x64xf32, #tpu.memory_space<vmem>>) target_semaphore(%arg12 : memref<!tpu.dma_semaphore, #tpu.memory_space<semaphore_mem>>)
    %slice3A_60 = vector.extract_strided_slice %shift_left3A_12 {offsets = [3], sizes = [1], strides = [1]} : vector<16xi32> to vector<1xi32>
    %squeeze3A_61 = vector.extract %slice3A_60[0] : i32 from vector<1xi32>
    %multiple_of3A_62 = tpu.assume_multiple %squeeze3A_61, 8 : i32
    %dma_start3A_63 = arith.constant 3 : i32
    %dma_start3A_64 = arith.constant 0 : i32
    %dma_start3A_65 = arith.constant 0 : i32
    %dma_start3A_66 = tpu.memref_slice %arg8[%rem3A_14, %dma_start3A_63, %dma_start3A_64, %dma_start3A_65] : memref<4x16x8x64xf32, #tpu.memory_space<vmem>> -> memref<1x1x8x64xf32, #tpu.memory_space<vmem>>
    %dma_start3A_67 = tpu.memref_squeeze %dma_start3A_66 : memref<1x1x8x64xf32, #tpu.memory_space<vmem>> -> memref<8x64xf32, #tpu.memory_space<vmem>>
    %dma_start3A_68 = arith.constant 0 : i32
    %dma_start3A_69 = tpu.memref_slice %arg4[%multiple_of3A_62, %dma_start3A_68] : memref<1000000x64xf32, #tpu.memory_space<hbm>> -> memref<8x64xf32, #tpu.memory_space<hbm>>
    %dma_start3A_70 = arith.constant 0 : i32
    %dma_start3A_71 = arith.constant 0 : i32
    %dma_start3A_72 = tpu.memref_slice %arg8[%rem3A_14, %dma_start3A_63, %dma_start3A_70, %dma_start3A_71] : memref<4x16x8x64xf32, #tpu.memory_space<vmem>> -> memref<1x1x8x64xf32, #tpu.memory_space<vmem>>
    %dma_start3A_73 = tpu.memref_squeeze %dma_start3A_72 : memref<1x1x8x64xf32, #tpu.memory_space<vmem>> -> memref<8x64xf32, #tpu.memory_space<vmem>>
    %dma_start3A_74 = arith.constant 0 : i32
    %dma_start3A_75 = tpu.memref_slice %arg4[%multiple_of3A_62, %dma_start3A_74] : memref<1000000x64xf32, #tpu.memory_space<hbm>> -> memref<8x64xf32, #tpu.memory_space<hbm>>
    tpu.enqueue_dma source(%dma_start3A_75 : memref<8x64xf32, #tpu.memory_space<hbm>>) target(%dma_start3A_73 : memref<8x64xf32, #tpu.memory_space<vmem>>) target_semaphore(%arg12 : memref<!tpu.dma_semaphore, #tpu.memory_space<semaphore_mem>>)
    %slice3A_76 = vector.extract_strided_slice %shift_left3A_12 {offsets = [4], sizes = [1], strides = [1]} : vector<16xi32> to vector<1xi32>
    %squeeze3A_77 = vector.extract %slice3A_76[0] : i32 from vector<1xi32>
    %multiple_of3A_78 = tpu.assume_multiple %squeeze3A_77, 8 : i32
    %dma_start3A_79 = arith.constant 4 : i32
    %dma_start3A_80 = arith.constant 0 : i32
    %dma_start3A_81 = arith.constant 0 : i32
    %dma_start3A_82 = tpu.memref_slice %arg8[%rem3A_14, %dma_start3A_79, %dma_start3A_80, %dma_start3A_81] : memref<4x16x8x64xf32, #tpu.memory_space<vmem>> -> memref<1x1x8x64xf32, #tpu.memory_space<vmem>>
    %dma_start3A_83 = tpu.memref_squeeze %dma_start3A_82 : memref<1x1x8x64xf32, #tpu.memory_space<vmem>> -> memref<8x64xf32, #tpu.memory_space<vmem>>
    %dma_start3A_84 = arith.constant 0 : i32
    %dma_start3A_85 = tpu.memref_slice %arg4[%multiple_of3A_78, %dma_start3A_84] : memref<1000000x64xf32, #tpu.memory_space<hbm>> -> memref<8x64xf32, #tpu.memory_space<hbm>>
    %dma_start3A_86 = arith.constant 0 : i32
    %dma_start3A_87 = arith.constant 0 : i32
    %dma_start3A_88 = tpu.memref_slice %arg8[%rem3A_14, %dma_start3A_79, %dma_start3A_86, %dma_start3A_87] : memref<4x16x8x64xf32, #tpu.memory_space<vmem>> -> memref<1x1x8x64xf32, #tpu.memory_space<vmem>>
    %dma_start3A_89 = tpu.memref_squeeze %dma_start3A_88 : memref<1x1x8x64xf32, #tpu.memory_space<vmem>> -> memref<8x64xf32, #tpu.memory_space<vmem>>
    %dma_start3A_90 = arith.constant 0 : i32
    %dma_start3A_91 = tpu.memref_slice %arg4[%multiple_of3A_78, %dma_start3A_90] : memref<1000000x64xf32, #tpu.memory_space<hbm>> -> memref<8x64xf32, #tpu.memory_space<hbm>>
    tpu.enqueue_dma source(%dma_start3A_91 : memref<8x64xf32, #tpu.memory_space<hbm>>) target(%dma_start3A_89 : memref<8x64xf32, #tpu.memory_space<vmem>>) target_semaphore(%arg12 : memref<!tpu.dma_semaphore, #tpu.memory_space<semaphore_mem>>)
    %slice3A_92 = vector.extract_strided_slice %shift_left3A_12 {offsets = [5], sizes = [1], strides = [1]} : vector<16xi32> to vector<1xi32>
    %squeeze3A_93 = vector.extract %slice3A_92[0] : i32 from vector<1xi32>
    %multiple_of3A_94 = tpu.assume_multiple %squeeze3A_93, 8 : i32
    %dma_start3A_95 = arith.constant 5 : i32
    %dma_start3A_96 = arith.constant 0 : i32
    %dma_start3A_97 = arith.constant 0 : i32
    %dma_start3A_98 = tpu.memref_slice %arg8[%rem3A_14, %dma_start3A_95, %dma_start3A_96, %dma_start3A_97] : memref<4x16x8x64xf32, #tpu.memory_space<vmem>> -> memref<1x1x8x64xf32, #tpu.memory_space<vmem>>
    %dma_start3A_99 = tpu.memref_squeeze %dma_start3A_98 : memref<1x1x8x64xf32, #tpu.memory_space<vmem>> -> memref<8x64xf32, #tpu.memory_space<vmem>>
    %dma_start3A_100 = arith.constant 0 : i32
    %dma_start3A_101 = tpu.memref_slice %arg4[%multiple_of3A_94, %dma_start3A_100] : memref<1000000x64xf32, #tpu.memory_space<hbm>> -> memref<8x64xf32, #tpu.memory_space<hbm>>
    %dma_start3A_102 = arith.constant 0 : i32
    %dma_start3A_103 = arith.constant 0 : i32
    %dma_start3A_104 = tpu.memref_slice %arg8[%rem3A_14, %dma_start3A_95, %dma_start3A_102, %dma_start3A_103] : memref<4x16x8x64xf32, #tpu.memory_space<vmem>> -> memref<1x1x8x64xf32, #tpu.memory_space<vmem>>
    %dma_start3A_105 = tpu.memref_squeeze %dma_start3A_104 : memref<1x1x8x64xf32, #tpu.memory_space<vmem>> -> memref<8x64xf32, #tpu.memory_space<vmem>>
    %dma_start3A_106 = arith.constant 0 : i32
    %dma_start3A_107 = tpu.memref_slice %arg4[%multiple_of3A_94, %dma_start3A_106] : memref<1000000x64xf32, #tpu.memory_space<hbm>> -> memref<8x64xf32, #tpu.memory_space<hbm>>
    tpu.enqueue_dma source(%dma_start3A_107 : memref<8x64xf32, #tpu.memory_space<hbm>>) target(%dma_start3A_105 : memref<8x64xf32, #tpu.memory_space<vmem>>) target_semaphore(%arg12 : memref<!tpu.dma_semaphore, #tpu.memory_space<semaphore_mem>>)
    %slice3A_108 = vector.extract_strided_slice %shift_left3A_12 {offsets = [6], sizes = [1], strides = [1]} : vector<16xi32> to vector<1xi32>
    %squeeze3A_109 = vector.extract %slice3A_108[0] : i32 from vector<1xi32>
    %multiple_of3A_110 = tpu.assume_multiple %squeeze3A_109, 8 : i32
    %dma_start3A_111 = arith.constant 6 : i32
    %dma_start3A_112 = arith.constant 0 : i32
    %dma_start3A_113 = arith.constant 0 : i32
    %dma_start3A_114 = tpu.memref_slice %arg8[%rem3A_14, %dma_start3A_111, %dma_start3A_112, %dma_start3A_113] : memref<4x16x8x64xf32, #tpu.memory_space<vmem>> -> memref<1x1x8x64xf32, #tpu.memory_space<vmem>>
    %dma_start3A_115 = tpu.memref_squeeze %dma_start3A_114 : memref<1x1x8x64xf32, #tpu.memory_space<vmem>> -> memref<8x64xf32, #tpu.memory_space<vmem>>
    %dma_start3A_116 = arith.constant 0 : i32
    %dma_start3A_117 = tpu.memref_slice %arg4[%multiple_of3A_110, %dma_start3A_116] : memref<1000000x64xf32, #tpu.memory_space<hbm>> -> memref<8x64xf32, #tpu.memory_space<hbm>>
    %dma_start3A_118 = arith.constant 0 : i32
    %dma_start3A_119 = arith.constant 0 : i32
    %dma_start3A_120 = tpu.memref_slice %arg8[%rem3A_14, %dma_start3A_111, %dma_start3A_118, %dma_start3A_119] : memref<4x16x8x64xf32, #tpu.memory_space<vmem>> -> memref<1x1x8x64xf32, #tpu.memory_space<vmem>>
    %dma_start3A_121 = tpu.memref_squeeze %dma_start3A_120 : memref<1x1x8x64xf32, #tpu.memory_space<vmem>> -> memref<8x64xf32, #tpu.memory_space<vmem>>
    %dma_start3A_122 = arith.constant 0 : i32
    %dma_start3A_123 = tpu.memref_slice %arg4[%multiple_of3A_110, %dma_start3A_122] : memref<1000000x64xf32, #tpu.memory_space<hbm>> -> memref<8x64xf32, #tpu.memory_space<hbm>>
    tpu.enqueue_dma source(%dma_start3A_123 : memref<8x64xf32, #tpu.memory_space<hbm>>) target(%dma_start3A_121 : memref<8x64xf32, #tpu.memory_space<vmem>>) target_semaphore(%arg12 : memref<!tpu.dma_semaphore, #tpu.memory_space<semaphore_mem>>)
    %slice3A_124 = vector.extract_strided_slice %shift_left3A_12 {offsets = [7], sizes = [1], strides = [1]} : vector<16xi32> to vector<1xi32>
    %squeeze3A_125 = vector.extract %slice3A_124[0] : i32 from vector<1xi32>
    %multiple_of3A_126 = tpu.assume_multiple %squeeze3A_125, 8 : i32
    %dma_start3A_127 = arith.constant 7 : i32
    %dma_start3A_128 = arith.constant 0 : i32
    %dma_start3A_129 = arith.constant 0 : i32
    %dma_start3A_130 = tpu.memref_slice %arg8[%rem3A_14, %dma_start3A_127, %dma_start3A_128, %dma_start3A_129] : memref<4x16x8x64xf32, #tpu.memory_space<vmem>> -> memref<1x1x8x64xf32, #tpu.memory_space<vmem>>
    %dma_start3A_131 = tpu.memref_squeeze %dma_start3A_130 : memref<1x1x8x64xf32, #tpu.memory_space<vmem>> -> memref<8x64xf32, #tpu.memory_space<vmem>>
    %dma_start3A_132 = arith.constant 0 : i32
    %dma_start3A_133 = tpu.memref_slice %arg4[%multiple_of3A_126, %dma_start3A_132] : memref<1000000x64xf32, #tpu.memory_space<hbm>> -> memref<8x64xf32, #tpu.memory_space<hbm>>
    %dma_start3A_134 = arith.constant 0 : i32
    %dma_start3A_135 = arith.constant 0 : i32
    %dma_start3A_136 = tpu.memref_slice %arg8[%rem3A_14, %dma_start3A_127, %dma_start3A_134, %dma_start3A_135] : memref<4x16x8x64xf32, #tpu.memory_space<vmem>> -> memref<1x1x8x64xf32, #tpu.memory_space<vmem>>
    %dma_start3A_137 = tpu.memref_squeeze %dma_start3A_136 : memref<1x1x8x64xf32, #tpu.memory_space<vmem>> -> memref<8x64xf32, #tpu.memory_space<vmem>>
    %dma_start3A_138 = arith.constant 0 : i32
    %dma_start3A_139 = tpu.memref_slice %arg4[%multiple_of3A_126, %dma_start3A_138] : memref<1000000x64xf32, #tpu.memory_space<hbm>> -> memref<8x64xf32, #tpu.memory_space<hbm>>
    tpu.enqueue_dma source(%dma_start3A_139 : memref<8x64xf32, #tpu.memory_space<hbm>>) target(%dma_start3A_137 : memref<8x64xf32, #tpu.memory_space<vmem>>) target_semaphore(%arg12 : memref<!tpu.dma_semaphore, #tpu.memory_space<semaphore_mem>>)
    %slice3A_140 = vector.extract_strided_slice %shift_left3A_12 {offsets = [8], sizes = [1], strides = [1]} : vector<16xi32> to vector<1xi32>
    %squeeze3A_141 = vector.extract %slice3A_140[0] : i32 from vector<1xi32>
    %multiple_of3A_142 = tpu.assume_multiple %squeeze3A_141, 8 : i32
    %dma_start3A_143 = arith.constant 8 : i32
    %dma_start3A_144 = arith.constant 0 : i32
    %dma_start3A_145 = arith.constant 0 : i32
    %dma_start3A_146 = tpu.memref_slice %arg8[%rem3A_14, %dma_start3A_143, %dma_start3A_144, %dma_start3A_145] : memref<4x16x8x64xf32, #tpu.memory_space<vmem>> -> memref<1x1x8x64xf32, #tpu.memory_space<vmem>>
    %dma_start3A_147 = tpu.memref_squeeze %dma_start3A_146 : memref<1x1x8x64xf32, #tpu.memory_space<vmem>> -> memref<8x64xf32, #tpu.memory_space<vmem>>
    %dma_start3A_148 = arith.constant 0 : i32
    %dma_start3A_149 = tpu.memref_slice %arg4[%multiple_of3A_142, %dma_start3A_148] : memref<1000000x64xf32, #tpu.memory_space<hbm>> -> memref<8x64xf32, #tpu.memory_space<hbm>>
    %dma_start3A_150 = arith.constant 0 : i32
    %dma_start3A_151 = arith.constant 0 : i32
    %dma_start3A_152 = tpu.memref_slice %arg8[%rem3A_14, %dma_start3A_143, %dma_start3A_150, %dma_start3A_151] : memref<4x16x8x64xf32, #tpu.memory_space<vmem>> -> memref<1x1x8x64xf32, #tpu.memory_space<vmem>>
    %dma_start3A_153 = tpu.memref_squeeze %dma_start3A_152 : memref<1x1x8x64xf32, #tpu.memory_space<vmem>> -> memref<8x64xf32, #tpu.memory_space<vmem>>
    %dma_start3A_154 = arith.constant 0 : i32
    %dma_start3A_155 = tpu.memref_slice %arg4[%multiple_of3A_142, %dma_start3A_154] : memref<1000000x64xf32, #tpu.memory_space<hbm>> -> memref<8x64xf32, #tpu.memory_space<hbm>>
    tpu.enqueue_dma source(%dma_start3A_155 : memref<8x64xf32, #tpu.memory_space<hbm>>) target(%dma_start3A_153 : memref<8x64xf32, #tpu.memory_space<vmem>>) target_semaphore(%arg12 : memref<!tpu.dma_semaphore, #tpu.memory_space<semaphore_mem>>)
    %slice3A_156 = vector.extract_strided_slice %shift_left3A_12 {offsets = [9], sizes = [1], strides = [1]} : vector<16xi32> to vector<1xi32>
    %squeeze3A_157 = vector.extract %slice3A_156[0] : i32 from vector<1xi32>
    %multiple_of3A_158 = tpu.assume_multiple %squeeze3A_157, 8 : i32
    %dma_start3A_159 = arith.constant 9 : i32
    %dma_start3A_160 = arith.constant 0 : i32
    %dma_start3A_161 = arith.constant 0 : i32
    %dma_start3A_162 = tpu.memref_slice %arg8[%rem3A_14, %dma_start3A_159, %dma_start3A_160, %dma_start3A_161] : memref<4x16x8x64xf32, #tpu.memory_space<vmem>> -> memref<1x1x8x64xf32, #tpu.memory_space<vmem>>
    %dma_start3A_163 = tpu.memref_squeeze %dma_start3A_162 : memref<1x1x8x64xf32, #tpu.memory_space<vmem>> -> memref<8x64xf32, #tpu.memory_space<vmem>>
    %dma_start3A_164 = arith.constant 0 : i32
    %dma_start3A_165 = tpu.memref_slice %arg4[%multiple_of3A_158, %dma_start3A_164] : memref<1000000x64xf32, #tpu.memory_space<hbm>> -> memref<8x64xf32, #tpu.memory_space<hbm>>
    %dma_start3A_166 = arith.constant 0 : i32
    %dma_start3A_167 = arith.constant 0 : i32
    %dma_start3A_168 = tpu.memref_slice %arg8[%rem3A_14, %dma_start3A_159, %dma_start3A_166, %dma_start3A_167] : memref<4x16x8x64xf32, #tpu.memory_space<vmem>> -> memref<1x1x8x64xf32, #tpu.memory_space<vmem>>
    %dma_start3A_169 = tpu.memref_squeeze %dma_start3A_168 : memref<1x1x8x64xf32, #tpu.memory_space<vmem>> -> memref<8x64xf32, #tpu.memory_space<vmem>>
    %dma_start3A_170 = arith.constant 0 : i32
    %dma_start3A_171 = tpu.memref_slice %arg4[%multiple_of3A_158, %dma_start3A_170] : memref<1000000x64xf32, #tpu.memory_space<hbm>> -> memref<8x64xf32, #tpu.memory_space<hbm>>
    tpu.enqueue_dma source(%dma_start3A_171 : memref<8x64xf32, #tpu.memory_space<hbm>>) target(%dma_start3A_169 : memref<8x64xf32, #tpu.memory_space<vmem>>) target_semaphore(%arg12 : memref<!tpu.dma_semaphore, #tpu.memory_space<semaphore_mem>>)
    %slice3A_172 = vector.extract_strided_slice %shift_left3A_12 {offsets = [10], sizes = [1], strides = [1]} : vector<16xi32> to vector<1xi32>
    %squeeze3A_173 = vector.extract %slice3A_172[0] : i32 from vector<1xi32>
    %multiple_of3A_174 = tpu.assume_multiple %squeeze3A_173, 8 : i32
    %dma_start3A_175 = arith.constant 10 : i32
    %dma_start3A_176 = arith.constant 0 : i32
    %dma_start3A_177 = arith.constant 0 : i32
    %dma_start3A_178 = tpu.memref_slice %arg8[%rem3A_14, %dma_start3A_175, %dma_start3A_176, %dma_start3A_177] : memref<4x16x8x64xf32, #tpu.memory_space<vmem>> -> memref<1x1x8x64xf32, #tpu.memory_space<vmem>>
    %dma_start3A_179 = tpu.memref_squeeze %dma_start3A_178 : memref<1x1x8x64xf32, #tpu.memory_space<vmem>> -> memref<8x64xf32, #tpu.memory_space<vmem>>
    %dma_start3A_180 = arith.constant 0 : i32
    %dma_start3A_181 = tpu.memref_slice %arg4[%multiple_of3A_174, %dma_start3A_180] : memref<1000000x64xf32, #tpu.memory_space<hbm>> -> memref<8x64xf32, #tpu.memory_space<hbm>>
    %dma_start3A_182 = arith.constant 0 : i32
    %dma_start3A_183 = arith.constant 0 : i32
    %dma_start3A_184 = tpu.memref_slice %arg8[%rem3A_14, %dma_start3A_175, %dma_start3A_182, %dma_start3A_183] : memref<4x16x8x64xf32, #tpu.memory_space<vmem>> -> memref<1x1x8x64xf32, #tpu.memory_space<vmem>>
    %dma_start3A_185 = tpu.memref_squeeze %dma_start3A_184 : memref<1x1x8x64xf32, #tpu.memory_space<vmem>> -> memref<8x64xf32, #tpu.memory_space<vmem>>
    %dma_start3A_186 = arith.constant 0 : i32
    %dma_start3A_187 = tpu.memref_slice %arg4[%multiple_of3A_174, %dma_start3A_186] : memref<1000000x64xf32, #tpu.memory_space<hbm>> -> memref<8x64xf32, #tpu.memory_space<hbm>>
    tpu.enqueue_dma source(%dma_start3A_187 : memref<8x64xf32, #tpu.memory_space<hbm>>) target(%dma_start3A_185 : memref<8x64xf32, #tpu.memory_space<vmem>>) target_semaphore(%arg12 : memref<!tpu.dma_semaphore, #tpu.memory_space<semaphore_mem>>)
    %slice3A_188 = vector.extract_strided_slice %shift_left3A_12 {offsets = [11], sizes = [1], strides = [1]} : vector<16xi32> to vector<1xi32>
    %squeeze3A_189 = vector.extract %slice3A_188[0] : i32 from vector<1xi32>
    %multiple_of3A_190 = tpu.assume_multiple %squeeze3A_189, 8 : i32
    %dma_start3A_191 = arith.constant 11 : i32
    %dma_start3A_192 = arith.constant 0 : i32
    %dma_start3A_193 = arith.constant 0 : i32
    %dma_start3A_194 = tpu.memref_slice %arg8[%rem3A_14, %dma_start3A_191, %dma_start3A_192, %dma_start3A_193] : memref<4x16x8x64xf32, #tpu.memory_space<vmem>> -> memref<1x1x8x64xf32, #tpu.memory_space<vmem>>
    %dma_start3A_195 = tpu.memref_squeeze %dma_start3A_194 : memref<1x1x8x64xf32, #tpu.memory_space<vmem>> -> memref<8x64xf32, #tpu.memory_space<vmem>>
    %dma_start3A_196 = arith.constant 0 : i32
    %dma_start3A_197 = tpu.memref_slice %arg4[%multiple_of3A_190, %dma_start3A_196] : memref<1000000x64xf32, #tpu.memory_space<hbm>> -> memref<8x64xf32, #tpu.memory_space<hbm>>
    %dma_start3A_198 = arith.constant 0 : i32
    %dma_start3A_199 = arith.constant 0 : i32
    %dma_start3A_200 = tpu.memref_slice %arg8[%rem3A_14, %dma_start3A_191, %dma_start3A_198, %dma_start3A_199] : memref<4x16x8x64xf32, #tpu.memory_space<vmem>> -> memref<1x1x8x64xf32, #tpu.memory_space<vmem>>
    %dma_start3A_201 = tpu.memref_squeeze %dma_start3A_200 : memref<1x1x8x64xf32, #tpu.memory_space<vmem>> -> memref<8x64xf32, #tpu.memory_space<vmem>>
    %dma_start3A_202 = arith.constant 0 : i32
    %dma_start3A_203 = tpu.memref_slice %arg4[%multiple_of3A_190, %dma_start3A_202] : memref<1000000x64xf32, #tpu.memory_space<hbm>> -> memref<8x64xf32, #tpu.memory_space<hbm>>
    tpu.enqueue_dma source(%dma_start3A_203 : memref<8x64xf32, #tpu.memory_space<hbm>>) target(%dma_start3A_201 : memref<8x64xf32, #tpu.memory_space<vmem>>) target_semaphore(%arg12 : memref<!tpu.dma_semaphore, #tpu.memory_space<semaphore_mem>>)
    %slice3A_204 = vector.extract_strided_slice %shift_left3A_12 {offsets = [12], sizes = [1], strides = [1]} : vector<16xi32> to vector<1xi32>
    %squeeze3A_205 = vector.extract %slice3A_204[0] : i32 from vector<1xi32>
    %multiple_of3A_206 = tpu.assume_multiple %squeeze3A_205, 8 : i32
    %dma_start3A_207 = arith.constant 12 : i32
    %dma_start3A_208 = arith.constant 0 : i32
    %dma_start3A_209 = arith.constant 0 : i32
    %dma_start3A_210 = tpu.memref_slice %arg8[%rem3A_14, %dma_start3A_207, %dma_start3A_208, %dma_start3A_209] : memref<4x16x8x64xf32, #tpu.memory_space<vmem>> -> memref<1x1x8x64xf32, #tpu.memory_space<vmem>>
    %dma_start3A_211 = tpu.memref_squeeze %dma_start3A_210 : memref<1x1x8x64xf32, #tpu.memory_space<vmem>> -> memref<8x64xf32, #tpu.memory_space<vmem>>
    %dma_start3A_212 = arith.constant 0 : i32
    %dma_start3A_213 = tpu.memref_slice %arg4[%multiple_of3A_206, %dma_start3A_212] : memref<1000000x64xf32, #tpu.memory_space<hbm>> -> memref<8x64xf32, #tpu.memory_space<hbm>>
    %dma_start3A_214 = arith.constant 0 : i32
    %dma_start3A_215 = arith.constant 0 : i32
    %dma_start3A_216 = tpu.memref_slice %arg8[%rem3A_14, %dma_start3A_207, %dma_start3A_214, %dma_start3A_215] : memref<4x16x8x64xf32, #tpu.memory_space<vmem>> -> memref<1x1x8x64xf32, #tpu.memory_space<vmem>>
    %dma_start3A_217 = tpu.memref_squeeze %dma_start3A_216 : memref<1x1x8x64xf32, #tpu.memory_space<vmem>> -> memref<8x64xf32, #tpu.memory_space<vmem>>
    %dma_start3A_218 = arith.constant 0 : i32
    %dma_start3A_219 = tpu.memref_slice %arg4[%multiple_of3A_206, %dma_start3A_218] : memref<1000000x64xf32, #tpu.memory_space<hbm>> -> memref<8x64xf32, #tpu.memory_space<hbm>>
    tpu.enqueue_dma source(%dma_start3A_219 : memref<8x64xf32, #tpu.memory_space<hbm>>) target(%dma_start3A_217 : memref<8x64xf32, #tpu.memory_space<vmem>>) target_semaphore(%arg12 : memref<!tpu.dma_semaphore, #tpu.memory_space<semaphore_mem>>)
    %slice3A_220 = vector.extract_strided_slice %shift_left3A_12 {offsets = [13], sizes = [1], strides = [1]} : vector<16xi32> to vector<1xi32>
    %squeeze3A_221 = vector.extract %slice3A_220[0] : i32 from vector<1xi32>
    %multiple_of3A_222 = tpu.assume_multiple %squeeze3A_221, 8 : i32
    %dma_start3A_223 = arith.constant 13 : i32
    %dma_start3A_224 = arith.constant 0 : i32
    %dma_start3A_225 = arith.constant 0 : i32
    %dma_start3A_226 = tpu.memref_slice %arg8[%rem3A_14, %dma_start3A_223, %dma_start3A_224, %dma_start3A_225] : memref<4x16x8x64xf32, #tpu.memory_space<vmem>> -> memref<1x1x8x64xf32, #tpu.memory_space<vmem>>
    %dma_start3A_227 = tpu.memref_squeeze %dma_start3A_226 : memref<1x1x8x64xf32, #tpu.memory_space<vmem>> -> memref<8x64xf32, #tpu.memory_space<vmem>>
    %dma_start3A_228 = arith.constant 0 : i32
    %dma_start3A_229 = tpu.memref_slice %arg4[%multiple_of3A_222, %dma_start3A_228] : memref<1000000x64xf32, #tpu.memory_space<hbm>> -> memref<8x64xf32, #tpu.memory_space<hbm>>
    %dma_start3A_230 = arith.constant 0 : i32
    %dma_start3A_231 = arith.constant 0 : i32
    %dma_start3A_232 = tpu.memref_slice %arg8[%rem3A_14, %dma_start3A_223, %dma_start3A_230, %dma_start3A_231] : memref<4x16x8x64xf32, #tpu.memory_space<vmem>> -> memref<1x1x8x64xf32, #tpu.memory_space<vmem>>
    %dma_start3A_233 = tpu.memref_squeeze %dma_start3A_232 : memref<1x1x8x64xf32, #tpu.memory_space<vmem>> -> memref<8x64xf32, #tpu.memory_space<vmem>>
    %dma_start3A_234 = arith.constant 0 : i32
    %dma_start3A_235 = tpu.memref_slice %arg4[%multiple_of3A_222, %dma_start3A_234] : memref<1000000x64xf32, #tpu.memory_space<hbm>> -> memref<8x64xf32, #tpu.memory_space<hbm>>
    tpu.enqueue_dma source(%dma_start3A_235 : memref<8x64xf32, #tpu.memory_space<hbm>>) target(%dma_start3A_233 : memref<8x64xf32, #tpu.memory_space<vmem>>) target_semaphore(%arg12 : memref<!tpu.dma_semaphore, #tpu.memory_space<semaphore_mem>>)
    %slice3A_236 = vector.extract_strided_slice %shift_left3A_12 {offsets = [14], sizes = [1], strides = [1]} : vector<16xi32> to vector<1xi32>
    %squeeze3A_237 = vector.extract %slice3A_236[0] : i32 from vector<1xi32>
    %multiple_of3A_238 = tpu.assume_multiple %squeeze3A_237, 8 : i32
    %dma_start3A_239 = arith.constant 14 : i32
    %dma_start3A_240 = arith.constant 0 : i32
    %dma_start3A_241 = arith.constant 0 : i32
    %dma_start3A_242 = tpu.memref_slice %arg8[%rem3A_14, %dma_start3A_239, %dma_start3A_240, %dma_start3A_241] : memref<4x16x8x64xf32, #tpu.memory_space<vmem>> -> memref<1x1x8x64xf32, #tpu.memory_space<vmem>>
    %dma_start3A_243 = tpu.memref_squeeze %dma_start3A_242 : memref<1x1x8x64xf32, #tpu.memory_space<vmem>> -> memref<8x64xf32, #tpu.memory_space<vmem>>
    %dma_start3A_244 = arith.constant 0 : i32
    %dma_start3A_245 = tpu.memref_slice %arg4[%multiple_of3A_238, %dma_start3A_244] : memref<1000000x64xf32, #tpu.memory_space<hbm>> -> memref<8x64xf32, #tpu.memory_space<hbm>>
    %dma_start3A_246 = arith.constant 0 : i32
    %dma_start3A_247 = arith.constant 0 : i32
    %dma_start3A_248 = tpu.memref_slice %arg8[%rem3A_14, %dma_start3A_239, %dma_start3A_246, %dma_start3A_247] : memref<4x16x8x64xf32, #tpu.memory_space<vmem>> -> memref<1x1x8x64xf32, #tpu.memory_space<vmem>>
    %dma_start3A_249 = tpu.memref_squeeze %dma_start3A_248 : memref<1x1x8x64xf32, #tpu.memory_space<vmem>> -> memref<8x64xf32, #tpu.memory_space<vmem>>
    %dma_start3A_250 = arith.constant 0 : i32
    %dma_start3A_251 = tpu.memref_slice %arg4[%multiple_of3A_238, %dma_start3A_250] : memref<1000000x64xf32, #tpu.memory_space<hbm>> -> memref<8x64xf32, #tpu.memory_space<hbm>>
    tpu.enqueue_dma source(%dma_start3A_251 : memref<8x64xf32, #tpu.memory_space<hbm>>) target(%dma_start3A_249 : memref<8x64xf32, #tpu.memory_space<vmem>>) target_semaphore(%arg12 : memref<!tpu.dma_semaphore, #tpu.memory_space<semaphore_mem>>)
    %slice3A_252 = vector.extract_strided_slice %shift_left3A_12 {offsets = [15], sizes = [1], strides = [1]} : vector<16xi32> to vector<1xi32>
    %squeeze3A_253 = vector.extract %slice3A_252[0] : i32 from vector<1xi32>
    %multiple_of3A_254 = tpu.assume_multiple %squeeze3A_253, 8 : i32
    %dma_start3A_255 = arith.constant 15 : i32
    %dma_start3A_256 = arith.constant 0 : i32
    %dma_start3A_257 = arith.constant 0 : i32
    %dma_start3A_258 = tpu.memref_slice %arg8[%rem3A_14, %dma_start3A_255, %dma_start3A_256, %dma_start3A_257] : memref<4x16x8x64xf32, #tpu.memory_space<vmem>> -> memref<1x1x8x64xf32, #tpu.memory_space<vmem>>
    %dma_start3A_259 = tpu.memref_squeeze %dma_start3A_258 : memref<1x1x8x64xf32, #tpu.memory_space<vmem>> -> memref<8x64xf32, #tpu.memory_space<vmem>>
    %dma_start3A_260 = arith.constant 0 : i32
    %dma_start3A_261 = tpu.memref_slice %arg4[%multiple_of3A_254, %dma_start3A_260] : memref<1000000x64xf32, #tpu.memory_space<hbm>> -> memref<8x64xf32, #tpu.memory_space<hbm>>
    %dma_start3A_262 = arith.constant 0 : i32
    %dma_start3A_263 = arith.constant 0 : i32
    %dma_start3A_264 = tpu.memref_slice %arg8[%rem3A_14, %dma_start3A_255, %dma_start3A_262, %dma_start3A_263] : memref<4x16x8x64xf32, #tpu.memory_space<vmem>> -> memref<1x1x8x64xf32, #tpu.memory_space<vmem>>
    %dma_start3A_265 = tpu.memref_squeeze %dma_start3A_264 : memref<1x1x8x64xf32, #tpu.memory_space<vmem>> -> memref<8x64xf32, #tpu.memory_space<vmem>>
    %dma_start3A_266 = arith.constant 0 : i32
    %dma_start3A_267 = tpu.memref_slice %arg4[%multiple_of3A_254, %dma_start3A_266] : memref<1000000x64xf32, #tpu.memory_space<hbm>> -> memref<8x64xf32, #tpu.memory_space<hbm>>
    tpu.enqueue_dma source(%dma_start3A_267 : memref<8x64xf32, #tpu.memory_space<hbm>>) target(%dma_start3A_265 : memref<8x64xf32, #tpu.memory_space<vmem>>) target_semaphore(%arg12 : memref<!tpu.dma_semaphore, #tpu.memory_space<semaphore_mem>>)
    %get3A_268 = arith.constant 16 : index
    %get3A_269 = tpu.vector_load %arg7[%get3A_268] {strides = array<i32>} : memref<512xi32, #tpu.memory_space<vmem>>, vector<16xi32>,
    %shift_right_logical3A_270 = arith.constant 3 : i32
    %shift_right_logical3A_271 = vector.broadcast %shift_right_logical3A_270 : i32 to vector<16xi32>
    %shift_right_logical3A_272 = arith.shrui %get3A_269, %shift_right_logical3A_271 : vector<16xi32>
    %shift_left3A_273 = arith.constant 3 : i32
    %shift_left3A_274 = vector.broadcast %shift_left3A_273 : i32 to vector<16xi32>
    %shift_left3A_275 = arith.shli %shift_right_logical3A_272, %shift_left3A_274 : vector<16xi32>
    %rem3A_276 = arith.constant 1 : i32
    %rem3A_277 = arith.constant 4 : i32
    %rem3A_278 = arith.remsi %rem3A_276, %rem3A_277 : i32
    %slice3A_279 = vector.extract_strided_slice %shift_left3A_275 {offsets = [0], sizes = [1], strides = [1]} : vector<16xi32> to vector<1xi32>
    %squeeze3A_280 = vector.extract %slice3A_279[0] : i32 from vector<1xi32>
    %multiple_of3A_281 = tpu.assume_multiple %squeeze3A_280, 8 : i32
    %dma_start3A_282 = arith.constant 0 : i32
    %dma_start3A_283 = arith.constant 0 : i32
    %dma_start3A_284 = arith.constant 0 : i32
    %dma_start3A_285 = tpu.memref_slice %arg8[%rem3A_278, %dma_start3A_282, %dma_start3A_283, %dma_start3A_284] : memref<4x16x8x64xf32, #tpu.memory_space<vmem>> -> memref<1x1x8x64xf32, #tpu.memory_space<vmem>>
    %dma_start3A_286 = tpu.memref_squeeze %dma_start3A_285 : memref<1x1x8x64xf32, #tpu.memory_space<vmem>> -> memref<8x64xf32, #tpu.memory_space<vmem>>
    %dma_start3A_287 = arith.constant 0 : i32
    %dma_start3A_288 = tpu.memref_slice %arg4[%multiple_of3A_281, %dma_start3A_287] : memref<1000000x64xf32, #tpu.memory_space<hbm>> -> memref<8x64xf32, #tpu.memory_space<hbm>>
    %dma_start3A_289 = arith.constant 0 : i32
    %dma_start3A_290 = arith.constant 0 : i32
    %dma_start3A_291 = tpu.memref_slice %arg8[%rem3A_278, %dma_start3A_282, %dma_start3A_289, %dma_start3A_290] : memref<4x16x8x64xf32, #tpu.memory_space<vmem>> -> memref<1x1x8x64xf32, #tpu.memory_space<vmem>>
    %dma_start3A_292 = tpu.memref_squeeze %dma_start3A_291 : memref<1x1x8x64xf32, #tpu.memory_space<vmem>> -> memref<8x64xf32, #tpu.memory_space<vmem>>
    %dma_start3A_293 = arith.constant 0 : i32
    %dma_start3A_294 = tpu.memref_slice %arg4[%multiple_of3A_281, %dma_start3A_293] : memref<1000000x64xf32, #tpu.memory_space<hbm>> -> memref<8x64xf32, #tpu.memory_space<hbm>>
    tpu.enqueue_dma source(%dma_start3A_294 : memref<8x64xf32, #tpu.memory_space<hbm>>) target(%dma_start3A_292 : memref<8x64xf32, #tpu.memory_space<vmem>>) target_semaphore(%arg12 : memref<!tpu.dma_semaphore, #tpu.memory_space<semaphore_mem>>)
    %slice3A_295 = vector.extract_strided_slice %shift_left3A_275 {offsets = [1], sizes = [1], strides = [1]} : vector<16xi32> to vector<1xi32>
    %squeeze3A_296 = vector.extract %slice3A_295[0] : i32 from vector<1xi32>
    %multiple_of3A_297 = tpu.assume_multiple %squeeze3A_296, 8 : i32
    %dma_start3A_298 = arith.constant 1 : i32
    %dma_start3A_299 = arith.constant 0 : i32
    %dma_start3A_300 = arith.constant 0 : i32
    %dma_start3A_301 = tpu.memref_slice %arg8[%rem3A_278, %dma_start3A_298, %dma_start3A_299, %dma_start3A_300] : memref<4x16x8x64xf32, #tpu.memory_space<vmem>> -> memref<1x1x8x64xf32, #tpu.memory_space<vmem>>
    %dma_start3A_302 = tpu.memref_squeeze %dma_start3A_301 : memref<1x1x8x64xf32, #tpu.memory_space<vmem>> -> memref<8x64xf32, #tpu.memory_space<vmem>>
    %dma_start3A_303 = arith.constant 0 : i32
    %dma_start3A_304 = tpu.memref_slice %arg4[%multiple_of3A_297, %dma_start3A_303] : memref<1000000x64xf32, #tpu.memory_space<hbm>> -> memref<8x64xf32, #tpu.memory_space<hbm>>
    %dma_start3A_305 = arith.constant 0 : i32
    %dma_start3A_306 = arith.constant 0 : i32
    %dma_start3A_307 = tpu.memref_slice %arg8[%rem3A_278, %dma_start3A_298, %dma_start3A_305, %dma_start3A_306] : memref<4x16x8x64xf32, #tpu.memory_space<vmem>> -> memref<1x1x8x64xf32, #tpu.memory_space<vmem>>
    %dma_start3A_308 = tpu.memref_squeeze %dma_start3A_307 : memref<1x1x8x64xf32, #tpu.memory_space<vmem>> -> memref<8x64xf32, #tpu.memory_space<vmem>>
    %dma_start3A_309 = arith.constant 0 : i32
    %dma_start3A_310 = tpu.memref_slice %arg4[%multiple_of3A_297, %dma_start3A_309] : memref<1000000x64xf32, #tpu.memory_space<hbm>> -> memref<8x64xf32, #tpu.memory_space<hbm>>
    tpu.enqueue_dma source(%dma_start3A_310 : memref<8x64xf32, #tpu.memory_space<hbm>>) target(%dma_start3A_308 : memref<8x64xf32, #tpu.memory_space<vmem>>) target_semaphore(%arg12 : memref<!tpu.dma_semaphore, #tpu.memory_space<semaphore_mem>>)
    %slice3A_311 = vector.extract_strided_slice %shift_left3A_275 {offsets = [2], sizes = [1], strides = [1]} : vector<16xi32> to vector<1xi32>
    %squeeze3A_312 = vector.extract %slice3A_311[0] : i32 from vector<1xi32>
    %multiple_of3A_313 = tpu.assume_multiple %squeeze3A_312, 8 : i32
    %dma_start3A_314 = arith.constant 2 : i32
    %dma_start3A_315 = arith.constant 0 : i32
    %dma_start3A_316 = arith.constant 0 : i32
    %dma_start3A_317 = tpu.memref_slice %arg8[%rem3A_278, %dma_start3A_314, %dma_start3A_315, %dma_start3A_316] : memref<4x16x8x64xf32, #tpu.memory_space<vmem>> -> memref<1x1x8x64xf32, #tpu.memory_space<vmem>>
    %dma_start3A_318 = tpu.memref_squeeze %dma_start3A_317 : memref<1x1x8x64xf32, #tpu.memory_space<vmem>> -> memref<8x64xf32, #tpu.memory_space<vmem>>
    %dma_start3A_319 = arith.constant 0 : i32
    %dma_start3A_320 = tpu.memref_slice %arg4[%multiple_of3A_313, %dma_start3A_319] : memref<1000000x64xf32, #tpu.memory_space<hbm>> -> memref<8x64xf32, #tpu.memory_space<hbm>>
    %dma_start3A_321 = arith.constant 0 : i32
    %dma_start3A_322 = arith.constant 0 : i32
    %dma_start3A_323 = tpu.memref_slice %arg8[%rem3A_278, %dma_start3A_314, %dma_start3A_321, %dma_start3A_322] : memref<4x16x8x64xf32, #tpu.memory_space<vmem>> -> memref<1x1x8x64xf32, #tpu.memory_space<vmem>>
    %dma_start3A_324 = tpu.memref_squeeze %dma_start3A_323 : memref<1x1x8x64xf32, #tpu.memory_space<vmem>> -> memref<8x64xf32, #tpu.memory_space<vmem>>
    %dma_start3A_325 = arith.constant 0 : i32
    %dma_start3A_326 = tpu.memref_slice %arg4[%multiple_of3A_313, %dma_start3A_325] : memref<1000000x64xf32, #tpu.memory_space<hbm>> -> memref<8x64xf32, #tpu.memory_space<hbm>>
    tpu.enqueue_dma source(%dma_start3A_326 : memref<8x64xf32, #tpu.memory_space<hbm>>) target(%dma_start3A_324 : memref<8x64xf32, #tpu.memory_space<vmem>>) target_semaphore(%arg12 : memref<!tpu.dma_semaphore, #tpu.memory_space<semaphore_mem>>)
    %slice3A_327 = vector.extract_strided_slice %shift_left3A_275 {offsets = [3], sizes = [1], strides = [1]} : vector<16xi32> to vector<1xi32>
    %squeeze3A_328 = vector.extract %slice3A_327[0] : i32 from vector<1xi32>
    %multiple_of3A_329 = tpu.assume_multiple %squeeze3A_328, 8 : i32
    %dma_start3A_330 = arith.constant 3 : i32
    %dma_start3A_331 = arith.constant 0 : i32
    %dma_start3A_332 = arith.constant 0 : i32
    %dma_start3A_333 = tpu.memref_slice %arg8[%rem3A_278, %dma_start3A_330, %dma_start3A_331, %dma_start3A_332] : memref<4x16x8x64xf32, #tpu.memory_space<vmem>> -> memref<1x1x8x64xf32, #tpu.memory_space<vmem>>
    %dma_start3A_334 = tpu.memref_squeeze %dma_start3A_333 : memref<1x1x8x64xf32, #tpu.memory_space<vmem>> -> memref<8x64xf32, #tpu.memory_space<vmem>>
    %dma_start3A_335 = arith.constant 0 : i32
    %dma_start3A_336 = tpu.memref_slice %arg4[%multiple_of3A_329, %dma_start3A_335] : memref<1000000x64xf32, #tpu.memory_space<hbm>> -> memref<8x64xf32, #tpu.memory_space<hbm>>
    %dma_start3A_337 = arith.constant 0 : i32
    %dma_start3A_338 = arith.constant 0 : i32
    %dma_start3A_339 = tpu.memref_slice %arg8[%rem3A_278, %dma_start3A_330, %dma_start3A_337, %dma_start3A_338] : memref<4x16x8x64xf32, #tpu.memory_space<vmem>> -> memref<1x1x8x64xf32, #tpu.memory_space<vmem>>
    %dma_start3A_340 = tpu.memref_squeeze %dma_start3A_339 : memref<1x1x8x64xf32, #tpu.memory_space<vmem>> -> memref<8x64xf32, #tpu.memory_space<vmem>>
    %dma_start3A_341 = arith.constant 0 : i32
    %dma_start3A_342 = tpu.memref_slice %arg4[%multiple_of3A_329, %dma_start3A_341] : memref<1000000x64xf32, #tpu.memory_space<hbm>> -> memref<8x64xf32, #tpu.memory_space<hbm>>
    tpu.enqueue_dma source(%dma_start3A_342 : memref<8x64xf32, #tpu.memory_space<hbm>>) target(%dma_start3A_340 : memref<8x64xf32, #tpu.memory_space<vmem>>) target_semaphore(%arg12 : memref<!tpu.dma_semaphore, #tpu.memory_space<semaphore_mem>>)
    %slice3A_343 = vector.extract_strided_slice %shift_left3A_275 {offsets = [4], sizes = [1], strides = [1]} : vector<16xi32> to vector<1xi32>
    %squeeze3A_344 = vector.extract %slice3A_343[0] : i32 from vector<1xi32>
    %multiple_of3A_345 = tpu.assume_multiple %squeeze3A_344, 8 : i32
    %dma_start3A_346 = arith.constant 4 : i32
    %dma_start3A_347 = arith.constant 0 : i32
    %dma_start3A_348 = arith.constant 0 : i32
    %dma_start3A_349 = tpu.memref_slice %arg8[%rem3A_278, %dma_start3A_346, %dma_start3A_347, %dma_start3A_348] : memref<4x16x8x64xf32, #tpu.memory_space<vmem>> -> memref<1x1x8x64xf32, #tpu.memory_space<vmem>>
    %dma_start3A_350 = tpu.memref_squeeze %dma_start3A_349 : memref<1x1x8x64xf32, #tpu.memory_space<vmem>> -> memref<8x64xf32, #tpu.memory_space<vmem>>
    %dma_start3A_351 = arith.constant 0 : i32
    %dma_start3A_352 = tpu.memref_slice %arg4[%multiple_of3A_345, %dma_start3A_351] : memref<1000000x64xf32, #tpu.memory_space<hbm>> -> memref<8x64xf32, #tpu.memory_space<hbm>>
    %dma_start3A_353 = arith.constant 0 : i32
    %dma_start3A_354 = arith.constant 0 : i32
    %dma_start3A_355 = tpu.memref_slice %arg8[%rem3A_278, %dma_start3A_346, %dma_start3A_353, %dma_start3A_354] : memref<4x16x8x64xf32, #tpu.memory_space<vmem>> -> memref<1x1x8x64xf32, #tpu.memory_space<vmem>>
    %dma_start3A_356 = tpu.memref_squeeze %dma_start3A_355 : memref<1x1x8x64xf32, #tpu.memory_space<vmem>> -> memref<8x64xf32, #tpu.memory_space<vmem>>
    %dma_start3A_357 = arith.constant 0 : i32
    %dma_start3A_358 = tpu.memref_slice %arg4[%multiple_of3A_345, %dma_start3A_357] : memref<1000000x64xf32, #tpu.memory_space<hbm>> -> memref<8x64xf32, #tpu.memory_space<hbm>>
    tpu.enqueue_dma source(%dma_start3A_358 : memref<8x64xf32, #tpu.memory_space<hbm>>) target(%dma_start3A_356 : memref<8x64xf32, #tpu.memory_space<vmem>>) target_semaphore(%arg12 : memref<!tpu.dma_semaphore, #tpu.memory_space<semaphore_mem>>)
    %slice3A_359 = vector.extract_strided_slice %shift_left3A_275 {offsets = [5], sizes = [1], strides = [1]} : vector<16xi32> to vector<1xi32>
    %squeeze3A_360 = vector.extract %slice3A_359[0] : i32 from vector<1xi32>
    %multiple_of3A_361 = tpu.assume_multiple %squeeze3A_360, 8 : i32
    %dma_start3A_362 = arith.constant 5 : i32
    %dma_start3A_363 = arith.constant 0 : i32
    %dma_start3A_364 = arith.constant 0 : i32
    %dma_start3A_365 = tpu.memref_slice %arg8[%rem3A_278, %dma_start3A_362, %dma_start3A_363, %dma_start3A_364] : memref<4x16x8x64xf32, #tpu.memory_space<vmem>> -> memref<1x1x8x64xf32, #tpu.memory_space<vmem>>
    %dma_start3A_366 = tpu.memref_squeeze %dma_start3A_365 : memref<1x1x8x64xf32, #tpu.memory_space<vmem>> -> memref<8x64xf32, #tpu.memory_space<vmem>>
    %dma_start3A_367 = arith.constant 0 : i32
    %dma_start3A_368 = tpu.memref_slice %arg4[%multiple_of3A_361, %dma_start3A_367] : memref<1000000x64xf32, #tpu.memory_space<hbm>> -> memref<8x64xf32, #tpu.memory_space<hbm>>
    %dma_start3A_369 = arith.constant 0 : i32
    %dma_start3A_370 = arith.constant 0 : i32
    %dma_start3A_371 = tpu.memref_slice %arg8[%rem3A_278, %dma_start3A_362, %dma_start3A_369, %dma_start3A_370] : memref<4x16x8x64xf32, #tpu.memory_space<vmem>> -> memref<1x1x8x64xf32, #tpu.memory_space<vmem>>
    %dma_start3A_372 = tpu.memref_squeeze %dma_start3A_371 : memref<1x1x8x64xf32, #tpu.memory_space<vmem>> -> memref<8x64xf32, #tpu.memory_space<vmem>>
    %dma_start3A_373 = arith.constant 0 : i32
    %dma_start3A_374 = tpu.memref_slice %arg4[%multiple_of3A_361, %dma_start3A_373] : memref<1000000x64xf32, #tpu.memory_space<hbm>> -> memref<8x64xf32, #tpu.memory_space<hbm>>
    tpu.enqueue_dma source(%dma_start3A_374 : memref<8x64xf32, #tpu.memory_space<hbm>>) target(%dma_start3A_372 : memref<8x64xf32, #tpu.memory_space<vmem>>) target_semaphore(%arg12 : memref<!tpu.dma_semaphore, #tpu.memory_space<semaphore_mem>>)
    %slice3A_375 = vector.extract_strided_slice %shift_left3A_275 {offsets = [6], sizes = [1], strides = [1]} : vector<16xi32> to vector<1xi32>
    %squeeze3A_376 = vector.extract %slice3A_375[0] : i32 from vector<1xi32>
    %multiple_of3A_377 = tpu.assume_multiple %squeeze3A_376, 8 : i32
    %dma_start3A_378 = arith.constant 6 : i32
    %dma_start3A_379 = arith.constant 0 : i32
    %dma_start3A_380 = arith.constant 0 : i32
    %dma_start3A_381 = tpu.memref_slice %arg8[%rem3A_278, %dma_start3A_378, %dma_start3A_379, %dma_start3A_380] : memref<4x16x8x64xf32, #tpu.memory_space<vmem>> -> memref<1x1x8x64xf32, #tpu.memory_space<vmem>>
    %dma_start3A_382 = tpu.memref_squeeze %dma_start3A_381 : memref<1x1x8x64xf32, #tpu.memory_space<vmem>> -> memref<8x64xf32, #tpu.memory_space<vmem>>
    %dma_start3A_383 = arith.constant 0 : i32
    %dma_start3A_384 = tpu.memref_slice %arg4[%multiple_of3A_377, %dma_start3A_383] : memref<1000000x64xf32, #tpu.memory_space<hbm>> -> memref<8x64xf32, #tpu.memory_space<hbm>>
    %dma_start3A_385 = arith.constant 0 : i32
    %dma_start3A_386 = arith.constant 0 : i32
    %dma_start3A_387 = tpu.memref_slice %arg8[%rem3A_278, %dma_start3A_378, %dma_start3A_385, %dma_start3A_386] : memref<4x16x8x64xf32, #tpu.memory_space<vmem>> -> memref<1x1x8x64xf32, #tpu.memory_space<vmem>>
    %dma_start3A_388 = tpu.memref_squeeze %dma_start3A_387 : memref<1x1x8x64xf32, #tpu.memory_space<vmem>> -> memref<8x64xf32, #tpu.memory_space<vmem>>
    %dma_start3A_389 = arith.constant 0 : i32
    %dma_start3A_390 = tpu.memref_slice %arg4[%multiple_of3A_377, %dma_start3A_389] : memref<1000000x64xf32, #tpu.memory_space<hbm>> -> memref<8x64xf32, #tpu.memory_space<hbm>>
    tpu.enqueue_dma source(%dma_start3A_390 : memref<8x64xf32, #tpu.memory_space<hbm>>) target(%dma_start3A_388 : memref<8x64xf32, #tpu.memory_space<vmem>>) target_semaphore(%arg12 : memref<!tpu.dma_semaphore, #tpu.memory_space<semaphore_mem>>)
    %slice3A_391 = vector.extract_strided_slice %shift_left3A_275 {offsets = [7], sizes = [1], strides = [1]} : vector<16xi32> to vector<1xi32>
    %squeeze3A_392 = vector.extract %slice3A_391[0] : i32 from vector<1xi32>
    %multiple_of3A_393 = tpu.assume_multiple %squeeze3A_392, 8 : i32
    %dma_start3A_394 = arith.constant 7 : i32
    %dma_start3A_395 = arith.constant 0 : i32
    %dma_start3A_396 = arith.constant 0 : i32
    %dma_start3A_397 = tpu.memref_slice %arg8[%rem3A_278, %dma_start3A_394, %dma_start3A_395, %dma_start3A_396] : memref<4x16x8x64xf32, #tpu.memory_space<vmem>> -> memref<1x1x8x64xf32, #tpu.memory_space<vmem>>
    %dma_start3A_398 = tpu.memref_squeeze %dma_start3A_397 : memref<1x1x8x64xf32, #tpu.memory_space<vmem>> -> memref<8x64xf32, #tpu.memory_space<vmem>>
    %dma_start3A_399 = arith.constant 0 : i32
    %dma_start3A_400 = tpu.memref_slice %arg4[%multiple_of3A_393, %dma_start3A_399] : memref<1000000x64xf32, #tpu.memory_space<hbm>> -> memref<8x64xf32, #tpu.memory_space<hbm>>
    %dma_start3A_401 = arith.constant 0 : i32
    %dma_start3A_402 = arith.constant 0 : i32
    %dma_start3A_403 = tpu.memref_slice %arg8[%rem3A_278, %dma_start3A_394, %dma_start3A_401, %dma_start3A_402] : memref<4x16x8x64xf32, #tpu.memory_space<vmem>> -> memref<1x1x8x64xf32, #tpu.memory_space<vmem>>
    %dma_start3A_404 = tpu.memref_squeeze %dma_start3A_403 : memref<1x1x8x64xf32, #tpu.memory_space<vmem>> -> memref<8x64xf32, #tpu.memory_space<vmem>>
    %dma_start3A_405 = arith.constant 0 : i32
    %dma_start3A_406 = tpu.memref_slice %arg4[%multiple_of3A_393, %dma_start3A_405] : memref<1000000x64xf32, #tpu.memory_space<hbm>> -> memref<8x64xf32, #tpu.memory_space<hbm>>
    tpu.enqueue_dma source(%dma_start3A_406 : memref<8x64xf32, #tpu.memory_space<hbm>>) target(%dma_start3A_404 : memref<8x64xf32, #tpu.memory_space<vmem>>) target_semaphore(%arg12 : memref<!tpu.dma_semaphore, #tpu.memory_space<semaphore_mem>>)
    %slice3A_407 = vector.extract_strided_slice %shift_left3A_275 {offsets = [8], sizes = [1], strides = [1]} : vector<16xi32> to vector<1xi32>
    %squeeze3A_408 = vector.extract %slice3A_407[0] : i32 from vector<1xi32>
    %multiple_of3A_409 = tpu.assume_multiple %squeeze3A_408, 8 : i32
    %dma_start3A_410 = arith.constant 8 : i32
    %dma_start3A_411 = arith.constant 0 : i32
    %dma_start3A_412 = arith.constant 0 : i32
    %dma_start3A_413 = tpu.memref_slice %arg8[%rem3A_278, %dma_start3A_410, %dma_start3A_411, %dma_start3A_412] : memref<4x16x8x64xf32, #tpu.memory_space<vmem>> -> memref<1x1x8x64xf32, #tpu.memory_space<vmem>>
    %dma_start3A_414 = tpu.memref_squeeze %dma_start3A_413 : memref<1x1x8x64xf32, #tpu.memory_space<vmem>> -> memref<8x64xf32, #tpu.memory_space<vmem>>
    %dma_start3A_415 = arith.constant 0 : i32
    %dma_start3A_416 = tpu.memref_slice %arg4[%multiple_of3A_409, %dma_start3A_415] : memref<1000000x64xf32, #tpu.memory_space<hbm>> -> memref<8x64xf32, #tpu.memory_space<hbm>>
    %dma_start3A_417 = arith.constant 0 : i32
    %dma_start3A_418 = arith.constant 0 : i32
    %dma_start3A_419 = tpu.memref_slice %arg8[%rem3A_278, %dma_start3A_410, %dma_start3A_417, %dma_start3A_418] : memref<4x16x8x64xf32, #tpu.memory_space<vmem>> -> memref<1x1x8x64xf32, #tpu.memory_space<vmem>>
    %dma_start3A_420 = tpu.memref_squeeze %dma_start3A_419 : memref<1x1x8x64xf32, #tpu.memory_space<vmem>> -> memref<8x64xf32, #tpu.memory_space<vmem>>
    %dma_start3A_421 = arith.constant 0 : i32
    %dma_start3A_422 = tpu.memref_slice %arg4[%multiple_of3A_409, %dma_start3A_421] : memref<1000000x64xf32, #tpu.memory_space<hbm>> -> memref<8x64xf32, #tpu.memory_space<hbm>>
    tpu.enqueue_dma source(%dma_start3A_422 : memref<8x64xf32, #tpu.memory_space<hbm>>) target(%dma_start3A_420 : memref<8x64xf32, #tpu.memory_space<vmem>>) target_semaphore(%arg12 : memref<!tpu.dma_semaphore, #tpu.memory_space<semaphore_mem>>)
    %slice3A_423 = vector.extract_strided_slice %shift_left3A_275 {offsets = [9], sizes = [1], strides = [1]} : vector<16xi32> to vector<1xi32>
    %squeeze3A_424 = vector.extract %slice3A_423[0] : i32 from vector<1xi32>
    %multiple_of3A_425 = tpu.assume_multiple %squeeze3A_424, 8 : i32
    %dma_start3A_426 = arith.constant 9 : i32
    %dma_start3A_427 = arith.constant 0 : i32
    %dma_start3A_428 = arith.constant 0 : i32
    %dma_start3A_429 = tpu.memref_slice %arg8[%rem3A_278, %dma_start3A_426, %dma_start3A_427, %dma_start3A_428] : memref<4x16x8x64xf32, #tpu.memory_space<vmem>> -> memref<1x1x8x64xf32, #tpu.memory_space<vmem>>
    %dma_start3A_430 = tpu.memref_squeeze %dma_start3A_429 : memref<1x1x8x64xf32, #tpu.memory_space<vmem>> -> memref<8x64xf32, #tpu.memory_space<vmem>>
    %dma_start3A_431 = arith.constant 0 : i32
    %dma_start3A_432 = tpu.memref_slice %arg4[%multiple_of3A_425, %dma_start3A_431] : memref<1000000x64xf32, #tpu.memory_space<hbm>> -> memref<8x64xf32, #tpu.memory_space<hbm>>
    %dma_start3A_433 = arith.constant 0 : i32
    %dma_start3A_434 = arith.constant 0 : i32
    %dma_start3A_435 = tpu.memref_slice %arg8[%rem3A_278, %dma_start3A_426, %dma_start3A_433, %dma_start3A_434] : memref<4x16x8x64xf32, #tpu.memory_space<vmem>> -> memref<1x1x8x64xf32, #tpu.memory_space<vmem>>
    %dma_start3A_436 = tpu.memref_squeeze %dma_start3A_435 : memref<1x1x8x64xf32, #tpu.memory_space<vmem>> -> memref<8x64xf32, #tpu.memory_space<vmem>>
    %dma_start3A_437 = arith.constant 0 : i32
    %dma_start3A_438 = tpu.memref_slice %arg4[%multiple_of3A_425, %dma_start3A_437] : memref<1000000x64xf32, #tpu.memory_space<hbm>> -> memref<8x64xf32, #tpu.memory_space<hbm>>
    tpu.enqueue_dma source(%dma_start3A_438 : memref<8x64xf32, #tpu.memory_space<hbm>>) target(%dma_start3A_436 : memref<8x64xf32, #tpu.memory_space<vmem>>) target_semaphore(%arg12 : memref<!tpu.dma_semaphore, #tpu.memory_space<semaphore_mem>>)
    %slice3A_439 = vector.extract_strided_slice %shift_left3A_275 {offsets = [10], sizes = [1], strides = [1]} : vector<16xi32> to vector<1xi32>
    %squeeze3A_440 = vector.extract %slice3A_439[0] : i32 from vector<1xi32>
    %multiple_of3A_441 = tpu.assume_multiple %squeeze3A_440, 8 : i32
    %dma_start3A_442 = arith.constant 10 : i32
    %dma_start3A_443 = arith.constant 0 : i32
    %dma_start3A_444 = arith.constant 0 : i32
    %dma_start3A_445 = tpu.memref_slice %arg8[%rem3A_278, %dma_start3A_442, %dma_start3A_443, %dma_start3A_444] : memref<4x16x8x64xf32, #tpu.memory_space<vmem>> -> memref<1x1x8x64xf32, #tpu.memory_space<vmem>>
    %dma_start3A_446 = tpu.memref_squeeze %dma_start3A_445 : memref<1x1x8x64xf32, #tpu.memory_space<vmem>> -> memref<8x64xf32, #tpu.memory_space<vmem>>
    %dma_start3A_447 = arith.constant 0 : i32
    %dma_start3A_448 = tpu.memref_slice %arg4[%multiple_of3A_441, %dma_start3A_447] : memref<1000000x64xf32, #tpu.memory_space<hbm>> -> memref<8x64xf32, #tpu.memory_space<hbm>>
    %dma_start3A_449 = arith.constant 0 : i32
    %dma_start3A_450 = arith.constant 0 : i32
    %dma_start3A_451 = tpu.memref_slice %arg8[%rem3A_278, %dma_start3A_442, %dma_start3A_449, %dma_start3A_450] : memref<4x16x8x64xf32, #tpu.memory_space<vmem>> -> memref<1x1x8x64xf32, #tpu.memory_space<vmem>>
    %dma_start3A_452 = tpu.memref_squeeze %dma_start3A_451 : memref<1x1x8x64xf32, #tpu.memory_space<vmem>> -> memref<8x64xf32, #tpu.memory_space<vmem>>
    %dma_start3A_453 = arith.constant 0 : i32
    %dma_start3A_454 = tpu.memref_slice %arg4[%multiple_of3A_441, %dma_start3A_453] : memref<1000000x64xf32, #tpu.memory_space<hbm>> -> memref<8x64xf32, #tpu.memory_space<hbm>>
    tpu.enqueue_dma source(%dma_start3A_454 : memref<8x64xf32, #tpu.memory_space<hbm>>) target(%dma_start3A_452 : memref<8x64xf32, #tpu.memory_space<vmem>>) target_semaphore(%arg12 : memref<!tpu.dma_semaphore, #tpu.memory_space<semaphore_mem>>)
    %slice3A_455 = vector.extract_strided_slice %shift_left3A_275 {offsets = [11], sizes = [1], strides = [1]} : vector<16xi32> to vector<1xi32>
    %squeeze3A_456 = vector.extract %slice3A_455[0] : i32 from vector<1xi32>
    %multiple_of3A_457 = tpu.assume_multiple %squeeze3A_456, 8 : i32
    %dma_start3A_458 = arith.constant 11 : i32
    %dma_start3A_459 = arith.constant 0 : i32
    %dma_start3A_460 = arith.constant 0 : i32
    %dma_start3A_461 = tpu.memref_slice %arg8[%rem3A_278, %dma_start3A_458, %dma_start3A_459, %dma_start3A_460] : memref<4x16x8x64xf32, #tpu.memory_space<vmem>> -> memref<1x1x8x64xf32, #tpu.memory_space<vmem>>
    %dma_start3A_462 = tpu.memref_squeeze %dma_start3A_461 : memref<1x1x8x64xf32, #tpu.memory_space<vmem>> -> memref<8x64xf32, #tpu.memory_space<vmem>>
    %dma_start3A_463 = arith.constant 0 : i32
    %dma_start3A_464 = tpu.memref_slice %arg4[%multiple_of3A_457, %dma_start3A_463] : memref<1000000x64xf32, #tpu.memory_space<hbm>> -> memref<8x64xf32, #tpu.memory_space<hbm>>
    %dma_start3A_465 = arith.constant 0 : i32
    %dma_start3A_466 = arith.constant 0 : i32
    %dma_start3A_467 = tpu.memref_slice %arg8[%rem3A_278, %dma_start3A_458, %dma_start3A_465, %dma_start3A_466] : memref<4x16x8x64xf32, #tpu.memory_space<vmem>> -> memref<1x1x8x64xf32, #tpu.memory_space<vmem>>
    %dma_start3A_468 = tpu.memref_squeeze %dma_start3A_467 : memref<1x1x8x64xf32, #tpu.memory_space<vmem>> -> memref<8x64xf32, #tpu.memory_space<vmem>>
    %dma_start3A_469 = arith.constant 0 : i32
    %dma_start3A_470 = tpu.memref_slice %arg4[%multiple_of3A_457, %dma_start3A_469] : memref<1000000x64xf32, #tpu.memory_space<hbm>> -> memref<8x64xf32, #tpu.memory_space<hbm>>
    tpu.enqueue_dma source(%dma_start3A_470 : memref<8x64xf32, #tpu.memory_space<hbm>>) target(%dma_start3A_468 : memref<8x64xf32, #tpu.memory_space<vmem>>) target_semaphore(%arg12 : memref<!tpu.dma_semaphore, #tpu.memory_space<semaphore_mem>>)
    %slice3A_471 = vector.extract_strided_slice %shift_left3A_275 {offsets = [12], sizes = [1], strides = [1]} : vector<16xi32> to vector<1xi32>
    %squeeze3A_472 = vector.extract %slice3A_471[0] : i32 from vector<1xi32>
    %multiple_of3A_473 = tpu.assume_multiple %squeeze3A_472, 8 : i32
    %dma_start3A_474 = arith.constant 12 : i32
    %dma_start3A_475 = arith.constant 0 : i32
    %dma_start3A_476 = arith.constant 0 : i32
    %dma_start3A_477 = tpu.memref_slice %arg8[%rem3A_278, %dma_start3A_474, %dma_start3A_475, %dma_start3A_476] : memref<4x16x8x64xf32, #tpu.memory_space<vmem>> -> memref<1x1x8x64xf32, #tpu.memory_space<vmem>>
    %dma_start3A_478 = tpu.memref_squeeze %dma_start3A_477 : memref<1x1x8x64xf32, #tpu.memory_space<vmem>> -> memref<8x64xf32, #tpu.memory_space<vmem>>
    %dma_start3A_479 = arith.constant 0 : i32
    %dma_start3A_480 = tpu.memref_slice %arg4[%multiple_of3A_473, %dma_start3A_479] : memref<1000000x64xf32, #tpu.memory_space<hbm>> -> memref<8x64xf32, #tpu.memory_space<hbm>>
    %dma_start3A_481 = arith.constant 0 : i32
    %dma_start3A_482 = arith.constant 0 : i32
    %dma_start3A_483 = tpu.memref_slice %arg8[%rem3A_278, %dma_start3A_474, %dma_start3A_481, %dma_start3A_482] : memref<4x16x8x64xf32, #tpu.memory_space<vmem>> -> memref<1x1x8x64xf32, #tpu.memory_space<vmem>>
    %dma_start3A_484 = tpu.memref_squeeze %dma_start3A_483 : memref<1x1x8x64xf32, #tpu.memory_space<vmem>> -> memref<8x64xf32, #tpu.memory_space<vmem>>
    %dma_start3A_485 = arith.constant 0 : i32
    %dma_start3A_486 = tpu.memref_slice %arg4[%multiple_of3A_473, %dma_start3A_485] : memref<1000000x64xf32, #tpu.memory_space<hbm>> -> memref<8x64xf32, #tpu.memory_space<hbm>>
    tpu.enqueue_dma source(%dma_start3A_486 : memref<8x64xf32, #tpu.memory_space<hbm>>) target(%dma_start3A_484 : memref<8x64xf32, #tpu.memory_space<vmem>>) target_semaphore(%arg12 : memref<!tpu.dma_semaphore, #tpu.memory_space<semaphore_mem>>)
    %slice3A_487 = vector.extract_strided_slice %shift_left3A_275 {offsets = [13], sizes = [1], strides = [1]} : vector<16xi32> to vector<1xi32>
    %squeeze3A_488 = vector.extract %slice3A_487[0] : i32 from vector<1xi32>
    %multiple_of3A_489 = tpu.assume_multiple %squeeze3A_488, 8 : i32
    %dma_start3A_490 = arith.constant 13 : i32
    %dma_start3A_491 = arith.constant 0 : i32
    %dma_start3A_492 = arith.constant 0 : i32
    %dma_start3A_493 = tpu.memref_slice %arg8[%rem3A_278, %dma_start3A_490, %dma_start3A_491, %dma_start3A_492] : memref<4x16x8x64xf32, #tpu.memory_space<vmem>> -> memref<1x1x8x64xf32, #tpu.memory_space<vmem>>
    %dma_start3A_494 = tpu.memref_squeeze %dma_start3A_493 : memref<1x1x8x64xf32, #tpu.memory_space<vmem>> -> memref<8x64xf32, #tpu.memory_space<vmem>>
    %dma_start3A_495 = arith.constant 0 : i32
    %dma_start3A_496 = tpu.memref_slice %arg4[%multiple_of3A_489, %dma_start3A_495] : memref<1000000x64xf32, #tpu.memory_space<hbm>> -> memref<8x64xf32, #tpu.memory_space<hbm>>
    %dma_start3A_497 = arith.constant 0 : i32
    %dma_start3A_498 = arith.constant 0 : i32
    %dma_start3A_499 = tpu.memref_slice %arg8[%rem3A_278, %dma_start3A_490, %dma_start3A_497, %dma_start3A_498] : memref<4x16x8x64xf32, #tpu.memory_space<vmem>> -> memref<1x1x8x64xf32, #tpu.memory_space<vmem>>
    %dma_start3A_500 = tpu.memref_squeeze %dma_start3A_499 : memref<1x1x8x64xf32, #tpu.memory_space<vmem>> -> memref<8x64xf32, #tpu.memory_space<vmem>>
    %dma_start3A_501 = arith.constant 0 : i32
    %dma_start3A_502 = tpu.memref_slice %arg4[%multiple_of3A_489, %dma_start3A_501] : memref<1000000x64xf32, #tpu.memory_space<hbm>> -> memref<8x64xf32, #tpu.memory_space<hbm>>
    tpu.enqueue_dma source(%dma_start3A_502 : memref<8x64xf32, #tpu.memory_space<hbm>>) target(%dma_start3A_500 : memref<8x64xf32, #tpu.memory_space<vmem>>) target_semaphore(%arg12 : memref<!tpu.dma_semaphore, #tpu.memory_space<semaphore_mem>>)
    %slice3A_503 = vector.extract_strided_slice %shift_left3A_275 {offsets = [14], sizes = [1], strides = [1]} : vector<16xi32> to vector<1xi32>
    %squeeze3A_504 = vector.extract %slice3A_503[0] : i32 from vector<1xi32>
    %multiple_of3A_505 = tpu.assume_multiple %squeeze3A_504, 8 : i32
    %dma_start3A_506 = arith.constant 14 : i32
    %dma_start3A_507 = arith.constant 0 : i32
    %dma_start3A_508 = arith.constant 0 : i32
    %dma_start3A_509 = tpu.memref_slice %arg8[%rem3A_278, %dma_start3A_506, %dma_start3A_507, %dma_start3A_508] : memref<4x16x8x64xf32, #tpu.memory_space<vmem>> -> memref<1x1x8x64xf32, #tpu.memory_space<vmem>>
    %dma_start3A_510 = tpu.memref_squeeze %dma_start3A_509 : memref<1x1x8x64xf32, #tpu.memory_space<vmem>> -> memref<8x64xf32, #tpu.memory_space<vmem>>
    %dma_start3A_511 = arith.constant 0 : i32
    %dma_start3A_512 = tpu.memref_slice %arg4[%multiple_of3A_505, %dma_start3A_511] : memref<1000000x64xf32, #tpu.memory_space<hbm>> -> memref<8x64xf32, #tpu.memory_space<hbm>>
    %dma_start3A_513 = arith.constant 0 : i32
    %dma_start3A_514 = arith.constant 0 : i32
    %dma_start3A_515 = tpu.memref_slice %arg8[%rem3A_278, %dma_start3A_506, %dma_start3A_513, %dma_start3A_514] : memref<4x16x8x64xf32, #tpu.memory_space<vmem>> -> memref<1x1x8x64xf32, #tpu.memory_space<vmem>>
    %dma_start3A_516 = tpu.memref_squeeze %dma_start3A_515 : memref<1x1x8x64xf32, #tpu.memory_space<vmem>> -> memref<8x64xf32, #tpu.memory_space<vmem>>
    %dma_start3A_517 = arith.constant 0 : i32
    %dma_start3A_518 = tpu.memref_slice %arg4[%multiple_of3A_505, %dma_start3A_517] : memref<1000000x64xf32, #tpu.memory_space<hbm>> -> memref<8x64xf32, #tpu.memory_space<hbm>>
    tpu.enqueue_dma source(%dma_start3A_518 : memref<8x64xf32, #tpu.memory_space<hbm>>) target(%dma_start3A_516 : memref<8x64xf32, #tpu.memory_space<vmem>>) target_semaphore(%arg12 : memref<!tpu.dma_semaphore, #tpu.memory_space<semaphore_mem>>)
    %slice3A_519 = vector.extract_strided_slice %shift_left3A_275 {offsets = [15], sizes = [1], strides = [1]} : vector<16xi32> to vector<1xi32>
    %squeeze3A_520 = vector.extract %slice3A_519[0] : i32 from vector<1xi32>
    %multiple_of3A_521 = tpu.assume_multiple %squeeze3A_520, 8 : i32
    %dma_start3A_522 = arith.constant 15 : i32
    %dma_start3A_523 = arith.constant 0 : i32
    %dma_start3A_524 = arith.constant 0 : i32
    %dma_start3A_525 = tpu.memref_slice %arg8[%rem3A_278, %dma_start3A_522, %dma_start3A_523, %dma_start3A_524] : memref<4x16x8x64xf32, #tpu.memory_space<vmem>> -> memref<1x1x8x64xf32, #tpu.memory_space<vmem>>
    %dma_start3A_526 = tpu.memref_squeeze %dma_start3A_525 : memref<1x1x8x64xf32, #tpu.memory_space<vmem>> -> memref<8x64xf32, #tpu.memory_space<vmem>>
    %dma_start3A_527 = arith.constant 0 : i32
    %dma_start3A_528 = tpu.memref_slice %arg4[%multiple_of3A_521, %dma_start3A_527] : memref<1000000x64xf32, #tpu.memory_space<hbm>> -> memref<8x64xf32, #tpu.memory_space<hbm>>
    %dma_start3A_529 = arith.constant 0 : i32
    %dma_start3A_530 = arith.constant 0 : i32
    %dma_start3A_531 = tpu.memref_slice %arg8[%rem3A_278, %dma_start3A_522, %dma_start3A_529, %dma_start3A_530] : memref<4x16x8x64xf32, #tpu.memory_space<vmem>> -> memref<1x1x8x64xf32, #tpu.memory_space<vmem>>
    %dma_start3A_532 = tpu.memref_squeeze %dma_start3A_531 : memref<1x1x8x64xf32, #tpu.memory_space<vmem>> -> memref<8x64xf32, #tpu.memory_space<vmem>>
    %dma_start3A_533 = arith.constant 0 : i32
    %dma_start3A_534 = tpu.memref_slice %arg4[%multiple_of3A_521, %dma_start3A_533] : memref<1000000x64xf32, #tpu.memory_space<hbm>> -> memref<8x64xf32, #tpu.memory_space<hbm>>
    tpu.enqueue_dma source(%dma_start3A_534 : memref<8x64xf32, #tpu.memory_space<hbm>>) target(%dma_start3A_532 : memref<8x64xf32, #tpu.memory_space<vmem>>) target_semaphore(%arg12 : memref<!tpu.dma_semaphore, #tpu.memory_space<semaphore_mem>>)
    %get3A_535 = arith.constant 32 : index
    %get3A_536 = tpu.vector_load %arg7[%get3A_535] {strides = array<i32>} : memref<512xi32, #tpu.memory_space<vmem>>, vector<16xi32>,
    %shift_right_logical3A_537 = arith.constant 3 : i32
    %shift_right_logical3A_538 = vector.broadcast %shift_right_logical3A_537 : i32 to vector<16xi32>
    %shift_right_logical3A_539 = arith.shrui %get3A_536, %shift_right_logical3A_538 : vector<16xi32>
    %shift_left3A_540 = arith.constant 3 : i32
    %shift_left3A_541 = vector.broadcast %shift_left3A_540 : i32 to vector<16xi32>
    %shift_left3A_542 = arith.shli %shift_right_logical3A_539, %shift_left3A_541 : vector<16xi32>
    %rem3A_543 = arith.constant 2 : i32
    %rem3A_544 = arith.constant 4 : i32
    %rem3A_545 = arith.remsi %rem3A_543, %rem3A_544 : i32
    %slice3A_546 = vector.extract_strided_slice %shift_left3A_542 {offsets = [0], sizes = [1], strides = [1]} : vector<16xi32> to vector<1xi32>
    %squeeze3A_547 = vector.extract %slice3A_546[0] : i32 from vector<1xi32>
    %multiple_of3A_548 = tpu.assume_multiple %squeeze3A_547, 8 : i32
    %dma_start3A_549 = arith.constant 0 : i32
    %dma_start3A_550 = arith.constant 0 : i32
    %dma_start3A_551 = arith.constant 0 : i32
    %dma_start3A_552 = tpu.memref_slice %arg8[%rem3A_545, %dma_start3A_549, %dma_start3A_550, %dma_start3A_551] : memref<4x16x8x64xf32, #tpu.memory_space<vmem>> -> memref<1x1x8x64xf32, #tpu.memory_space<vmem>>
    %dma_start3A_553 = tpu.memref_squeeze %dma_start3A_552 : memref<1x1x8x64xf32, #tpu.memory_space<vmem>> -> memref<8x64xf32, #tpu.memory_space<vmem>>
    %dma_start3A_554 = arith.constant 0 : i32
    %dma_start3A_555 = tpu.memref_slice %arg4[%multiple_of3A_548, %dma_start3A_554] : memref<1000000x64xf32, #tpu.memory_space<hbm>> -> memref<8x64xf32, #tpu.memory_space<hbm>>
    %dma_start3A_556 = arith.constant 0 : i32
    %dma_start3A_557 = arith.constant 0 : i32
    %dma_start3A_558 = tpu.memref_slice %arg8[%rem3A_545, %dma_start3A_549, %dma_start3A_556, %dma_start3A_557] : memref<4x16x8x64xf32, #tpu.memory_space<vmem>> -> memref<1x1x8x64xf32, #tpu.memory_space<vmem>>
    %dma_start3A_559 = tpu.memref_squeeze %dma_start3A_558 : memref<1x1x8x64xf32, #tpu.memory_space<vmem>> -> memref<8x64xf32, #tpu.memory_space<vmem>>
    %dma_start3A_560 = arith.constant 0 : i32
    %dma_start3A_561 = tpu.memref_slice %arg4[%multiple_of3A_548, %dma_start3A_560] : memref<1000000x64xf32, #tpu.memory_space<hbm>> -> memref<8x64xf32, #tpu.memory_space<hbm>>
    tpu.enqueue_dma source(%dma_start3A_561 : memref<8x64xf32, #tpu.memory_space<hbm>>) target(%dma_start3A_559 : memref<8x64xf32, #tpu.memory_space<vmem>>) target_semaphore(%arg12 : memref<!tpu.dma_semaphore, #tpu.memory_space<semaphore_mem>>)
    %slice3A_562 = vector.extract_strided_slice %shift_left3A_542 {offsets = [1], sizes = [1], strides = [1]} : vector<16xi32> to vector<1xi32>
    %squeeze3A_563 = vector.extract %slice3A_562[0] : i32 from vector<1xi32>
    %multiple_of3A_564 = tpu.assume_multiple %squeeze3A_563, 8 : i32
    %dma_start3A_565 = arith.constant 1 : i32
    %dma_start3A_566 = arith.constant 0 : i32
    %dma_start3A_567 = arith.constant 0 : i32
    %dma_start3A_568 = tpu.memref_slice %arg8[%rem3A_545, %dma_start3A_565, %dma_start3A_566, %dma_start3A_567] : memref<4x16x8x64xf32, #tpu.memory_space<vmem>> -> memref<1x1x8x64xf32, #tpu.memory_space<vmem>>
    %dma_start3A_569 = tpu.memref_squeeze %dma_start3A_568 : memref<1x1x8x64xf32, #tpu.memory_space<vmem>> -> memref<8x64xf32, #tpu.memory_space<vmem>>
    %dma_start3A_570 = arith.constant 0 : i32
    %dma_start3A_571 = tpu.memref_slice %arg4[%multiple_of3A_564, %dma_start3A_570] : memref<1000000x64xf32, #tpu.memory_space<hbm>> -> memref<8x64xf32, #tpu.memory_space<hbm>>
    %dma_start3A_572 = arith.constant 0 : i32
    %dma_start3A_573 = arith.constant 0 : i32
    %dma_start3A_574 = tpu.memref_slice %arg8[%rem3A_545, %dma_start3A_565, %dma_start3A_572, %dma_start3A_573] : memref<4x16x8x64xf32, #tpu.memory_space<vmem>> -> memref<1x1x8x64xf32, #tpu.memory_space<vmem>>
    %dma_start3A_575 = tpu.memref_squeeze %dma_start3A_574 : memref<1x1x8x64xf32, #tpu.memory_space<vmem>> -> memref<8x64xf32, #tpu.memory_space<vmem>>
    %dma_start3A_576 = arith.constant 0 : i32
    %dma_start3A_577 = tpu.memref_slice %arg4[%multiple_of3A_564, %dma_start3A_576] : memref<1000000x64xf32, #tpu.memory_space<hbm>> -> memref<8x64xf32, #tpu.memory_space<hbm>>
    tpu.enqueue_dma source(%dma_start3A_577 : memref<8x64xf32, #tpu.memory_space<hbm>>) target(%dma_start3A_575 : memref<8x64xf32, #tpu.memory_space<vmem>>) target_semaphore(%arg12 : memref<!tpu.dma_semaphore, #tpu.memory_space<semaphore_mem>>)
    %slice3A_578 = vector.extract_strided_slice %shift_left3A_542 {offsets = [2], sizes = [1], strides = [1]} : vector<16xi32> to vector<1xi32>
    %squeeze3A_579 = vector.extract %slice3A_578[0] : i32 from vector<1xi32>
    %multiple_of3A_580 = tpu.assume_multiple %squeeze3A_579, 8 : i32
    %dma_start3A_581 = arith.constant 2 : i32
    %dma_start3A_582 = arith.constant 0 : i32
    %dma_start3A_583 = arith.constant 0 : i32
    %dma_start3A_584 = tpu.memref_slice %arg8[%rem3A_545, %dma_start3A_581, %dma_start3A_582, %dma_start3A_583] : memref<4x16x8x64xf32, #tpu.memory_space<vmem>> -> memref<1x1x8x64xf32, #tpu.memory_space<vmem>>
    %dma_start3A_585 = tpu.memref_squeeze %dma_start3A_584 : memref<1x1x8x64xf32, #tpu.memory_space<vmem>> -> memref<8x64xf32, #tpu.memory_space<vmem>>
    %dma_start3A_586 = arith.constant 0 : i32
    %dma_start3A_587 = tpu.memref_slice %arg4[%multiple_of3A_580, %dma_start3A_586] : memref<1000000x64xf32, #tpu.memory_space<hbm>> -> memref<8x64xf32, #tpu.memory_space<hbm>>
    %dma_start3A_588 = arith.constant 0 : i32
    %dma_start3A_589 = arith.constant 0 : i32
    %dma_start3A_590 = tpu.memref_slice %arg8[%rem3A_545, %dma_start3A_581, %dma_start3A_588, %dma_start3A_589] : memref<4x16x8x64xf32, #tpu.memory_space<vmem>> -> memref<1x1x8x64xf32, #tpu.memory_space<vmem>>
    %dma_start3A_591 = tpu.memref_squeeze %dma_start3A_590 : memref<1x1x8x64xf32, #tpu.memory_space<vmem>> -> memref<8x64xf32, #tpu.memory_space<vmem>>
    %dma_start3A_592 = arith.constant 0 : i32
    %dma_start3A_593 = tpu.memref_slice %arg4[%multiple_of3A_580, %dma_start3A_592] : memref<1000000x64xf32, #tpu.memory_space<hbm>> -> memref<8x64xf32, #tpu.memory_space<hbm>>
    tpu.enqueue_dma source(%dma_start3A_593 : memref<8x64xf32, #tpu.memory_space<hbm>>) target(%dma_start3A_591 : memref<8x64xf32, #tpu.memory_space<vmem>>) target_semaphore(%arg12 : memref<!tpu.dma_semaphore, #tpu.memory_space<semaphore_mem>>)
    %slice3A_594 = vector.extract_strided_slice %shift_left3A_542 {offsets = [3], sizes = [1], strides = [1]} : vector<16xi32> to vector<1xi32>
    %squeeze3A_595 = vector.extract %slice3A_594[0] : i32 from vector<1xi32>
    %multiple_of3A_596 = tpu.assume_multiple %squeeze3A_595, 8 : i32
    %dma_start3A_597 = arith.constant 3 : i32
    %dma_start3A_598 = arith.constant 0 : i32
    %dma_start3A_599 = arith.constant 0 : i32
    %dma_start3A_600 = tpu.memref_slice %arg8[%rem3A_545, %dma_start3A_597, %dma_start3A_598, %dma_start3A_599] : memref<4x16x8x64xf32, #tpu.memory_space<vmem>> -> memref<1x1x8x64xf32, #tpu.memory_space<vmem>>
    %dma_start3A_601 = tpu.memref_squeeze %dma_start3A_600 : memref<1x1x8x64xf32, #tpu.memory_space<vmem>> -> memref<8x64xf32, #tpu.memory_space<vmem>>
    %dma_start3A_602 = arith.constant 0 : i32
    %dma_start3A_603 = tpu.memref_slice %arg4[%multiple_of3A_596, %dma_start3A_602] : memref<1000000x64xf32, #tpu.memory_space<hbm>> -> memref<8x64xf32, #tpu.memory_space<hbm>>
    %dma_start3A_604 = arith.constant 0 : i32
    %dma_start3A_605 = arith.constant 0 : i32
    %dma_start3A_606 = tpu.memref_slice %arg8[%rem3A_545, %dma_start3A_597, %dma_start3A_604, %dma_start3A_605] : memref<4x16x8x64xf32, #tpu.memory_space<vmem>> -> memref<1x1x8x64xf32, #tpu.memory_space<vmem>>
    %dma_start3A_607 = tpu.memref_squeeze %dma_start3A_606 : memref<1x1x8x64xf32, #tpu.memory_space<vmem>> -> memref<8x64xf32, #tpu.memory_space<vmem>>
    %dma_start3A_608 = arith.constant 0 : i32
    %dma_start3A_609 = tpu.memref_slice %arg4[%multiple_of3A_596, %dma_start3A_608] : memref<1000000x64xf32, #tpu.memory_space<hbm>> -> memref<8x64xf32, #tpu.memory_space<hbm>>
    tpu.enqueue_dma source(%dma_start3A_609 : memref<8x64xf32, #tpu.memory_space<hbm>>) target(%dma_start3A_607 : memref<8x64xf32, #tpu.memory_space<vmem>>) target_semaphore(%arg12 : memref<!tpu.dma_semaphore, #tpu.memory_space<semaphore_mem>>)
    %slice3A_610 = vector.extract_strided_slice %shift_left3A_542 {offsets = [4], sizes = [1], strides = [1]} : vector<16xi32> to vector<1xi32>
    %squeeze3A_611 = vector.extract %slice3A_610[0] : i32 from vector<1xi32>
    %multiple_of3A_612 = tpu.assume_multiple %squeeze3A_611, 8 : i32
    %dma_start3A_613 = arith.constant 4 : i32
    %dma_start3A_614 = arith.constant 0 : i32
    %dma_start3A_615 = arith.constant 0 : i32
    %dma_start3A_616 = tpu.memref_slice %arg8[%rem3A_545, %dma_start3A_613, %dma_start3A_614, %dma_start3A_615] : memref<4x16x8x64xf32, #tpu.memory_space<vmem>> -> memref<1x1x8x64xf32, #tpu.memory_space<vmem>>
    %dma_start3A_617 = tpu.memref_squeeze %dma_start3A_616 : memref<1x1x8x64xf32, #tpu.memory_space<vmem>> -> memref<8x64xf32, #tpu.memory_space<vmem>>
    %dma_start3A_618 = arith.constant 0 : i32
    %dma_start3A_619 = tpu.memref_slice %arg4[%multiple_of3A_612, %dma_start3A_618] : memref<1000000x64xf32, #tpu.memory_space<hbm>> -> memref<8x64xf32, #tpu.memory_space<hbm>>
    %dma_start3A_620 = arith.constant 0 : i32
    %dma_start3A_621 = arith.constant 0 : i32
    %dma_start3A_622 = tpu.memref_slice %arg8[%rem3A_545, %dma_start3A_613, %dma_start3A_620, %dma_start3A_621] : memref<4x16x8x64xf32, #tpu.memory_space<vmem>> -> memref<1x1x8x64xf32, #tpu.memory_space<vmem>>
    %dma_start3A_623 = tpu.memref_squeeze %dma_start3A_622 : memref<1x1x8x64xf32, #tpu.memory_space<vmem>> -> memref<8x64xf32, #tpu.memory_space<vmem>>
    %dma_start3A_624 = arith.constant 0 : i32
    %dma_start3A_625 = tpu.memref_slice %arg4[%multiple_of3A_612, %dma_start3A_624] : memref<1000000x64xf32, #tpu.memory_space<hbm>> -> memref<8x64xf32, #tpu.memory_space<hbm>>
    tpu.enqueue_dma source(%dma_start3A_625 : memref<8x64xf32, #tpu.memory_space<hbm>>) target(%dma_start3A_623 : memref<8x64xf32, #tpu.memory_space<vmem>>) target_semaphore(%arg12 : memref<!tpu.dma_semaphore, #tpu.memory_space<semaphore_mem>>)
    %slice3A_626 = vector.extract_strided_slice %shift_left3A_542 {offsets = [5], sizes = [1], strides = [1]} : vector<16xi32> to vector<1xi32>
    %squeeze3A_627 = vector.extract %slice3A_626[0] : i32 from vector<1xi32>
    %multiple_of3A_628 = tpu.assume_multiple %squeeze3A_627, 8 : i32
    %dma_start3A_629 = arith.constant 5 : i32
    %dma_start3A_630 = arith.constant 0 : i32
    %dma_start3A_631 = arith.constant 0 : i32
    %dma_start3A_632 = tpu.memref_slice %arg8[%rem3A_545, %dma_start3A_629, %dma_start3A_630, %dma_start3A_631] : memref<4x16x8x64xf32, #tpu.memory_space<vmem>> -> memref<1x1x8x64xf32, #tpu.memory_space<vmem>>
    %dma_start3A_633 = tpu.memref_squeeze %dma_start3A_632 : memref<1x1x8x64xf32, #tpu.memory_space<vmem>> -> memref<8x64xf32, #tpu.memory_space<vmem>>
    %dma_start3A_634 = arith.constant 0 : i32
    %dma_start3A_635 = tpu.memref_slice %arg4[%multiple_of3A_628, %dma_start3A_634] : memref<1000000x64xf32, #tpu.memory_space<hbm>> -> memref<8x64xf32, #tpu.memory_space<hbm>>
    %dma_start3A_636 = arith.constant 0 : i32
    %dma_start3A_637 = arith.constant 0 : i32
    %dma_start3A_638 = tpu.memref_slice %arg8[%rem3A_545, %dma_start3A_629, %dma_start3A_636, %dma_start3A_637] : memref<4x16x8x64xf32, #tpu.memory_space<vmem>> -> memref<1x1x8x64xf32, #tpu.memory_space<vmem>>
    %dma_start3A_639 = tpu.memref_squeeze %dma_start3A_638 : memref<1x1x8x64xf32, #tpu.memory_space<vmem>> -> memref<8x64xf32, #tpu.memory_space<vmem>>
    %dma_start3A_640 = arith.constant 0 : i32
    %dma_start3A_641 = tpu.memref_slice %arg4[%multiple_of3A_628, %dma_start3A_640] : memref<1000000x64xf32, #tpu.memory_space<hbm>> -> memref<8x64xf32, #tpu.memory_space<hbm>>
    tpu.enqueue_dma source(%dma_start3A_641 : memref<8x64xf32, #tpu.memory_space<hbm>>) target(%dma_start3A_639 : memref<8x64xf32, #tpu.memory_space<vmem>>) target_semaphore(%arg12 : memref<!tpu.dma_semaphore, #tpu.memory_space<semaphore_mem>>)
    %slice3A_642 = vector.extract_strided_slice %shift_left3A_542 {offsets = [6], sizes = [1], strides = [1]} : vector<16xi32> to vector<1xi32>
    %squeeze3A_643 = vector.extract %slice3A_642[0] : i32 from vector<1xi32>
    %multiple_of3A_644 = tpu.assume_multiple %squeeze3A_643, 8 : i32
    %dma_start3A_645 = arith.constant 6 : i32
    %dma_start3A_646 = arith.constant 0 : i32
    %dma_start3A_647 = arith.constant 0 : i32
    %dma_start3A_648 = tpu.memref_slice %arg8[%rem3A_545, %dma_start3A_645, %dma_start3A_646, %dma_start3A_647] : memref<4x16x8x64xf32, #tpu.memory_space<vmem>> -> memref<1x1x8x64xf32, #tpu.memory_space<vmem>>
    %dma_start3A_649 = tpu.memref_squeeze %dma_start3A_648 : memref<1x1x8x64xf32, #tpu.memory_space<vmem>> -> memref<8x64xf32, #tpu.memory_space<vmem>>
    %dma_start3A_650 = arith.constant 0 : i32
    %dma_start3A_651 = tpu.memref_slice %arg4[%multiple_of3A_644, %dma_start3A_650] : memref<1000000x64xf32, #tpu.memory_space<hbm>> -> memref<8x64xf32, #tpu.memory_space<hbm>>
    %dma_start3A_652 = arith.constant 0 : i32
    %dma_start3A_653 = arith.constant 0 : i32
    %dma_start3A_654 = tpu.memref_slice %arg8[%rem3A_545, %dma_start3A_645, %dma_start3A_652, %dma_start3A_653] : memref<4x16x8x64xf32, #tpu.memory_space<vmem>> -> memref<1x1x8x64xf32, #tpu.memory_space<vmem>>
    %dma_start3A_655 = tpu.memref_squeeze %dma_start3A_654 : memref<1x1x8x64xf32, #tpu.memory_space<vmem>> -> memref<8x64xf32, #tpu.memory_space<vmem>>
    %dma_start3A_656 = arith.constant 0 : i32
    %dma_start3A_657 = tpu.memref_slice %arg4[%multiple_of3A_644, %dma_start3A_656] : memref<1000000x64xf32, #tpu.memory_space<hbm>> -> memref<8x64xf32, #tpu.memory_space<hbm>>
    tpu.enqueue_dma source(%dma_start3A_657 : memref<8x64xf32, #tpu.memory_space<hbm>>) target(%dma_start3A_655 : memref<8x64xf32, #tpu.memory_space<vmem>>) target_semaphore(%arg12 : memref<!tpu.dma_semaphore, #tpu.memory_space<semaphore_mem>>)
    %slice3A_658 = vector.extract_strided_slice %shift_left3A_542 {offsets = [7], sizes = [1], strides = [1]} : vector<16xi32> to vector<1xi32>
    %squeeze3A_659 = vector.extract %slice3A_658[0] : i32 from vector<1xi32>
    %multiple_of3A_660 = tpu.assume_multiple %squeeze3A_659, 8 : i32
    %dma_start3A_661 = arith.constant 7 : i32
    %dma_start3A_662 = arith.constant 0 : i32
    %dma_start3A_663 = arith.constant 0 : i32
    %dma_start3A_664 = tpu.memref_slice %arg8[%rem3A_545, %dma_start3A_661, %dma_start3A_662, %dma_start3A_663] : memref<4x16x8x64xf32, #tpu.memory_space<vmem>> -> memref<1x1x8x64xf32, #tpu.memory_space<vmem>>
    %dma_start3A_665 = tpu.memref_squeeze %dma_start3A_664 : memref<1x1x8x64xf32, #tpu.memory_space<vmem>> -> memref<8x64xf32, #tpu.memory_space<vmem>>
    %dma_start3A_666 = arith.constant 0 : i32
    %dma_start3A_667 = tpu.memref_slice %arg4[%multiple_of3A_660, %dma_start3A_666] : memref<1000000x64xf32, #tpu.memory_space<hbm>> -> memref<8x64xf32, #tpu.memory_space<hbm>>
    %dma_start3A_668 = arith.constant 0 : i32
    %dma_start3A_669 = arith.constant 0 : i32
    %dma_start3A_670 = tpu.memref_slice %arg8[%rem3A_545, %dma_start3A_661, %dma_start3A_668, %dma_start3A_669] : memref<4x16x8x64xf32, #tpu.memory_space<vmem>> -> memref<1x1x8x64xf32, #tpu.memory_space<vmem>>
    %dma_start3A_671 = tpu.memref_squeeze %dma_start3A_670 : memref<1x1x8x64xf32, #tpu.memory_space<vmem>> -> memref<8x64xf32, #tpu.memory_space<vmem>>
    %dma_start3A_672 = arith.constant 0 : i32
    %dma_start3A_673 = tpu.memref_slice %arg4[%multiple_of3A_660, %dma_start3A_672] : memref<1000000x64xf32, #tpu.memory_space<hbm>> -> memref<8x64xf32, #tpu.memory_space<hbm>>
    tpu.enqueue_dma source(%dma_start3A_673 : memref<8x64xf32, #tpu.memory_space<hbm>>) target(%dma_start3A_671 : memref<8x64xf32, #tpu.memory_space<vmem>>) target_semaphore(%arg12 : memref<!tpu.dma_semaphore, #tpu.memory_space<semaphore_mem>>)
    %slice3A_674 = vector.extract_strided_slice %shift_left3A_542 {offsets = [8], sizes = [1], strides = [1]} : vector<16xi32> to vector<1xi32>
    %squeeze3A_675 = vector.extract %slice3A_674[0] : i32 from vector<1xi32>
    %multiple_of3A_676 = tpu.assume_multiple %squeeze3A_675, 8 : i32
    %dma_start3A_677 = arith.constant 8 : i32
    %dma_start3A_678 = arith.constant 0 : i32
    %dma_start3A_679 = arith.constant 0 : i32
    %dma_start3A_680 = tpu.memref_slice %arg8[%rem3A_545, %dma_start3A_677, %dma_start3A_678, %dma_start3A_679] : memref<4x16x8x64xf32, #tpu.memory_space<vmem>> -> memref<1x1x8x64xf32, #tpu.memory_space<vmem>>
    %dma_start3A_681 = tpu.memref_squeeze %dma_start3A_680 : memref<1x1x8x64xf32, #tpu.memory_space<vmem>> -> memref<8x64xf32, #tpu.memory_space<vmem>>
    %dma_start3A_682 = arith.constant 0 : i32
    %dma_start3A_683 = tpu.memref_slice %arg4[%multiple_of3A_676, %dma_start3A_682] : memref<1000000x64xf32, #tpu.memory_space<hbm>> -> memref<8x64xf32, #tpu.memory_space<hbm>>
    %dma_start3A_684 = arith.constant 0 : i32
    %dma_start3A_685 = arith.constant 0 : i32
    %dma_start3A_686 = tpu.memref_slice %arg8[%rem3A_545, %dma_start3A_677, %dma_start3A_684, %dma_start3A_685] : memref<4x16x8x64xf32, #tpu.memory_space<vmem>> -> memref<1x1x8x64xf32, #tpu.memory_space<vmem>>
    %dma_start3A_687 = tpu.memref_squeeze %dma_start3A_686 : memref<1x1x8x64xf32, #tpu.memory_space<vmem>> -> memref<8x64xf32, #tpu.memory_space<vmem>>
    %dma_start3A_688 = arith.constant 0 : i32
    %dma_start3A_689 = tpu.memref_slice %arg4[%multiple_of3A_676, %dma_start3A_688] : memref<1000000x64xf32, #tpu.memory_space<hbm>> -> memref<8x64xf32, #tpu.memory_space<hbm>>
    tpu.enqueue_dma source(%dma_start3A_689 : memref<8x64xf32, #tpu.memory_space<hbm>>) target(%dma_start3A_687 : memref<8x64xf32, #tpu.memory_space<vmem>>) target_semaphore(%arg12 : memref<!tpu.dma_semaphore, #tpu.memory_space<semaphore_mem>>)
    %slice3A_690 = vector.extract_strided_slice %shift_left3A_542 {offsets = [9], sizes = [1], strides = [1]} : vector<16xi32> to vector<1xi32>
    %squeeze3A_691 = vector.extract %slice3A_690[0] : i32 from vector<1xi32>
    %multiple_of3A_692 = tpu.assume_multiple %squeeze3A_691, 8 : i32
    %dma_start3A_693 = arith.constant 9 : i32
    %dma_start3A_694 = arith.constant 0 : i32
    %dma_start3A_695 = arith.constant 0 : i32
    %dma_start3A_696 = tpu.memref_slice %arg8[%rem3A_545, %dma_start3A_693, %dma_start3A_694, %dma_start3A_695] : memref<4x16x8x64xf32, #tpu.memory_space<vmem>> -> memref<1x1x8x64xf32, #tpu.memory_space<vmem>>
    %dma_start3A_697 = tpu.memref_squeeze %dma_start3A_696 : memref<1x1x8x64xf32, #tpu.memory_space<vmem>> -> memref<8x64xf32, #tpu.memory_space<vmem>>
    %dma_start3A_698 = arith.constant 0 : i32
    %dma_start3A_699 = tpu.memref_slice %arg4[%multiple_of3A_692, %dma_start3A_698] : memref<1000000x64xf32, #tpu.memory_space<hbm>> -> memref<8x64xf32, #tpu.memory_space<hbm>>
    %dma_start3A_700 = arith.constant 0 : i32
    %dma_start3A_701 = arith.constant 0 : i32
    %dma_start3A_702 = tpu.memref_slice %arg8[%rem3A_545, %dma_start3A_693, %dma_start3A_700, %dma_start3A_701] : memref<4x16x8x64xf32, #tpu.memory_space<vmem>> -> memref<1x1x8x64xf32, #tpu.memory_space<vmem>>
    %dma_start3A_703 = tpu.memref_squeeze %dma_start3A_702 : memref<1x1x8x64xf32, #tpu.memory_space<vmem>> -> memref<8x64xf32, #tpu.memory_space<vmem>>
    %dma_start3A_704 = arith.constant 0 : i32
    %dma_start3A_705 = tpu.memref_slice %arg4[%multiple_of3A_692, %dma_start3A_704] : memref<1000000x64xf32, #tpu.memory_space<hbm>> -> memref<8x64xf32, #tpu.memory_space<hbm>>
    tpu.enqueue_dma source(%dma_start3A_705 : memref<8x64xf32, #tpu.memory_space<hbm>>) target(%dma_start3A_703 : memref<8x64xf32, #tpu.memory_space<vmem>>) target_semaphore(%arg12 : memref<!tpu.dma_semaphore, #tpu.memory_space<semaphore_mem>>)
    %slice3A_706 = vector.extract_strided_slice %shift_left3A_542 {offsets = [10], sizes = [1], strides = [1]} : vector<16xi32> to vector<1xi32>
    %squeeze3A_707 = vector.extract %slice3A_706[0] : i32 from vector<1xi32>
    %multiple_of3A_708 = tpu.assume_multiple %squeeze3A_707, 8 : i32
    %dma_start3A_709 = arith.constant 10 : i32
    %dma_start3A_710 = arith.constant 0 : i32
    %dma_start3A_711 = arith.constant 0 : i32
    %dma_start3A_712 = tpu.memref_slice %arg8[%rem3A_545, %dma_start3A_709, %dma_start3A_710, %dma_start3A_711] : memref<4x16x8x64xf32, #tpu.memory_space<vmem>> -> memref<1x1x8x64xf32, #tpu.memory_space<vmem>>
    %dma_start3A_713 = tpu.memref_squeeze %dma_start3A_712 : memref<1x1x8x64xf32, #tpu.memory_space<vmem>> -> memref<8x64xf32, #tpu.memory_space<vmem>>
    %dma_start3A_714 = arith.constant 0 : i32
    %dma_start3A_715 = tpu.memref_slice %arg4[%multiple_of3A_708, %dma_start3A_714] : memref<1000000x64xf32, #tpu.memory_space<hbm>> -> memref<8x64xf32, #tpu.memory_space<hbm>>
    %dma_start3A_716 = arith.constant 0 : i32
    %dma_start3A_717 = arith.constant 0 : i32
    %dma_start3A_718 = tpu.memref_slice %arg8[%rem3A_545, %dma_start3A_709, %dma_start3A_716, %dma_start3A_717] : memref<4x16x8x64xf32, #tpu.memory_space<vmem>> -> memref<1x1x8x64xf32, #tpu.memory_space<vmem>>
    %dma_start3A_719 = tpu.memref_squeeze %dma_start3A_718 : memref<1x1x8x64xf32, #tpu.memory_space<vmem>> -> memref<8x64xf32, #tpu.memory_space<vmem>>
    %dma_start3A_720 = arith.constant 0 : i32
    %dma_start3A_721 = tpu.memref_slice %arg4[%multiple_of3A_708, %dma_start3A_720] : memref<1000000x64xf32, #tpu.memory_space<hbm>> -> memref<8x64xf32, #tpu.memory_space<hbm>>
    tpu.enqueue_dma source(%dma_start3A_721 : memref<8x64xf32, #tpu.memory_space<hbm>>) target(%dma_start3A_719 : memref<8x64xf32, #tpu.memory_space<vmem>>) target_semaphore(%arg12 : memref<!tpu.dma_semaphore, #tpu.memory_space<semaphore_mem>>)
    %slice3A_722 = vector.extract_strided_slice %shift_left3A_542 {offsets = [11], sizes = [1], strides = [1]} : vector<16xi32> to vector<1xi32>
    %squeeze3A_723 = vector.extract %slice3A_722[0] : i32 from vector<1xi32>
    %multiple_of3A_724 = tpu.assume_multiple %squeeze3A_723, 8 : i32
    %dma_start3A_725 = arith.constant 11 : i32
    %dma_start3A_726 = arith.constant 0 : i32
    %dma_start3A_727 = arith.constant 0 : i32
    %dma_start3A_728 = tpu.memref_slice %arg8[%rem3A_545, %dma_start3A_725, %dma_start3A_726, %dma_start3A_727] : memref<4x16x8x64xf32, #tpu.memory_space<vmem>> -> memref<1x1x8x64xf32, #tpu.memory_space<vmem>>
    %dma_start3A_729 = tpu.memref_squeeze %dma_start3A_728 : memref<1x1x8x64xf32, #tpu.memory_space<vmem>> -> memref<8x64xf32, #tpu.memory_space<vmem>>
    %dma_start3A_730 = arith.constant 0 : i32
    %dma_start3A_731 = tpu.memref_slice %arg4[%multiple_of3A_724, %dma_start3A_730] : memref<1000000x64xf32, #tpu.memory_space<hbm>> -> memref<8x64xf32, #tpu.memory_space<hbm>>
    %dma_start3A_732 = arith.constant 0 : i32
    %dma_start3A_733 = arith.constant 0 : i32
    %dma_start3A_734 = tpu.memref_slice %arg8[%rem3A_545, %dma_start3A_725, %dma_start3A_732, %dma_start3A_733] : memref<4x16x8x64xf32, #tpu.memory_space<vmem>> -> memref<1x1x8x64xf32, #tpu.memory_space<vmem>>
    %dma_start3A_735 = tpu.memref_squeeze %dma_start3A_734 : memref<1x1x8x64xf32, #tpu.memory_space<vmem>> -> memref<8x64xf32, #tpu.memory_space<vmem>>
    %dma_start3A_736 = arith.constant 0 : i32
    %dma_start3A_737 = tpu.memref_slice %arg4[%multiple_of3A_724, %dma_start3A_736] : memref<1000000x64xf32, #tpu.memory_space<hbm>> -> memref<8x64xf32, #tpu.memory_space<hbm>>
    tpu.enqueue_dma source(%dma_start3A_737 : memref<8x64xf32, #tpu.memory_space<hbm>>) target(%dma_start3A_735 : memref<8x64xf32, #tpu.memory_space<vmem>>) target_semaphore(%arg12 : memref<!tpu.dma_semaphore, #tpu.memory_space<semaphore_mem>>)
    %slice3A_738 = vector.extract_strided_slice %shift_left3A_542 {offsets = [12], sizes = [1], strides = [1]} : vector<16xi32> to vector<1xi32>
    %squeeze3A_739 = vector.extract %slice3A_738[0] : i32 from vector<1xi32>
    %multiple_of3A_740 = tpu.assume_multiple %squeeze3A_739, 8 : i32
    %dma_start3A_741 = arith.constant 12 : i32
    %dma_start3A_742 = arith.constant 0 : i32
    %dma_start3A_743 = arith.constant 0 : i32
    %dma_start3A_744 = tpu.memref_slice %arg8[%rem3A_545, %dma_start3A_741, %dma_start3A_742, %dma_start3A_743] : memref<4x16x8x64xf32, #tpu.memory_space<vmem>> -> memref<1x1x8x64xf32, #tpu.memory_space<vmem>>
    %dma_start3A_745 = tpu.memref_squeeze %dma_start3A_744 : memref<1x1x8x64xf32, #tpu.memory_space<vmem>> -> memref<8x64xf32, #tpu.memory_space<vmem>>
    %dma_start3A_746 = arith.constant 0 : i32
    %dma_start3A_747 = tpu.memref_slice %arg4[%multiple_of3A_740, %dma_start3A_746] : memref<1000000x64xf32, #tpu.memory_space<hbm>> -> memref<8x64xf32, #tpu.memory_space<hbm>>
    %dma_start3A_748 = arith.constant 0 : i32
    %dma_start3A_749 = arith.constant 0 : i32
    %dma_start3A_750 = tpu.memref_slice %arg8[%rem3A_545, %dma_start3A_741, %dma_start3A_748, %dma_start3A_749] : memref<4x16x8x64xf32, #tpu.memory_space<vmem>> -> memref<1x1x8x64xf32, #tpu.memory_space<vmem>>
    %dma_start3A_751 = tpu.memref_squeeze %dma_start3A_750 : memref<1x1x8x64xf32, #tpu.memory_space<vmem>> -> memref<8x64xf32, #tpu.memory_space<vmem>>
    %dma_start3A_752 = arith.constant 0 : i32
    %dma_start3A_753 = tpu.memref_slice %arg4[%multiple_of3A_740, %dma_start3A_752] : memref<1000000x64xf32, #tpu.memory_space<hbm>> -> memref<8x64xf32, #tpu.memory_space<hbm>>
    tpu.enqueue_dma source(%dma_start3A_753 : memref<8x64xf32, #tpu.memory_space<hbm>>) target(%dma_start3A_751 : memref<8x64xf32, #tpu.memory_space<vmem>>) target_semaphore(%arg12 : memref<!tpu.dma_semaphore, #tpu.memory_space<semaphore_mem>>)
    %slice3A_754 = vector.extract_strided_slice %shift_left3A_542 {offsets = [13], sizes = [1], strides = [1]} : vector<16xi32> to vector<1xi32>
    %squeeze3A_755 = vector.extract %slice3A_754[0] : i32 from vector<1xi32>
    %multiple_of3A_756 = tpu.assume_multiple %squeeze3A_755, 8 : i32
    %dma_start3A_757 = arith.constant 13 : i32
    %dma_start3A_758 = arith.constant 0 : i32
    %dma_start3A_759 = arith.constant 0 : i32
    %dma_start3A_760 = tpu.memref_slice %arg8[%rem3A_545, %dma_start3A_757, %dma_start3A_758, %dma_start3A_759] : memref<4x16x8x64xf32, #tpu.memory_space<vmem>> -> memref<1x1x8x64xf32, #tpu.memory_space<vmem>>
    %dma_start3A_761 = tpu.memref_squeeze %dma_start3A_760 : memref<1x1x8x64xf32, #tpu.memory_space<vmem>> -> memref<8x64xf32, #tpu.memory_space<vmem>>
    %dma_start3A_762 = arith.constant 0 : i32
    %dma_start3A_763 = tpu.memref_slice %arg4[%multiple_of3A_756, %dma_start3A_762] : memref<1000000x64xf32, #tpu.memory_space<hbm>> -> memref<8x64xf32, #tpu.memory_space<hbm>>
    %dma_start3A_764 = arith.constant 0 : i32
    %dma_start3A_765 = arith.constant 0 : i32
    %dma_start3A_766 = tpu.memref_slice %arg8[%rem3A_545, %dma_start3A_757, %dma_start3A_764, %dma_start3A_765] : memref<4x16x8x64xf32, #tpu.memory_space<vmem>> -> memref<1x1x8x64xf32, #tpu.memory_space<vmem>>
    %dma_start3A_767 = tpu.memref_squeeze %dma_start3A_766 : memref<1x1x8x64xf32, #tpu.memory_space<vmem>> -> memref<8x64xf32, #tpu.memory_space<vmem>>
    %dma_start3A_768 = arith.constant 0 : i32
    %dma_start3A_769 = tpu.memref_slice %arg4[%multiple_of3A_756, %dma_start3A_768] : memref<1000000x64xf32, #tpu.memory_space<hbm>> -> memref<8x64xf32, #tpu.memory_space<hbm>>
    tpu.enqueue_dma source(%dma_start3A_769 : memref<8x64xf32, #tpu.memory_space<hbm>>) target(%dma_start3A_767 : memref<8x64xf32, #tpu.memory_space<vmem>>) target_semaphore(%arg12 : memref<!tpu.dma_semaphore, #tpu.memory_space<semaphore_mem>>)
    %slice3A_770 = vector.extract_strided_slice %shift_left3A_542 {offsets = [14], sizes = [1], strides = [1]} : vector<16xi32> to vector<1xi32>
    %squeeze3A_771 = vector.extract %slice3A_770[0] : i32 from vector<1xi32>
    %multiple_of3A_772 = tpu.assume_multiple %squeeze3A_771, 8 : i32
    %dma_start3A_773 = arith.constant 14 : i32
    %dma_start3A_774 = arith.constant 0 : i32
    %dma_start3A_775 = arith.constant 0 : i32
    %dma_start3A_776 = tpu.memref_slice %arg8[%rem3A_545, %dma_start3A_773, %dma_start3A_774, %dma_start3A_775] : memref<4x16x8x64xf32, #tpu.memory_space<vmem>> -> memref<1x1x8x64xf32, #tpu.memory_space<vmem>>
    %dma_start3A_777 = tpu.memref_squeeze %dma_start3A_776 : memref<1x1x8x64xf32, #tpu.memory_space<vmem>> -> memref<8x64xf32, #tpu.memory_space<vmem>>
    %dma_start3A_778 = arith.constant 0 : i32
    %dma_start3A_779 = tpu.memref_slice %arg4[%multiple_of3A_772, %dma_start3A_778] : memref<1000000x64xf32, #tpu.memory_space<hbm>> -> memref<8x64xf32, #tpu.memory_space<hbm>>
    %dma_start3A_780 = arith.constant 0 : i32
    %dma_start3A_781 = arith.constant 0 : i32
    %dma_start3A_782 = tpu.memref_slice %arg8[%rem3A_545, %dma_start3A_773, %dma_start3A_780, %dma_start3A_781] : memref<4x16x8x64xf32, #tpu.memory_space<vmem>> -> memref<1x1x8x64xf32, #tpu.memory_space<vmem>>
    %dma_start3A_783 = tpu.memref_squeeze %dma_start3A_782 : memref<1x1x8x64xf32, #tpu.memory_space<vmem>> -> memref<8x64xf32, #tpu.memory_space<vmem>>
    %dma_start3A_784 = arith.constant 0 : i32
    %dma_start3A_785 = tpu.memref_slice %arg4[%multiple_of3A_772, %dma_start3A_784] : memref<1000000x64xf32, #tpu.memory_space<hbm>> -> memref<8x64xf32, #tpu.memory_space<hbm>>
    tpu.enqueue_dma source(%dma_start3A_785 : memref<8x64xf32, #tpu.memory_space<hbm>>) target(%dma_start3A_783 : memref<8x64xf32, #tpu.memory_space<vmem>>) target_semaphore(%arg12 : memref<!tpu.dma_semaphore, #tpu.memory_space<semaphore_mem>>)
    %slice3A_786 = vector.extract_strided_slice %shift_left3A_542 {offsets = [15], sizes = [1], strides = [1]} : vector<16xi32> to vector<1xi32>
    %squeeze3A_787 = vector.extract %slice3A_786[0] : i32 from vector<1xi32>
    %multiple_of3A_788 = tpu.assume_multiple %squeeze3A_787, 8 : i32
    %dma_start3A_789 = arith.constant 15 : i32
    %dma_start3A_790 = arith.constant 0 : i32
    %dma_start3A_791 = arith.constant 0 : i32
    %dma_start3A_792 = tpu.memref_slice %arg8[%rem3A_545, %dma_start3A_789, %dma_start3A_790, %dma_start3A_791] : memref<4x16x8x64xf32, #tpu.memory_space<vmem>> -> memref<1x1x8x64xf32, #tpu.memory_space<vmem>>
    %dma_start3A_793 = tpu.memref_squeeze %dma_start3A_792 : memref<1x1x8x64xf32, #tpu.memory_space<vmem>> -> memref<8x64xf32, #tpu.memory_space<vmem>>
    %dma_start3A_794 = arith.constant 0 : i32
    %dma_start3A_795 = tpu.memref_slice %arg4[%multiple_of3A_788, %dma_start3A_794] : memref<1000000x64xf32, #tpu.memory_space<hbm>> -> memref<8x64xf32, #tpu.memory_space<hbm>>
    %dma_start3A_796 = arith.constant 0 : i32
    %dma_start3A_797 = arith.constant 0 : i32
    %dma_start3A_798 = tpu.memref_slice %arg8[%rem3A_545, %dma_start3A_789, %dma_start3A_796, %dma_start3A_797] : memref<4x16x8x64xf32, #tpu.memory_space<vmem>> -> memref<1x1x8x64xf32, #tpu.memory_space<vmem>>
    %dma_start3A_799 = tpu.memref_squeeze %dma_start3A_798 : memref<1x1x8x64xf32, #tpu.memory_space<vmem>> -> memref<8x64xf32, #tpu.memory_space<vmem>>
    %dma_start3A_800 = arith.constant 0 : i32
    %dma_start3A_801 = tpu.memref_slice %arg4[%multiple_of3A_788, %dma_start3A_800] : memref<1000000x64xf32, #tpu.memory_space<hbm>> -> memref<8x64xf32, #tpu.memory_space<hbm>>
    tpu.enqueue_dma source(%dma_start3A_801 : memref<8x64xf32, #tpu.memory_space<hbm>>) target(%dma_start3A_799 : memref<8x64xf32, #tpu.memory_space<vmem>>) target_semaphore(%arg12 : memref<!tpu.dma_semaphore, #tpu.memory_space<semaphore_mem>>)
    %dma_wait3A = arith.constant 0 : i32
    %dma_wait3A_802 = tpu.memref_slice %arg3[%mul3A_4, %dma_wait3A] : memref<8192x128xf32, #tpu.memory_space<hbm>> -> memref<256x128xf32, #tpu.memory_space<hbm>>
    %dma_wait3A_803 = arith.constant 0 : i32
    %dma_wait3A_804 = tpu.memref_slice %arg3[%mul3A_4, %dma_wait3A_803] : memref<8192x128xf32, #tpu.memory_space<hbm>> -> memref<256x128xf32, #tpu.memory_space<hbm>>
    tpu.wait_dma2 semaphore(%arg13 : memref<!tpu.dma_semaphore, #tpu.memory_space<semaphore_mem>>) src(%dma_wait3A_804 : memref<256x128xf32, #tpu.memory_space<hbm>>) dst(%arg9 : memref<256x128xf32, #tpu.memory_space<vmem>>)
    %broadcast_in_dim3A = arith.constant 0.000000e+00 : f32
    %broadcast_in_dim3A_805 = vector.broadcast %broadcast_in_dim3A : f32 to vector<16xf32>
    %scan3A = arith.constant 0 : i32
    %scan3A_806 = arith.constant 32 : i32
    %scan3A_807 = arith.addi %scan3A, %scan3A_806 : i32
    %scan3A_808 = arith.constant 1 : i32
    %scan3A_809:4 = scf.for %scan3A_817 = %scan3A to %scan3A_807 step %scan3A_808 iter_args(%scan3A_818 = %broadcast_in_dim3A_805, %scan3A_819 = %broadcast_in_dim3A_805, %scan3A_820 = %broadcast_in_dim3A_805, %scan3A_821 = %broadcast_in_dim3A_805) -> (vector<16xf32>, vector<16xf32>, vector<16xf32>, vector<16xf32>)  : i32 {
      %lt3A = arith.constant 29 : i32
      %lt3A_822 = arith.cmpi slt, %scan3A_817, %lt3A : i32
      %convert_element_type3A = arith.extui %lt3A_822 : i1 to i32
      %cond3A = arith.constant 0 : i32
      %cond3A_823 = arith.cmpi ne, %convert_element_type3A, %cond3A : i32
      scf.if %cond3A_823 {
        %add3A_2313 = arith.constant 3 : i32
        %add3A_2314 = arith.addi %scan3A_817, %add3A_2313 : i32
        %mul3A_2315 = arith.constant 16 : i32
        %mul3A_2316 = arith.muli %add3A_2314, %mul3A_2315 : i32
        %get3A_2317 = arith.index_cast %mul3A_2316 : i32 to index
        %get3A_2318 = tpu.vector_load %arg7[%get3A_2317] {strides = array<i32>} : memref<512xi32, #tpu.memory_space<vmem>>, vector<16xi32>,
        %shift_right_logical3A_2319 = arith.constant 3 : i32
        %shift_right_logical3A_2320 = vector.broadcast %shift_right_logical3A_2319 : i32 to vector<16xi32>
        %shift_right_logical3A_2321 = arith.shrui %get3A_2318, %shift_right_logical3A_2320 : vector<16xi32>
        %shift_left3A_2322 = arith.constant 3 : i32
        %shift_left3A_2323 = vector.broadcast %shift_left3A_2322 : i32 to vector<16xi32>
        %shift_left3A_2324 = arith.shli %shift_right_logical3A_2321, %shift_left3A_2323 : vector<16xi32>
        %rem3A_2325 = arith.constant 4 : i32
        %rem3A_2326 = arith.remsi %add3A_2314, %rem3A_2325 : i32
        %slice3A_2327 = vector.extract_strided_slice %shift_left3A_2324 {offsets = [0], sizes = [1], strides = [1]} : vector<16xi32> to vector<1xi32>
        %squeeze3A_2328 = vector.extract %slice3A_2327[0] : i32 from vector<1xi32>
        %multiple_of3A_2329 = tpu.assume_multiple %squeeze3A_2328, 8 : i32
        %dma_start3A_2330 = arith.constant 0 : i32
        %dma_start3A_2331 = arith.constant 0 : i32
        %dma_start3A_2332 = arith.constant 0 : i32
        %dma_start3A_2333 = tpu.memref_slice %arg8[%rem3A_2326, %dma_start3A_2330, %dma_start3A_2331, %dma_start3A_2332] : memref<4x16x8x64xf32, #tpu.memory_space<vmem>> -> memref<1x1x8x64xf32, #tpu.memory_space<vmem>>
        %dma_start3A_2334 = tpu.memref_squeeze %dma_start3A_2333 : memref<1x1x8x64xf32, #tpu.memory_space<vmem>> -> memref<8x64xf32, #tpu.memory_space<vmem>>
        %dma_start3A_2335 = arith.constant 0 : i32
        %dma_start3A_2336 = tpu.memref_slice %arg4[%multiple_of3A_2329, %dma_start3A_2335] : memref<1000000x64xf32, #tpu.memory_space<hbm>> -> memref<8x64xf32, #tpu.memory_space<hbm>>
        %dma_start3A_2337 = arith.constant 0 : i32
        %dma_start3A_2338 = arith.constant 0 : i32
        %dma_start3A_2339 = tpu.memref_slice %arg8[%rem3A_2326, %dma_start3A_2330, %dma_start3A_2337, %dma_start3A_2338] : memref<4x16x8x64xf32, #tpu.memory_space<vmem>> -> memref<1x1x8x64xf32, #tpu.memory_space<vmem>>
        %dma_start3A_2340 = tpu.memref_squeeze %dma_start3A_2339 : memref<1x1x8x64xf32, #tpu.memory_space<vmem>> -> memref<8x64xf32, #tpu.memory_space<vmem>>
        %dma_start3A_2341 = arith.constant 0 : i32
        %dma_start3A_2342 = tpu.memref_slice %arg4[%multiple_of3A_2329, %dma_start3A_2341] : memref<1000000x64xf32, #tpu.memory_space<hbm>> -> memref<8x64xf32, #tpu.memory_space<hbm>>
        tpu.enqueue_dma source(%dma_start3A_2342 : memref<8x64xf32, #tpu.memory_space<hbm>>) target(%dma_start3A_2340 : memref<8x64xf32, #tpu.memory_space<vmem>>) target_semaphore(%arg12 : memref<!tpu.dma_semaphore, #tpu.memory_space<semaphore_mem>>)
        %slice3A_2343 = vector.extract_strided_slice %shift_left3A_2324 {offsets = [1], sizes = [1], strides = [1]} : vector<16xi32> to vector<1xi32>
        %squeeze3A_2344 = vector.extract %slice3A_2343[0] : i32 from vector<1xi32>
        %multiple_of3A_2345 = tpu.assume_multiple %squeeze3A_2344, 8 : i32
        %dma_start3A_2346 = arith.constant 1 : i32
        %dma_start3A_2347 = arith.constant 0 : i32
        %dma_start3A_2348 = arith.constant 0 : i32
        %dma_start3A_2349 = tpu.memref_slice %arg8[%rem3A_2326, %dma_start3A_2346, %dma_start3A_2347, %dma_start3A_2348] : memref<4x16x8x64xf32, #tpu.memory_space<vmem>> -> memref<1x1x8x64xf32, #tpu.memory_space<vmem>>
        %dma_start3A_2350 = tpu.memref_squeeze %dma_start3A_2349 : memref<1x1x8x64xf32, #tpu.memory_space<vmem>> -> memref<8x64xf32, #tpu.memory_space<vmem>>
        %dma_start3A_2351 = arith.constant 0 : i32
        %dma_start3A_2352 = tpu.memref_slice %arg4[%multiple_of3A_2345, %dma_start3A_2351] : memref<1000000x64xf32, #tpu.memory_space<hbm>> -> memref<8x64xf32, #tpu.memory_space<hbm>>
        %dma_start3A_2353 = arith.constant 0 : i32
        %dma_start3A_2354 = arith.constant 0 : i32
        %dma_start3A_2355 = tpu.memref_slice %arg8[%rem3A_2326, %dma_start3A_2346, %dma_start3A_2353, %dma_start3A_2354] : memref<4x16x8x64xf32, #tpu.memory_space<vmem>> -> memref<1x1x8x64xf32, #tpu.memory_space<vmem>>
        %dma_start3A_2356 = tpu.memref_squeeze %dma_start3A_2355 : memref<1x1x8x64xf32, #tpu.memory_space<vmem>> -> memref<8x64xf32, #tpu.memory_space<vmem>>
        %dma_start3A_2357 = arith.constant 0 : i32
        %dma_start3A_2358 = tpu.memref_slice %arg4[%multiple_of3A_2345, %dma_start3A_2357] : memref<1000000x64xf32, #tpu.memory_space<hbm>> -> memref<8x64xf32, #tpu.memory_space<hbm>>
        tpu.enqueue_dma source(%dma_start3A_2358 : memref<8x64xf32, #tpu.memory_space<hbm>>) target(%dma_start3A_2356 : memref<8x64xf32, #tpu.memory_space<vmem>>) target_semaphore(%arg12 : memref<!tpu.dma_semaphore, #tpu.memory_space<semaphore_mem>>)
        %slice3A_2359 = vector.extract_strided_slice %shift_left3A_2324 {offsets = [2], sizes = [1], strides = [1]} : vector<16xi32> to vector<1xi32>
        %squeeze3A_2360 = vector.extract %slice3A_2359[0] : i32 from vector<1xi32>
        %multiple_of3A_2361 = tpu.assume_multiple %squeeze3A_2360, 8 : i32
        %dma_start3A_2362 = arith.constant 2 : i32
        %dma_start3A_2363 = arith.constant 0 : i32
        %dma_start3A_2364 = arith.constant 0 : i32
        %dma_start3A_2365 = tpu.memref_slice %arg8[%rem3A_2326, %dma_start3A_2362, %dma_start3A_2363, %dma_start3A_2364] : memref<4x16x8x64xf32, #tpu.memory_space<vmem>> -> memref<1x1x8x64xf32, #tpu.memory_space<vmem>>
        %dma_start3A_2366 = tpu.memref_squeeze %dma_start3A_2365 : memref<1x1x8x64xf32, #tpu.memory_space<vmem>> -> memref<8x64xf32, #tpu.memory_space<vmem>>
        %dma_start3A_2367 = arith.constant 0 : i32
        %dma_start3A_2368 = tpu.memref_slice %arg4[%multiple_of3A_2361, %dma_start3A_2367] : memref<1000000x64xf32, #tpu.memory_space<hbm>> -> memref<8x64xf32, #tpu.memory_space<hbm>>
        %dma_start3A_2369 = arith.constant 0 : i32
        %dma_start3A_2370 = arith.constant 0 : i32
        %dma_start3A_2371 = tpu.memref_slice %arg8[%rem3A_2326, %dma_start3A_2362, %dma_start3A_2369, %dma_start3A_2370] : memref<4x16x8x64xf32, #tpu.memory_space<vmem>> -> memref<1x1x8x64xf32, #tpu.memory_space<vmem>>
        %dma_start3A_2372 = tpu.memref_squeeze %dma_start3A_2371 : memref<1x1x8x64xf32, #tpu.memory_space<vmem>> -> memref<8x64xf32, #tpu.memory_space<vmem>>
        %dma_start3A_2373 = arith.constant 0 : i32
        %dma_start3A_2374 = tpu.memref_slice %arg4[%multiple_of3A_2361, %dma_start3A_2373] : memref<1000000x64xf32, #tpu.memory_space<hbm>> -> memref<8x64xf32, #tpu.memory_space<hbm>>
        tpu.enqueue_dma source(%dma_start3A_2374 : memref<8x64xf32, #tpu.memory_space<hbm>>) target(%dma_start3A_2372 : memref<8x64xf32, #tpu.memory_space<vmem>>) target_semaphore(%arg12 : memref<!tpu.dma_semaphore, #tpu.memory_space<semaphore_mem>>)
        %slice3A_2375 = vector.extract_strided_slice %shift_left3A_2324 {offsets = [3], sizes = [1], strides = [1]} : vector<16xi32> to vector<1xi32>
        %squeeze3A_2376 = vector.extract %slice3A_2375[0] : i32 from vector<1xi32>
        %multiple_of3A_2377 = tpu.assume_multiple %squeeze3A_2376, 8 : i32
        %dma_start3A_2378 = arith.constant 3 : i32
        %dma_start3A_2379 = arith.constant 0 : i32
        %dma_start3A_2380 = arith.constant 0 : i32
        %dma_start3A_2381 = tpu.memref_slice %arg8[%rem3A_2326, %dma_start3A_2378, %dma_start3A_2379, %dma_start3A_2380] : memref<4x16x8x64xf32, #tpu.memory_space<vmem>> -> memref<1x1x8x64xf32, #tpu.memory_space<vmem>>
        %dma_start3A_2382 = tpu.memref_squeeze %dma_start3A_2381 : memref<1x1x8x64xf32, #tpu.memory_space<vmem>> -> memref<8x64xf32, #tpu.memory_space<vmem>>
        %dma_start3A_2383 = arith.constant 0 : i32
        %dma_start3A_2384 = tpu.memref_slice %arg4[%multiple_of3A_2377, %dma_start3A_2383] : memref<1000000x64xf32, #tpu.memory_space<hbm>> -> memref<8x64xf32, #tpu.memory_space<hbm>>
        %dma_start3A_2385 = arith.constant 0 : i32
        %dma_start3A_2386 = arith.constant 0 : i32
        %dma_start3A_2387 = tpu.memref_slice %arg8[%rem3A_2326, %dma_start3A_2378, %dma_start3A_2385, %dma_start3A_2386] : memref<4x16x8x64xf32, #tpu.memory_space<vmem>> -> memref<1x1x8x64xf32, #tpu.memory_space<vmem>>
        %dma_start3A_2388 = tpu.memref_squeeze %dma_start3A_2387 : memref<1x1x8x64xf32, #tpu.memory_space<vmem>> -> memref<8x64xf32, #tpu.memory_space<vmem>>
        %dma_start3A_2389 = arith.constant 0 : i32
        %dma_start3A_2390 = tpu.memref_slice %arg4[%multiple_of3A_2377, %dma_start3A_2389] : memref<1000000x64xf32, #tpu.memory_space<hbm>> -> memref<8x64xf32, #tpu.memory_space<hbm>>
        tpu.enqueue_dma source(%dma_start3A_2390 : memref<8x64xf32, #tpu.memory_space<hbm>>) target(%dma_start3A_2388 : memref<8x64xf32, #tpu.memory_space<vmem>>) target_semaphore(%arg12 : memref<!tpu.dma_semaphore, #tpu.memory_space<semaphore_mem>>)
        %slice3A_2391 = vector.extract_strided_slice %shift_left3A_2324 {offsets = [4], sizes = [1], strides = [1]} : vector<16xi32> to vector<1xi32>
        %squeeze3A_2392 = vector.extract %slice3A_2391[0] : i32 from vector<1xi32>
        %multiple_of3A_2393 = tpu.assume_multiple %squeeze3A_2392, 8 : i32
        %dma_start3A_2394 = arith.constant 4 : i32
        %dma_start3A_2395 = arith.constant 0 : i32
        %dma_start3A_2396 = arith.constant 0 : i32
        %dma_start3A_2397 = tpu.memref_slice %arg8[%rem3A_2326, %dma_start3A_2394, %dma_start3A_2395, %dma_start3A_2396] : memref<4x16x8x64xf32, #tpu.memory_space<vmem>> -> memref<1x1x8x64xf32, #tpu.memory_space<vmem>>
        %dma_start3A_2398 = tpu.memref_squeeze %dma_start3A_2397 : memref<1x1x8x64xf32, #tpu.memory_space<vmem>> -> memref<8x64xf32, #tpu.memory_space<vmem>>
        %dma_start3A_2399 = arith.constant 0 : i32
        %dma_start3A_2400 = tpu.memref_slice %arg4[%multiple_of3A_2393, %dma_start3A_2399] : memref<1000000x64xf32, #tpu.memory_space<hbm>> -> memref<8x64xf32, #tpu.memory_space<hbm>>
        %dma_start3A_2401 = arith.constant 0 : i32
        %dma_start3A_2402 = arith.constant 0 : i32
        %dma_start3A_2403 = tpu.memref_slice %arg8[%rem3A_2326, %dma_start3A_2394, %dma_start3A_2401, %dma_start3A_2402] : memref<4x16x8x64xf32, #tpu.memory_space<vmem>> -> memref<1x1x8x64xf32, #tpu.memory_space<vmem>>
        %dma_start3A_2404 = tpu.memref_squeeze %dma_start3A_2403 : memref<1x1x8x64xf32, #tpu.memory_space<vmem>> -> memref<8x64xf32, #tpu.memory_space<vmem>>
        %dma_start3A_2405 = arith.constant 0 : i32
        %dma_start3A_2406 = tpu.memref_slice %arg4[%multiple_of3A_2393, %dma_start3A_2405] : memref<1000000x64xf32, #tpu.memory_space<hbm>> -> memref<8x64xf32, #tpu.memory_space<hbm>>
        tpu.enqueue_dma source(%dma_start3A_2406 : memref<8x64xf32, #tpu.memory_space<hbm>>) target(%dma_start3A_2404 : memref<8x64xf32, #tpu.memory_space<vmem>>) target_semaphore(%arg12 : memref<!tpu.dma_semaphore, #tpu.memory_space<semaphore_mem>>)
        %slice3A_2407 = vector.extract_strided_slice %shift_left3A_2324 {offsets = [5], sizes = [1], strides = [1]} : vector<16xi32> to vector<1xi32>
        %squeeze3A_2408 = vector.extract %slice3A_2407[0] : i32 from vector<1xi32>
        %multiple_of3A_2409 = tpu.assume_multiple %squeeze3A_2408, 8 : i32
        %dma_start3A_2410 = arith.constant 5 : i32
        %dma_start3A_2411 = arith.constant 0 : i32
        %dma_start3A_2412 = arith.constant 0 : i32
        %dma_start3A_2413 = tpu.memref_slice %arg8[%rem3A_2326, %dma_start3A_2410, %dma_start3A_2411, %dma_start3A_2412] : memref<4x16x8x64xf32, #tpu.memory_space<vmem>> -> memref<1x1x8x64xf32, #tpu.memory_space<vmem>>
        %dma_start3A_2414 = tpu.memref_squeeze %dma_start3A_2413 : memref<1x1x8x64xf32, #tpu.memory_space<vmem>> -> memref<8x64xf32, #tpu.memory_space<vmem>>
        %dma_start3A_2415 = arith.constant 0 : i32
        %dma_start3A_2416 = tpu.memref_slice %arg4[%multiple_of3A_2409, %dma_start3A_2415] : memref<1000000x64xf32, #tpu.memory_space<hbm>> -> memref<8x64xf32, #tpu.memory_space<hbm>>
        %dma_start3A_2417 = arith.constant 0 : i32
        %dma_start3A_2418 = arith.constant 0 : i32
        %dma_start3A_2419 = tpu.memref_slice %arg8[%rem3A_2326, %dma_start3A_2410, %dma_start3A_2417, %dma_start3A_2418] : memref<4x16x8x64xf32, #tpu.memory_space<vmem>> -> memref<1x1x8x64xf32, #tpu.memory_space<vmem>>
        %dma_start3A_2420 = tpu.memref_squeeze %dma_start3A_2419 : memref<1x1x8x64xf32, #tpu.memory_space<vmem>> -> memref<8x64xf32, #tpu.memory_space<vmem>>
        %dma_start3A_2421 = arith.constant 0 : i32
        %dma_start3A_2422 = tpu.memref_slice %arg4[%multiple_of3A_2409, %dma_start3A_2421] : memref<1000000x64xf32, #tpu.memory_space<hbm>> -> memref<8x64xf32, #tpu.memory_space<hbm>>
        tpu.enqueue_dma source(%dma_start3A_2422 : memref<8x64xf32, #tpu.memory_space<hbm>>) target(%dma_start3A_2420 : memref<8x64xf32, #tpu.memory_space<vmem>>) target_semaphore(%arg12 : memref<!tpu.dma_semaphore, #tpu.memory_space<semaphore_mem>>)
        %slice3A_2423 = vector.extract_strided_slice %shift_left3A_2324 {offsets = [6], sizes = [1], strides = [1]} : vector<16xi32> to vector<1xi32>
        %squeeze3A_2424 = vector.extract %slice3A_2423[0] : i32 from vector<1xi32>
        %multiple_of3A_2425 = tpu.assume_multiple %squeeze3A_2424, 8 : i32
        %dma_start3A_2426 = arith.constant 6 : i32
        %dma_start3A_2427 = arith.constant 0 : i32
        %dma_start3A_2428 = arith.constant 0 : i32
        %dma_start3A_2429 = tpu.memref_slice %arg8[%rem3A_2326, %dma_start3A_2426, %dma_start3A_2427, %dma_start3A_2428] : memref<4x16x8x64xf32, #tpu.memory_space<vmem>> -> memref<1x1x8x64xf32, #tpu.memory_space<vmem>>
        %dma_start3A_2430 = tpu.memref_squeeze %dma_start3A_2429 : memref<1x1x8x64xf32, #tpu.memory_space<vmem>> -> memref<8x64xf32, #tpu.memory_space<vmem>>
        %dma_start3A_2431 = arith.constant 0 : i32
        %dma_start3A_2432 = tpu.memref_slice %arg4[%multiple_of3A_2425, %dma_start3A_2431] : memref<1000000x64xf32, #tpu.memory_space<hbm>> -> memref<8x64xf32, #tpu.memory_space<hbm>>
        %dma_start3A_2433 = arith.constant 0 : i32
        %dma_start3A_2434 = arith.constant 0 : i32
        %dma_start3A_2435 = tpu.memref_slice %arg8[%rem3A_2326, %dma_start3A_2426, %dma_start3A_2433, %dma_start3A_2434] : memref<4x16x8x64xf32, #tpu.memory_space<vmem>> -> memref<1x1x8x64xf32, #tpu.memory_space<vmem>>
        %dma_start3A_2436 = tpu.memref_squeeze %dma_start3A_2435 : memref<1x1x8x64xf32, #tpu.memory_space<vmem>> -> memref<8x64xf32, #tpu.memory_space<vmem>>
        %dma_start3A_2437 = arith.constant 0 : i32
        %dma_start3A_2438 = tpu.memref_slice %arg4[%multiple_of3A_2425, %dma_start3A_2437] : memref<1000000x64xf32, #tpu.memory_space<hbm>> -> memref<8x64xf32, #tpu.memory_space<hbm>>
        tpu.enqueue_dma source(%dma_start3A_2438 : memref<8x64xf32, #tpu.memory_space<hbm>>) target(%dma_start3A_2436 : memref<8x64xf32, #tpu.memory_space<vmem>>) target_semaphore(%arg12 : memref<!tpu.dma_semaphore, #tpu.memory_space<semaphore_mem>>)
        %slice3A_2439 = vector.extract_strided_slice %shift_left3A_2324 {offsets = [7], sizes = [1], strides = [1]} : vector<16xi32> to vector<1xi32>
        %squeeze3A_2440 = vector.extract %slice3A_2439[0] : i32 from vector<1xi32>
        %multiple_of3A_2441 = tpu.assume_multiple %squeeze3A_2440, 8 : i32
        %dma_start3A_2442 = arith.constant 7 : i32
        %dma_start3A_2443 = arith.constant 0 : i32
        %dma_start3A_2444 = arith.constant 0 : i32
        %dma_start3A_2445 = tpu.memref_slice %arg8[%rem3A_2326, %dma_start3A_2442, %dma_start3A_2443, %dma_start3A_2444] : memref<4x16x8x64xf32, #tpu.memory_space<vmem>> -> memref<1x1x8x64xf32, #tpu.memory_space<vmem>>
        %dma_start3A_2446 = tpu.memref_squeeze %dma_start3A_2445 : memref<1x1x8x64xf32, #tpu.memory_space<vmem>> -> memref<8x64xf32, #tpu.memory_space<vmem>>
        %dma_start3A_2447 = arith.constant 0 : i32
        %dma_start3A_2448 = tpu.memref_slice %arg4[%multiple_of3A_2441, %dma_start3A_2447] : memref<1000000x64xf32, #tpu.memory_space<hbm>> -> memref<8x64xf32, #tpu.memory_space<hbm>>
        %dma_start3A_2449 = arith.constant 0 : i32
        %dma_start3A_2450 = arith.constant 0 : i32
        %dma_start3A_2451 = tpu.memref_slice %arg8[%rem3A_2326, %dma_start3A_2442, %dma_start3A_2449, %dma_start3A_2450] : memref<4x16x8x64xf32, #tpu.memory_space<vmem>> -> memref<1x1x8x64xf32, #tpu.memory_space<vmem>>
        %dma_start3A_2452 = tpu.memref_squeeze %dma_start3A_2451 : memref<1x1x8x64xf32, #tpu.memory_space<vmem>> -> memref<8x64xf32, #tpu.memory_space<vmem>>
        %dma_start3A_2453 = arith.constant 0 : i32
        %dma_start3A_2454 = tpu.memref_slice %arg4[%multiple_of3A_2441, %dma_start3A_2453] : memref<1000000x64xf32, #tpu.memory_space<hbm>> -> memref<8x64xf32, #tpu.memory_space<hbm>>
        tpu.enqueue_dma source(%dma_start3A_2454 : memref<8x64xf32, #tpu.memory_space<hbm>>) target(%dma_start3A_2452 : memref<8x64xf32, #tpu.memory_space<vmem>>) target_semaphore(%arg12 : memref<!tpu.dma_semaphore, #tpu.memory_space<semaphore_mem>>)
        %slice3A_2455 = vector.extract_strided_slice %shift_left3A_2324 {offsets = [8], sizes = [1], strides = [1]} : vector<16xi32> to vector<1xi32>
        %squeeze3A_2456 = vector.extract %slice3A_2455[0] : i32 from vector<1xi32>
        %multiple_of3A_2457 = tpu.assume_multiple %squeeze3A_2456, 8 : i32
        %dma_start3A_2458 = arith.constant 8 : i32
        %dma_start3A_2459 = arith.constant 0 : i32
        %dma_start3A_2460 = arith.constant 0 : i32
        %dma_start3A_2461 = tpu.memref_slice %arg8[%rem3A_2326, %dma_start3A_2458, %dma_start3A_2459, %dma_start3A_2460] : memref<4x16x8x64xf32, #tpu.memory_space<vmem>> -> memref<1x1x8x64xf32, #tpu.memory_space<vmem>>
        %dma_start3A_2462 = tpu.memref_squeeze %dma_start3A_2461 : memref<1x1x8x64xf32, #tpu.memory_space<vmem>> -> memref<8x64xf32, #tpu.memory_space<vmem>>
        %dma_start3A_2463 = arith.constant 0 : i32
        %dma_start3A_2464 = tpu.memref_slice %arg4[%multiple_of3A_2457, %dma_start3A_2463] : memref<1000000x64xf32, #tpu.memory_space<hbm>> -> memref<8x64xf32, #tpu.memory_space<hbm>>
        %dma_start3A_2465 = arith.constant 0 : i32
        %dma_start3A_2466 = arith.constant 0 : i32
        %dma_start3A_2467 = tpu.memref_slice %arg8[%rem3A_2326, %dma_start3A_2458, %dma_start3A_2465, %dma_start3A_2466] : memref<4x16x8x64xf32, #tpu.memory_space<vmem>> -> memref<1x1x8x64xf32, #tpu.memory_space<vmem>>
        %dma_start3A_2468 = tpu.memref_squeeze %dma_start3A_2467 : memref<1x1x8x64xf32, #tpu.memory_space<vmem>> -> memref<8x64xf32, #tpu.memory_space<vmem>>
        %dma_start3A_2469 = arith.constant 0 : i32
        %dma_start3A_2470 = tpu.memref_slice %arg4[%multiple_of3A_2457, %dma_start3A_2469] : memref<1000000x64xf32, #tpu.memory_space<hbm>> -> memref<8x64xf32, #tpu.memory_space<hbm>>
        tpu.enqueue_dma source(%dma_start3A_2470 : memref<8x64xf32, #tpu.memory_space<hbm>>) target(%dma_start3A_2468 : memref<8x64xf32, #tpu.memory_space<vmem>>) target_semaphore(%arg12 : memref<!tpu.dma_semaphore, #tpu.memory_space<semaphore_mem>>)
        %slice3A_2471 = vector.extract_strided_slice %shift_left3A_2324 {offsets = [9], sizes = [1], strides = [1]} : vector<16xi32> to vector<1xi32>
        %squeeze3A_2472 = vector.extract %slice3A_2471[0] : i32 from vector<1xi32>
        %multiple_of3A_2473 = tpu.assume_multiple %squeeze3A_2472, 8 : i32
        %dma_start3A_2474 = arith.constant 9 : i32
        %dma_start3A_2475 = arith.constant 0 : i32
        %dma_start3A_2476 = arith.constant 0 : i32
        %dma_start3A_2477 = tpu.memref_slice %arg8[%rem3A_2326, %dma_start3A_2474, %dma_start3A_2475, %dma_start3A_2476] : memref<4x16x8x64xf32, #tpu.memory_space<vmem>> -> memref<1x1x8x64xf32, #tpu.memory_space<vmem>>
        %dma_start3A_2478 = tpu.memref_squeeze %dma_start3A_2477 : memref<1x1x8x64xf32, #tpu.memory_space<vmem>> -> memref<8x64xf32, #tpu.memory_space<vmem>>
        %dma_start3A_2479 = arith.constant 0 : i32
        %dma_start3A_2480 = tpu.memref_slice %arg4[%multiple_of3A_2473, %dma_start3A_2479] : memref<1000000x64xf32, #tpu.memory_space<hbm>> -> memref<8x64xf32, #tpu.memory_space<hbm>>
        %dma_start3A_2481 = arith.constant 0 : i32
        %dma_start3A_2482 = arith.constant 0 : i32
        %dma_start3A_2483 = tpu.memref_slice %arg8[%rem3A_2326, %dma_start3A_2474, %dma_start3A_2481, %dma_start3A_2482] : memref<4x16x8x64xf32, #tpu.memory_space<vmem>> -> memref<1x1x8x64xf32, #tpu.memory_space<vmem>>
        %dma_start3A_2484 = tpu.memref_squeeze %dma_start3A_2483 : memref<1x1x8x64xf32, #tpu.memory_space<vmem>> -> memref<8x64xf32, #tpu.memory_space<vmem>>
        %dma_start3A_2485 = arith.constant 0 : i32
        %dma_start3A_2486 = tpu.memref_slice %arg4[%multiple_of3A_2473, %dma_start3A_2485] : memref<1000000x64xf32, #tpu.memory_space<hbm>> -> memref<8x64xf32, #tpu.memory_space<hbm>>
        tpu.enqueue_dma source(%dma_start3A_2486 : memref<8x64xf32, #tpu.memory_space<hbm>>) target(%dma_start3A_2484 : memref<8x64xf32, #tpu.memory_space<vmem>>) target_semaphore(%arg12 : memref<!tpu.dma_semaphore, #tpu.memory_space<semaphore_mem>>)
        %slice3A_2487 = vector.extract_strided_slice %shift_left3A_2324 {offsets = [10], sizes = [1], strides = [1]} : vector<16xi32> to vector<1xi32>
        %squeeze3A_2488 = vector.extract %slice3A_2487[0] : i32 from vector<1xi32>
        %multiple_of3A_2489 = tpu.assume_multiple %squeeze3A_2488, 8 : i32
        %dma_start3A_2490 = arith.constant 10 : i32
        %dma_start3A_2491 = arith.constant 0 : i32
        %dma_start3A_2492 = arith.constant 0 : i32
        %dma_start3A_2493 = tpu.memref_slice %arg8[%rem3A_2326, %dma_start3A_2490, %dma_start3A_2491, %dma_start3A_2492] : memref<4x16x8x64xf32, #tpu.memory_space<vmem>> -> memref<1x1x8x64xf32, #tpu.memory_space<vmem>>
        %dma_start3A_2494 = tpu.memref_squeeze %dma_start3A_2493 : memref<1x1x8x64xf32, #tpu.memory_space<vmem>> -> memref<8x64xf32, #tpu.memory_space<vmem>>
        %dma_start3A_2495 = arith.constant 0 : i32
        %dma_start3A_2496 = tpu.memref_slice %arg4[%multiple_of3A_2489, %dma_start3A_2495] : memref<1000000x64xf32, #tpu.memory_space<hbm>> -> memref<8x64xf32, #tpu.memory_space<hbm>>
        %dma_start3A_2497 = arith.constant 0 : i32
        %dma_start3A_2498 = arith.constant 0 : i32
        %dma_start3A_2499 = tpu.memref_slice %arg8[%rem3A_2326, %dma_start3A_2490, %dma_start3A_2497, %dma_start3A_2498] : memref<4x16x8x64xf32, #tpu.memory_space<vmem>> -> memref<1x1x8x64xf32, #tpu.memory_space<vmem>>
        %dma_start3A_2500 = tpu.memref_squeeze %dma_start3A_2499 : memref<1x1x8x64xf32, #tpu.memory_space<vmem>> -> memref<8x64xf32, #tpu.memory_space<vmem>>
        %dma_start3A_2501 = arith.constant 0 : i32
        %dma_start3A_2502 = tpu.memref_slice %arg4[%multiple_of3A_2489, %dma_start3A_2501] : memref<1000000x64xf32, #tpu.memory_space<hbm>> -> memref<8x64xf32, #tpu.memory_space<hbm>>
        tpu.enqueue_dma source(%dma_start3A_2502 : memref<8x64xf32, #tpu.memory_space<hbm>>) target(%dma_start3A_2500 : memref<8x64xf32, #tpu.memory_space<vmem>>) target_semaphore(%arg12 : memref<!tpu.dma_semaphore, #tpu.memory_space<semaphore_mem>>)
        %slice3A_2503 = vector.extract_strided_slice %shift_left3A_2324 {offsets = [11], sizes = [1], strides = [1]} : vector<16xi32> to vector<1xi32>
        %squeeze3A_2504 = vector.extract %slice3A_2503[0] : i32 from vector<1xi32>
        %multiple_of3A_2505 = tpu.assume_multiple %squeeze3A_2504, 8 : i32
        %dma_start3A_2506 = arith.constant 11 : i32
        %dma_start3A_2507 = arith.constant 0 : i32
        %dma_start3A_2508 = arith.constant 0 : i32
        %dma_start3A_2509 = tpu.memref_slice %arg8[%rem3A_2326, %dma_start3A_2506, %dma_start3A_2507, %dma_start3A_2508] : memref<4x16x8x64xf32, #tpu.memory_space<vmem>> -> memref<1x1x8x64xf32, #tpu.memory_space<vmem>>
        %dma_start3A_2510 = tpu.memref_squeeze %dma_start3A_2509 : memref<1x1x8x64xf32, #tpu.memory_space<vmem>> -> memref<8x64xf32, #tpu.memory_space<vmem>>
        %dma_start3A_2511 = arith.constant 0 : i32
        %dma_start3A_2512 = tpu.memref_slice %arg4[%multiple_of3A_2505, %dma_start3A_2511] : memref<1000000x64xf32, #tpu.memory_space<hbm>> -> memref<8x64xf32, #tpu.memory_space<hbm>>
        %dma_start3A_2513 = arith.constant 0 : i32
        %dma_start3A_2514 = arith.constant 0 : i32
        %dma_start3A_2515 = tpu.memref_slice %arg8[%rem3A_2326, %dma_start3A_2506, %dma_start3A_2513, %dma_start3A_2514] : memref<4x16x8x64xf32, #tpu.memory_space<vmem>> -> memref<1x1x8x64xf32, #tpu.memory_space<vmem>>
        %dma_start3A_2516 = tpu.memref_squeeze %dma_start3A_2515 : memref<1x1x8x64xf32, #tpu.memory_space<vmem>> -> memref<8x64xf32, #tpu.memory_space<vmem>>
        %dma_start3A_2517 = arith.constant 0 : i32
        %dma_start3A_2518 = tpu.memref_slice %arg4[%multiple_of3A_2505, %dma_start3A_2517] : memref<1000000x64xf32, #tpu.memory_space<hbm>> -> memref<8x64xf32, #tpu.memory_space<hbm>>
        tpu.enqueue_dma source(%dma_start3A_2518 : memref<8x64xf32, #tpu.memory_space<hbm>>) target(%dma_start3A_2516 : memref<8x64xf32, #tpu.memory_space<vmem>>) target_semaphore(%arg12 : memref<!tpu.dma_semaphore, #tpu.memory_space<semaphore_mem>>)
        %slice3A_2519 = vector.extract_strided_slice %shift_left3A_2324 {offsets = [12], sizes = [1], strides = [1]} : vector<16xi32> to vector<1xi32>
        %squeeze3A_2520 = vector.extract %slice3A_2519[0] : i32 from vector<1xi32>
        %multiple_of3A_2521 = tpu.assume_multiple %squeeze3A_2520, 8 : i32
        %dma_start3A_2522 = arith.constant 12 : i32
        %dma_start3A_2523 = arith.constant 0 : i32
        %dma_start3A_2524 = arith.constant 0 : i32
        %dma_start3A_2525 = tpu.memref_slice %arg8[%rem3A_2326, %dma_start3A_2522, %dma_start3A_2523, %dma_start3A_2524] : memref<4x16x8x64xf32, #tpu.memory_space<vmem>> -> memref<1x1x8x64xf32, #tpu.memory_space<vmem>>
        %dma_start3A_2526 = tpu.memref_squeeze %dma_start3A_2525 : memref<1x1x8x64xf32, #tpu.memory_space<vmem>> -> memref<8x64xf32, #tpu.memory_space<vmem>>
        %dma_start3A_2527 = arith.constant 0 : i32
        %dma_start3A_2528 = tpu.memref_slice %arg4[%multiple_of3A_2521, %dma_start3A_2527] : memref<1000000x64xf32, #tpu.memory_space<hbm>> -> memref<8x64xf32, #tpu.memory_space<hbm>>
        %dma_start3A_2529 = arith.constant 0 : i32
        %dma_start3A_2530 = arith.constant 0 : i32
        %dma_start3A_2531 = tpu.memref_slice %arg8[%rem3A_2326, %dma_start3A_2522, %dma_start3A_2529, %dma_start3A_2530] : memref<4x16x8x64xf32, #tpu.memory_space<vmem>> -> memref<1x1x8x64xf32, #tpu.memory_space<vmem>>
        %dma_start3A_2532 = tpu.memref_squeeze %dma_start3A_2531 : memref<1x1x8x64xf32, #tpu.memory_space<vmem>> -> memref<8x64xf32, #tpu.memory_space<vmem>>
        %dma_start3A_2533 = arith.constant 0 : i32
        %dma_start3A_2534 = tpu.memref_slice %arg4[%multiple_of3A_2521, %dma_start3A_2533] : memref<1000000x64xf32, #tpu.memory_space<hbm>> -> memref<8x64xf32, #tpu.memory_space<hbm>>
        tpu.enqueue_dma source(%dma_start3A_2534 : memref<8x64xf32, #tpu.memory_space<hbm>>) target(%dma_start3A_2532 : memref<8x64xf32, #tpu.memory_space<vmem>>) target_semaphore(%arg12 : memref<!tpu.dma_semaphore, #tpu.memory_space<semaphore_mem>>)
        %slice3A_2535 = vector.extract_strided_slice %shift_left3A_2324 {offsets = [13], sizes = [1], strides = [1]} : vector<16xi32> to vector<1xi32>
        %squeeze3A_2536 = vector.extract %slice3A_2535[0] : i32 from vector<1xi32>
        %multiple_of3A_2537 = tpu.assume_multiple %squeeze3A_2536, 8 : i32
        %dma_start3A_2538 = arith.constant 13 : i32
        %dma_start3A_2539 = arith.constant 0 : i32
        %dma_start3A_2540 = arith.constant 0 : i32
        %dma_start3A_2541 = tpu.memref_slice %arg8[%rem3A_2326, %dma_start3A_2538, %dma_start3A_2539, %dma_start3A_2540] : memref<4x16x8x64xf32, #tpu.memory_space<vmem>> -> memref<1x1x8x64xf32, #tpu.memory_space<vmem>>
        %dma_start3A_2542 = tpu.memref_squeeze %dma_start3A_2541 : memref<1x1x8x64xf32, #tpu.memory_space<vmem>> -> memref<8x64xf32, #tpu.memory_space<vmem>>
        %dma_start3A_2543 = arith.constant 0 : i32
        %dma_start3A_2544 = tpu.memref_slice %arg4[%multiple_of3A_2537, %dma_start3A_2543] : memref<1000000x64xf32, #tpu.memory_space<hbm>> -> memref<8x64xf32, #tpu.memory_space<hbm>>
        %dma_start3A_2545 = arith.constant 0 : i32
        %dma_start3A_2546 = arith.constant 0 : i32
        %dma_start3A_2547 = tpu.memref_slice %arg8[%rem3A_2326, %dma_start3A_2538, %dma_start3A_2545, %dma_start3A_2546] : memref<4x16x8x64xf32, #tpu.memory_space<vmem>> -> memref<1x1x8x64xf32, #tpu.memory_space<vmem>>
        %dma_start3A_2548 = tpu.memref_squeeze %dma_start3A_2547 : memref<1x1x8x64xf32, #tpu.memory_space<vmem>> -> memref<8x64xf32, #tpu.memory_space<vmem>>
        %dma_start3A_2549 = arith.constant 0 : i32
        %dma_start3A_2550 = tpu.memref_slice %arg4[%multiple_of3A_2537, %dma_start3A_2549] : memref<1000000x64xf32, #tpu.memory_space<hbm>> -> memref<8x64xf32, #tpu.memory_space<hbm>>
        tpu.enqueue_dma source(%dma_start3A_2550 : memref<8x64xf32, #tpu.memory_space<hbm>>) target(%dma_start3A_2548 : memref<8x64xf32, #tpu.memory_space<vmem>>) target_semaphore(%arg12 : memref<!tpu.dma_semaphore, #tpu.memory_space<semaphore_mem>>)
        %slice3A_2551 = vector.extract_strided_slice %shift_left3A_2324 {offsets = [14], sizes = [1], strides = [1]} : vector<16xi32> to vector<1xi32>
        %squeeze3A_2552 = vector.extract %slice3A_2551[0] : i32 from vector<1xi32>
        %multiple_of3A_2553 = tpu.assume_multiple %squeeze3A_2552, 8 : i32
        %dma_start3A_2554 = arith.constant 14 : i32
        %dma_start3A_2555 = arith.constant 0 : i32
        %dma_start3A_2556 = arith.constant 0 : i32
        %dma_start3A_2557 = tpu.memref_slice %arg8[%rem3A_2326, %dma_start3A_2554, %dma_start3A_2555, %dma_start3A_2556] : memref<4x16x8x64xf32, #tpu.memory_space<vmem>> -> memref<1x1x8x64xf32, #tpu.memory_space<vmem>>
        %dma_start3A_2558 = tpu.memref_squeeze %dma_start3A_2557 : memref<1x1x8x64xf32, #tpu.memory_space<vmem>> -> memref<8x64xf32, #tpu.memory_space<vmem>>
        %dma_start3A_2559 = arith.constant 0 : i32
        %dma_start3A_2560 = tpu.memref_slice %arg4[%multiple_of3A_2553, %dma_start3A_2559] : memref<1000000x64xf32, #tpu.memory_space<hbm>> -> memref<8x64xf32, #tpu.memory_space<hbm>>
        %dma_start3A_2561 = arith.constant 0 : i32
        %dma_start3A_2562 = arith.constant 0 : i32
        %dma_start3A_2563 = tpu.memref_slice %arg8[%rem3A_2326, %dma_start3A_2554, %dma_start3A_2561, %dma_start3A_2562] : memref<4x16x8x64xf32, #tpu.memory_space<vmem>> -> memref<1x1x8x64xf32, #tpu.memory_space<vmem>>
        %dma_start3A_2564 = tpu.memref_squeeze %dma_start3A_2563 : memref<1x1x8x64xf32, #tpu.memory_space<vmem>> -> memref<8x64xf32, #tpu.memory_space<vmem>>
        %dma_start3A_2565 = arith.constant 0 : i32
        %dma_start3A_2566 = tpu.memref_slice %arg4[%multiple_of3A_2553, %dma_start3A_2565] : memref<1000000x64xf32, #tpu.memory_space<hbm>> -> memref<8x64xf32, #tpu.memory_space<hbm>>
        tpu.enqueue_dma source(%dma_start3A_2566 : memref<8x64xf32, #tpu.memory_space<hbm>>) target(%dma_start3A_2564 : memref<8x64xf32, #tpu.memory_space<vmem>>) target_semaphore(%arg12 : memref<!tpu.dma_semaphore, #tpu.memory_space<semaphore_mem>>)
        %slice3A_2567 = vector.extract_strided_slice %shift_left3A_2324 {offsets = [15], sizes = [1], strides = [1]} : vector<16xi32> to vector<1xi32>
        %squeeze3A_2568 = vector.extract %slice3A_2567[0] : i32 from vector<1xi32>
        %multiple_of3A_2569 = tpu.assume_multiple %squeeze3A_2568, 8 : i32
        %dma_start3A_2570 = arith.constant 15 : i32
        %dma_start3A_2571 = arith.constant 0 : i32
        %dma_start3A_2572 = arith.constant 0 : i32
        %dma_start3A_2573 = tpu.memref_slice %arg8[%rem3A_2326, %dma_start3A_2570, %dma_start3A_2571, %dma_start3A_2572] : memref<4x16x8x64xf32, #tpu.memory_space<vmem>> -> memref<1x1x8x64xf32, #tpu.memory_space<vmem>>
        %dma_start3A_2574 = tpu.memref_squeeze %dma_start3A_2573 : memref<1x1x8x64xf32, #tpu.memory_space<vmem>> -> memref<8x64xf32, #tpu.memory_space<vmem>>
        %dma_start3A_2575 = arith.constant 0 : i32
        %dma_start3A_2576 = tpu.memref_slice %arg4[%multiple_of3A_2569, %dma_start3A_2575] : memref<1000000x64xf32, #tpu.memory_space<hbm>> -> memref<8x64xf32, #tpu.memory_space<hbm>>
        %dma_start3A_2577 = arith.constant 0 : i32
        %dma_start3A_2578 = arith.constant 0 : i32
        %dma_start3A_2579 = tpu.memref_slice %arg8[%rem3A_2326, %dma_start3A_2570, %dma_start3A_2577, %dma_start3A_2578] : memref<4x16x8x64xf32, #tpu.memory_space<vmem>> -> memref<1x1x8x64xf32, #tpu.memory_space<vmem>>
        %dma_start3A_2580 = tpu.memref_squeeze %dma_start3A_2579 : memref<1x1x8x64xf32, #tpu.memory_space<vmem>> -> memref<8x64xf32, #tpu.memory_space<vmem>>
        %dma_start3A_2581 = arith.constant 0 : i32
        %dma_start3A_2582 = tpu.memref_slice %arg4[%multiple_of3A_2569, %dma_start3A_2581] : memref<1000000x64xf32, #tpu.memory_space<hbm>> -> memref<8x64xf32, #tpu.memory_space<hbm>>
        tpu.enqueue_dma source(%dma_start3A_2582 : memref<8x64xf32, #tpu.memory_space<hbm>>) target(%dma_start3A_2580 : memref<8x64xf32, #tpu.memory_space<vmem>>) target_semaphore(%arg12 : memref<!tpu.dma_semaphore, #tpu.memory_space<semaphore_mem>>)
      } else {
      }
      %rem3A_824 = arith.constant 4 : i32
      %rem3A_825 = arith.remsi %scan3A_817, %rem3A_824 : i32
      %dma_wait3A_826 = arith.constant 0 : i32
      %dma_wait3A_827 = arith.constant 0 : i32
      %dma_wait3A_828 = arith.constant 0 : i32
      %dma_wait3A_829 = tpu.memref_slice %arg8[%rem3A_825, %dma_wait3A_826, %dma_wait3A_827, %dma_wait3A_828] : memref<4x16x8x64xf32, #tpu.memory_space<vmem>> -> memref<1x1x8x64xf32, #tpu.memory_space<vmem>>
      %dma_wait3A_830 = tpu.memref_squeeze %dma_wait3A_829 : memref<1x1x8x64xf32, #tpu.memory_space<vmem>> -> memref<8x64xf32, #tpu.memory_space<vmem>>
      %dma_wait3A_831 = arith.constant 0 : i32
      %dma_wait3A_832 = arith.constant 0 : i32
      %dma_wait3A_833 = tpu.memref_slice %arg4[%dma_wait3A_831, %dma_wait3A_832] : memref<1000000x64xf32, #tpu.memory_space<hbm>> -> memref<8x64xf32, #tpu.memory_space<hbm>>
      %dma_wait3A_834 = arith.constant 0 : i32
      %dma_wait3A_835 = arith.constant 0 : i32
      %dma_wait3A_836 = tpu.memref_slice %arg8[%rem3A_825, %dma_wait3A_826, %dma_wait3A_834, %dma_wait3A_835] : memref<4x16x8x64xf32, #tpu.memory_space<vmem>> -> memref<1x1x8x64xf32, #tpu.memory_space<vmem>>
      %dma_wait3A_837 = tpu.memref_squeeze %dma_wait3A_836 : memref<1x1x8x64xf32, #tpu.memory_space<vmem>> -> memref<8x64xf32, #tpu.memory_space<vmem>>
      %dma_wait3A_838 = arith.constant 0 : i32
      %dma_wait3A_839 = arith.constant 0 : i32
      %dma_wait3A_840 = tpu.memref_slice %arg4[%dma_wait3A_838, %dma_wait3A_839] : memref<1000000x64xf32, #tpu.memory_space<hbm>> -> memref<8x64xf32, #tpu.memory_space<hbm>>
      tpu.wait_dma2 semaphore(%arg12 : memref<!tpu.dma_semaphore, #tpu.memory_space<semaphore_mem>>) src(%dma_wait3A_840 : memref<8x64xf32, #tpu.memory_space<hbm>>) dst(%dma_wait3A_837 : memref<8x64xf32, #tpu.memory_space<vmem>>)
      %dma_wait3A_841 = arith.constant 1 : i32
      %dma_wait3A_842 = arith.constant 0 : i32
      %dma_wait3A_843 = arith.constant 0 : i32
      %dma_wait3A_844 = tpu.memref_slice %arg8[%rem3A_825, %dma_wait3A_841, %dma_wait3A_842, %dma_wait3A_843] : memref<4x16x8x64xf32, #tpu.memory_space<vmem>> -> memref<1x1x8x64xf32, #tpu.memory_space<vmem>>
      %dma_wait3A_845 = tpu.memref_squeeze %dma_wait3A_844 : memref<1x1x8x64xf32, #tpu.memory_space<vmem>> -> memref<8x64xf32, #tpu.memory_space<vmem>>
      %dma_wait3A_846 = arith.constant 0 : i32
      %dma_wait3A_847 = arith.constant 0 : i32
      %dma_wait3A_848 = tpu.memref_slice %arg4[%dma_wait3A_846, %dma_wait3A_847] : memref<1000000x64xf32, #tpu.memory_space<hbm>> -> memref<8x64xf32, #tpu.memory_space<hbm>>
      %dma_wait3A_849 = arith.constant 0 : i32
      %dma_wait3A_850 = arith.constant 0 : i32
      %dma_wait3A_851 = tpu.memref_slice %arg8[%rem3A_825, %dma_wait3A_841, %dma_wait3A_849, %dma_wait3A_850] : memref<4x16x8x64xf32, #tpu.memory_space<vmem>> -> memref<1x1x8x64xf32, #tpu.memory_space<vmem>>
      %dma_wait3A_852 = tpu.memref_squeeze %dma_wait3A_851 : memref<1x1x8x64xf32, #tpu.memory_space<vmem>> -> memref<8x64xf32, #tpu.memory_space<vmem>>
      %dma_wait3A_853 = arith.constant 0 : i32
      %dma_wait3A_854 = arith.constant 0 : i32
      %dma_wait3A_855 = tpu.memref_slice %arg4[%dma_wait3A_853, %dma_wait3A_854] : memref<1000000x64xf32, #tpu.memory_space<hbm>> -> memref<8x64xf32, #tpu.memory_space<hbm>>
      tpu.wait_dma2 semaphore(%arg12 : memref<!tpu.dma_semaphore, #tpu.memory_space<semaphore_mem>>) src(%dma_wait3A_855 : memref<8x64xf32, #tpu.memory_space<hbm>>) dst(%dma_wait3A_852 : memref<8x64xf32, #tpu.memory_space<vmem>>)
      %dma_wait3A_856 = arith.constant 2 : i32
      %dma_wait3A_857 = arith.constant 0 : i32
      %dma_wait3A_858 = arith.constant 0 : i32
      %dma_wait3A_859 = tpu.memref_slice %arg8[%rem3A_825, %dma_wait3A_856, %dma_wait3A_857, %dma_wait3A_858] : memref<4x16x8x64xf32, #tpu.memory_space<vmem>> -> memref<1x1x8x64xf32, #tpu.memory_space<vmem>>
      %dma_wait3A_860 = tpu.memref_squeeze %dma_wait3A_859 : memref<1x1x8x64xf32, #tpu.memory_space<vmem>> -> memref<8x64xf32, #tpu.memory_space<vmem>>
      %dma_wait3A_861 = arith.constant 0 : i32
      %dma_wait3A_862 = arith.constant 0 : i32
      %dma_wait3A_863 = tpu.memref_slice %arg4[%dma_wait3A_861, %dma_wait3A_862] : memref<1000000x64xf32, #tpu.memory_space<hbm>> -> memref<8x64xf32, #tpu.memory_space<hbm>>
      %dma_wait3A_864 = arith.constant 0 : i32
      %dma_wait3A_865 = arith.constant 0 : i32
      %dma_wait3A_866 = tpu.memref_slice %arg8[%rem3A_825, %dma_wait3A_856, %dma_wait3A_864, %dma_wait3A_865] : memref<4x16x8x64xf32, #tpu.memory_space<vmem>> -> memref<1x1x8x64xf32, #tpu.memory_space<vmem>>
      %dma_wait3A_867 = tpu.memref_squeeze %dma_wait3A_866 : memref<1x1x8x64xf32, #tpu.memory_space<vmem>> -> memref<8x64xf32, #tpu.memory_space<vmem>>
      %dma_wait3A_868 = arith.constant 0 : i32
      %dma_wait3A_869 = arith.constant 0 : i32
      %dma_wait3A_870 = tpu.memref_slice %arg4[%dma_wait3A_868, %dma_wait3A_869] : memref<1000000x64xf32, #tpu.memory_space<hbm>> -> memref<8x64xf32, #tpu.memory_space<hbm>>
      tpu.wait_dma2 semaphore(%arg12 : memref<!tpu.dma_semaphore, #tpu.memory_space<semaphore_mem>>) src(%dma_wait3A_870 : memref<8x64xf32, #tpu.memory_space<hbm>>) dst(%dma_wait3A_867 : memref<8x64xf32, #tpu.memory_space<vmem>>)
      %dma_wait3A_871 = arith.constant 3 : i32
      %dma_wait3A_872 = arith.constant 0 : i32
      %dma_wait3A_873 = arith.constant 0 : i32
      %dma_wait3A_874 = tpu.memref_slice %arg8[%rem3A_825, %dma_wait3A_871, %dma_wait3A_872, %dma_wait3A_873] : memref<4x16x8x64xf32, #tpu.memory_space<vmem>> -> memref<1x1x8x64xf32, #tpu.memory_space<vmem>>
      %dma_wait3A_875 = tpu.memref_squeeze %dma_wait3A_874 : memref<1x1x8x64xf32, #tpu.memory_space<vmem>> -> memref<8x64xf32, #tpu.memory_space<vmem>>
      %dma_wait3A_876 = arith.constant 0 : i32
      %dma_wait3A_877 = arith.constant 0 : i32
      %dma_wait3A_878 = tpu.memref_slice %arg4[%dma_wait3A_876, %dma_wait3A_877] : memref<1000000x64xf32, #tpu.memory_space<hbm>> -> memref<8x64xf32, #tpu.memory_space<hbm>>
      %dma_wait3A_879 = arith.constant 0 : i32
      %dma_wait3A_880 = arith.constant 0 : i32
      %dma_wait3A_881 = tpu.memref_slice %arg8[%rem3A_825, %dma_wait3A_871, %dma_wait3A_879, %dma_wait3A_880] : memref<4x16x8x64xf32, #tpu.memory_space<vmem>> -> memref<1x1x8x64xf32, #tpu.memory_space<vmem>>
      %dma_wait3A_882 = tpu.memref_squeeze %dma_wait3A_881 : memref<1x1x8x64xf32, #tpu.memory_space<vmem>> -> memref<8x64xf32, #tpu.memory_space<vmem>>
      %dma_wait3A_883 = arith.constant 0 : i32
      %dma_wait3A_884 = arith.constant 0 : i32
      %dma_wait3A_885 = tpu.memref_slice %arg4[%dma_wait3A_883, %dma_wait3A_884] : memref<1000000x64xf32, #tpu.memory_space<hbm>> -> memref<8x64xf32, #tpu.memory_space<hbm>>
      tpu.wait_dma2 semaphore(%arg12 : memref<!tpu.dma_semaphore, #tpu.memory_space<semaphore_mem>>) src(%dma_wait3A_885 : memref<8x64xf32, #tpu.memory_space<hbm>>) dst(%dma_wait3A_882 : memref<8x64xf32, #tpu.memory_space<vmem>>)
      %dma_wait3A_886 = arith.constant 4 : i32
      %dma_wait3A_887 = arith.constant 0 : i32
      %dma_wait3A_888 = arith.constant 0 : i32
      %dma_wait3A_889 = tpu.memref_slice %arg8[%rem3A_825, %dma_wait3A_886, %dma_wait3A_887, %dma_wait3A_888] : memref<4x16x8x64xf32, #tpu.memory_space<vmem>> -> memref<1x1x8x64xf32, #tpu.memory_space<vmem>>
      %dma_wait3A_890 = tpu.memref_squeeze %dma_wait3A_889 : memref<1x1x8x64xf32, #tpu.memory_space<vmem>> -> memref<8x64xf32, #tpu.memory_space<vmem>>
      %dma_wait3A_891 = arith.constant 0 : i32
      %dma_wait3A_892 = arith.constant 0 : i32
      %dma_wait3A_893 = tpu.memref_slice %arg4[%dma_wait3A_891, %dma_wait3A_892] : memref<1000000x64xf32, #tpu.memory_space<hbm>> -> memref<8x64xf32, #tpu.memory_space<hbm>>
      %dma_wait3A_894 = arith.constant 0 : i32
      %dma_wait3A_895 = arith.constant 0 : i32
      %dma_wait3A_896 = tpu.memref_slice %arg8[%rem3A_825, %dma_wait3A_886, %dma_wait3A_894, %dma_wait3A_895] : memref<4x16x8x64xf32, #tpu.memory_space<vmem>> -> memref<1x1x8x64xf32, #tpu.memory_space<vmem>>
      %dma_wait3A_897 = tpu.memref_squeeze %dma_wait3A_896 : memref<1x1x8x64xf32, #tpu.memory_space<vmem>> -> memref<8x64xf32, #tpu.memory_space<vmem>>
      %dma_wait3A_898 = arith.constant 0 : i32
      %dma_wait3A_899 = arith.constant 0 : i32
      %dma_wait3A_900 = tpu.memref_slice %arg4[%dma_wait3A_898, %dma_wait3A_899] : memref<1000000x64xf32, #tpu.memory_space<hbm>> -> memref<8x64xf32, #tpu.memory_space<hbm>>
      tpu.wait_dma2 semaphore(%arg12 : memref<!tpu.dma_semaphore, #tpu.memory_space<semaphore_mem>>) src(%dma_wait3A_900 : memref<8x64xf32, #tpu.memory_space<hbm>>) dst(%dma_wait3A_897 : memref<8x64xf32, #tpu.memory_space<vmem>>)
      %dma_wait3A_901 = arith.constant 5 : i32
      %dma_wait3A_902 = arith.constant 0 : i32
      %dma_wait3A_903 = arith.constant 0 : i32
      %dma_wait3A_904 = tpu.memref_slice %arg8[%rem3A_825, %dma_wait3A_901, %dma_wait3A_902, %dma_wait3A_903] : memref<4x16x8x64xf32, #tpu.memory_space<vmem>> -> memref<1x1x8x64xf32, #tpu.memory_space<vmem>>
      %dma_wait3A_905 = tpu.memref_squeeze %dma_wait3A_904 : memref<1x1x8x64xf32, #tpu.memory_space<vmem>> -> memref<8x64xf32, #tpu.memory_space<vmem>>
      %dma_wait3A_906 = arith.constant 0 : i32
      %dma_wait3A_907 = arith.constant 0 : i32
      %dma_wait3A_908 = tpu.memref_slice %arg4[%dma_wait3A_906, %dma_wait3A_907] : memref<1000000x64xf32, #tpu.memory_space<hbm>> -> memref<8x64xf32, #tpu.memory_space<hbm>>
      %dma_wait3A_909 = arith.constant 0 : i32
      %dma_wait3A_910 = arith.constant 0 : i32
      %dma_wait3A_911 = tpu.memref_slice %arg8[%rem3A_825, %dma_wait3A_901, %dma_wait3A_909, %dma_wait3A_910] : memref<4x16x8x64xf32, #tpu.memory_space<vmem>> -> memref<1x1x8x64xf32, #tpu.memory_space<vmem>>
      %dma_wait3A_912 = tpu.memref_squeeze %dma_wait3A_911 : memref<1x1x8x64xf32, #tpu.memory_space<vmem>> -> memref<8x64xf32, #tpu.memory_space<vmem>>
      %dma_wait3A_913 = arith.constant 0 : i32
      %dma_wait3A_914 = arith.constant 0 : i32
      %dma_wait3A_915 = tpu.memref_slice %arg4[%dma_wait3A_913, %dma_wait3A_914] : memref<1000000x64xf32, #tpu.memory_space<hbm>> -> memref<8x64xf32, #tpu.memory_space<hbm>>
      tpu.wait_dma2 semaphore(%arg12 : memref<!tpu.dma_semaphore, #tpu.memory_space<semaphore_mem>>) src(%dma_wait3A_915 : memref<8x64xf32, #tpu.memory_space<hbm>>) dst(%dma_wait3A_912 : memref<8x64xf32, #tpu.memory_space<vmem>>)
      %dma_wait3A_916 = arith.constant 6 : i32
      %dma_wait3A_917 = arith.constant 0 : i32
      %dma_wait3A_918 = arith.constant 0 : i32
      %dma_wait3A_919 = tpu.memref_slice %arg8[%rem3A_825, %dma_wait3A_916, %dma_wait3A_917, %dma_wait3A_918] : memref<4x16x8x64xf32, #tpu.memory_space<vmem>> -> memref<1x1x8x64xf32, #tpu.memory_space<vmem>>
      %dma_wait3A_920 = tpu.memref_squeeze %dma_wait3A_919 : memref<1x1x8x64xf32, #tpu.memory_space<vmem>> -> memref<8x64xf32, #tpu.memory_space<vmem>>
      %dma_wait3A_921 = arith.constant 0 : i32
      %dma_wait3A_922 = arith.constant 0 : i32
      %dma_wait3A_923 = tpu.memref_slice %arg4[%dma_wait3A_921, %dma_wait3A_922] : memref<1000000x64xf32, #tpu.memory_space<hbm>> -> memref<8x64xf32, #tpu.memory_space<hbm>>
      %dma_wait3A_924 = arith.constant 0 : i32
      %dma_wait3A_925 = arith.constant 0 : i32
      %dma_wait3A_926 = tpu.memref_slice %arg8[%rem3A_825, %dma_wait3A_916, %dma_wait3A_924, %dma_wait3A_925] : memref<4x16x8x64xf32, #tpu.memory_space<vmem>> -> memref<1x1x8x64xf32, #tpu.memory_space<vmem>>
      %dma_wait3A_927 = tpu.memref_squeeze %dma_wait3A_926 : memref<1x1x8x64xf32, #tpu.memory_space<vmem>> -> memref<8x64xf32, #tpu.memory_space<vmem>>
      %dma_wait3A_928 = arith.constant 0 : i32
      %dma_wait3A_929 = arith.constant 0 : i32
      %dma_wait3A_930 = tpu.memref_slice %arg4[%dma_wait3A_928, %dma_wait3A_929] : memref<1000000x64xf32, #tpu.memory_space<hbm>> -> memref<8x64xf32, #tpu.memory_space<hbm>>
      tpu.wait_dma2 semaphore(%arg12 : memref<!tpu.dma_semaphore, #tpu.memory_space<semaphore_mem>>) src(%dma_wait3A_930 : memref<8x64xf32, #tpu.memory_space<hbm>>) dst(%dma_wait3A_927 : memref<8x64xf32, #tpu.memory_space<vmem>>)
      %dma_wait3A_931 = arith.constant 7 : i32
      %dma_wait3A_932 = arith.constant 0 : i32
      %dma_wait3A_933 = arith.constant 0 : i32
      %dma_wait3A_934 = tpu.memref_slice %arg8[%rem3A_825, %dma_wait3A_931, %dma_wait3A_932, %dma_wait3A_933] : memref<4x16x8x64xf32, #tpu.memory_space<vmem>> -> memref<1x1x8x64xf32, #tpu.memory_space<vmem>>
      %dma_wait3A_935 = tpu.memref_squeeze %dma_wait3A_934 : memref<1x1x8x64xf32, #tpu.memory_space<vmem>> -> memref<8x64xf32, #tpu.memory_space<vmem>>
      %dma_wait3A_936 = arith.constant 0 : i32
      %dma_wait3A_937 = arith.constant 0 : i32
      %dma_wait3A_938 = tpu.memref_slice %arg4[%dma_wait3A_936, %dma_wait3A_937] : memref<1000000x64xf32, #tpu.memory_space<hbm>> -> memref<8x64xf32, #tpu.memory_space<hbm>>
      %dma_wait3A_939 = arith.constant 0 : i32
      %dma_wait3A_940 = arith.constant 0 : i32
      %dma_wait3A_941 = tpu.memref_slice %arg8[%rem3A_825, %dma_wait3A_931, %dma_wait3A_939, %dma_wait3A_940] : memref<4x16x8x64xf32, #tpu.memory_space<vmem>> -> memref<1x1x8x64xf32, #tpu.memory_space<vmem>>
      %dma_wait3A_942 = tpu.memref_squeeze %dma_wait3A_941 : memref<1x1x8x64xf32, #tpu.memory_space<vmem>> -> memref<8x64xf32, #tpu.memory_space<vmem>>
      %dma_wait3A_943 = arith.constant 0 : i32
      %dma_wait3A_944 = arith.constant 0 : i32
      %dma_wait3A_945 = tpu.memref_slice %arg4[%dma_wait3A_943, %dma_wait3A_944] : memref<1000000x64xf32, #tpu.memory_space<hbm>> -> memref<8x64xf32, #tpu.memory_space<hbm>>
      tpu.wait_dma2 semaphore(%arg12 : memref<!tpu.dma_semaphore, #tpu.memory_space<semaphore_mem>>) src(%dma_wait3A_945 : memref<8x64xf32, #tpu.memory_space<hbm>>) dst(%dma_wait3A_942 : memref<8x64xf32, #tpu.memory_space<vmem>>)
      %dma_wait3A_946 = arith.constant 8 : i32
      %dma_wait3A_947 = arith.constant 0 : i32
      %dma_wait3A_948 = arith.constant 0 : i32
      %dma_wait3A_949 = tpu.memref_slice %arg8[%rem3A_825, %dma_wait3A_946, %dma_wait3A_947, %dma_wait3A_948] : memref<4x16x8x64xf32, #tpu.memory_space<vmem>> -> memref<1x1x8x64xf32, #tpu.memory_space<vmem>>
      %dma_wait3A_950 = tpu.memref_squeeze %dma_wait3A_949 : memref<1x1x8x64xf32, #tpu.memory_space<vmem>> -> memref<8x64xf32, #tpu.memory_space<vmem>>
      %dma_wait3A_951 = arith.constant 0 : i32
      %dma_wait3A_952 = arith.constant 0 : i32
      %dma_wait3A_953 = tpu.memref_slice %arg4[%dma_wait3A_951, %dma_wait3A_952] : memref<1000000x64xf32, #tpu.memory_space<hbm>> -> memref<8x64xf32, #tpu.memory_space<hbm>>
      %dma_wait3A_954 = arith.constant 0 : i32
      %dma_wait3A_955 = arith.constant 0 : i32
      %dma_wait3A_956 = tpu.memref_slice %arg8[%rem3A_825, %dma_wait3A_946, %dma_wait3A_954, %dma_wait3A_955] : memref<4x16x8x64xf32, #tpu.memory_space<vmem>> -> memref<1x1x8x64xf32, #tpu.memory_space<vmem>>
      %dma_wait3A_957 = tpu.memref_squeeze %dma_wait3A_956 : memref<1x1x8x64xf32, #tpu.memory_space<vmem>> -> memref<8x64xf32, #tpu.memory_space<vmem>>
      %dma_wait3A_958 = arith.constant 0 : i32
      %dma_wait3A_959 = arith.constant 0 : i32
      %dma_wait3A_960 = tpu.memref_slice %arg4[%dma_wait3A_958, %dma_wait3A_959] : memref<1000000x64xf32, #tpu.memory_space<hbm>> -> memref<8x64xf32, #tpu.memory_space<hbm>>
      tpu.wait_dma2 semaphore(%arg12 : memref<!tpu.dma_semaphore, #tpu.memory_space<semaphore_mem>>) src(%dma_wait3A_960 : memref<8x64xf32, #tpu.memory_space<hbm>>) dst(%dma_wait3A_957 : memref<8x64xf32, #tpu.memory_space<vmem>>)
      %dma_wait3A_961 = arith.constant 9 : i32
      %dma_wait3A_962 = arith.constant 0 : i32
      %dma_wait3A_963 = arith.constant 0 : i32
      %dma_wait3A_964 = tpu.memref_slice %arg8[%rem3A_825, %dma_wait3A_961, %dma_wait3A_962, %dma_wait3A_963] : memref<4x16x8x64xf32, #tpu.memory_space<vmem>> -> memref<1x1x8x64xf32, #tpu.memory_space<vmem>>
      %dma_wait3A_965 = tpu.memref_squeeze %dma_wait3A_964 : memref<1x1x8x64xf32, #tpu.memory_space<vmem>> -> memref<8x64xf32, #tpu.memory_space<vmem>>
      %dma_wait3A_966 = arith.constant 0 : i32
      %dma_wait3A_967 = arith.constant 0 : i32
      %dma_wait3A_968 = tpu.memref_slice %arg4[%dma_wait3A_966, %dma_wait3A_967] : memref<1000000x64xf32, #tpu.memory_space<hbm>> -> memref<8x64xf32, #tpu.memory_space<hbm>>
      %dma_wait3A_969 = arith.constant 0 : i32
      %dma_wait3A_970 = arith.constant 0 : i32
      %dma_wait3A_971 = tpu.memref_slice %arg8[%rem3A_825, %dma_wait3A_961, %dma_wait3A_969, %dma_wait3A_970] : memref<4x16x8x64xf32, #tpu.memory_space<vmem>> -> memref<1x1x8x64xf32, #tpu.memory_space<vmem>>
      %dma_wait3A_972 = tpu.memref_squeeze %dma_wait3A_971 : memref<1x1x8x64xf32, #tpu.memory_space<vmem>> -> memref<8x64xf32, #tpu.memory_space<vmem>>
      %dma_wait3A_973 = arith.constant 0 : i32
      %dma_wait3A_974 = arith.constant 0 : i32
      %dma_wait3A_975 = tpu.memref_slice %arg4[%dma_wait3A_973, %dma_wait3A_974] : memref<1000000x64xf32, #tpu.memory_space<hbm>> -> memref<8x64xf32, #tpu.memory_space<hbm>>
      tpu.wait_dma2 semaphore(%arg12 : memref<!tpu.dma_semaphore, #tpu.memory_space<semaphore_mem>>) src(%dma_wait3A_975 : memref<8x64xf32, #tpu.memory_space<hbm>>) dst(%dma_wait3A_972 : memref<8x64xf32, #tpu.memory_space<vmem>>)
      %dma_wait3A_976 = arith.constant 10 : i32
      %dma_wait3A_977 = arith.constant 0 : i32
      %dma_wait3A_978 = arith.constant 0 : i32
      %dma_wait3A_979 = tpu.memref_slice %arg8[%rem3A_825, %dma_wait3A_976, %dma_wait3A_977, %dma_wait3A_978] : memref<4x16x8x64xf32, #tpu.memory_space<vmem>> -> memref<1x1x8x64xf32, #tpu.memory_space<vmem>>
      %dma_wait3A_980 = tpu.memref_squeeze %dma_wait3A_979 : memref<1x1x8x64xf32, #tpu.memory_space<vmem>> -> memref<8x64xf32, #tpu.memory_space<vmem>>
      %dma_wait3A_981 = arith.constant 0 : i32
      %dma_wait3A_982 = arith.constant 0 : i32
      %dma_wait3A_983 = tpu.memref_slice %arg4[%dma_wait3A_981, %dma_wait3A_982] : memref<1000000x64xf32, #tpu.memory_space<hbm>> -> memref<8x64xf32, #tpu.memory_space<hbm>>
      %dma_wait3A_984 = arith.constant 0 : i32
      %dma_wait3A_985 = arith.constant 0 : i32
      %dma_wait3A_986 = tpu.memref_slice %arg8[%rem3A_825, %dma_wait3A_976, %dma_wait3A_984, %dma_wait3A_985] : memref<4x16x8x64xf32, #tpu.memory_space<vmem>> -> memref<1x1x8x64xf32, #tpu.memory_space<vmem>>
      %dma_wait3A_987 = tpu.memref_squeeze %dma_wait3A_986 : memref<1x1x8x64xf32, #tpu.memory_space<vmem>> -> memref<8x64xf32, #tpu.memory_space<vmem>>
      %dma_wait3A_988 = arith.constant 0 : i32
      %dma_wait3A_989 = arith.constant 0 : i32
      %dma_wait3A_990 = tpu.memref_slice %arg4[%dma_wait3A_988, %dma_wait3A_989] : memref<1000000x64xf32, #tpu.memory_space<hbm>> -> memref<8x64xf32, #tpu.memory_space<hbm>>
      tpu.wait_dma2 semaphore(%arg12 : memref<!tpu.dma_semaphore, #tpu.memory_space<semaphore_mem>>) src(%dma_wait3A_990 : memref<8x64xf32, #tpu.memory_space<hbm>>) dst(%dma_wait3A_987 : memref<8x64xf32, #tpu.memory_space<vmem>>)
      %dma_wait3A_991 = arith.constant 11 : i32
      %dma_wait3A_992 = arith.constant 0 : i32
      %dma_wait3A_993 = arith.constant 0 : i32
      %dma_wait3A_994 = tpu.memref_slice %arg8[%rem3A_825, %dma_wait3A_991, %dma_wait3A_992, %dma_wait3A_993] : memref<4x16x8x64xf32, #tpu.memory_space<vmem>> -> memref<1x1x8x64xf32, #tpu.memory_space<vmem>>
      %dma_wait3A_995 = tpu.memref_squeeze %dma_wait3A_994 : memref<1x1x8x64xf32, #tpu.memory_space<vmem>> -> memref<8x64xf32, #tpu.memory_space<vmem>>
      %dma_wait3A_996 = arith.constant 0 : i32
      %dma_wait3A_997 = arith.constant 0 : i32
      %dma_wait3A_998 = tpu.memref_slice %arg4[%dma_wait3A_996, %dma_wait3A_997] : memref<1000000x64xf32, #tpu.memory_space<hbm>> -> memref<8x64xf32, #tpu.memory_space<hbm>>
      %dma_wait3A_999 = arith.constant 0 : i32
      %dma_wait3A_1000 = arith.constant 0 : i32
      %dma_wait3A_1001 = tpu.memref_slice %arg8[%rem3A_825, %dma_wait3A_991, %dma_wait3A_999, %dma_wait3A_1000] : memref<4x16x8x64xf32, #tpu.memory_space<vmem>> -> memref<1x1x8x64xf32, #tpu.memory_space<vmem>>
      %dma_wait3A_1002 = tpu.memref_squeeze %dma_wait3A_1001 : memref<1x1x8x64xf32, #tpu.memory_space<vmem>> -> memref<8x64xf32, #tpu.memory_space<vmem>>
      %dma_wait3A_1003 = arith.constant 0 : i32
      %dma_wait3A_1004 = arith.constant 0 : i32
      %dma_wait3A_1005 = tpu.memref_slice %arg4[%dma_wait3A_1003, %dma_wait3A_1004] : memref<1000000x64xf32, #tpu.memory_space<hbm>> -> memref<8x64xf32, #tpu.memory_space<hbm>>
      tpu.wait_dma2 semaphore(%arg12 : memref<!tpu.dma_semaphore, #tpu.memory_space<semaphore_mem>>) src(%dma_wait3A_1005 : memref<8x64xf32, #tpu.memory_space<hbm>>) dst(%dma_wait3A_1002 : memref<8x64xf32, #tpu.memory_space<vmem>>)
      %dma_wait3A_1006 = arith.constant 12 : i32
      %dma_wait3A_1007 = arith.constant 0 : i32
      %dma_wait3A_1008 = arith.constant 0 : i32
      %dma_wait3A_1009 = tpu.memref_slice %arg8[%rem3A_825, %dma_wait3A_1006, %dma_wait3A_1007, %dma_wait3A_1008] : memref<4x16x8x64xf32, #tpu.memory_space<vmem>> -> memref<1x1x8x64xf32, #tpu.memory_space<vmem>>
      %dma_wait3A_1010 = tpu.memref_squeeze %dma_wait3A_1009 : memref<1x1x8x64xf32, #tpu.memory_space<vmem>> -> memref<8x64xf32, #tpu.memory_space<vmem>>
      %dma_wait3A_1011 = arith.constant 0 : i32
      %dma_wait3A_1012 = arith.constant 0 : i32
      %dma_wait3A_1013 = tpu.memref_slice %arg4[%dma_wait3A_1011, %dma_wait3A_1012] : memref<1000000x64xf32, #tpu.memory_space<hbm>> -> memref<8x64xf32, #tpu.memory_space<hbm>>
      %dma_wait3A_1014 = arith.constant 0 : i32
      %dma_wait3A_1015 = arith.constant 0 : i32
      %dma_wait3A_1016 = tpu.memref_slice %arg8[%rem3A_825, %dma_wait3A_1006, %dma_wait3A_1014, %dma_wait3A_1015] : memref<4x16x8x64xf32, #tpu.memory_space<vmem>> -> memref<1x1x8x64xf32, #tpu.memory_space<vmem>>
      %dma_wait3A_1017 = tpu.memref_squeeze %dma_wait3A_1016 : memref<1x1x8x64xf32, #tpu.memory_space<vmem>> -> memref<8x64xf32, #tpu.memory_space<vmem>>
      %dma_wait3A_1018 = arith.constant 0 : i32
      %dma_wait3A_1019 = arith.constant 0 : i32
      %dma_wait3A_1020 = tpu.memref_slice %arg4[%dma_wait3A_1018, %dma_wait3A_1019] : memref<1000000x64xf32, #tpu.memory_space<hbm>> -> memref<8x64xf32, #tpu.memory_space<hbm>>
      tpu.wait_dma2 semaphore(%arg12 : memref<!tpu.dma_semaphore, #tpu.memory_space<semaphore_mem>>) src(%dma_wait3A_1020 : memref<8x64xf32, #tpu.memory_space<hbm>>) dst(%dma_wait3A_1017 : memref<8x64xf32, #tpu.memory_space<vmem>>)
      %dma_wait3A_1021 = arith.constant 13 : i32
      %dma_wait3A_1022 = arith.constant 0 : i32
      %dma_wait3A_1023 = arith.constant 0 : i32
      %dma_wait3A_1024 = tpu.memref_slice %arg8[%rem3A_825, %dma_wait3A_1021, %dma_wait3A_1022, %dma_wait3A_1023] : memref<4x16x8x64xf32, #tpu.memory_space<vmem>> -> memref<1x1x8x64xf32, #tpu.memory_space<vmem>>
      %dma_wait3A_1025 = tpu.memref_squeeze %dma_wait3A_1024 : memref<1x1x8x64xf32, #tpu.memory_space<vmem>> -> memref<8x64xf32, #tpu.memory_space<vmem>>
      %dma_wait3A_1026 = arith.constant 0 : i32
      %dma_wait3A_1027 = arith.constant 0 : i32
      %dma_wait3A_1028 = tpu.memref_slice %arg4[%dma_wait3A_1026, %dma_wait3A_1027] : memref<1000000x64xf32, #tpu.memory_space<hbm>> -> memref<8x64xf32, #tpu.memory_space<hbm>>
      %dma_wait3A_1029 = arith.constant 0 : i32
      %dma_wait3A_1030 = arith.constant 0 : i32
      %dma_wait3A_1031 = tpu.memref_slice %arg8[%rem3A_825, %dma_wait3A_1021, %dma_wait3A_1029, %dma_wait3A_1030] : memref<4x16x8x64xf32, #tpu.memory_space<vmem>> -> memref<1x1x8x64xf32, #tpu.memory_space<vmem>>
      %dma_wait3A_1032 = tpu.memref_squeeze %dma_wait3A_1031 : memref<1x1x8x64xf32, #tpu.memory_space<vmem>> -> memref<8x64xf32, #tpu.memory_space<vmem>>
      %dma_wait3A_1033 = arith.constant 0 : i32
      %dma_wait3A_1034 = arith.constant 0 : i32
      %dma_wait3A_1035 = tpu.memref_slice %arg4[%dma_wait3A_1033, %dma_wait3A_1034] : memref<1000000x64xf32, #tpu.memory_space<hbm>> -> memref<8x64xf32, #tpu.memory_space<hbm>>
      tpu.wait_dma2 semaphore(%arg12 : memref<!tpu.dma_semaphore, #tpu.memory_space<semaphore_mem>>) src(%dma_wait3A_1035 : memref<8x64xf32, #tpu.memory_space<hbm>>) dst(%dma_wait3A_1032 : memref<8x64xf32, #tpu.memory_space<vmem>>)
      %dma_wait3A_1036 = arith.constant 14 : i32
      %dma_wait3A_1037 = arith.constant 0 : i32
      %dma_wait3A_1038 = arith.constant 0 : i32
      %dma_wait3A_1039 = tpu.memref_slice %arg8[%rem3A_825, %dma_wait3A_1036, %dma_wait3A_1037, %dma_wait3A_1038] : memref<4x16x8x64xf32, #tpu.memory_space<vmem>> -> memref<1x1x8x64xf32, #tpu.memory_space<vmem>>
      %dma_wait3A_1040 = tpu.memref_squeeze %dma_wait3A_1039 : memref<1x1x8x64xf32, #tpu.memory_space<vmem>> -> memref<8x64xf32, #tpu.memory_space<vmem>>
      %dma_wait3A_1041 = arith.constant 0 : i32
      %dma_wait3A_1042 = arith.constant 0 : i32
      %dma_wait3A_1043 = tpu.memref_slice %arg4[%dma_wait3A_1041, %dma_wait3A_1042] : memref<1000000x64xf32, #tpu.memory_space<hbm>> -> memref<8x64xf32, #tpu.memory_space<hbm>>
      %dma_wait3A_1044 = arith.constant 0 : i32
      %dma_wait3A_1045 = arith.constant 0 : i32
      %dma_wait3A_1046 = tpu.memref_slice %arg8[%rem3A_825, %dma_wait3A_1036, %dma_wait3A_1044, %dma_wait3A_1045] : memref<4x16x8x64xf32, #tpu.memory_space<vmem>> -> memref<1x1x8x64xf32, #tpu.memory_space<vmem>>
      %dma_wait3A_1047 = tpu.memref_squeeze %dma_wait3A_1046 : memref<1x1x8x64xf32, #tpu.memory_space<vmem>> -> memref<8x64xf32, #tpu.memory_space<vmem>>
      %dma_wait3A_1048 = arith.constant 0 : i32
      %dma_wait3A_1049 = arith.constant 0 : i32
      %dma_wait3A_1050 = tpu.memref_slice %arg4[%dma_wait3A_1048, %dma_wait3A_1049] : memref<1000000x64xf32, #tpu.memory_space<hbm>> -> memref<8x64xf32, #tpu.memory_space<hbm>>
      tpu.wait_dma2 semaphore(%arg12 : memref<!tpu.dma_semaphore, #tpu.memory_space<semaphore_mem>>) src(%dma_wait3A_1050 : memref<8x64xf32, #tpu.memory_space<hbm>>) dst(%dma_wait3A_1047 : memref<8x64xf32, #tpu.memory_space<vmem>>)
      %dma_wait3A_1051 = arith.constant 15 : i32
      %dma_wait3A_1052 = arith.constant 0 : i32
      %dma_wait3A_1053 = arith.constant 0 : i32
      %dma_wait3A_1054 = tpu.memref_slice %arg8[%rem3A_825, %dma_wait3A_1051, %dma_wait3A_1052, %dma_wait3A_1053] : memref<4x16x8x64xf32, #tpu.memory_space<vmem>> -> memref<1x1x8x64xf32, #tpu.memory_space<vmem>>
      %dma_wait3A_1055 = tpu.memref_squeeze %dma_wait3A_1054 : memref<1x1x8x64xf32, #tpu.memory_space<vmem>> -> memref<8x64xf32, #tpu.memory_space<vmem>>
      %dma_wait3A_1056 = arith.constant 0 : i32
      %dma_wait3A_1057 = arith.constant 0 : i32
      %dma_wait3A_1058 = tpu.memref_slice %arg4[%dma_wait3A_1056, %dma_wait3A_1057] : memref<1000000x64xf32, #tpu.memory_space<hbm>> -> memref<8x64xf32, #tpu.memory_space<hbm>>
      %dma_wait3A_1059 = arith.constant 0 : i32
      %dma_wait3A_1060 = arith.constant 0 : i32
      %dma_wait3A_1061 = tpu.memref_slice %arg8[%rem3A_825, %dma_wait3A_1051, %dma_wait3A_1059, %dma_wait3A_1060] : memref<4x16x8x64xf32, #tpu.memory_space<vmem>> -> memref<1x1x8x64xf32, #tpu.memory_space<vmem>>
      %dma_wait3A_1062 = tpu.memref_squeeze %dma_wait3A_1061 : memref<1x1x8x64xf32, #tpu.memory_space<vmem>> -> memref<8x64xf32, #tpu.memory_space<vmem>>
      %dma_wait3A_1063 = arith.constant 0 : i32
      %dma_wait3A_1064 = arith.constant 0 : i32
      %dma_wait3A_1065 = tpu.memref_slice %arg4[%dma_wait3A_1063, %dma_wait3A_1064] : memref<1000000x64xf32, #tpu.memory_space<hbm>> -> memref<8x64xf32, #tpu.memory_space<hbm>>
      tpu.wait_dma2 semaphore(%arg12 : memref<!tpu.dma_semaphore, #tpu.memory_space<semaphore_mem>>) src(%dma_wait3A_1065 : memref<8x64xf32, #tpu.memory_space<hbm>>) dst(%dma_wait3A_1062 : memref<8x64xf32, #tpu.memory_space<vmem>>)
      %mul3A_1066 = arith.constant 16 : i32
      %mul3A_1067 = arith.muli %scan3A_817, %mul3A_1066 : i32
      %get3A_1068 = arith.index_cast %mul3A_1067 : i32 to index
      %get3A_1069 = tpu.vector_load %arg7[%get3A_1068] {strides = array<i32>} : memref<512xi32, #tpu.memory_space<vmem>>, vector<16xi32>,
      %slice3A_1070 = vector.extract_strided_slice %get3A_1069 {offsets = [0], sizes = [1], strides = [1]} : vector<16xi32> to vector<1xi32>
      %squeeze3A_1071 = vector.extract %slice3A_1070[0] : i32 from vector<1xi32>
      %and3A = arith.constant 7 : i32
      %and3A_1072 = arith.andi %squeeze3A_1071, %and3A : i32
      %ge3A = arith.constant 999936 : i32
      %ge3A_1073 = arith.cmpi sge, %squeeze3A_1071, %ge3A : i32
      %sub3A = arith.constant 999936 : i32
      %sub3A_1074 = arith.subi %squeeze3A_1071, %sub3A : i32
      %max3A = arith.constant 0 : i32
      %max3A_1075 = arith.maxsi %sub3A_1074, %max3A : i32
      %mul3A_1076 = arith.constant 8 : i32
      %mul3A_1077 = arith.muli %scan3A_817, %mul3A_1076 : i32
      %add3A_1078 = arith.constant 0 : i32
      %add3A_1079 = arith.addi %mul3A_1077, %add3A_1078 : i32
      %get3A_1080 = arith.index_cast %add3A_1079 : i32 to index
      %get3A_1081 = arith.constant 0 : index
      %get3A_1082 = tpu.vector_load %arg9[%get3A_1080, %get3A_1081] {strides = array<i32>} : memref<256x128xf32, #tpu.memory_space<vmem>>, vector<16xf32>,
      %get3A_1083 = arith.constant 0 : i32
      %get3A_1084 = arith.index_cast %rem3A_825 : i32 to index
      %get3A_1085 = arith.index_cast %get3A_1083 : i32 to index
      %get3A_1086 = arith.index_cast %and3A_1072 : i32 to index
      %get3A_1087 = arith.constant 0 : index
      %get3A_1088 = tpu.vector_load %arg8[%get3A_1084, %get3A_1085, %get3A_1086, %get3A_1087] {strides = array<i32>} : memref<4x16x8x64xf32, #tpu.memory_space<vmem>>, vector<16xf32>,
      %get3A_1089 = arith.index_cast %max3A_1075 : i32 to index
      %get3A_1090 = arith.constant 0 : index
      %get3A_1091 = tpu.vector_load %arg10[%get3A_1089, %get3A_1090] {strides = array<i32>} : memref<64x64xf32, #tpu.memory_space<vmem>>, vector<16xf32>,
      %select_n3A = arith.select %ge3A_1073, %get3A_1091, %get3A_1088 : vector<16xf32>
      %sub3A_1092 = arith.subf %get3A_1082, %select_n3A : vector<16xf32>
      %mul3A_1093 = arith.mulf %sub3A_1092, %sub3A_1092 : vector<16xf32>
      %add3A_1094 = arith.addf %scan3A_818, %mul3A_1093 : vector<16xf32>
      %get3A_1095 = arith.index_cast %add3A_1079 : i32 to index
      %get3A_1096 = arith.constant 16 : index
      %get3A_1097 = tpu.vector_load %arg9[%get3A_1095, %get3A_1096] {strides = array<i32>} : memref<256x128xf32, #tpu.memory_space<vmem>>, vector<16xf32>,
      %get3A_1098 = arith.constant 0 : i32
      %get3A_1099 = arith.index_cast %rem3A_825 : i32 to index
      %get3A_1100 = arith.index_cast %get3A_1098 : i32 to index
      %get3A_1101 = arith.index_cast %and3A_1072 : i32 to index
      %get3A_1102 = arith.constant 16 : index
      %get3A_1103 = tpu.vector_load %arg8[%get3A_1099, %get3A_1100, %get3A_1101, %get3A_1102] {strides = array<i32>} : memref<4x16x8x64xf32, #tpu.memory_space<vmem>>, vector<16xf32>,
      %get3A_1104 = arith.index_cast %max3A_1075 : i32 to index
      %get3A_1105 = arith.constant 16 : index
      %get3A_1106 = tpu.vector_load %arg10[%get3A_1104, %get3A_1105] {strides = array<i32>} : memref<64x64xf32, #tpu.memory_space<vmem>>, vector<16xf32>,
      %select_n3A_1107 = arith.select %ge3A_1073, %get3A_1106, %get3A_1103 : vector<16xf32>
      %sub3A_1108 = arith.subf %get3A_1097, %select_n3A_1107 : vector<16xf32>
      %mul3A_1109 = arith.mulf %sub3A_1108, %sub3A_1108 : vector<16xf32>
      %add3A_1110 = arith.addf %scan3A_819, %mul3A_1109 : vector<16xf32>
      %get3A_1111 = arith.index_cast %add3A_1079 : i32 to index
      %get3A_1112 = arith.constant 32 : index
      %get3A_1113 = tpu.vector_load %arg9[%get3A_1111, %get3A_1112] {strides = array<i32>} : memref<256x128xf32, #tpu.memory_space<vmem>>, vector<16xf32>,
      %get3A_1114 = arith.constant 0 : i32
      %get3A_1115 = arith.index_cast %rem3A_825 : i32 to index
      %get3A_1116 = arith.index_cast %get3A_1114 : i32 to index
      %get3A_1117 = arith.index_cast %and3A_1072 : i32 to index
      %get3A_1118 = arith.constant 32 : index
      %get3A_1119 = tpu.vector_load %arg8[%get3A_1115, %get3A_1116, %get3A_1117, %get3A_1118] {strides = array<i32>} : memref<4x16x8x64xf32, #tpu.memory_space<vmem>>, vector<16xf32>,
      %get3A_1120 = arith.index_cast %max3A_1075 : i32 to index
      %get3A_1121 = arith.constant 32 : index
      %get3A_1122 = tpu.vector_load %arg10[%get3A_1120, %get3A_1121] {strides = array<i32>} : memref<64x64xf32, #tpu.memory_space<vmem>>, vector<16xf32>,
      %select_n3A_1123 = arith.select %ge3A_1073, %get3A_1122, %get3A_1119 : vector<16xf32>
      %sub3A_1124 = arith.subf %get3A_1113, %select_n3A_1123 : vector<16xf32>
      %mul3A_1125 = arith.mulf %sub3A_1124, %sub3A_1124 : vector<16xf32>
      %add3A_1126 = arith.addf %scan3A_820, %mul3A_1125 : vector<16xf32>
      %get3A_1127 = arith.index_cast %add3A_1079 : i32 to index
      %get3A_1128 = arith.constant 48 : index
      %get3A_1129 = tpu.vector_load %arg9[%get3A_1127, %get3A_1128] {strides = array<i32>} : memref<256x128xf32, #tpu.memory_space<vmem>>, vector<16xf32>,
      %get3A_1130 = arith.constant 0 : i32
      %get3A_1131 = arith.index_cast %rem3A_825 : i32 to index
      %get3A_1132 = arith.index_cast %get3A_1130 : i32 to index
      %get3A_1133 = arith.index_cast %and3A_1072 : i32 to index
      %get3A_1134 = arith.constant 48 : index
      %get3A_1135 = tpu.vector_load %arg8[%get3A_1131, %get3A_1132, %get3A_1133, %get3A_1134] {strides = array<i32>} : memref<4x16x8x64xf32, #tpu.memory_space<vmem>>, vector<16xf32>,
      %get3A_1136 = arith.index_cast %max3A_1075 : i32 to index
      %get3A_1137 = arith.constant 48 : index
      %get3A_1138 = tpu.vector_load %arg10[%get3A_1136, %get3A_1137] {strides = array<i32>} : memref<64x64xf32, #tpu.memory_space<vmem>>, vector<16xf32>,
      %select_n3A_1139 = arith.select %ge3A_1073, %get3A_1138, %get3A_1135 : vector<16xf32>
      %sub3A_1140 = arith.subf %get3A_1129, %select_n3A_1139 : vector<16xf32>
      %mul3A_1141 = arith.mulf %sub3A_1140, %sub3A_1140 : vector<16xf32>
      %add3A_1142 = arith.addf %scan3A_821, %mul3A_1141 : vector<16xf32>
      %slice3A_1143 = vector.extract_strided_slice %get3A_1069 {offsets = [1], sizes = [1], strides = [1]} : vector<16xi32> to vector<1xi32>
      %squeeze3A_1144 = vector.extract %slice3A_1143[0] : i32 from vector<1xi32>
      %and3A_1145 = arith.constant 7 : i32
      %and3A_1146 = arith.andi %squeeze3A_1144, %and3A_1145 : i32
      %ge3A_1147 = arith.constant 999936 : i32
      %ge3A_1148 = arith.cmpi sge, %squeeze3A_1144, %ge3A_1147 : i32
      %sub3A_1149 = arith.constant 999936 : i32
      %sub3A_1150 = arith.subi %squeeze3A_1144, %sub3A_1149 : i32
      %max3A_1151 = arith.constant 0 : i32
      %max3A_1152 = arith.maxsi %sub3A_1150, %max3A_1151 : i32
      %mul3A_1153 = arith.constant 8 : i32
      %mul3A_1154 = arith.muli %scan3A_817, %mul3A_1153 : i32
      %add3A_1155 = arith.constant 0 : i32
      %add3A_1156 = arith.addi %mul3A_1154, %add3A_1155 : i32
      %get3A_1157 = arith.index_cast %add3A_1156 : i32 to index
      %get3A_1158 = arith.constant 64 : index
      %get3A_1159 = tpu.vector_load %arg9[%get3A_1157, %get3A_1158] {strides = array<i32>} : memref<256x128xf32, #tpu.memory_space<vmem>>, vector<16xf32>,
      %get3A_1160 = arith.constant 1 : i32
      %get3A_1161 = arith.index_cast %rem3A_825 : i32 to index
      %get3A_1162 = arith.index_cast %get3A_1160 : i32 to index
      %get3A_1163 = arith.index_cast %and3A_1146 : i32 to index
      %get3A_1164 = arith.constant 0 : index
      %get3A_1165 = tpu.vector_load %arg8[%get3A_1161, %get3A_1162, %get3A_1163, %get3A_1164] {strides = array<i32>} : memref<4x16x8x64xf32, #tpu.memory_space<vmem>>, vector<16xf32>,
      %get3A_1166 = arith.index_cast %max3A_1152 : i32 to index
      %get3A_1167 = arith.constant 0 : index
      %get3A_1168 = tpu.vector_load %arg10[%get3A_1166, %get3A_1167] {strides = array<i32>} : memref<64x64xf32, #tpu.memory_space<vmem>>, vector<16xf32>,
      %select_n3A_1169 = arith.select %ge3A_1148, %get3A_1168, %get3A_1165 : vector<16xf32>
      %sub3A_1170 = arith.subf %get3A_1159, %select_n3A_1169 : vector<16xf32>
      %mul3A_1171 = arith.mulf %sub3A_1170, %sub3A_1170 : vector<16xf32>
      %add3A_1172 = arith.addf %add3A_1094, %mul3A_1171 : vector<16xf32>
      %get3A_1173 = arith.index_cast %add3A_1156 : i32 to index
      %get3A_1174 = arith.constant 80 : index
      %get3A_1175 = tpu.vector_load %arg9[%get3A_1173, %get3A_1174] {strides = array<i32>} : memref<256x128xf32, #tpu.memory_space<vmem>>, vector<16xf32>,
      %get3A_1176 = arith.constant 1 : i32
      %get3A_1177 = arith.index_cast %rem3A_825 : i32 to index
      %get3A_1178 = arith.index_cast %get3A_1176 : i32 to index
      %get3A_1179 = arith.index_cast %and3A_1146 : i32 to index
      %get3A_1180 = arith.constant 16 : index
      %get3A_1181 = tpu.vector_load %arg8[%get3A_1177, %get3A_1178, %get3A_1179, %get3A_1180] {strides = array<i32>} : memref<4x16x8x64xf32, #tpu.memory_space<vmem>>, vector<16xf32>,
      %get3A_1182 = arith.index_cast %max3A_1152 : i32 to index
      %get3A_1183 = arith.constant 16 : index
      %get3A_1184 = tpu.vector_load %arg10[%get3A_1182, %get3A_1183] {strides = array<i32>} : memref<64x64xf32, #tpu.memory_space<vmem>>, vector<16xf32>,
      %select_n3A_1185 = arith.select %ge3A_1148, %get3A_1184, %get3A_1181 : vector<16xf32>
      %sub3A_1186 = arith.subf %get3A_1175, %select_n3A_1185 : vector<16xf32>
      %mul3A_1187 = arith.mulf %sub3A_1186, %sub3A_1186 : vector<16xf32>
      %add3A_1188 = arith.addf %add3A_1110, %mul3A_1187 : vector<16xf32>
      %get3A_1189 = arith.index_cast %add3A_1156 : i32 to index
      %get3A_1190 = arith.constant 96 : index
      %get3A_1191 = tpu.vector_load %arg9[%get3A_1189, %get3A_1190] {strides = array<i32>} : memref<256x128xf32, #tpu.memory_space<vmem>>, vector<16xf32>,
      %get3A_1192 = arith.constant 1 : i32
      %get3A_1193 = arith.index_cast %rem3A_825 : i32 to index
      %get3A_1194 = arith.index_cast %get3A_1192 : i32 to index
      %get3A_1195 = arith.index_cast %and3A_1146 : i32 to index
      %get3A_1196 = arith.constant 32 : index
      %get3A_1197 = tpu.vector_load %arg8[%get3A_1193, %get3A_1194, %get3A_1195, %get3A_1196] {strides = array<i32>} : memref<4x16x8x64xf32, #tpu.memory_space<vmem>>, vector<16xf32>,
      %get3A_1198 = arith.index_cast %max3A_1152 : i32 to index
      %get3A_1199 = arith.constant 32 : index
      %get3A_1200 = tpu.vector_load %arg10[%get3A_1198, %get3A_1199] {strides = array<i32>} : memref<64x64xf32, #tpu.memory_space<vmem>>, vector<16xf32>,
      %select_n3A_1201 = arith.select %ge3A_1148, %get3A_1200, %get3A_1197 : vector<16xf32>
      %sub3A_1202 = arith.subf %get3A_1191, %select_n3A_1201 : vector<16xf32>
      %mul3A_1203 = arith.mulf %sub3A_1202, %sub3A_1202 : vector<16xf32>
      %add3A_1204 = arith.addf %add3A_1126, %mul3A_1203 : vector<16xf32>
      %get3A_1205 = arith.index_cast %add3A_1156 : i32 to index
      %get3A_1206 = arith.constant 112 : index
      %get3A_1207 = tpu.vector_load %arg9[%get3A_1205, %get3A_1206] {strides = array<i32>} : memref<256x128xf32, #tpu.memory_space<vmem>>, vector<16xf32>,
      %get3A_1208 = arith.constant 1 : i32
      %get3A_1209 = arith.index_cast %rem3A_825 : i32 to index
      %get3A_1210 = arith.index_cast %get3A_1208 : i32 to index
      %get3A_1211 = arith.index_cast %and3A_1146 : i32 to index
      %get3A_1212 = arith.constant 48 : index
      %get3A_1213 = tpu.vector_load %arg8[%get3A_1209, %get3A_1210, %get3A_1211, %get3A_1212] {strides = array<i32>} : memref<4x16x8x64xf32, #tpu.memory_space<vmem>>, vector<16xf32>,
      %get3A_1214 = arith.index_cast %max3A_1152 : i32 to index
      %get3A_1215 = arith.constant 48 : index
      %get3A_1216 = tpu.vector_load %arg10[%get3A_1214, %get3A_1215] {strides = array<i32>} : memref<64x64xf32, #tpu.memory_space<vmem>>, vector<16xf32>,
      %select_n3A_1217 = arith.select %ge3A_1148, %get3A_1216, %get3A_1213 : vector<16xf32>
      %sub3A_1218 = arith.subf %get3A_1207, %select_n3A_1217 : vector<16xf32>
      %mul3A_1219 = arith.mulf %sub3A_1218, %sub3A_1218 : vector<16xf32>
      %add3A_1220 = arith.addf %add3A_1142, %mul3A_1219 : vector<16xf32>
      %slice3A_1221 = vector.extract_strided_slice %get3A_1069 {offsets = [2], sizes = [1], strides = [1]} : vector<16xi32> to vector<1xi32>
      %squeeze3A_1222 = vector.extract %slice3A_1221[0] : i32 from vector<1xi32>
      %and3A_1223 = arith.constant 7 : i32
      %and3A_1224 = arith.andi %squeeze3A_1222, %and3A_1223 : i32
      %ge3A_1225 = arith.constant 999936 : i32
      %ge3A_1226 = arith.cmpi sge, %squeeze3A_1222, %ge3A_1225 : i32
      %sub3A_1227 = arith.constant 999936 : i32
      %sub3A_1228 = arith.subi %squeeze3A_1222, %sub3A_1227 : i32
      %max3A_1229 = arith.constant 0 : i32
      %max3A_1230 = arith.maxsi %sub3A_1228, %max3A_1229 : i32
      %mul3A_1231 = arith.constant 8 : i32
      %mul3A_1232 = arith.muli %scan3A_817, %mul3A_1231 : i32
      %add3A_1233 = arith.constant 1 : i32
      %add3A_1234 = arith.addi %mul3A_1232, %add3A_1233 : i32
      %get3A_1235 = arith.index_cast %add3A_1234 : i32 to index
      %get3A_1236 = arith.constant 0 : index
      %get3A_1237 = tpu.vector_load %arg9[%get3A_1235, %get3A_1236] {strides = array<i32>} : memref<256x128xf32, #tpu.memory_space<vmem>>, vector<16xf32>,
      %get3A_1238 = arith.constant 2 : i32
      %get3A_1239 = arith.index_cast %rem3A_825 : i32 to index
      %get3A_1240 = arith.index_cast %get3A_1238 : i32 to index
      %get3A_1241 = arith.index_cast %and3A_1224 : i32 to index
      %get3A_1242 = arith.constant 0 : index
      %get3A_1243 = tpu.vector_load %arg8[%get3A_1239, %get3A_1240, %get3A_1241, %get3A_1242] {strides = array<i32>} : memref<4x16x8x64xf32, #tpu.memory_space<vmem>>, vector<16xf32>,
      %get3A_1244 = arith.index_cast %max3A_1230 : i32 to index
      %get3A_1245 = arith.constant 0 : index
      %get3A_1246 = tpu.vector_load %arg10[%get3A_1244, %get3A_1245] {strides = array<i32>} : memref<64x64xf32, #tpu.memory_space<vmem>>, vector<16xf32>,
      %select_n3A_1247 = arith.select %ge3A_1226, %get3A_1246, %get3A_1243 : vector<16xf32>
      %sub3A_1248 = arith.subf %get3A_1237, %select_n3A_1247 : vector<16xf32>
      %mul3A_1249 = arith.mulf %sub3A_1248, %sub3A_1248 : vector<16xf32>
      %add3A_1250 = arith.addf %add3A_1172, %mul3A_1249 : vector<16xf32>
      %get3A_1251 = arith.index_cast %add3A_1234 : i32 to index
      %get3A_1252 = arith.constant 16 : index
      %get3A_1253 = tpu.vector_load %arg9[%get3A_1251, %get3A_1252] {strides = array<i32>} : memref<256x128xf32, #tpu.memory_space<vmem>>, vector<16xf32>,
      %get3A_1254 = arith.constant 2 : i32
      %get3A_1255 = arith.index_cast %rem3A_825 : i32 to index
      %get3A_1256 = arith.index_cast %get3A_1254 : i32 to index
      %get3A_1257 = arith.index_cast %and3A_1224 : i32 to index
      %get3A_1258 = arith.constant 16 : index
      %get3A_1259 = tpu.vector_load %arg8[%get3A_1255, %get3A_1256, %get3A_1257, %get3A_1258] {strides = array<i32>} : memref<4x16x8x64xf32, #tpu.memory_space<vmem>>, vector<16xf32>,
      %get3A_1260 = arith.index_cast %max3A_1230 : i32 to index
      %get3A_1261 = arith.constant 16 : index
      %get3A_1262 = tpu.vector_load %arg10[%get3A_1260, %get3A_1261] {strides = array<i32>} : memref<64x64xf32, #tpu.memory_space<vmem>>, vector<16xf32>,
      %select_n3A_1263 = arith.select %ge3A_1226, %get3A_1262, %get3A_1259 : vector<16xf32>
      %sub3A_1264 = arith.subf %get3A_1253, %select_n3A_1263 : vector<16xf32>
      %mul3A_1265 = arith.mulf %sub3A_1264, %sub3A_1264 : vector<16xf32>
      %add3A_1266 = arith.addf %add3A_1188, %mul3A_1265 : vector<16xf32>
      %get3A_1267 = arith.index_cast %add3A_1234 : i32 to index
      %get3A_1268 = arith.constant 32 : index
      %get3A_1269 = tpu.vector_load %arg9[%get3A_1267, %get3A_1268] {strides = array<i32>} : memref<256x128xf32, #tpu.memory_space<vmem>>, vector<16xf32>,
      %get3A_1270 = arith.constant 2 : i32
      %get3A_1271 = arith.index_cast %rem3A_825 : i32 to index
      %get3A_1272 = arith.index_cast %get3A_1270 : i32 to index
      %get3A_1273 = arith.index_cast %and3A_1224 : i32 to index
      %get3A_1274 = arith.constant 32 : index
      %get3A_1275 = tpu.vector_load %arg8[%get3A_1271, %get3A_1272, %get3A_1273, %get3A_1274] {strides = array<i32>} : memref<4x16x8x64xf32, #tpu.memory_space<vmem>>, vector<16xf32>,
      %get3A_1276 = arith.index_cast %max3A_1230 : i32 to index
      %get3A_1277 = arith.constant 32 : index
      %get3A_1278 = tpu.vector_load %arg10[%get3A_1276, %get3A_1277] {strides = array<i32>} : memref<64x64xf32, #tpu.memory_space<vmem>>, vector<16xf32>,
      %select_n3A_1279 = arith.select %ge3A_1226, %get3A_1278, %get3A_1275 : vector<16xf32>
      %sub3A_1280 = arith.subf %get3A_1269, %select_n3A_1279 : vector<16xf32>
      %mul3A_1281 = arith.mulf %sub3A_1280, %sub3A_1280 : vector<16xf32>
      %add3A_1282 = arith.addf %add3A_1204, %mul3A_1281 : vector<16xf32>
      %get3A_1283 = arith.index_cast %add3A_1234 : i32 to index
      %get3A_1284 = arith.constant 48 : index
      %get3A_1285 = tpu.vector_load %arg9[%get3A_1283, %get3A_1284] {strides = array<i32>} : memref<256x128xf32, #tpu.memory_space<vmem>>, vector<16xf32>,
      %get3A_1286 = arith.constant 2 : i32
      %get3A_1287 = arith.index_cast %rem3A_825 : i32 to index
      %get3A_1288 = arith.index_cast %get3A_1286 : i32 to index
      %get3A_1289 = arith.index_cast %and3A_1224 : i32 to index
      %get3A_1290 = arith.constant 48 : index
      %get3A_1291 = tpu.vector_load %arg8[%get3A_1287, %get3A_1288, %get3A_1289, %get3A_1290] {strides = array<i32>} : memref<4x16x8x64xf32, #tpu.memory_space<vmem>>, vector<16xf32>,
      %get3A_1292 = arith.index_cast %max3A_1230 : i32 to index
      %get3A_1293 = arith.constant 48 : index
      %get3A_1294 = tpu.vector_load %arg10[%get3A_1292, %get3A_1293] {strides = array<i32>} : memref<64x64xf32, #tpu.memory_space<vmem>>, vector<16xf32>,
      %select_n3A_1295 = arith.select %ge3A_1226, %get3A_1294, %get3A_1291 : vector<16xf32>
      %sub3A_1296 = arith.subf %get3A_1285, %select_n3A_1295 : vector<16xf32>
      %mul3A_1297 = arith.mulf %sub3A_1296, %sub3A_1296 : vector<16xf32>
      %add3A_1298 = arith.addf %add3A_1220, %mul3A_1297 : vector<16xf32>
      %slice3A_1299 = vector.extract_strided_slice %get3A_1069 {offsets = [3], sizes = [1], strides = [1]} : vector<16xi32> to vector<1xi32>
      %squeeze3A_1300 = vector.extract %slice3A_1299[0] : i32 from vector<1xi32>
      %and3A_1301 = arith.constant 7 : i32
      %and3A_1302 = arith.andi %squeeze3A_1300, %and3A_1301 : i32
      %ge3A_1303 = arith.constant 999936 : i32
      %ge3A_1304 = arith.cmpi sge, %squeeze3A_1300, %ge3A_1303 : i32
      %sub3A_1305 = arith.constant 999936 : i32
      %sub3A_1306 = arith.subi %squeeze3A_1300, %sub3A_1305 : i32
      %max3A_1307 = arith.constant 0 : i32
      %max3A_1308 = arith.maxsi %sub3A_1306, %max3A_1307 : i32
      %mul3A_1309 = arith.constant 8 : i32
      %mul3A_1310 = arith.muli %scan3A_817, %mul3A_1309 : i32
      %add3A_1311 = arith.constant 1 : i32
      %add3A_1312 = arith.addi %mul3A_1310, %add3A_1311 : i32
      %get3A_1313 = arith.index_cast %add3A_1312 : i32 to index
      %get3A_1314 = arith.constant 64 : index
      %get3A_1315 = tpu.vector_load %arg9[%get3A_1313, %get3A_1314] {strides = array<i32>} : memref<256x128xf32, #tpu.memory_space<vmem>>, vector<16xf32>,
      %get3A_1316 = arith.constant 3 : i32
      %get3A_1317 = arith.index_cast %rem3A_825 : i32 to index
      %get3A_1318 = arith.index_cast %get3A_1316 : i32 to index
      %get3A_1319 = arith.index_cast %and3A_1302 : i32 to index
      %get3A_1320 = arith.constant 0 : index
      %get3A_1321 = tpu.vector_load %arg8[%get3A_1317, %get3A_1318, %get3A_1319, %get3A_1320] {strides = array<i32>} : memref<4x16x8x64xf32, #tpu.memory_space<vmem>>, vector<16xf32>,
      %get3A_1322 = arith.index_cast %max3A_1308 : i32 to index
      %get3A_1323 = arith.constant 0 : index
      %get3A_1324 = tpu.vector_load %arg10[%get3A_1322, %get3A_1323] {strides = array<i32>} : memref<64x64xf32, #tpu.memory_space<vmem>>, vector<16xf32>,
      %select_n3A_1325 = arith.select %ge3A_1304, %get3A_1324, %get3A_1321 : vector<16xf32>
      %sub3A_1326 = arith.subf %get3A_1315, %select_n3A_1325 : vector<16xf32>
      %mul3A_1327 = arith.mulf %sub3A_1326, %sub3A_1326 : vector<16xf32>
      %add3A_1328 = arith.addf %add3A_1250, %mul3A_1327 : vector<16xf32>
      %get3A_1329 = arith.index_cast %add3A_1312 : i32 to index
      %get3A_1330 = arith.constant 80 : index
      %get3A_1331 = tpu.vector_load %arg9[%get3A_1329, %get3A_1330] {strides = array<i32>} : memref<256x128xf32, #tpu.memory_space<vmem>>, vector<16xf32>,
      %get3A_1332 = arith.constant 3 : i32
      %get3A_1333 = arith.index_cast %rem3A_825 : i32 to index
      %get3A_1334 = arith.index_cast %get3A_1332 : i32 to index
      %get3A_1335 = arith.index_cast %and3A_1302 : i32 to index
      %get3A_1336 = arith.constant 16 : index
      %get3A_1337 = tpu.vector_load %arg8[%get3A_1333, %get3A_1334, %get3A_1335, %get3A_1336] {strides = array<i32>} : memref<4x16x8x64xf32, #tpu.memory_space<vmem>>, vector<16xf32>,
      %get3A_1338 = arith.index_cast %max3A_1308 : i32 to index
      %get3A_1339 = arith.constant 16 : index
      %get3A_1340 = tpu.vector_load %arg10[%get3A_1338, %get3A_1339] {strides = array<i32>} : memref<64x64xf32, #tpu.memory_space<vmem>>, vector<16xf32>,
      %select_n3A_1341 = arith.select %ge3A_1304, %get3A_1340, %get3A_1337 : vector<16xf32>
      %sub3A_1342 = arith.subf %get3A_1331, %select_n3A_1341 : vector<16xf32>
      %mul3A_1343 = arith.mulf %sub3A_1342, %sub3A_1342 : vector<16xf32>
      %add3A_1344 = arith.addf %add3A_1266, %mul3A_1343 : vector<16xf32>
      %get3A_1345 = arith.index_cast %add3A_1312 : i32 to index
      %get3A_1346 = arith.constant 96 : index
      %get3A_1347 = tpu.vector_load %arg9[%get3A_1345, %get3A_1346] {strides = array<i32>} : memref<256x128xf32, #tpu.memory_space<vmem>>, vector<16xf32>,
      %get3A_1348 = arith.constant 3 : i32
      %get3A_1349 = arith.index_cast %rem3A_825 : i32 to index
      %get3A_1350 = arith.index_cast %get3A_1348 : i32 to index
      %get3A_1351 = arith.index_cast %and3A_1302 : i32 to index
      %get3A_1352 = arith.constant 32 : index
      %get3A_1353 = tpu.vector_load %arg8[%get3A_1349, %get3A_1350, %get3A_1351, %get3A_1352] {strides = array<i32>} : memref<4x16x8x64xf32, #tpu.memory_space<vmem>>, vector<16xf32>,
      %get3A_1354 = arith.index_cast %max3A_1308 : i32 to index
      %get3A_1355 = arith.constant 32 : index
      %get3A_1356 = tpu.vector_load %arg10[%get3A_1354, %get3A_1355] {strides = array<i32>} : memref<64x64xf32, #tpu.memory_space<vmem>>, vector<16xf32>,
      %select_n3A_1357 = arith.select %ge3A_1304, %get3A_1356, %get3A_1353 : vector<16xf32>
      %sub3A_1358 = arith.subf %get3A_1347, %select_n3A_1357 : vector<16xf32>
      %mul3A_1359 = arith.mulf %sub3A_1358, %sub3A_1358 : vector<16xf32>
      %add3A_1360 = arith.addf %add3A_1282, %mul3A_1359 : vector<16xf32>
      %get3A_1361 = arith.index_cast %add3A_1312 : i32 to index
      %get3A_1362 = arith.constant 112 : index
      %get3A_1363 = tpu.vector_load %arg9[%get3A_1361, %get3A_1362] {strides = array<i32>} : memref<256x128xf32, #tpu.memory_space<vmem>>, vector<16xf32>,
      %get3A_1364 = arith.constant 3 : i32
      %get3A_1365 = arith.index_cast %rem3A_825 : i32 to index
      %get3A_1366 = arith.index_cast %get3A_1364 : i32 to index
      %get3A_1367 = arith.index_cast %and3A_1302 : i32 to index
      %get3A_1368 = arith.constant 48 : index
      %get3A_1369 = tpu.vector_load %arg8[%get3A_1365, %get3A_1366, %get3A_1367, %get3A_1368] {strides = array<i32>} : memref<4x16x8x64xf32, #tpu.memory_space<vmem>>, vector<16xf32>,
      %get3A_1370 = arith.index_cast %max3A_1308 : i32 to index
      %get3A_1371 = arith.constant 48 : index
      %get3A_1372 = tpu.vector_load %arg10[%get3A_1370, %get3A_1371] {strides = array<i32>} : memref<64x64xf32, #tpu.memory_space<vmem>>, vector<16xf32>,
      %select_n3A_1373 = arith.select %ge3A_1304, %get3A_1372, %get3A_1369 : vector<16xf32>
      %sub3A_1374 = arith.subf %get3A_1363, %select_n3A_1373 : vector<16xf32>
      %mul3A_1375 = arith.mulf %sub3A_1374, %sub3A_1374 : vector<16xf32>
      %add3A_1376 = arith.addf %add3A_1298, %mul3A_1375 : vector<16xf32>
      %slice3A_1377 = vector.extract_strided_slice %get3A_1069 {offsets = [4], sizes = [1], strides = [1]} : vector<16xi32> to vector<1xi32>
      %squeeze3A_1378 = vector.extract %slice3A_1377[0] : i32 from vector<1xi32>
      %and3A_1379 = arith.constant 7 : i32
      %and3A_1380 = arith.andi %squeeze3A_1378, %and3A_1379 : i32
      %ge3A_1381 = arith.constant 999936 : i32
      %ge3A_1382 = arith.cmpi sge, %squeeze3A_1378, %ge3A_1381 : i32
      %sub3A_1383 = arith.constant 999936 : i32
      %sub3A_1384 = arith.subi %squeeze3A_1378, %sub3A_1383 : i32
      %max3A_1385 = arith.constant 0 : i32
      %max3A_1386 = arith.maxsi %sub3A_1384, %max3A_1385 : i32
      %mul3A_1387 = arith.constant 8 : i32
      %mul3A_1388 = arith.muli %scan3A_817, %mul3A_1387 : i32
      %add3A_1389 = arith.constant 2 : i32
      %add3A_1390 = arith.addi %mul3A_1388, %add3A_1389 : i32
      %get3A_1391 = arith.index_cast %add3A_1390 : i32 to index
      %get3A_1392 = arith.constant 0 : index
      %get3A_1393 = tpu.vector_load %arg9[%get3A_1391, %get3A_1392] {strides = array<i32>} : memref<256x128xf32, #tpu.memory_space<vmem>>, vector<16xf32>,
      %get3A_1394 = arith.constant 4 : i32
      %get3A_1395 = arith.index_cast %rem3A_825 : i32 to index
      %get3A_1396 = arith.index_cast %get3A_1394 : i32 to index
      %get3A_1397 = arith.index_cast %and3A_1380 : i32 to index
      %get3A_1398 = arith.constant 0 : index
      %get3A_1399 = tpu.vector_load %arg8[%get3A_1395, %get3A_1396, %get3A_1397, %get3A_1398] {strides = array<i32>} : memref<4x16x8x64xf32, #tpu.memory_space<vmem>>, vector<16xf32>,
      %get3A_1400 = arith.index_cast %max3A_1386 : i32 to index
      %get3A_1401 = arith.constant 0 : index
      %get3A_1402 = tpu.vector_load %arg10[%get3A_1400, %get3A_1401] {strides = array<i32>} : memref<64x64xf32, #tpu.memory_space<vmem>>, vector<16xf32>,
      %select_n3A_1403 = arith.select %ge3A_1382, %get3A_1402, %get3A_1399 : vector<16xf32>
      %sub3A_1404 = arith.subf %get3A_1393, %select_n3A_1403 : vector<16xf32>
      %mul3A_1405 = arith.mulf %sub3A_1404, %sub3A_1404 : vector<16xf32>
      %add3A_1406 = arith.addf %add3A_1328, %mul3A_1405 : vector<16xf32>
      %get3A_1407 = arith.index_cast %add3A_1390 : i32 to index
      %get3A_1408 = arith.constant 16 : index
      %get3A_1409 = tpu.vector_load %arg9[%get3A_1407, %get3A_1408] {strides = array<i32>} : memref<256x128xf32, #tpu.memory_space<vmem>>, vector<16xf32>,
      %get3A_1410 = arith.constant 4 : i32
      %get3A_1411 = arith.index_cast %rem3A_825 : i32 to index
      %get3A_1412 = arith.index_cast %get3A_1410 : i32 to index
      %get3A_1413 = arith.index_cast %and3A_1380 : i32 to index
      %get3A_1414 = arith.constant 16 : index
      %get3A_1415 = tpu.vector_load %arg8[%get3A_1411, %get3A_1412, %get3A_1413, %get3A_1414] {strides = array<i32>} : memref<4x16x8x64xf32, #tpu.memory_space<vmem>>, vector<16xf32>,
      %get3A_1416 = arith.index_cast %max3A_1386 : i32 to index
      %get3A_1417 = arith.constant 16 : index
      %get3A_1418 = tpu.vector_load %arg10[%get3A_1416, %get3A_1417] {strides = array<i32>} : memref<64x64xf32, #tpu.memory_space<vmem>>, vector<16xf32>,
      %select_n3A_1419 = arith.select %ge3A_1382, %get3A_1418, %get3A_1415 : vector<16xf32>
      %sub3A_1420 = arith.subf %get3A_1409, %select_n3A_1419 : vector<16xf32>
      %mul3A_1421 = arith.mulf %sub3A_1420, %sub3A_1420 : vector<16xf32>
      %add3A_1422 = arith.addf %add3A_1344, %mul3A_1421 : vector<16xf32>
      %get3A_1423 = arith.index_cast %add3A_1390 : i32 to index
      %get3A_1424 = arith.constant 32 : index
      %get3A_1425 = tpu.vector_load %arg9[%get3A_1423, %get3A_1424] {strides = array<i32>} : memref<256x128xf32, #tpu.memory_space<vmem>>, vector<16xf32>,
      %get3A_1426 = arith.constant 4 : i32
      %get3A_1427 = arith.index_cast %rem3A_825 : i32 to index
      %get3A_1428 = arith.index_cast %get3A_1426 : i32 to index
      %get3A_1429 = arith.index_cast %and3A_1380 : i32 to index
      %get3A_1430 = arith.constant 32 : index
      %get3A_1431 = tpu.vector_load %arg8[%get3A_1427, %get3A_1428, %get3A_1429, %get3A_1430] {strides = array<i32>} : memref<4x16x8x64xf32, #tpu.memory_space<vmem>>, vector<16xf32>,
      %get3A_1432 = arith.index_cast %max3A_1386 : i32 to index
      %get3A_1433 = arith.constant 32 : index
      %get3A_1434 = tpu.vector_load %arg10[%get3A_1432, %get3A_1433] {strides = array<i32>} : memref<64x64xf32, #tpu.memory_space<vmem>>, vector<16xf32>,
      %select_n3A_1435 = arith.select %ge3A_1382, %get3A_1434, %get3A_1431 : vector<16xf32>
      %sub3A_1436 = arith.subf %get3A_1425, %select_n3A_1435 : vector<16xf32>
      %mul3A_1437 = arith.mulf %sub3A_1436, %sub3A_1436 : vector<16xf32>
      %add3A_1438 = arith.addf %add3A_1360, %mul3A_1437 : vector<16xf32>
      %get3A_1439 = arith.index_cast %add3A_1390 : i32 to index
      %get3A_1440 = arith.constant 48 : index
      %get3A_1441 = tpu.vector_load %arg9[%get3A_1439, %get3A_1440] {strides = array<i32>} : memref<256x128xf32, #tpu.memory_space<vmem>>, vector<16xf32>,
      %get3A_1442 = arith.constant 4 : i32
      %get3A_1443 = arith.index_cast %rem3A_825 : i32 to index
      %get3A_1444 = arith.index_cast %get3A_1442 : i32 to index
      %get3A_1445 = arith.index_cast %and3A_1380 : i32 to index
      %get3A_1446 = arith.constant 48 : index
      %get3A_1447 = tpu.vector_load %arg8[%get3A_1443, %get3A_1444, %get3A_1445, %get3A_1446] {strides = array<i32>} : memref<4x16x8x64xf32, #tpu.memory_space<vmem>>, vector<16xf32>,
      %get3A_1448 = arith.index_cast %max3A_1386 : i32 to index
      %get3A_1449 = arith.constant 48 : index
      %get3A_1450 = tpu.vector_load %arg10[%get3A_1448, %get3A_1449] {strides = array<i32>} : memref<64x64xf32, #tpu.memory_space<vmem>>, vector<16xf32>,
      %select_n3A_1451 = arith.select %ge3A_1382, %get3A_1450, %get3A_1447 : vector<16xf32>
      %sub3A_1452 = arith.subf %get3A_1441, %select_n3A_1451 : vector<16xf32>
      %mul3A_1453 = arith.mulf %sub3A_1452, %sub3A_1452 : vector<16xf32>
      %add3A_1454 = arith.addf %add3A_1376, %mul3A_1453 : vector<16xf32>
      %slice3A_1455 = vector.extract_strided_slice %get3A_1069 {offsets = [5], sizes = [1], strides = [1]} : vector<16xi32> to vector<1xi32>
      %squeeze3A_1456 = vector.extract %slice3A_1455[0] : i32 from vector<1xi32>
      %and3A_1457 = arith.constant 7 : i32
      %and3A_1458 = arith.andi %squeeze3A_1456, %and3A_1457 : i32
      %ge3A_1459 = arith.constant 999936 : i32
      %ge3A_1460 = arith.cmpi sge, %squeeze3A_1456, %ge3A_1459 : i32
      %sub3A_1461 = arith.constant 999936 : i32
      %sub3A_1462 = arith.subi %squeeze3A_1456, %sub3A_1461 : i32
      %max3A_1463 = arith.constant 0 : i32
      %max3A_1464 = arith.maxsi %sub3A_1462, %max3A_1463 : i32
      %mul3A_1465 = arith.constant 8 : i32
      %mul3A_1466 = arith.muli %scan3A_817, %mul3A_1465 : i32
      %add3A_1467 = arith.constant 2 : i32
      %add3A_1468 = arith.addi %mul3A_1466, %add3A_1467 : i32
      %get3A_1469 = arith.index_cast %add3A_1468 : i32 to index
      %get3A_1470 = arith.constant 64 : index
      %get3A_1471 = tpu.vector_load %arg9[%get3A_1469, %get3A_1470] {strides = array<i32>} : memref<256x128xf32, #tpu.memory_space<vmem>>, vector<16xf32>,
      %get3A_1472 = arith.constant 5 : i32
      %get3A_1473 = arith.index_cast %rem3A_825 : i32 to index
      %get3A_1474 = arith.index_cast %get3A_1472 : i32 to index
      %get3A_1475 = arith.index_cast %and3A_1458 : i32 to index
      %get3A_1476 = arith.constant 0 : index
      %get3A_1477 = tpu.vector_load %arg8[%get3A_1473, %get3A_1474, %get3A_1475, %get3A_1476] {strides = array<i32>} : memref<4x16x8x64xf32, #tpu.memory_space<vmem>>, vector<16xf32>,
      %get3A_1478 = arith.index_cast %max3A_1464 : i32 to index
      %get3A_1479 = arith.constant 0 : index
      %get3A_1480 = tpu.vector_load %arg10[%get3A_1478, %get3A_1479] {strides = array<i32>} : memref<64x64xf32, #tpu.memory_space<vmem>>, vector<16xf32>,
      %select_n3A_1481 = arith.select %ge3A_1460, %get3A_1480, %get3A_1477 : vector<16xf32>
      %sub3A_1482 = arith.subf %get3A_1471, %select_n3A_1481 : vector<16xf32>
      %mul3A_1483 = arith.mulf %sub3A_1482, %sub3A_1482 : vector<16xf32>
      %add3A_1484 = arith.addf %add3A_1406, %mul3A_1483 : vector<16xf32>
      %get3A_1485 = arith.index_cast %add3A_1468 : i32 to index
      %get3A_1486 = arith.constant 80 : index
      %get3A_1487 = tpu.vector_load %arg9[%get3A_1485, %get3A_1486] {strides = array<i32>} : memref<256x128xf32, #tpu.memory_space<vmem>>, vector<16xf32>,
      %get3A_1488 = arith.constant 5 : i32
      %get3A_1489 = arith.index_cast %rem3A_825 : i32 to index
      %get3A_1490 = arith.index_cast %get3A_1488 : i32 to index
      %get3A_1491 = arith.index_cast %and3A_1458 : i32 to index
      %get3A_1492 = arith.constant 16 : index
      %get3A_1493 = tpu.vector_load %arg8[%get3A_1489, %get3A_1490, %get3A_1491, %get3A_1492] {strides = array<i32>} : memref<4x16x8x64xf32, #tpu.memory_space<vmem>>, vector<16xf32>,
      %get3A_1494 = arith.index_cast %max3A_1464 : i32 to index
      %get3A_1495 = arith.constant 16 : index
      %get3A_1496 = tpu.vector_load %arg10[%get3A_1494, %get3A_1495] {strides = array<i32>} : memref<64x64xf32, #tpu.memory_space<vmem>>, vector<16xf32>,
      %select_n3A_1497 = arith.select %ge3A_1460, %get3A_1496, %get3A_1493 : vector<16xf32>
      %sub3A_1498 = arith.subf %get3A_1487, %select_n3A_1497 : vector<16xf32>
      %mul3A_1499 = arith.mulf %sub3A_1498, %sub3A_1498 : vector<16xf32>
      %add3A_1500 = arith.addf %add3A_1422, %mul3A_1499 : vector<16xf32>
      %get3A_1501 = arith.index_cast %add3A_1468 : i32 to index
      %get3A_1502 = arith.constant 96 : index
      %get3A_1503 = tpu.vector_load %arg9[%get3A_1501, %get3A_1502] {strides = array<i32>} : memref<256x128xf32, #tpu.memory_space<vmem>>, vector<16xf32>,
      %get3A_1504 = arith.constant 5 : i32
      %get3A_1505 = arith.index_cast %rem3A_825 : i32 to index
      %get3A_1506 = arith.index_cast %get3A_1504 : i32 to index
      %get3A_1507 = arith.index_cast %and3A_1458 : i32 to index
      %get3A_1508 = arith.constant 32 : index
      %get3A_1509 = tpu.vector_load %arg8[%get3A_1505, %get3A_1506, %get3A_1507, %get3A_1508] {strides = array<i32>} : memref<4x16x8x64xf32, #tpu.memory_space<vmem>>, vector<16xf32>,
      %get3A_1510 = arith.index_cast %max3A_1464 : i32 to index
      %get3A_1511 = arith.constant 32 : index
      %get3A_1512 = tpu.vector_load %arg10[%get3A_1510, %get3A_1511] {strides = array<i32>} : memref<64x64xf32, #tpu.memory_space<vmem>>, vector<16xf32>,
      %select_n3A_1513 = arith.select %ge3A_1460, %get3A_1512, %get3A_1509 : vector<16xf32>
      %sub3A_1514 = arith.subf %get3A_1503, %select_n3A_1513 : vector<16xf32>
      %mul3A_1515 = arith.mulf %sub3A_1514, %sub3A_1514 : vector<16xf32>
      %add3A_1516 = arith.addf %add3A_1438, %mul3A_1515 : vector<16xf32>
      %get3A_1517 = arith.index_cast %add3A_1468 : i32 to index
      %get3A_1518 = arith.constant 112 : index
      %get3A_1519 = tpu.vector_load %arg9[%get3A_1517, %get3A_1518] {strides = array<i32>} : memref<256x128xf32, #tpu.memory_space<vmem>>, vector<16xf32>,
      %get3A_1520 = arith.constant 5 : i32
      %get3A_1521 = arith.index_cast %rem3A_825 : i32 to index
      %get3A_1522 = arith.index_cast %get3A_1520 : i32 to index
      %get3A_1523 = arith.index_cast %and3A_1458 : i32 to index
      %get3A_1524 = arith.constant 48 : index
      %get3A_1525 = tpu.vector_load %arg8[%get3A_1521, %get3A_1522, %get3A_1523, %get3A_1524] {strides = array<i32>} : memref<4x16x8x64xf32, #tpu.memory_space<vmem>>, vector<16xf32>,
      %get3A_1526 = arith.index_cast %max3A_1464 : i32 to index
      %get3A_1527 = arith.constant 48 : index
      %get3A_1528 = tpu.vector_load %arg10[%get3A_1526, %get3A_1527] {strides = array<i32>} : memref<64x64xf32, #tpu.memory_space<vmem>>, vector<16xf32>,
      %select_n3A_1529 = arith.select %ge3A_1460, %get3A_1528, %get3A_1525 : vector<16xf32>
      %sub3A_1530 = arith.subf %get3A_1519, %select_n3A_1529 : vector<16xf32>
      %mul3A_1531 = arith.mulf %sub3A_1530, %sub3A_1530 : vector<16xf32>
      %add3A_1532 = arith.addf %add3A_1454, %mul3A_1531 : vector<16xf32>
      %slice3A_1533 = vector.extract_strided_slice %get3A_1069 {offsets = [6], sizes = [1], strides = [1]} : vector<16xi32> to vector<1xi32>
      %squeeze3A_1534 = vector.extract %slice3A_1533[0] : i32 from vector<1xi32>
      %and3A_1535 = arith.constant 7 : i32
      %and3A_1536 = arith.andi %squeeze3A_1534, %and3A_1535 : i32
      %ge3A_1537 = arith.constant 999936 : i32
      %ge3A_1538 = arith.cmpi sge, %squeeze3A_1534, %ge3A_1537 : i32
      %sub3A_1539 = arith.constant 999936 : i32
      %sub3A_1540 = arith.subi %squeeze3A_1534, %sub3A_1539 : i32
      %max3A_1541 = arith.constant 0 : i32
      %max3A_1542 = arith.maxsi %sub3A_1540, %max3A_1541 : i32
      %mul3A_1543 = arith.constant 8 : i32
      %mul3A_1544 = arith.muli %scan3A_817, %mul3A_1543 : i32
      %add3A_1545 = arith.constant 3 : i32
      %add3A_1546 = arith.addi %mul3A_1544, %add3A_1545 : i32
      %get3A_1547 = arith.index_cast %add3A_1546 : i32 to index
      %get3A_1548 = arith.constant 0 : index
      %get3A_1549 = tpu.vector_load %arg9[%get3A_1547, %get3A_1548] {strides = array<i32>} : memref<256x128xf32, #tpu.memory_space<vmem>>, vector<16xf32>,
      %get3A_1550 = arith.constant 6 : i32
      %get3A_1551 = arith.index_cast %rem3A_825 : i32 to index
      %get3A_1552 = arith.index_cast %get3A_1550 : i32 to index
      %get3A_1553 = arith.index_cast %and3A_1536 : i32 to index
      %get3A_1554 = arith.constant 0 : index
      %get3A_1555 = tpu.vector_load %arg8[%get3A_1551, %get3A_1552, %get3A_1553, %get3A_1554] {strides = array<i32>} : memref<4x16x8x64xf32, #tpu.memory_space<vmem>>, vector<16xf32>,
      %get3A_1556 = arith.index_cast %max3A_1542 : i32 to index
      %get3A_1557 = arith.constant 0 : index
      %get3A_1558 = tpu.vector_load %arg10[%get3A_1556, %get3A_1557] {strides = array<i32>} : memref<64x64xf32, #tpu.memory_space<vmem>>, vector<16xf32>,
      %select_n3A_1559 = arith.select %ge3A_1538, %get3A_1558, %get3A_1555 : vector<16xf32>
      %sub3A_1560 = arith.subf %get3A_1549, %select_n3A_1559 : vector<16xf32>
      %mul3A_1561 = arith.mulf %sub3A_1560, %sub3A_1560 : vector<16xf32>
      %add3A_1562 = arith.addf %add3A_1484, %mul3A_1561 : vector<16xf32>
      %get3A_1563 = arith.index_cast %add3A_1546 : i32 to index
      %get3A_1564 = arith.constant 16 : index
      %get3A_1565 = tpu.vector_load %arg9[%get3A_1563, %get3A_1564] {strides = array<i32>} : memref<256x128xf32, #tpu.memory_space<vmem>>, vector<16xf32>,
      %get3A_1566 = arith.constant 6 : i32
      %get3A_1567 = arith.index_cast %rem3A_825 : i32 to index
      %get3A_1568 = arith.index_cast %get3A_1566 : i32 to index
      %get3A_1569 = arith.index_cast %and3A_1536 : i32 to index
      %get3A_1570 = arith.constant 16 : index
      %get3A_1571 = tpu.vector_load %arg8[%get3A_1567, %get3A_1568, %get3A_1569, %get3A_1570] {strides = array<i32>} : memref<4x16x8x64xf32, #tpu.memory_space<vmem>>, vector<16xf32>,
      %get3A_1572 = arith.index_cast %max3A_1542 : i32 to index
      %get3A_1573 = arith.constant 16 : index
      %get3A_1574 = tpu.vector_load %arg10[%get3A_1572, %get3A_1573] {strides = array<i32>} : memref<64x64xf32, #tpu.memory_space<vmem>>, vector<16xf32>,
      %select_n3A_1575 = arith.select %ge3A_1538, %get3A_1574, %get3A_1571 : vector<16xf32>
      %sub3A_1576 = arith.subf %get3A_1565, %select_n3A_1575 : vector<16xf32>
      %mul3A_1577 = arith.mulf %sub3A_1576, %sub3A_1576 : vector<16xf32>
      %add3A_1578 = arith.addf %add3A_1500, %mul3A_1577 : vector<16xf32>
      %get3A_1579 = arith.index_cast %add3A_1546 : i32 to index
      %get3A_1580 = arith.constant 32 : index
      %get3A_1581 = tpu.vector_load %arg9[%get3A_1579, %get3A_1580] {strides = array<i32>} : memref<256x128xf32, #tpu.memory_space<vmem>>, vector<16xf32>,
      %get3A_1582 = arith.constant 6 : i32
      %get3A_1583 = arith.index_cast %rem3A_825 : i32 to index
      %get3A_1584 = arith.index_cast %get3A_1582 : i32 to index
      %get3A_1585 = arith.index_cast %and3A_1536 : i32 to index
      %get3A_1586 = arith.constant 32 : index
      %get3A_1587 = tpu.vector_load %arg8[%get3A_1583, %get3A_1584, %get3A_1585, %get3A_1586] {strides = array<i32>} : memref<4x16x8x64xf32, #tpu.memory_space<vmem>>, vector<16xf32>,
      %get3A_1588 = arith.index_cast %max3A_1542 : i32 to index
      %get3A_1589 = arith.constant 32 : index
      %get3A_1590 = tpu.vector_load %arg10[%get3A_1588, %get3A_1589] {strides = array<i32>} : memref<64x64xf32, #tpu.memory_space<vmem>>, vector<16xf32>,
      %select_n3A_1591 = arith.select %ge3A_1538, %get3A_1590, %get3A_1587 : vector<16xf32>
      %sub3A_1592 = arith.subf %get3A_1581, %select_n3A_1591 : vector<16xf32>
      %mul3A_1593 = arith.mulf %sub3A_1592, %sub3A_1592 : vector<16xf32>
      %add3A_1594 = arith.addf %add3A_1516, %mul3A_1593 : vector<16xf32>
      %get3A_1595 = arith.index_cast %add3A_1546 : i32 to index
      %get3A_1596 = arith.constant 48 : index
      %get3A_1597 = tpu.vector_load %arg9[%get3A_1595, %get3A_1596] {strides = array<i32>} : memref<256x128xf32, #tpu.memory_space<vmem>>, vector<16xf32>,
      %get3A_1598 = arith.constant 6 : i32
      %get3A_1599 = arith.index_cast %rem3A_825 : i32 to index
      %get3A_1600 = arith.index_cast %get3A_1598 : i32 to index
      %get3A_1601 = arith.index_cast %and3A_1536 : i32 to index
      %get3A_1602 = arith.constant 48 : index
      %get3A_1603 = tpu.vector_load %arg8[%get3A_1599, %get3A_1600, %get3A_1601, %get3A_1602] {strides = array<i32>} : memref<4x16x8x64xf32, #tpu.memory_space<vmem>>, vector<16xf32>,
      %get3A_1604 = arith.index_cast %max3A_1542 : i32 to index
      %get3A_1605 = arith.constant 48 : index
      %get3A_1606 = tpu.vector_load %arg10[%get3A_1604, %get3A_1605] {strides = array<i32>} : memref<64x64xf32, #tpu.memory_space<vmem>>, vector<16xf32>,
      %select_n3A_1607 = arith.select %ge3A_1538, %get3A_1606, %get3A_1603 : vector<16xf32>
      %sub3A_1608 = arith.subf %get3A_1597, %select_n3A_1607 : vector<16xf32>
      %mul3A_1609 = arith.mulf %sub3A_1608, %sub3A_1608 : vector<16xf32>
      %add3A_1610 = arith.addf %add3A_1532, %mul3A_1609 : vector<16xf32>
      %slice3A_1611 = vector.extract_strided_slice %get3A_1069 {offsets = [7], sizes = [1], strides = [1]} : vector<16xi32> to vector<1xi32>
      %squeeze3A_1612 = vector.extract %slice3A_1611[0] : i32 from vector<1xi32>
      %and3A_1613 = arith.constant 7 : i32
      %and3A_1614 = arith.andi %squeeze3A_1612, %and3A_1613 : i32
      %ge3A_1615 = arith.constant 999936 : i32
      %ge3A_1616 = arith.cmpi sge, %squeeze3A_1612, %ge3A_1615 : i32
      %sub3A_1617 = arith.constant 999936 : i32
      %sub3A_1618 = arith.subi %squeeze3A_1612, %sub3A_1617 : i32
      %max3A_1619 = arith.constant 0 : i32
      %max3A_1620 = arith.maxsi %sub3A_1618, %max3A_1619 : i32
      %mul3A_1621 = arith.constant 8 : i32
      %mul3A_1622 = arith.muli %scan3A_817, %mul3A_1621 : i32
      %add3A_1623 = arith.constant 3 : i32
      %add3A_1624 = arith.addi %mul3A_1622, %add3A_1623 : i32
      %get3A_1625 = arith.index_cast %add3A_1624 : i32 to index
      %get3A_1626 = arith.constant 64 : index
      %get3A_1627 = tpu.vector_load %arg9[%get3A_1625, %get3A_1626] {strides = array<i32>} : memref<256x128xf32, #tpu.memory_space<vmem>>, vector<16xf32>,
      %get3A_1628 = arith.constant 7 : i32
      %get3A_1629 = arith.index_cast %rem3A_825 : i32 to index
      %get3A_1630 = arith.index_cast %get3A_1628 : i32 to index
      %get3A_1631 = arith.index_cast %and3A_1614 : i32 to index
      %get3A_1632 = arith.constant 0 : index
      %get3A_1633 = tpu.vector_load %arg8[%get3A_1629, %get3A_1630, %get3A_1631, %get3A_1632] {strides = array<i32>} : memref<4x16x8x64xf32, #tpu.memory_space<vmem>>, vector<16xf32>,
      %get3A_1634 = arith.index_cast %max3A_1620 : i32 to index
      %get3A_1635 = arith.constant 0 : index
      %get3A_1636 = tpu.vector_load %arg10[%get3A_1634, %get3A_1635] {strides = array<i32>} : memref<64x64xf32, #tpu.memory_space<vmem>>, vector<16xf32>,
      %select_n3A_1637 = arith.select %ge3A_1616, %get3A_1636, %get3A_1633 : vector<16xf32>
      %sub3A_1638 = arith.subf %get3A_1627, %select_n3A_1637 : vector<16xf32>
      %mul3A_1639 = arith.mulf %sub3A_1638, %sub3A_1638 : vector<16xf32>
      %add3A_1640 = arith.addf %add3A_1562, %mul3A_1639 : vector<16xf32>
      %get3A_1641 = arith.index_cast %add3A_1624 : i32 to index
      %get3A_1642 = arith.constant 80 : index
      %get3A_1643 = tpu.vector_load %arg9[%get3A_1641, %get3A_1642] {strides = array<i32>} : memref<256x128xf32, #tpu.memory_space<vmem>>, vector<16xf32>,
      %get3A_1644 = arith.constant 7 : i32
      %get3A_1645 = arith.index_cast %rem3A_825 : i32 to index
      %get3A_1646 = arith.index_cast %get3A_1644 : i32 to index
      %get3A_1647 = arith.index_cast %and3A_1614 : i32 to index
      %get3A_1648 = arith.constant 16 : index
      %get3A_1649 = tpu.vector_load %arg8[%get3A_1645, %get3A_1646, %get3A_1647, %get3A_1648] {strides = array<i32>} : memref<4x16x8x64xf32, #tpu.memory_space<vmem>>, vector<16xf32>,
      %get3A_1650 = arith.index_cast %max3A_1620 : i32 to index
      %get3A_1651 = arith.constant 16 : index
      %get3A_1652 = tpu.vector_load %arg10[%get3A_1650, %get3A_1651] {strides = array<i32>} : memref<64x64xf32, #tpu.memory_space<vmem>>, vector<16xf32>,
      %select_n3A_1653 = arith.select %ge3A_1616, %get3A_1652, %get3A_1649 : vector<16xf32>
      %sub3A_1654 = arith.subf %get3A_1643, %select_n3A_1653 : vector<16xf32>
      %mul3A_1655 = arith.mulf %sub3A_1654, %sub3A_1654 : vector<16xf32>
      %add3A_1656 = arith.addf %add3A_1578, %mul3A_1655 : vector<16xf32>
      %get3A_1657 = arith.index_cast %add3A_1624 : i32 to index
      %get3A_1658 = arith.constant 96 : index
      %get3A_1659 = tpu.vector_load %arg9[%get3A_1657, %get3A_1658] {strides = array<i32>} : memref<256x128xf32, #tpu.memory_space<vmem>>, vector<16xf32>,
      %get3A_1660 = arith.constant 7 : i32
      %get3A_1661 = arith.index_cast %rem3A_825 : i32 to index
      %get3A_1662 = arith.index_cast %get3A_1660 : i32 to index
      %get3A_1663 = arith.index_cast %and3A_1614 : i32 to index
      %get3A_1664 = arith.constant 32 : index
      %get3A_1665 = tpu.vector_load %arg8[%get3A_1661, %get3A_1662, %get3A_1663, %get3A_1664] {strides = array<i32>} : memref<4x16x8x64xf32, #tpu.memory_space<vmem>>, vector<16xf32>,
      %get3A_1666 = arith.index_cast %max3A_1620 : i32 to index
      %get3A_1667 = arith.constant 32 : index
      %get3A_1668 = tpu.vector_load %arg10[%get3A_1666, %get3A_1667] {strides = array<i32>} : memref<64x64xf32, #tpu.memory_space<vmem>>, vector<16xf32>,
      %select_n3A_1669 = arith.select %ge3A_1616, %get3A_1668, %get3A_1665 : vector<16xf32>
      %sub3A_1670 = arith.subf %get3A_1659, %select_n3A_1669 : vector<16xf32>
      %mul3A_1671 = arith.mulf %sub3A_1670, %sub3A_1670 : vector<16xf32>
      %add3A_1672 = arith.addf %add3A_1594, %mul3A_1671 : vector<16xf32>
      %get3A_1673 = arith.index_cast %add3A_1624 : i32 to index
      %get3A_1674 = arith.constant 112 : index
      %get3A_1675 = tpu.vector_load %arg9[%get3A_1673, %get3A_1674] {strides = array<i32>} : memref<256x128xf32, #tpu.memory_space<vmem>>, vector<16xf32>,
      %get3A_1676 = arith.constant 7 : i32
      %get3A_1677 = arith.index_cast %rem3A_825 : i32 to index
      %get3A_1678 = arith.index_cast %get3A_1676 : i32 to index
      %get3A_1679 = arith.index_cast %and3A_1614 : i32 to index
      %get3A_1680 = arith.constant 48 : index
      %get3A_1681 = tpu.vector_load %arg8[%get3A_1677, %get3A_1678, %get3A_1679, %get3A_1680] {strides = array<i32>} : memref<4x16x8x64xf32, #tpu.memory_space<vmem>>, vector<16xf32>,
      %get3A_1682 = arith.index_cast %max3A_1620 : i32 to index
      %get3A_1683 = arith.constant 48 : index
      %get3A_1684 = tpu.vector_load %arg10[%get3A_1682, %get3A_1683] {strides = array<i32>} : memref<64x64xf32, #tpu.memory_space<vmem>>, vector<16xf32>,
      %select_n3A_1685 = arith.select %ge3A_1616, %get3A_1684, %get3A_1681 : vector<16xf32>
      %sub3A_1686 = arith.subf %get3A_1675, %select_n3A_1685 : vector<16xf32>
      %mul3A_1687 = arith.mulf %sub3A_1686, %sub3A_1686 : vector<16xf32>
      %add3A_1688 = arith.addf %add3A_1610, %mul3A_1687 : vector<16xf32>
      %slice3A_1689 = vector.extract_strided_slice %get3A_1069 {offsets = [8], sizes = [1], strides = [1]} : vector<16xi32> to vector<1xi32>
      %squeeze3A_1690 = vector.extract %slice3A_1689[0] : i32 from vector<1xi32>
      %and3A_1691 = arith.constant 7 : i32
      %and3A_1692 = arith.andi %squeeze3A_1690, %and3A_1691 : i32
      %ge3A_1693 = arith.constant 999936 : i32
      %ge3A_1694 = arith.cmpi sge, %squeeze3A_1690, %ge3A_1693 : i32
      %sub3A_1695 = arith.constant 999936 : i32
      %sub3A_1696 = arith.subi %squeeze3A_1690, %sub3A_1695 : i32
      %max3A_1697 = arith.constant 0 : i32
      %max3A_1698 = arith.maxsi %sub3A_1696, %max3A_1697 : i32
      %mul3A_1699 = arith.constant 8 : i32
      %mul3A_1700 = arith.muli %scan3A_817, %mul3A_1699 : i32
      %add3A_1701 = arith.constant 4 : i32
      %add3A_1702 = arith.addi %mul3A_1700, %add3A_1701 : i32
      %get3A_1703 = arith.index_cast %add3A_1702 : i32 to index
      %get3A_1704 = arith.constant 0 : index
      %get3A_1705 = tpu.vector_load %arg9[%get3A_1703, %get3A_1704] {strides = array<i32>} : memref<256x128xf32, #tpu.memory_space<vmem>>, vector<16xf32>,
      %get3A_1706 = arith.constant 8 : i32
      %get3A_1707 = arith.index_cast %rem3A_825 : i32 to index
      %get3A_1708 = arith.index_cast %get3A_1706 : i32 to index
      %get3A_1709 = arith.index_cast %and3A_1692 : i32 to index
      %get3A_1710 = arith.constant 0 : index
      %get3A_1711 = tpu.vector_load %arg8[%get3A_1707, %get3A_1708, %get3A_1709, %get3A_1710] {strides = array<i32>} : memref<4x16x8x64xf32, #tpu.memory_space<vmem>>, vector<16xf32>,
      %get3A_1712 = arith.index_cast %max3A_1698 : i32 to index
      %get3A_1713 = arith.constant 0 : index
      %get3A_1714 = tpu.vector_load %arg10[%get3A_1712, %get3A_1713] {strides = array<i32>} : memref<64x64xf32, #tpu.memory_space<vmem>>, vector<16xf32>,
      %select_n3A_1715 = arith.select %ge3A_1694, %get3A_1714, %get3A_1711 : vector<16xf32>
      %sub3A_1716 = arith.subf %get3A_1705, %select_n3A_1715 : vector<16xf32>
      %mul3A_1717 = arith.mulf %sub3A_1716, %sub3A_1716 : vector<16xf32>
      %add3A_1718 = arith.addf %add3A_1640, %mul3A_1717 : vector<16xf32>
      %get3A_1719 = arith.index_cast %add3A_1702 : i32 to index
      %get3A_1720 = arith.constant 16 : index
      %get3A_1721 = tpu.vector_load %arg9[%get3A_1719, %get3A_1720] {strides = array<i32>} : memref<256x128xf32, #tpu.memory_space<vmem>>, vector<16xf32>,
      %get3A_1722 = arith.constant 8 : i32
      %get3A_1723 = arith.index_cast %rem3A_825 : i32 to index
      %get3A_1724 = arith.index_cast %get3A_1722 : i32 to index
      %get3A_1725 = arith.index_cast %and3A_1692 : i32 to index
      %get3A_1726 = arith.constant 16 : index
      %get3A_1727 = tpu.vector_load %arg8[%get3A_1723, %get3A_1724, %get3A_1725, %get3A_1726] {strides = array<i32>} : memref<4x16x8x64xf32, #tpu.memory_space<vmem>>, vector<16xf32>,
      %get3A_1728 = arith.index_cast %max3A_1698 : i32 to index
      %get3A_1729 = arith.constant 16 : index
      %get3A_1730 = tpu.vector_load %arg10[%get3A_1728, %get3A_1729] {strides = array<i32>} : memref<64x64xf32, #tpu.memory_space<vmem>>, vector<16xf32>,
      %select_n3A_1731 = arith.select %ge3A_1694, %get3A_1730, %get3A_1727 : vector<16xf32>
      %sub3A_1732 = arith.subf %get3A_1721, %select_n3A_1731 : vector<16xf32>
      %mul3A_1733 = arith.mulf %sub3A_1732, %sub3A_1732 : vector<16xf32>
      %add3A_1734 = arith.addf %add3A_1656, %mul3A_1733 : vector<16xf32>
      %get3A_1735 = arith.index_cast %add3A_1702 : i32 to index
      %get3A_1736 = arith.constant 32 : index
      %get3A_1737 = tpu.vector_load %arg9[%get3A_1735, %get3A_1736] {strides = array<i32>} : memref<256x128xf32, #tpu.memory_space<vmem>>, vector<16xf32>,
      %get3A_1738 = arith.constant 8 : i32
      %get3A_1739 = arith.index_cast %rem3A_825 : i32 to index
      %get3A_1740 = arith.index_cast %get3A_1738 : i32 to index
      %get3A_1741 = arith.index_cast %and3A_1692 : i32 to index
      %get3A_1742 = arith.constant 32 : index
      %get3A_1743 = tpu.vector_load %arg8[%get3A_1739, %get3A_1740, %get3A_1741, %get3A_1742] {strides = array<i32>} : memref<4x16x8x64xf32, #tpu.memory_space<vmem>>, vector<16xf32>,
      %get3A_1744 = arith.index_cast %max3A_1698 : i32 to index
      %get3A_1745 = arith.constant 32 : index
      %get3A_1746 = tpu.vector_load %arg10[%get3A_1744, %get3A_1745] {strides = array<i32>} : memref<64x64xf32, #tpu.memory_space<vmem>>, vector<16xf32>,
      %select_n3A_1747 = arith.select %ge3A_1694, %get3A_1746, %get3A_1743 : vector<16xf32>
      %sub3A_1748 = arith.subf %get3A_1737, %select_n3A_1747 : vector<16xf32>
      %mul3A_1749 = arith.mulf %sub3A_1748, %sub3A_1748 : vector<16xf32>
      %add3A_1750 = arith.addf %add3A_1672, %mul3A_1749 : vector<16xf32>
      %get3A_1751 = arith.index_cast %add3A_1702 : i32 to index
      %get3A_1752 = arith.constant 48 : index
      %get3A_1753 = tpu.vector_load %arg9[%get3A_1751, %get3A_1752] {strides = array<i32>} : memref<256x128xf32, #tpu.memory_space<vmem>>, vector<16xf32>,
      %get3A_1754 = arith.constant 8 : i32
      %get3A_1755 = arith.index_cast %rem3A_825 : i32 to index
      %get3A_1756 = arith.index_cast %get3A_1754 : i32 to index
      %get3A_1757 = arith.index_cast %and3A_1692 : i32 to index
      %get3A_1758 = arith.constant 48 : index
      %get3A_1759 = tpu.vector_load %arg8[%get3A_1755, %get3A_1756, %get3A_1757, %get3A_1758] {strides = array<i32>} : memref<4x16x8x64xf32, #tpu.memory_space<vmem>>, vector<16xf32>,
      %get3A_1760 = arith.index_cast %max3A_1698 : i32 to index
      %get3A_1761 = arith.constant 48 : index
      %get3A_1762 = tpu.vector_load %arg10[%get3A_1760, %get3A_1761] {strides = array<i32>} : memref<64x64xf32, #tpu.memory_space<vmem>>, vector<16xf32>,
      %select_n3A_1763 = arith.select %ge3A_1694, %get3A_1762, %get3A_1759 : vector<16xf32>
      %sub3A_1764 = arith.subf %get3A_1753, %select_n3A_1763 : vector<16xf32>
      %mul3A_1765 = arith.mulf %sub3A_1764, %sub3A_1764 : vector<16xf32>
      %add3A_1766 = arith.addf %add3A_1688, %mul3A_1765 : vector<16xf32>
      %slice3A_1767 = vector.extract_strided_slice %get3A_1069 {offsets = [9], sizes = [1], strides = [1]} : vector<16xi32> to vector<1xi32>
      %squeeze3A_1768 = vector.extract %slice3A_1767[0] : i32 from vector<1xi32>
      %and3A_1769 = arith.constant 7 : i32
      %and3A_1770 = arith.andi %squeeze3A_1768, %and3A_1769 : i32
      %ge3A_1771 = arith.constant 999936 : i32
      %ge3A_1772 = arith.cmpi sge, %squeeze3A_1768, %ge3A_1771 : i32
      %sub3A_1773 = arith.constant 999936 : i32
      %sub3A_1774 = arith.subi %squeeze3A_1768, %sub3A_1773 : i32
      %max3A_1775 = arith.constant 0 : i32
      %max3A_1776 = arith.maxsi %sub3A_1774, %max3A_1775 : i32
      %mul3A_1777 = arith.constant 8 : i32
      %mul3A_1778 = arith.muli %scan3A_817, %mul3A_1777 : i32
      %add3A_1779 = arith.constant 4 : i32
      %add3A_1780 = arith.addi %mul3A_1778, %add3A_1779 : i32
      %get3A_1781 = arith.index_cast %add3A_1780 : i32 to index
      %get3A_1782 = arith.constant 64 : index
      %get3A_1783 = tpu.vector_load %arg9[%get3A_1781, %get3A_1782] {strides = array<i32>} : memref<256x128xf32, #tpu.memory_space<vmem>>, vector<16xf32>,
      %get3A_1784 = arith.constant 9 : i32
      %get3A_1785 = arith.index_cast %rem3A_825 : i32 to index
      %get3A_1786 = arith.index_cast %get3A_1784 : i32 to index
      %get3A_1787 = arith.index_cast %and3A_1770 : i32 to index
      %get3A_1788 = arith.constant 0 : index
      %get3A_1789 = tpu.vector_load %arg8[%get3A_1785, %get3A_1786, %get3A_1787, %get3A_1788] {strides = array<i32>} : memref<4x16x8x64xf32, #tpu.memory_space<vmem>>, vector<16xf32>,
      %get3A_1790 = arith.index_cast %max3A_1776 : i32 to index
      %get3A_1791 = arith.constant 0 : index
      %get3A_1792 = tpu.vector_load %arg10[%get3A_1790, %get3A_1791] {strides = array<i32>} : memref<64x64xf32, #tpu.memory_space<vmem>>, vector<16xf32>,
      %select_n3A_1793 = arith.select %ge3A_1772, %get3A_1792, %get3A_1789 : vector<16xf32>
      %sub3A_1794 = arith.subf %get3A_1783, %select_n3A_1793 : vector<16xf32>
      %mul3A_1795 = arith.mulf %sub3A_1794, %sub3A_1794 : vector<16xf32>
      %add3A_1796 = arith.addf %add3A_1718, %mul3A_1795 : vector<16xf32>
      %get3A_1797 = arith.index_cast %add3A_1780 : i32 to index
      %get3A_1798 = arith.constant 80 : index
      %get3A_1799 = tpu.vector_load %arg9[%get3A_1797, %get3A_1798] {strides = array<i32>} : memref<256x128xf32, #tpu.memory_space<vmem>>, vector<16xf32>,
      %get3A_1800 = arith.constant 9 : i32
      %get3A_1801 = arith.index_cast %rem3A_825 : i32 to index
      %get3A_1802 = arith.index_cast %get3A_1800 : i32 to index
      %get3A_1803 = arith.index_cast %and3A_1770 : i32 to index
      %get3A_1804 = arith.constant 16 : index
      %get3A_1805 = tpu.vector_load %arg8[%get3A_1801, %get3A_1802, %get3A_1803, %get3A_1804] {strides = array<i32>} : memref<4x16x8x64xf32, #tpu.memory_space<vmem>>, vector<16xf32>,
      %get3A_1806 = arith.index_cast %max3A_1776 : i32 to index
      %get3A_1807 = arith.constant 16 : index
      %get3A_1808 = tpu.vector_load %arg10[%get3A_1806, %get3A_1807] {strides = array<i32>} : memref<64x64xf32, #tpu.memory_space<vmem>>, vector<16xf32>,
      %select_n3A_1809 = arith.select %ge3A_1772, %get3A_1808, %get3A_1805 : vector<16xf32>
      %sub3A_1810 = arith.subf %get3A_1799, %select_n3A_1809 : vector<16xf32>
      %mul3A_1811 = arith.mulf %sub3A_1810, %sub3A_1810 : vector<16xf32>
      %add3A_1812 = arith.addf %add3A_1734, %mul3A_1811 : vector<16xf32>
      %get3A_1813 = arith.index_cast %add3A_1780 : i32 to index
      %get3A_1814 = arith.constant 96 : index
      %get3A_1815 = tpu.vector_load %arg9[%get3A_1813, %get3A_1814] {strides = array<i32>} : memref<256x128xf32, #tpu.memory_space<vmem>>, vector<16xf32>,
      %get3A_1816 = arith.constant 9 : i32
      %get3A_1817 = arith.index_cast %rem3A_825 : i32 to index
      %get3A_1818 = arith.index_cast %get3A_1816 : i32 to index
      %get3A_1819 = arith.index_cast %and3A_1770 : i32 to index
      %get3A_1820 = arith.constant 32 : index
      %get3A_1821 = tpu.vector_load %arg8[%get3A_1817, %get3A_1818, %get3A_1819, %get3A_1820] {strides = array<i32>} : memref<4x16x8x64xf32, #tpu.memory_space<vmem>>, vector<16xf32>,
      %get3A_1822 = arith.index_cast %max3A_1776 : i32 to index
      %get3A_1823 = arith.constant 32 : index
      %get3A_1824 = tpu.vector_load %arg10[%get3A_1822, %get3A_1823] {strides = array<i32>} : memref<64x64xf32, #tpu.memory_space<vmem>>, vector<16xf32>,
      %select_n3A_1825 = arith.select %ge3A_1772, %get3A_1824, %get3A_1821 : vector<16xf32>
      %sub3A_1826 = arith.subf %get3A_1815, %select_n3A_1825 : vector<16xf32>
      %mul3A_1827 = arith.mulf %sub3A_1826, %sub3A_1826 : vector<16xf32>
      %add3A_1828 = arith.addf %add3A_1750, %mul3A_1827 : vector<16xf32>
      %get3A_1829 = arith.index_cast %add3A_1780 : i32 to index
      %get3A_1830 = arith.constant 112 : index
      %get3A_1831 = tpu.vector_load %arg9[%get3A_1829, %get3A_1830] {strides = array<i32>} : memref<256x128xf32, #tpu.memory_space<vmem>>, vector<16xf32>,
      %get3A_1832 = arith.constant 9 : i32
      %get3A_1833 = arith.index_cast %rem3A_825 : i32 to index
      %get3A_1834 = arith.index_cast %get3A_1832 : i32 to index
      %get3A_1835 = arith.index_cast %and3A_1770 : i32 to index
      %get3A_1836 = arith.constant 48 : index
      %get3A_1837 = tpu.vector_load %arg8[%get3A_1833, %get3A_1834, %get3A_1835, %get3A_1836] {strides = array<i32>} : memref<4x16x8x64xf32, #tpu.memory_space<vmem>>, vector<16xf32>,
      %get3A_1838 = arith.index_cast %max3A_1776 : i32 to index
      %get3A_1839 = arith.constant 48 : index
      %get3A_1840 = tpu.vector_load %arg10[%get3A_1838, %get3A_1839] {strides = array<i32>} : memref<64x64xf32, #tpu.memory_space<vmem>>, vector<16xf32>,
      %select_n3A_1841 = arith.select %ge3A_1772, %get3A_1840, %get3A_1837 : vector<16xf32>
      %sub3A_1842 = arith.subf %get3A_1831, %select_n3A_1841 : vector<16xf32>
      %mul3A_1843 = arith.mulf %sub3A_1842, %sub3A_1842 : vector<16xf32>
      %add3A_1844 = arith.addf %add3A_1766, %mul3A_1843 : vector<16xf32>
      %slice3A_1845 = vector.extract_strided_slice %get3A_1069 {offsets = [10], sizes = [1], strides = [1]} : vector<16xi32> to vector<1xi32>
      %squeeze3A_1846 = vector.extract %slice3A_1845[0] : i32 from vector<1xi32>
      %and3A_1847 = arith.constant 7 : i32
      %and3A_1848 = arith.andi %squeeze3A_1846, %and3A_1847 : i32
      %ge3A_1849 = arith.constant 999936 : i32
      %ge3A_1850 = arith.cmpi sge, %squeeze3A_1846, %ge3A_1849 : i32
      %sub3A_1851 = arith.constant 999936 : i32
      %sub3A_1852 = arith.subi %squeeze3A_1846, %sub3A_1851 : i32
      %max3A_1853 = arith.constant 0 : i32
      %max3A_1854 = arith.maxsi %sub3A_1852, %max3A_1853 : i32
      %mul3A_1855 = arith.constant 8 : i32
      %mul3A_1856 = arith.muli %scan3A_817, %mul3A_1855 : i32
      %add3A_1857 = arith.constant 5 : i32
      %add3A_1858 = arith.addi %mul3A_1856, %add3A_1857 : i32
      %get3A_1859 = arith.index_cast %add3A_1858 : i32 to index
      %get3A_1860 = arith.constant 0 : index
      %get3A_1861 = tpu.vector_load %arg9[%get3A_1859, %get3A_1860] {strides = array<i32>} : memref<256x128xf32, #tpu.memory_space<vmem>>, vector<16xf32>,
      %get3A_1862 = arith.constant 10 : i32
      %get3A_1863 = arith.index_cast %rem3A_825 : i32 to index
      %get3A_1864 = arith.index_cast %get3A_1862 : i32 to index
      %get3A_1865 = arith.index_cast %and3A_1848 : i32 to index
      %get3A_1866 = arith.constant 0 : index
      %get3A_1867 = tpu.vector_load %arg8[%get3A_1863, %get3A_1864, %get3A_1865, %get3A_1866] {strides = array<i32>} : memref<4x16x8x64xf32, #tpu.memory_space<vmem>>, vector<16xf32>,
      %get3A_1868 = arith.index_cast %max3A_1854 : i32 to index
      %get3A_1869 = arith.constant 0 : index
      %get3A_1870 = tpu.vector_load %arg10[%get3A_1868, %get3A_1869] {strides = array<i32>} : memref<64x64xf32, #tpu.memory_space<vmem>>, vector<16xf32>,
      %select_n3A_1871 = arith.select %ge3A_1850, %get3A_1870, %get3A_1867 : vector<16xf32>
      %sub3A_1872 = arith.subf %get3A_1861, %select_n3A_1871 : vector<16xf32>
      %mul3A_1873 = arith.mulf %sub3A_1872, %sub3A_1872 : vector<16xf32>
      %add3A_1874 = arith.addf %add3A_1796, %mul3A_1873 : vector<16xf32>
      %get3A_1875 = arith.index_cast %add3A_1858 : i32 to index
      %get3A_1876 = arith.constant 16 : index
      %get3A_1877 = tpu.vector_load %arg9[%get3A_1875, %get3A_1876] {strides = array<i32>} : memref<256x128xf32, #tpu.memory_space<vmem>>, vector<16xf32>,
      %get3A_1878 = arith.constant 10 : i32
      %get3A_1879 = arith.index_cast %rem3A_825 : i32 to index
      %get3A_1880 = arith.index_cast %get3A_1878 : i32 to index
      %get3A_1881 = arith.index_cast %and3A_1848 : i32 to index
      %get3A_1882 = arith.constant 16 : index
      %get3A_1883 = tpu.vector_load %arg8[%get3A_1879, %get3A_1880, %get3A_1881, %get3A_1882] {strides = array<i32>} : memref<4x16x8x64xf32, #tpu.memory_space<vmem>>, vector<16xf32>,
      %get3A_1884 = arith.index_cast %max3A_1854 : i32 to index
      %get3A_1885 = arith.constant 16 : index
      %get3A_1886 = tpu.vector_load %arg10[%get3A_1884, %get3A_1885] {strides = array<i32>} : memref<64x64xf32, #tpu.memory_space<vmem>>, vector<16xf32>,
      %select_n3A_1887 = arith.select %ge3A_1850, %get3A_1886, %get3A_1883 : vector<16xf32>
      %sub3A_1888 = arith.subf %get3A_1877, %select_n3A_1887 : vector<16xf32>
      %mul3A_1889 = arith.mulf %sub3A_1888, %sub3A_1888 : vector<16xf32>
      %add3A_1890 = arith.addf %add3A_1812, %mul3A_1889 : vector<16xf32>
      %get3A_1891 = arith.index_cast %add3A_1858 : i32 to index
      %get3A_1892 = arith.constant 32 : index
      %get3A_1893 = tpu.vector_load %arg9[%get3A_1891, %get3A_1892] {strides = array<i32>} : memref<256x128xf32, #tpu.memory_space<vmem>>, vector<16xf32>,
      %get3A_1894 = arith.constant 10 : i32
      %get3A_1895 = arith.index_cast %rem3A_825 : i32 to index
      %get3A_1896 = arith.index_cast %get3A_1894 : i32 to index
      %get3A_1897 = arith.index_cast %and3A_1848 : i32 to index
      %get3A_1898 = arith.constant 32 : index
      %get3A_1899 = tpu.vector_load %arg8[%get3A_1895, %get3A_1896, %get3A_1897, %get3A_1898] {strides = array<i32>} : memref<4x16x8x64xf32, #tpu.memory_space<vmem>>, vector<16xf32>,
      %get3A_1900 = arith.index_cast %max3A_1854 : i32 to index
      %get3A_1901 = arith.constant 32 : index
      %get3A_1902 = tpu.vector_load %arg10[%get3A_1900, %get3A_1901] {strides = array<i32>} : memref<64x64xf32, #tpu.memory_space<vmem>>, vector<16xf32>,
      %select_n3A_1903 = arith.select %ge3A_1850, %get3A_1902, %get3A_1899 : vector<16xf32>
      %sub3A_1904 = arith.subf %get3A_1893, %select_n3A_1903 : vector<16xf32>
      %mul3A_1905 = arith.mulf %sub3A_1904, %sub3A_1904 : vector<16xf32>
      %add3A_1906 = arith.addf %add3A_1828, %mul3A_1905 : vector<16xf32>
      %get3A_1907 = arith.index_cast %add3A_1858 : i32 to index
      %get3A_1908 = arith.constant 48 : index
      %get3A_1909 = tpu.vector_load %arg9[%get3A_1907, %get3A_1908] {strides = array<i32>} : memref<256x128xf32, #tpu.memory_space<vmem>>, vector<16xf32>,
      %get3A_1910 = arith.constant 10 : i32
      %get3A_1911 = arith.index_cast %rem3A_825 : i32 to index
      %get3A_1912 = arith.index_cast %get3A_1910 : i32 to index
      %get3A_1913 = arith.index_cast %and3A_1848 : i32 to index
      %get3A_1914 = arith.constant 48 : index
      %get3A_1915 = tpu.vector_load %arg8[%get3A_1911, %get3A_1912, %get3A_1913, %get3A_1914] {strides = array<i32>} : memref<4x16x8x64xf32, #tpu.memory_space<vmem>>, vector<16xf32>,
      %get3A_1916 = arith.index_cast %max3A_1854 : i32 to index
      %get3A_1917 = arith.constant 48 : index
      %get3A_1918 = tpu.vector_load %arg10[%get3A_1916, %get3A_1917] {strides = array<i32>} : memref<64x64xf32, #tpu.memory_space<vmem>>, vector<16xf32>,
      %select_n3A_1919 = arith.select %ge3A_1850, %get3A_1918, %get3A_1915 : vector<16xf32>
      %sub3A_1920 = arith.subf %get3A_1909, %select_n3A_1919 : vector<16xf32>
      %mul3A_1921 = arith.mulf %sub3A_1920, %sub3A_1920 : vector<16xf32>
      %add3A_1922 = arith.addf %add3A_1844, %mul3A_1921 : vector<16xf32>
      %slice3A_1923 = vector.extract_strided_slice %get3A_1069 {offsets = [11], sizes = [1], strides = [1]} : vector<16xi32> to vector<1xi32>
      %squeeze3A_1924 = vector.extract %slice3A_1923[0] : i32 from vector<1xi32>
      %and3A_1925 = arith.constant 7 : i32
      %and3A_1926 = arith.andi %squeeze3A_1924, %and3A_1925 : i32
      %ge3A_1927 = arith.constant 999936 : i32
      %ge3A_1928 = arith.cmpi sge, %squeeze3A_1924, %ge3A_1927 : i32
      %sub3A_1929 = arith.constant 999936 : i32
      %sub3A_1930 = arith.subi %squeeze3A_1924, %sub3A_1929 : i32
      %max3A_1931 = arith.constant 0 : i32
      %max3A_1932 = arith.maxsi %sub3A_1930, %max3A_1931 : i32
      %mul3A_1933 = arith.constant 8 : i32
      %mul3A_1934 = arith.muli %scan3A_817, %mul3A_1933 : i32
      %add3A_1935 = arith.constant 5 : i32
      %add3A_1936 = arith.addi %mul3A_1934, %add3A_1935 : i32
      %get3A_1937 = arith.index_cast %add3A_1936 : i32 to index
      %get3A_1938 = arith.constant 64 : index
      %get3A_1939 = tpu.vector_load %arg9[%get3A_1937, %get3A_1938] {strides = array<i32>} : memref<256x128xf32, #tpu.memory_space<vmem>>, vector<16xf32>,
      %get3A_1940 = arith.constant 11 : i32
      %get3A_1941 = arith.index_cast %rem3A_825 : i32 to index
      %get3A_1942 = arith.index_cast %get3A_1940 : i32 to index
      %get3A_1943 = arith.index_cast %and3A_1926 : i32 to index
      %get3A_1944 = arith.constant 0 : index
      %get3A_1945 = tpu.vector_load %arg8[%get3A_1941, %get3A_1942, %get3A_1943, %get3A_1944] {strides = array<i32>} : memref<4x16x8x64xf32, #tpu.memory_space<vmem>>, vector<16xf32>,
      %get3A_1946 = arith.index_cast %max3A_1932 : i32 to index
      %get3A_1947 = arith.constant 0 : index
      %get3A_1948 = tpu.vector_load %arg10[%get3A_1946, %get3A_1947] {strides = array<i32>} : memref<64x64xf32, #tpu.memory_space<vmem>>, vector<16xf32>,
      %select_n3A_1949 = arith.select %ge3A_1928, %get3A_1948, %get3A_1945 : vector<16xf32>
      %sub3A_1950 = arith.subf %get3A_1939, %select_n3A_1949 : vector<16xf32>
      %mul3A_1951 = arith.mulf %sub3A_1950, %sub3A_1950 : vector<16xf32>
      %add3A_1952 = arith.addf %add3A_1874, %mul3A_1951 : vector<16xf32>
      %get3A_1953 = arith.index_cast %add3A_1936 : i32 to index
      %get3A_1954 = arith.constant 80 : index
      %get3A_1955 = tpu.vector_load %arg9[%get3A_1953, %get3A_1954] {strides = array<i32>} : memref<256x128xf32, #tpu.memory_space<vmem>>, vector<16xf32>,
      %get3A_1956 = arith.constant 11 : i32
      %get3A_1957 = arith.index_cast %rem3A_825 : i32 to index
      %get3A_1958 = arith.index_cast %get3A_1956 : i32 to index
      %get3A_1959 = arith.index_cast %and3A_1926 : i32 to index
      %get3A_1960 = arith.constant 16 : index
      %get3A_1961 = tpu.vector_load %arg8[%get3A_1957, %get3A_1958, %get3A_1959, %get3A_1960] {strides = array<i32>} : memref<4x16x8x64xf32, #tpu.memory_space<vmem>>, vector<16xf32>,
      %get3A_1962 = arith.index_cast %max3A_1932 : i32 to index
      %get3A_1963 = arith.constant 16 : index
      %get3A_1964 = tpu.vector_load %arg10[%get3A_1962, %get3A_1963] {strides = array<i32>} : memref<64x64xf32, #tpu.memory_space<vmem>>, vector<16xf32>,
      %select_n3A_1965 = arith.select %ge3A_1928, %get3A_1964, %get3A_1961 : vector<16xf32>
      %sub3A_1966 = arith.subf %get3A_1955, %select_n3A_1965 : vector<16xf32>
      %mul3A_1967 = arith.mulf %sub3A_1966, %sub3A_1966 : vector<16xf32>
      %add3A_1968 = arith.addf %add3A_1890, %mul3A_1967 : vector<16xf32>
      %get3A_1969 = arith.index_cast %add3A_1936 : i32 to index
      %get3A_1970 = arith.constant 96 : index
      %get3A_1971 = tpu.vector_load %arg9[%get3A_1969, %get3A_1970] {strides = array<i32>} : memref<256x128xf32, #tpu.memory_space<vmem>>, vector<16xf32>,
      %get3A_1972 = arith.constant 11 : i32
      %get3A_1973 = arith.index_cast %rem3A_825 : i32 to index
      %get3A_1974 = arith.index_cast %get3A_1972 : i32 to index
      %get3A_1975 = arith.index_cast %and3A_1926 : i32 to index
      %get3A_1976 = arith.constant 32 : index
      %get3A_1977 = tpu.vector_load %arg8[%get3A_1973, %get3A_1974, %get3A_1975, %get3A_1976] {strides = array<i32>} : memref<4x16x8x64xf32, #tpu.memory_space<vmem>>, vector<16xf32>,
      %get3A_1978 = arith.index_cast %max3A_1932 : i32 to index
      %get3A_1979 = arith.constant 32 : index
      %get3A_1980 = tpu.vector_load %arg10[%get3A_1978, %get3A_1979] {strides = array<i32>} : memref<64x64xf32, #tpu.memory_space<vmem>>, vector<16xf32>,
      %select_n3A_1981 = arith.select %ge3A_1928, %get3A_1980, %get3A_1977 : vector<16xf32>
      %sub3A_1982 = arith.subf %get3A_1971, %select_n3A_1981 : vector<16xf32>
      %mul3A_1983 = arith.mulf %sub3A_1982, %sub3A_1982 : vector<16xf32>
      %add3A_1984 = arith.addf %add3A_1906, %mul3A_1983 : vector<16xf32>
      %get3A_1985 = arith.index_cast %add3A_1936 : i32 to index
      %get3A_1986 = arith.constant 112 : index
      %get3A_1987 = tpu.vector_load %arg9[%get3A_1985, %get3A_1986] {strides = array<i32>} : memref<256x128xf32, #tpu.memory_space<vmem>>, vector<16xf32>,
      %get3A_1988 = arith.constant 11 : i32
      %get3A_1989 = arith.index_cast %rem3A_825 : i32 to index
      %get3A_1990 = arith.index_cast %get3A_1988 : i32 to index
      %get3A_1991 = arith.index_cast %and3A_1926 : i32 to index
      %get3A_1992 = arith.constant 48 : index
      %get3A_1993 = tpu.vector_load %arg8[%get3A_1989, %get3A_1990, %get3A_1991, %get3A_1992] {strides = array<i32>} : memref<4x16x8x64xf32, #tpu.memory_space<vmem>>, vector<16xf32>,
      %get3A_1994 = arith.index_cast %max3A_1932 : i32 to index
      %get3A_1995 = arith.constant 48 : index
      %get3A_1996 = tpu.vector_load %arg10[%get3A_1994, %get3A_1995] {strides = array<i32>} : memref<64x64xf32, #tpu.memory_space<vmem>>, vector<16xf32>,
      %select_n3A_1997 = arith.select %ge3A_1928, %get3A_1996, %get3A_1993 : vector<16xf32>
      %sub3A_1998 = arith.subf %get3A_1987, %select_n3A_1997 : vector<16xf32>
      %mul3A_1999 = arith.mulf %sub3A_1998, %sub3A_1998 : vector<16xf32>
      %add3A_2000 = arith.addf %add3A_1922, %mul3A_1999 : vector<16xf32>
      %slice3A_2001 = vector.extract_strided_slice %get3A_1069 {offsets = [12], sizes = [1], strides = [1]} : vector<16xi32> to vector<1xi32>
      %squeeze3A_2002 = vector.extract %slice3A_2001[0] : i32 from vector<1xi32>
      %and3A_2003 = arith.constant 7 : i32
      %and3A_2004 = arith.andi %squeeze3A_2002, %and3A_2003 : i32
      %ge3A_2005 = arith.constant 999936 : i32
      %ge3A_2006 = arith.cmpi sge, %squeeze3A_2002, %ge3A_2005 : i32
      %sub3A_2007 = arith.constant 999936 : i32
      %sub3A_2008 = arith.subi %squeeze3A_2002, %sub3A_2007 : i32
      %max3A_2009 = arith.constant 0 : i32
      %max3A_2010 = arith.maxsi %sub3A_2008, %max3A_2009 : i32
      %mul3A_2011 = arith.constant 8 : i32
      %mul3A_2012 = arith.muli %scan3A_817, %mul3A_2011 : i32
      %add3A_2013 = arith.constant 6 : i32
      %add3A_2014 = arith.addi %mul3A_2012, %add3A_2013 : i32
      %get3A_2015 = arith.index_cast %add3A_2014 : i32 to index
      %get3A_2016 = arith.constant 0 : index
      %get3A_2017 = tpu.vector_load %arg9[%get3A_2015, %get3A_2016] {strides = array<i32>} : memref<256x128xf32, #tpu.memory_space<vmem>>, vector<16xf32>,
      %get3A_2018 = arith.constant 12 : i32
      %get3A_2019 = arith.index_cast %rem3A_825 : i32 to index
      %get3A_2020 = arith.index_cast %get3A_2018 : i32 to index
      %get3A_2021 = arith.index_cast %and3A_2004 : i32 to index
      %get3A_2022 = arith.constant 0 : index
      %get3A_2023 = tpu.vector_load %arg8[%get3A_2019, %get3A_2020, %get3A_2021, %get3A_2022] {strides = array<i32>} : memref<4x16x8x64xf32, #tpu.memory_space<vmem>>, vector<16xf32>,
      %get3A_2024 = arith.index_cast %max3A_2010 : i32 to index
      %get3A_2025 = arith.constant 0 : index
      %get3A_2026 = tpu.vector_load %arg10[%get3A_2024, %get3A_2025] {strides = array<i32>} : memref<64x64xf32, #tpu.memory_space<vmem>>, vector<16xf32>,
      %select_n3A_2027 = arith.select %ge3A_2006, %get3A_2026, %get3A_2023 : vector<16xf32>
      %sub3A_2028 = arith.subf %get3A_2017, %select_n3A_2027 : vector<16xf32>
      %mul3A_2029 = arith.mulf %sub3A_2028, %sub3A_2028 : vector<16xf32>
      %add3A_2030 = arith.addf %add3A_1952, %mul3A_2029 : vector<16xf32>
      %get3A_2031 = arith.index_cast %add3A_2014 : i32 to index
      %get3A_2032 = arith.constant 16 : index
      %get3A_2033 = tpu.vector_load %arg9[%get3A_2031, %get3A_2032] {strides = array<i32>} : memref<256x128xf32, #tpu.memory_space<vmem>>, vector<16xf32>,
      %get3A_2034 = arith.constant 12 : i32
      %get3A_2035 = arith.index_cast %rem3A_825 : i32 to index
      %get3A_2036 = arith.index_cast %get3A_2034 : i32 to index
      %get3A_2037 = arith.index_cast %and3A_2004 : i32 to index
      %get3A_2038 = arith.constant 16 : index
      %get3A_2039 = tpu.vector_load %arg8[%get3A_2035, %get3A_2036, %get3A_2037, %get3A_2038] {strides = array<i32>} : memref<4x16x8x64xf32, #tpu.memory_space<vmem>>, vector<16xf32>,
      %get3A_2040 = arith.index_cast %max3A_2010 : i32 to index
      %get3A_2041 = arith.constant 16 : index
      %get3A_2042 = tpu.vector_load %arg10[%get3A_2040, %get3A_2041] {strides = array<i32>} : memref<64x64xf32, #tpu.memory_space<vmem>>, vector<16xf32>,
      %select_n3A_2043 = arith.select %ge3A_2006, %get3A_2042, %get3A_2039 : vector<16xf32>
      %sub3A_2044 = arith.subf %get3A_2033, %select_n3A_2043 : vector<16xf32>
      %mul3A_2045 = arith.mulf %sub3A_2044, %sub3A_2044 : vector<16xf32>
      %add3A_2046 = arith.addf %add3A_1968, %mul3A_2045 : vector<16xf32>
      %get3A_2047 = arith.index_cast %add3A_2014 : i32 to index
      %get3A_2048 = arith.constant 32 : index
      %get3A_2049 = tpu.vector_load %arg9[%get3A_2047, %get3A_2048] {strides = array<i32>} : memref<256x128xf32, #tpu.memory_space<vmem>>, vector<16xf32>,
      %get3A_2050 = arith.constant 12 : i32
      %get3A_2051 = arith.index_cast %rem3A_825 : i32 to index
      %get3A_2052 = arith.index_cast %get3A_2050 : i32 to index
      %get3A_2053 = arith.index_cast %and3A_2004 : i32 to index
      %get3A_2054 = arith.constant 32 : index
      %get3A_2055 = tpu.vector_load %arg8[%get3A_2051, %get3A_2052, %get3A_2053, %get3A_2054] {strides = array<i32>} : memref<4x16x8x64xf32, #tpu.memory_space<vmem>>, vector<16xf32>,
      %get3A_2056 = arith.index_cast %max3A_2010 : i32 to index
      %get3A_2057 = arith.constant 32 : index
      %get3A_2058 = tpu.vector_load %arg10[%get3A_2056, %get3A_2057] {strides = array<i32>} : memref<64x64xf32, #tpu.memory_space<vmem>>, vector<16xf32>,
      %select_n3A_2059 = arith.select %ge3A_2006, %get3A_2058, %get3A_2055 : vector<16xf32>
      %sub3A_2060 = arith.subf %get3A_2049, %select_n3A_2059 : vector<16xf32>
      %mul3A_2061 = arith.mulf %sub3A_2060, %sub3A_2060 : vector<16xf32>
      %add3A_2062 = arith.addf %add3A_1984, %mul3A_2061 : vector<16xf32>
      %get3A_2063 = arith.index_cast %add3A_2014 : i32 to index
      %get3A_2064 = arith.constant 48 : index
      %get3A_2065 = tpu.vector_load %arg9[%get3A_2063, %get3A_2064] {strides = array<i32>} : memref<256x128xf32, #tpu.memory_space<vmem>>, vector<16xf32>,
      %get3A_2066 = arith.constant 12 : i32
      %get3A_2067 = arith.index_cast %rem3A_825 : i32 to index
      %get3A_2068 = arith.index_cast %get3A_2066 : i32 to index
      %get3A_2069 = arith.index_cast %and3A_2004 : i32 to index
      %get3A_2070 = arith.constant 48 : index
      %get3A_2071 = tpu.vector_load %arg8[%get3A_2067, %get3A_2068, %get3A_2069, %get3A_2070] {strides = array<i32>} : memref<4x16x8x64xf32, #tpu.memory_space<vmem>>, vector<16xf32>,
      %get3A_2072 = arith.index_cast %max3A_2010 : i32 to index
      %get3A_2073 = arith.constant 48 : index
      %get3A_2074 = tpu.vector_load %arg10[%get3A_2072, %get3A_2073] {strides = array<i32>} : memref<64x64xf32, #tpu.memory_space<vmem>>, vector<16xf32>,
      %select_n3A_2075 = arith.select %ge3A_2006, %get3A_2074, %get3A_2071 : vector<16xf32>
      %sub3A_2076 = arith.subf %get3A_2065, %select_n3A_2075 : vector<16xf32>
      %mul3A_2077 = arith.mulf %sub3A_2076, %sub3A_2076 : vector<16xf32>
      %add3A_2078 = arith.addf %add3A_2000, %mul3A_2077 : vector<16xf32>
      %slice3A_2079 = vector.extract_strided_slice %get3A_1069 {offsets = [13], sizes = [1], strides = [1]} : vector<16xi32> to vector<1xi32>
      %squeeze3A_2080 = vector.extract %slice3A_2079[0] : i32 from vector<1xi32>
      %and3A_2081 = arith.constant 7 : i32
      %and3A_2082 = arith.andi %squeeze3A_2080, %and3A_2081 : i32
      %ge3A_2083 = arith.constant 999936 : i32
      %ge3A_2084 = arith.cmpi sge, %squeeze3A_2080, %ge3A_2083 : i32
      %sub3A_2085 = arith.constant 999936 : i32
      %sub3A_2086 = arith.subi %squeeze3A_2080, %sub3A_2085 : i32
      %max3A_2087 = arith.constant 0 : i32
      %max3A_2088 = arith.maxsi %sub3A_2086, %max3A_2087 : i32
      %mul3A_2089 = arith.constant 8 : i32
      %mul3A_2090 = arith.muli %scan3A_817, %mul3A_2089 : i32
      %add3A_2091 = arith.constant 6 : i32
      %add3A_2092 = arith.addi %mul3A_2090, %add3A_2091 : i32
      %get3A_2093 = arith.index_cast %add3A_2092 : i32 to index
      %get3A_2094 = arith.constant 64 : index
      %get3A_2095 = tpu.vector_load %arg9[%get3A_2093, %get3A_2094] {strides = array<i32>} : memref<256x128xf32, #tpu.memory_space<vmem>>, vector<16xf32>,
      %get3A_2096 = arith.constant 13 : i32
      %get3A_2097 = arith.index_cast %rem3A_825 : i32 to index
      %get3A_2098 = arith.index_cast %get3A_2096 : i32 to index
      %get3A_2099 = arith.index_cast %and3A_2082 : i32 to index
      %get3A_2100 = arith.constant 0 : index
      %get3A_2101 = tpu.vector_load %arg8[%get3A_2097, %get3A_2098, %get3A_2099, %get3A_2100] {strides = array<i32>} : memref<4x16x8x64xf32, #tpu.memory_space<vmem>>, vector<16xf32>,
      %get3A_2102 = arith.index_cast %max3A_2088 : i32 to index
      %get3A_2103 = arith.constant 0 : index
      %get3A_2104 = tpu.vector_load %arg10[%get3A_2102, %get3A_2103] {strides = array<i32>} : memref<64x64xf32, #tpu.memory_space<vmem>>, vector<16xf32>,
      %select_n3A_2105 = arith.select %ge3A_2084, %get3A_2104, %get3A_2101 : vector<16xf32>
      %sub3A_2106 = arith.subf %get3A_2095, %select_n3A_2105 : vector<16xf32>
      %mul3A_2107 = arith.mulf %sub3A_2106, %sub3A_2106 : vector<16xf32>
      %add3A_2108 = arith.addf %add3A_2030, %mul3A_2107 : vector<16xf32>
      %get3A_2109 = arith.index_cast %add3A_2092 : i32 to index
      %get3A_2110 = arith.constant 80 : index
      %get3A_2111 = tpu.vector_load %arg9[%get3A_2109, %get3A_2110] {strides = array<i32>} : memref<256x128xf32, #tpu.memory_space<vmem>>, vector<16xf32>,
      %get3A_2112 = arith.constant 13 : i32
      %get3A_2113 = arith.index_cast %rem3A_825 : i32 to index
      %get3A_2114 = arith.index_cast %get3A_2112 : i32 to index
      %get3A_2115 = arith.index_cast %and3A_2082 : i32 to index
      %get3A_2116 = arith.constant 16 : index
      %get3A_2117 = tpu.vector_load %arg8[%get3A_2113, %get3A_2114, %get3A_2115, %get3A_2116] {strides = array<i32>} : memref<4x16x8x64xf32, #tpu.memory_space<vmem>>, vector<16xf32>,
      %get3A_2118 = arith.index_cast %max3A_2088 : i32 to index
      %get3A_2119 = arith.constant 16 : index
      %get3A_2120 = tpu.vector_load %arg10[%get3A_2118, %get3A_2119] {strides = array<i32>} : memref<64x64xf32, #tpu.memory_space<vmem>>, vector<16xf32>,
      %select_n3A_2121 = arith.select %ge3A_2084, %get3A_2120, %get3A_2117 : vector<16xf32>
      %sub3A_2122 = arith.subf %get3A_2111, %select_n3A_2121 : vector<16xf32>
      %mul3A_2123 = arith.mulf %sub3A_2122, %sub3A_2122 : vector<16xf32>
      %add3A_2124 = arith.addf %add3A_2046, %mul3A_2123 : vector<16xf32>
      %get3A_2125 = arith.index_cast %add3A_2092 : i32 to index
      %get3A_2126 = arith.constant 96 : index
      %get3A_2127 = tpu.vector_load %arg9[%get3A_2125, %get3A_2126] {strides = array<i32>} : memref<256x128xf32, #tpu.memory_space<vmem>>, vector<16xf32>,
      %get3A_2128 = arith.constant 13 : i32
      %get3A_2129 = arith.index_cast %rem3A_825 : i32 to index
      %get3A_2130 = arith.index_cast %get3A_2128 : i32 to index
      %get3A_2131 = arith.index_cast %and3A_2082 : i32 to index
      %get3A_2132 = arith.constant 32 : index
      %get3A_2133 = tpu.vector_load %arg8[%get3A_2129, %get3A_2130, %get3A_2131, %get3A_2132] {strides = array<i32>} : memref<4x16x8x64xf32, #tpu.memory_space<vmem>>, vector<16xf32>,
      %get3A_2134 = arith.index_cast %max3A_2088 : i32 to index
      %get3A_2135 = arith.constant 32 : index
      %get3A_2136 = tpu.vector_load %arg10[%get3A_2134, %get3A_2135] {strides = array<i32>} : memref<64x64xf32, #tpu.memory_space<vmem>>, vector<16xf32>,
      %select_n3A_2137 = arith.select %ge3A_2084, %get3A_2136, %get3A_2133 : vector<16xf32>
      %sub3A_2138 = arith.subf %get3A_2127, %select_n3A_2137 : vector<16xf32>
      %mul3A_2139 = arith.mulf %sub3A_2138, %sub3A_2138 : vector<16xf32>
      %add3A_2140 = arith.addf %add3A_2062, %mul3A_2139 : vector<16xf32>
      %get3A_2141 = arith.index_cast %add3A_2092 : i32 to index
      %get3A_2142 = arith.constant 112 : index
      %get3A_2143 = tpu.vector_load %arg9[%get3A_2141, %get3A_2142] {strides = array<i32>} : memref<256x128xf32, #tpu.memory_space<vmem>>, vector<16xf32>,
      %get3A_2144 = arith.constant 13 : i32
      %get3A_2145 = arith.index_cast %rem3A_825 : i32 to index
      %get3A_2146 = arith.index_cast %get3A_2144 : i32 to index
      %get3A_2147 = arith.index_cast %and3A_2082 : i32 to index
      %get3A_2148 = arith.constant 48 : index
      %get3A_2149 = tpu.vector_load %arg8[%get3A_2145, %get3A_2146, %get3A_2147, %get3A_2148] {strides = array<i32>} : memref<4x16x8x64xf32, #tpu.memory_space<vmem>>, vector<16xf32>,
      %get3A_2150 = arith.index_cast %max3A_2088 : i32 to index
      %get3A_2151 = arith.constant 48 : index
      %get3A_2152 = tpu.vector_load %arg10[%get3A_2150, %get3A_2151] {strides = array<i32>} : memref<64x64xf32, #tpu.memory_space<vmem>>, vector<16xf32>,
      %select_n3A_2153 = arith.select %ge3A_2084, %get3A_2152, %get3A_2149 : vector<16xf32>
      %sub3A_2154 = arith.subf %get3A_2143, %select_n3A_2153 : vector<16xf32>
      %mul3A_2155 = arith.mulf %sub3A_2154, %sub3A_2154 : vector<16xf32>
      %add3A_2156 = arith.addf %add3A_2078, %mul3A_2155 : vector<16xf32>
      %slice3A_2157 = vector.extract_strided_slice %get3A_1069 {offsets = [14], sizes = [1], strides = [1]} : vector<16xi32> to vector<1xi32>
      %squeeze3A_2158 = vector.extract %slice3A_2157[0] : i32 from vector<1xi32>
      %and3A_2159 = arith.constant 7 : i32
      %and3A_2160 = arith.andi %squeeze3A_2158, %and3A_2159 : i32
      %ge3A_2161 = arith.constant 999936 : i32
      %ge3A_2162 = arith.cmpi sge, %squeeze3A_2158, %ge3A_2161 : i32
      %sub3A_2163 = arith.constant 999936 : i32
      %sub3A_2164 = arith.subi %squeeze3A_2158, %sub3A_2163 : i32
      %max3A_2165 = arith.constant 0 : i32
      %max3A_2166 = arith.maxsi %sub3A_2164, %max3A_2165 : i32
      %mul3A_2167 = arith.constant 8 : i32
      %mul3A_2168 = arith.muli %scan3A_817, %mul3A_2167 : i32
      %add3A_2169 = arith.constant 7 : i32
      %add3A_2170 = arith.addi %mul3A_2168, %add3A_2169 : i32
      %get3A_2171 = arith.index_cast %add3A_2170 : i32 to index
      %get3A_2172 = arith.constant 0 : index
      %get3A_2173 = tpu.vector_load %arg9[%get3A_2171, %get3A_2172] {strides = array<i32>} : memref<256x128xf32, #tpu.memory_space<vmem>>, vector<16xf32>,
      %get3A_2174 = arith.constant 14 : i32
      %get3A_2175 = arith.index_cast %rem3A_825 : i32 to index
      %get3A_2176 = arith.index_cast %get3A_2174 : i32 to index
      %get3A_2177 = arith.index_cast %and3A_2160 : i32 to index
      %get3A_2178 = arith.constant 0 : index
      %get3A_2179 = tpu.vector_load %arg8[%get3A_2175, %get3A_2176, %get3A_2177, %get3A_2178] {strides = array<i32>} : memref<4x16x8x64xf32, #tpu.memory_space<vmem>>, vector<16xf32>,
      %get3A_2180 = arith.index_cast %max3A_2166 : i32 to index
      %get3A_2181 = arith.constant 0 : index
      %get3A_2182 = tpu.vector_load %arg10[%get3A_2180, %get3A_2181] {strides = array<i32>} : memref<64x64xf32, #tpu.memory_space<vmem>>, vector<16xf32>,
      %select_n3A_2183 = arith.select %ge3A_2162, %get3A_2182, %get3A_2179 : vector<16xf32>
      %sub3A_2184 = arith.subf %get3A_2173, %select_n3A_2183 : vector<16xf32>
      %mul3A_2185 = arith.mulf %sub3A_2184, %sub3A_2184 : vector<16xf32>
      %add3A_2186 = arith.addf %add3A_2108, %mul3A_2185 : vector<16xf32>
      %get3A_2187 = arith.index_cast %add3A_2170 : i32 to index
      %get3A_2188 = arith.constant 16 : index
      %get3A_2189 = tpu.vector_load %arg9[%get3A_2187, %get3A_2188] {strides = array<i32>} : memref<256x128xf32, #tpu.memory_space<vmem>>, vector<16xf32>,
      %get3A_2190 = arith.constant 14 : i32
      %get3A_2191 = arith.index_cast %rem3A_825 : i32 to index
      %get3A_2192 = arith.index_cast %get3A_2190 : i32 to index
      %get3A_2193 = arith.index_cast %and3A_2160 : i32 to index
      %get3A_2194 = arith.constant 16 : index
      %get3A_2195 = tpu.vector_load %arg8[%get3A_2191, %get3A_2192, %get3A_2193, %get3A_2194] {strides = array<i32>} : memref<4x16x8x64xf32, #tpu.memory_space<vmem>>, vector<16xf32>,
      %get3A_2196 = arith.index_cast %max3A_2166 : i32 to index
      %get3A_2197 = arith.constant 16 : index
      %get3A_2198 = tpu.vector_load %arg10[%get3A_2196, %get3A_2197] {strides = array<i32>} : memref<64x64xf32, #tpu.memory_space<vmem>>, vector<16xf32>,
      %select_n3A_2199 = arith.select %ge3A_2162, %get3A_2198, %get3A_2195 : vector<16xf32>
      %sub3A_2200 = arith.subf %get3A_2189, %select_n3A_2199 : vector<16xf32>
      %mul3A_2201 = arith.mulf %sub3A_2200, %sub3A_2200 : vector<16xf32>
      %add3A_2202 = arith.addf %add3A_2124, %mul3A_2201 : vector<16xf32>
      %get3A_2203 = arith.index_cast %add3A_2170 : i32 to index
      %get3A_2204 = arith.constant 32 : index
      %get3A_2205 = tpu.vector_load %arg9[%get3A_2203, %get3A_2204] {strides = array<i32>} : memref<256x128xf32, #tpu.memory_space<vmem>>, vector<16xf32>,
      %get3A_2206 = arith.constant 14 : i32
      %get3A_2207 = arith.index_cast %rem3A_825 : i32 to index
      %get3A_2208 = arith.index_cast %get3A_2206 : i32 to index
      %get3A_2209 = arith.index_cast %and3A_2160 : i32 to index
      %get3A_2210 = arith.constant 32 : index
      %get3A_2211 = tpu.vector_load %arg8[%get3A_2207, %get3A_2208, %get3A_2209, %get3A_2210] {strides = array<i32>} : memref<4x16x8x64xf32, #tpu.memory_space<vmem>>, vector<16xf32>,
      %get3A_2212 = arith.index_cast %max3A_2166 : i32 to index
      %get3A_2213 = arith.constant 32 : index
      %get3A_2214 = tpu.vector_load %arg10[%get3A_2212, %get3A_2213] {strides = array<i32>} : memref<64x64xf32, #tpu.memory_space<vmem>>, vector<16xf32>,
      %select_n3A_2215 = arith.select %ge3A_2162, %get3A_2214, %get3A_2211 : vector<16xf32>
      %sub3A_2216 = arith.subf %get3A_2205, %select_n3A_2215 : vector<16xf32>
      %mul3A_2217 = arith.mulf %sub3A_2216, %sub3A_2216 : vector<16xf32>
      %add3A_2218 = arith.addf %add3A_2140, %mul3A_2217 : vector<16xf32>
      %get3A_2219 = arith.index_cast %add3A_2170 : i32 to index
      %get3A_2220 = arith.constant 48 : index
      %get3A_2221 = tpu.vector_load %arg9[%get3A_2219, %get3A_2220] {strides = array<i32>} : memref<256x128xf32, #tpu.memory_space<vmem>>, vector<16xf32>,
      %get3A_2222 = arith.constant 14 : i32
      %get3A_2223 = arith.index_cast %rem3A_825 : i32 to index
      %get3A_2224 = arith.index_cast %get3A_2222 : i32 to index
      %get3A_2225 = arith.index_cast %and3A_2160 : i32 to index
      %get3A_2226 = arith.constant 48 : index
      %get3A_2227 = tpu.vector_load %arg8[%get3A_2223, %get3A_2224, %get3A_2225, %get3A_2226] {strides = array<i32>} : memref<4x16x8x64xf32, #tpu.memory_space<vmem>>, vector<16xf32>,
      %get3A_2228 = arith.index_cast %max3A_2166 : i32 to index
      %get3A_2229 = arith.constant 48 : index
      %get3A_2230 = tpu.vector_load %arg10[%get3A_2228, %get3A_2229] {strides = array<i32>} : memref<64x64xf32, #tpu.memory_space<vmem>>, vector<16xf32>,
      %select_n3A_2231 = arith.select %ge3A_2162, %get3A_2230, %get3A_2227 : vector<16xf32>
      %sub3A_2232 = arith.subf %get3A_2221, %select_n3A_2231 : vector<16xf32>
      %mul3A_2233 = arith.mulf %sub3A_2232, %sub3A_2232 : vector<16xf32>
      %add3A_2234 = arith.addf %add3A_2156, %mul3A_2233 : vector<16xf32>
      %slice3A_2235 = vector.extract_strided_slice %get3A_1069 {offsets = [15], sizes = [1], strides = [1]} : vector<16xi32> to vector<1xi32>
      %squeeze3A_2236 = vector.extract %slice3A_2235[0] : i32 from vector<1xi32>
      %and3A_2237 = arith.constant 7 : i32
      %and3A_2238 = arith.andi %squeeze3A_2236, %and3A_2237 : i32
      %ge3A_2239 = arith.constant 999936 : i32
      %ge3A_2240 = arith.cmpi sge, %squeeze3A_2236, %ge3A_2239 : i32
      %sub3A_2241 = arith.constant 999936 : i32
      %sub3A_2242 = arith.subi %squeeze3A_2236, %sub3A_2241 : i32
      %max3A_2243 = arith.constant 0 : i32
      %max3A_2244 = arith.maxsi %sub3A_2242, %max3A_2243 : i32
      %mul3A_2245 = arith.constant 8 : i32
      %mul3A_2246 = arith.muli %scan3A_817, %mul3A_2245 : i32
      %add3A_2247 = arith.constant 7 : i32
      %add3A_2248 = arith.addi %mul3A_2246, %add3A_2247 : i32
      %get3A_2249 = arith.index_cast %add3A_2248 : i32 to index
      %get3A_2250 = arith.constant 64 : index
      %get3A_2251 = tpu.vector_load %arg9[%get3A_2249, %get3A_2250] {strides = array<i32>} : memref<256x128xf32, #tpu.memory_space<vmem>>, vector<16xf32>,
      %get3A_2252 = arith.constant 15 : i32
      %get3A_2253 = arith.index_cast %rem3A_825 : i32 to index
      %get3A_2254 = arith.index_cast %get3A_2252 : i32 to index
      %get3A_2255 = arith.index_cast %and3A_2238 : i32 to index
      %get3A_2256 = arith.constant 0 : index
      %get3A_2257 = tpu.vector_load %arg8[%get3A_2253, %get3A_2254, %get3A_2255, %get3A_2256] {strides = array<i32>} : memref<4x16x8x64xf32, #tpu.memory_space<vmem>>, vector<16xf32>,
      %get3A_2258 = arith.index_cast %max3A_2244 : i32 to index
      %get3A_2259 = arith.constant 0 : index
      %get3A_2260 = tpu.vector_load %arg10[%get3A_2258, %get3A_2259] {strides = array<i32>} : memref<64x64xf32, #tpu.memory_space<vmem>>, vector<16xf32>,
      %select_n3A_2261 = arith.select %ge3A_2240, %get3A_2260, %get3A_2257 : vector<16xf32>
      %sub3A_2262 = arith.subf %get3A_2251, %select_n3A_2261 : vector<16xf32>
      %mul3A_2263 = arith.mulf %sub3A_2262, %sub3A_2262 : vector<16xf32>
      %add3A_2264 = arith.addf %add3A_2186, %mul3A_2263 : vector<16xf32>
      %get3A_2265 = arith.index_cast %add3A_2248 : i32 to index
      %get3A_2266 = arith.constant 80 : index
      %get3A_2267 = tpu.vector_load %arg9[%get3A_2265, %get3A_2266] {strides = array<i32>} : memref<256x128xf32, #tpu.memory_space<vmem>>, vector<16xf32>,
      %get3A_2268 = arith.constant 15 : i32
      %get3A_2269 = arith.index_cast %rem3A_825 : i32 to index
      %get3A_2270 = arith.index_cast %get3A_2268 : i32 to index
      %get3A_2271 = arith.index_cast %and3A_2238 : i32 to index
      %get3A_2272 = arith.constant 16 : index
      %get3A_2273 = tpu.vector_load %arg8[%get3A_2269, %get3A_2270, %get3A_2271, %get3A_2272] {strides = array<i32>} : memref<4x16x8x64xf32, #tpu.memory_space<vmem>>, vector<16xf32>,
      %get3A_2274 = arith.index_cast %max3A_2244 : i32 to index
      %get3A_2275 = arith.constant 16 : index
      %get3A_2276 = tpu.vector_load %arg10[%get3A_2274, %get3A_2275] {strides = array<i32>} : memref<64x64xf32, #tpu.memory_space<vmem>>, vector<16xf32>,
      %select_n3A_2277 = arith.select %ge3A_2240, %get3A_2276, %get3A_2273 : vector<16xf32>
      %sub3A_2278 = arith.subf %get3A_2267, %select_n3A_2277 : vector<16xf32>
      %mul3A_2279 = arith.mulf %sub3A_2278, %sub3A_2278 : vector<16xf32>
      %add3A_2280 = arith.addf %add3A_2202, %mul3A_2279 : vector<16xf32>
      %get3A_2281 = arith.index_cast %add3A_2248 : i32 to index
      %get3A_2282 = arith.constant 96 : index
      %get3A_2283 = tpu.vector_load %arg9[%get3A_2281, %get3A_2282] {strides = array<i32>} : memref<256x128xf32, #tpu.memory_space<vmem>>, vector<16xf32>,
      %get3A_2284 = arith.constant 15 : i32
      %get3A_2285 = arith.index_cast %rem3A_825 : i32 to index
      %get3A_2286 = arith.index_cast %get3A_2284 : i32 to index
      %get3A_2287 = arith.index_cast %and3A_2238 : i32 to index
      %get3A_2288 = arith.constant 32 : index
      %get3A_2289 = tpu.vector_load %arg8[%get3A_2285, %get3A_2286, %get3A_2287, %get3A_2288] {strides = array<i32>} : memref<4x16x8x64xf32, #tpu.memory_space<vmem>>, vector<16xf32>,
      %get3A_2290 = arith.index_cast %max3A_2244 : i32 to index
      %get3A_2291 = arith.constant 32 : index
      %get3A_2292 = tpu.vector_load %arg10[%get3A_2290, %get3A_2291] {strides = array<i32>} : memref<64x64xf32, #tpu.memory_space<vmem>>, vector<16xf32>,
      %select_n3A_2293 = arith.select %ge3A_2240, %get3A_2292, %get3A_2289 : vector<16xf32>
      %sub3A_2294 = arith.subf %get3A_2283, %select_n3A_2293 : vector<16xf32>
      %mul3A_2295 = arith.mulf %sub3A_2294, %sub3A_2294 : vector<16xf32>
      %add3A_2296 = arith.addf %add3A_2218, %mul3A_2295 : vector<16xf32>
      %get3A_2297 = arith.index_cast %add3A_2248 : i32 to index
      %get3A_2298 = arith.constant 112 : index
      %get3A_2299 = tpu.vector_load %arg9[%get3A_2297, %get3A_2298] {strides = array<i32>} : memref<256x128xf32, #tpu.memory_space<vmem>>, vector<16xf32>,
      %get3A_2300 = arith.constant 15 : i32
      %get3A_2301 = arith.index_cast %rem3A_825 : i32 to index
      %get3A_2302 = arith.index_cast %get3A_2300 : i32 to index
      %get3A_2303 = arith.index_cast %and3A_2238 : i32 to index
      %get3A_2304 = arith.constant 48 : index
      %get3A_2305 = tpu.vector_load %arg8[%get3A_2301, %get3A_2302, %get3A_2303, %get3A_2304] {strides = array<i32>} : memref<4x16x8x64xf32, #tpu.memory_space<vmem>>, vector<16xf32>,
      %get3A_2306 = arith.index_cast %max3A_2244 : i32 to index
      %get3A_2307 = arith.constant 48 : index
      %get3A_2308 = tpu.vector_load %arg10[%get3A_2306, %get3A_2307] {strides = array<i32>} : memref<64x64xf32, #tpu.memory_space<vmem>>, vector<16xf32>,
      %select_n3A_2309 = arith.select %ge3A_2240, %get3A_2308, %get3A_2305 : vector<16xf32>
      %sub3A_2310 = arith.subf %get3A_2299, %select_n3A_2309 : vector<16xf32>
      %mul3A_2311 = arith.mulf %sub3A_2310, %sub3A_2310 : vector<16xf32>
      %add3A_2312 = arith.addf %add3A_2234, %mul3A_2311 : vector<16xf32>
      scf.yield %add3A_2264, %add3A_2280, %add3A_2296, %add3A_2312 : vector<16xf32>, vector<16xf32>, vector<16xf32>, vector<16xf32>
    }
    %scan3A_810 = arith.constant 32 : i32
    %add3A_811 = arith.addf %scan3A_809#0, %scan3A_809#1 : vector<16xf32>
    %add3A_812 = arith.addf %scan3A_809#2, %scan3A_809#3 : vector<16xf32>
    %add3A_813 = arith.addf %add3A_811, %add3A_812 : vector<16xf32>
    %swap3A = arith.constant 0 : index
    %swap3A_814 = tpu.vector_load %arg11[%swap3A] {strides = array<i32>} : memref<16xf32, #tpu.memory_space<vmem>>, vector<16xf32>,
    tpu.vector_store %arg11[%swap3A], %add3A_813 {strides = array<i32>} : memref<16xf32, #tpu.memory_space<vmem>>, vector<16xf32>,
    %mul3A_815 = arith.constant 16 : i32
    %mul3A_816 = arith.muli %add3A, %mul3A_815 : i32
    "tpu.region"() ({
      %run_scoped3A = tpu.sem_alloc : memref<!tpu.dma_semaphore, #tpu.memory_space<semaphore_mem>>
      %dma_start3A_817 = tpu.memref_slice %arg6[%mul3A_816] : memref<512xf32, #tpu.memory_space<hbm>> -> memref<16xf32, #tpu.memory_space<hbm>>
      %dma_start3A_818 = tpu.memref_slice %arg6[%mul3A_816] : memref<512xf32, #tpu.memory_space<hbm>> -> memref<16xf32, #tpu.memory_space<hbm>>
      tpu.enqueue_dma source(%arg11 : memref<16xf32, #tpu.memory_space<vmem>>) target(%dma_start3A_818 : memref<16xf32, #tpu.memory_space<hbm>>) target_semaphore(%run_scoped3A : memref<!tpu.dma_semaphore, #tpu.memory_space<semaphore_mem>>)
      %dma_wait3A_819 = tpu.memref_slice %arg6[%mul3A_816] : memref<512xf32, #tpu.memory_space<hbm>> -> memref<16xf32, #tpu.memory_space<hbm>>
      %dma_wait3A_820 = tpu.memref_slice %arg6[%mul3A_816] : memref<512xf32, #tpu.memory_space<hbm>> -> memref<16xf32, #tpu.memory_space<hbm>>
      tpu.wait_dma2 semaphore(%run_scoped3A : memref<!tpu.dma_semaphore, #tpu.memory_space<semaphore_mem>>) src(%arg11 : memref<16xf32, #tpu.memory_space<vmem>>) dst(%dma_wait3A_820 : memref<16xf32, #tpu.memory_space<hbm>>)
      tpu.yield
    }) : () -> ()
    return
  }
}

#map = affine_map<(d0, d1) -> (0, 0)>
module attributes {stable_mosaic.version = 14 : i64} {
  func.func @_transpose_body(%arg0: i32, %arg1: i32, %arg2: memref<64x1000000xf32, #tpu.memory_space<hbm>>, %arg3: memref<1000000x64xf32, #tpu.memory_space<hbm>>, %arg4: memref<2x64x137xf32, #tpu.memory_space<vmem>>, %arg5: memref<2x128x64xf32, #tpu.memory_space<vmem>>, %arg6: memref<!tpu.dma_semaphore, #tpu.memory_space<semaphore_mem>>, %arg7: memref<!tpu.dma_semaphore, #tpu.memory_space<semaphore_mem>>) attributes {dimension_semantics = [#tpu.dimension_semantics<core_parallel>, #tpu.dimension_semantics<subcore_parallel>], iteration_bounds = array<i64: 2, 16>, scalar_prefetch = 0 : i64, scratch_operands = 4 : i64, tpu.core_type = #tpu.core_type<sc_vector_subcore>, window_params = [{transform_indices = #map}, {transform_indices = #map}]} {
    %mul3A = arith.constant 2 : i32
    %mul3A_0 = arith.muli %arg1, %mul3A : i32
    %add3A = arith.addi %mul3A_0, %arg0 : i32
    %mul3A_1 = arith.constant 244 : i32
    %mul3A_2 = arith.muli %add3A, %mul3A_1 : i32
    %iota3A = tpu.iota {dimensions = array<i32: 0>} : vector<16xi32>
    %rem3A = arith.constant 0 : i32
    %rem3A_3 = arith.constant 2 : i32
    %rem3A_4 = arith.remsi %rem3A, %rem3A_3 : i32
    %mul3A_5 = arith.constant 128 : i32
    %mul3A_6 = arith.muli %mul3A_2, %mul3A_5 : i32
    %dma_start3A = arith.constant 0 : i32
    %dma_start3A_7 = arith.constant 0 : i32
    %dma_start3A_8 = tpu.memref_slice %arg4[%rem3A_4, %dma_start3A, %dma_start3A_7] : memref<2x64x137xf32, #tpu.memory_space<vmem>> -> memref<1x64x128xf32, #tpu.memory_space<vmem>>
    %dma_start3A_9 = tpu.memref_squeeze %dma_start3A_8 : memref<1x64x128xf32, #tpu.memory_space<vmem>> -> memref<64x128xf32, #tpu.memory_space<vmem>>
    %dma_start3A_10 = arith.constant 0 : i32
    %dma_start3A_11 = tpu.memref_slice %arg2[%dma_start3A_10, %mul3A_6] : memref<64x1000000xf32, #tpu.memory_space<hbm>> -> memref<64x128xf32, #tpu.memory_space<hbm>>
    %dma_start3A_12 = arith.constant 0 : i32
    %dma_start3A_13 = arith.constant 0 : i32
    %dma_start3A_14 = tpu.memref_slice %arg4[%rem3A_4, %dma_start3A_12, %dma_start3A_13] : memref<2x64x137xf32, #tpu.memory_space<vmem>> -> memref<1x64x128xf32, #tpu.memory_space<vmem>>
    %dma_start3A_15 = tpu.memref_squeeze %dma_start3A_14 : memref<1x64x128xf32, #tpu.memory_space<vmem>> -> memref<64x128xf32, #tpu.memory_space<vmem>>
    %dma_start3A_16 = arith.constant 0 : i32
    %dma_start3A_17 = tpu.memref_slice %arg2[%dma_start3A_16, %mul3A_6] : memref<64x1000000xf32, #tpu.memory_space<hbm>> -> memref<64x128xf32, #tpu.memory_space<hbm>>
    tpu.enqueue_dma source(%dma_start3A_17 : memref<64x128xf32, #tpu.memory_space<hbm>>) target(%dma_start3A_15 : memref<64x128xf32, #tpu.memory_space<vmem>>) target_semaphore(%arg6 : memref<!tpu.dma_semaphore, #tpu.memory_space<semaphore_mem>>)
    %scan3A = arith.constant 0 : i32
    %scan3A_18 = arith.constant 0 : i32
    %scan3A_19 = arith.constant 244 : i32
    %scan3A_20 = arith.addi %scan3A_18, %scan3A_19 : i32
    %scan3A_21 = arith.constant 1 : i32
    scf.for %scan3A_65 = %scan3A_18 to %scan3A_20 step %scan3A_21  : i32 {
      %lt3A_66 = arith.constant 243 : i32
      %lt3A_67 = arith.cmpi slt, %scan3A_65, %lt3A_66 : i32
      %convert_element_type3A_68 = arith.extui %lt3A_67 : i1 to i32
      %cond3A_69 = arith.constant 0 : i32
      %cond3A_70 = arith.cmpi ne, %convert_element_type3A_68, %cond3A_69 : i32
      scf.if %cond3A_70 {
        %add3A_117 = arith.constant 1 : i32
        %add3A_118 = arith.addi %scan3A_65, %add3A_117 : i32
        %add3A_119 = arith.addi %mul3A_2, %scan3A_65 : i32
        %add3A_120 = arith.constant 1 : i32
        %add3A_121 = arith.addi %add3A_119, %add3A_120 : i32
        %rem3A_122 = arith.constant 2 : i32
        %rem3A_123 = arith.remsi %add3A_118, %rem3A_122 : i32
        %mul3A_124 = arith.constant 128 : i32
        %mul3A_125 = arith.muli %add3A_121, %mul3A_124 : i32
        %dma_start3A_126 = arith.constant 0 : i32
        %dma_start3A_127 = arith.constant 0 : i32
        %dma_start3A_128 = tpu.memref_slice %arg4[%rem3A_123, %dma_start3A_126, %dma_start3A_127] : memref<2x64x137xf32, #tpu.memory_space<vmem>> -> memref<1x64x128xf32, #tpu.memory_space<vmem>>
        %dma_start3A_129 = tpu.memref_squeeze %dma_start3A_128 : memref<1x64x128xf32, #tpu.memory_space<vmem>> -> memref<64x128xf32, #tpu.memory_space<vmem>>
        %dma_start3A_130 = arith.constant 0 : i32
        %dma_start3A_131 = tpu.memref_slice %arg2[%dma_start3A_130, %mul3A_125] : memref<64x1000000xf32, #tpu.memory_space<hbm>> -> memref<64x128xf32, #tpu.memory_space<hbm>>
        %dma_start3A_132 = arith.constant 0 : i32
        %dma_start3A_133 = arith.constant 0 : i32
        %dma_start3A_134 = tpu.memref_slice %arg4[%rem3A_123, %dma_start3A_132, %dma_start3A_133] : memref<2x64x137xf32, #tpu.memory_space<vmem>> -> memref<1x64x128xf32, #tpu.memory_space<vmem>>
        %dma_start3A_135 = tpu.memref_squeeze %dma_start3A_134 : memref<1x64x128xf32, #tpu.memory_space<vmem>> -> memref<64x128xf32, #tpu.memory_space<vmem>>
        %dma_start3A_136 = arith.constant 0 : i32
        %dma_start3A_137 = tpu.memref_slice %arg2[%dma_start3A_136, %mul3A_125] : memref<64x1000000xf32, #tpu.memory_space<hbm>> -> memref<64x128xf32, #tpu.memory_space<hbm>>
        tpu.enqueue_dma source(%dma_start3A_137 : memref<64x128xf32, #tpu.memory_space<hbm>>) target(%dma_start3A_135 : memref<64x128xf32, #tpu.memory_space<vmem>>) target_semaphore(%arg6 : memref<!tpu.dma_semaphore, #tpu.memory_space<semaphore_mem>>)
      } else {
      }
      %add3A_71 = arith.addi %mul3A_2, %scan3A_65 : i32
      %rem3A_72 = arith.constant 2 : i32
      %rem3A_73 = arith.remsi %scan3A_65, %rem3A_72 : i32
      %mul3A_74 = arith.constant 128 : i32
      %mul3A_75 = arith.muli %add3A_71, %mul3A_74 : i32
      %dma_wait3A_76 = arith.constant 0 : i32
      %dma_wait3A_77 = arith.constant 0 : i32
      %dma_wait3A_78 = tpu.memref_slice %arg4[%rem3A_73, %dma_wait3A_76, %dma_wait3A_77] : memref<2x64x137xf32, #tpu.memory_space<vmem>> -> memref<1x64x128xf32, #tpu.memory_space<vmem>>
      %dma_wait3A_79 = tpu.memref_squeeze %dma_wait3A_78 : memref<1x64x128xf32, #tpu.memory_space<vmem>> -> memref<64x128xf32, #tpu.memory_space<vmem>>
      %dma_wait3A_80 = arith.constant 0 : i32
      %dma_wait3A_81 = tpu.memref_slice %arg2[%dma_wait3A_80, %mul3A_75] : memref<64x1000000xf32, #tpu.memory_space<hbm>> -> memref<64x128xf32, #tpu.memory_space<hbm>>
      %dma_wait3A_82 = arith.constant 0 : i32
      %dma_wait3A_83 = arith.constant 0 : i32
      %dma_wait3A_84 = tpu.memref_slice %arg4[%rem3A_73, %dma_wait3A_82, %dma_wait3A_83] : memref<2x64x137xf32, #tpu.memory_space<vmem>> -> memref<1x64x128xf32, #tpu.memory_space<vmem>>
      %dma_wait3A_85 = tpu.memref_squeeze %dma_wait3A_84 : memref<1x64x128xf32, #tpu.memory_space<vmem>> -> memref<64x128xf32, #tpu.memory_space<vmem>>
      %dma_wait3A_86 = arith.constant 0 : i32
      %dma_wait3A_87 = tpu.memref_slice %arg2[%dma_wait3A_86, %mul3A_75] : memref<64x1000000xf32, #tpu.memory_space<hbm>> -> memref<64x128xf32, #tpu.memory_space<hbm>>
      tpu.wait_dma2 semaphore(%arg6 : memref<!tpu.dma_semaphore, #tpu.memory_space<semaphore_mem>>) src(%dma_wait3A_87 : memref<64x128xf32, #tpu.memory_space<hbm>>) dst(%dma_wait3A_85 : memref<64x128xf32, #tpu.memory_space<vmem>>)
      %ge3A = arith.constant 2 : i32
      %ge3A_88 = arith.cmpi sge, %scan3A_65, %ge3A : i32
      %convert_element_type3A_89 = arith.extui %ge3A_88 : i1 to i32
      %cond3A_90 = arith.constant 0 : i32
      %cond3A_91 = arith.cmpi ne, %convert_element_type3A_89, %cond3A_90 : i32
      scf.if %cond3A_91 {
        %sub3A_117 = arith.constant 2 : i32
        %sub3A_118 = arith.subi %scan3A_65, %sub3A_117 : i32
        %add3A_119 = arith.addi %mul3A_2, %scan3A_65 : i32
        %sub3A_120 = arith.constant 2 : i32
        %sub3A_121 = arith.subi %add3A_119, %sub3A_120 : i32
        %rem3A_122 = arith.constant 2 : i32
        %rem3A_123 = arith.remsi %sub3A_118, %rem3A_122 : i32
        %mul3A_124 = arith.constant 128 : i32
        %mul3A_125 = arith.muli %sub3A_121, %mul3A_124 : i32
        %dma_wait3A_126 = arith.constant 0 : i32
        %dma_wait3A_127 = arith.constant 0 : i32
        %dma_wait3A_128 = tpu.memref_slice %arg5[%rem3A_123, %dma_wait3A_126, %dma_wait3A_127] : memref<2x128x64xf32, #tpu.memory_space<vmem>> -> memref<1x128x64xf32, #tpu.memory_space<vmem>>
        %dma_wait3A_129 = tpu.memref_squeeze %dma_wait3A_128 : memref<1x128x64xf32, #tpu.memory_space<vmem>> -> memref<128x64xf32, #tpu.memory_space<vmem>>
        %dma_wait3A_130 = arith.constant 0 : i32
        %dma_wait3A_131 = tpu.memref_slice %arg3[%mul3A_125, %dma_wait3A_130] : memref<1000000x64xf32, #tpu.memory_space<hbm>> -> memref<128x64xf32, #tpu.memory_space<hbm>>
        %dma_wait3A_132 = arith.constant 0 : i32
        %dma_wait3A_133 = tpu.memref_slice %arg3[%mul3A_125, %dma_wait3A_132] : memref<1000000x64xf32, #tpu.memory_space<hbm>> -> memref<128x64xf32, #tpu.memory_space<hbm>>
        %dma_wait3A_134 = arith.constant 0 : i32
        %dma_wait3A_135 = arith.constant 0 : i32
        %dma_wait3A_136 = tpu.memref_slice %arg5[%rem3A_123, %dma_wait3A_134, %dma_wait3A_135] : memref<2x128x64xf32, #tpu.memory_space<vmem>> -> memref<1x128x64xf32, #tpu.memory_space<vmem>>
        %dma_wait3A_137 = tpu.memref_squeeze %dma_wait3A_136 : memref<1x128x64xf32, #tpu.memory_space<vmem>> -> memref<128x64xf32, #tpu.memory_space<vmem>>
        tpu.wait_dma2 semaphore(%arg7 : memref<!tpu.dma_semaphore, #tpu.memory_space<semaphore_mem>>) src(%dma_wait3A_137 : memref<128x64xf32, #tpu.memory_space<vmem>>) dst(%dma_wait3A_133 : memref<128x64xf32, #tpu.memory_space<hbm>>)
      } else {
      }
      %rem3A_92 = arith.constant 2 : i32
      %rem3A_93 = arith.remsi %scan3A_65, %rem3A_92 : i32
      %broadcast_in_dim3A = vector.broadcast %rem3A_93 : i32 to vector<16xi32>
      %scan3A_94 = arith.constant 0 : i32
      %scan3A_95 = arith.constant 0 : i32
      %scan3A_96 = arith.constant 16 : i32
      %scan3A_97 = arith.addi %scan3A_95, %scan3A_96 : i32
      %scan3A_98 = arith.constant 1 : i32
      scf.for %scan3A_117 = %scan3A_95 to %scan3A_97 step %scan3A_98  : i32 {
        %mul3A_118 = arith.constant 8 : i32
        %mul3A_119 = arith.muli %scan3A_117, %mul3A_118 : i32
        %add3A_120 = arith.constant 0 : i32
        %add3A_121 = arith.addi %mul3A_119, %add3A_120 : i32
        %broadcast_in_dim3A_122 = vector.broadcast %add3A_121 : i32 to vector<16xi32>
        %add3A_123 = arith.constant 0 : i32
        %add3A_124 = vector.broadcast %add3A_123 : i32 to vector<16xi32>
        %add3A_125 = arith.addi %iota3A, %add3A_124 : vector<16xi32>
        %gather3A = tpu.vector_load_idx %arg4[%broadcast_in_dim3A, %add3A_125, %broadcast_in_dim3A_122] : memref<2x64x137xf32, #tpu.memory_space<vmem>>[vector<16xi32>, vector<16xi32>, vector<16xi32>], vector<16xf32>,
        %swap3A = arith.index_cast %rem3A_93 : i32 to index
        %swap3A_126 = arith.index_cast %add3A_121 : i32 to index
        %swap3A_127 = arith.constant 0 : index
        %swap3A_128 = tpu.vector_load %arg5[%swap3A, %swap3A_126, %swap3A_127] {strides = array<i32>} : memref<2x128x64xf32, #tpu.memory_space<vmem>>, vector<16xf32>,
        tpu.vector_store %arg5[%swap3A, %swap3A_126, %swap3A_127], %gather3A {strides = array<i32>} : memref<2x128x64xf32, #tpu.memory_space<vmem>>, vector<16xf32>,
        %add3A_129 = arith.constant 16 : i32
        %add3A_130 = vector.broadcast %add3A_129 : i32 to vector<16xi32>
        %add3A_131 = arith.addi %iota3A, %add3A_130 : vector<16xi32>
        %gather3A_132 = tpu.vector_load_idx %arg4[%broadcast_in_dim3A, %add3A_131, %broadcast_in_dim3A_122] : memref<2x64x137xf32, #tpu.memory_space<vmem>>[vector<16xi32>, vector<16xi32>, vector<16xi32>], vector<16xf32>,
        %swap3A_133 = arith.index_cast %rem3A_93 : i32 to index
        %swap3A_134 = arith.index_cast %add3A_121 : i32 to index
        %swap3A_135 = arith.constant 16 : index
        %swap3A_136 = tpu.vector_load %arg5[%swap3A_133, %swap3A_134, %swap3A_135] {strides = array<i32>} : memref<2x128x64xf32, #tpu.memory_space<vmem>>, vector<16xf32>,
        tpu.vector_store %arg5[%swap3A_133, %swap3A_134, %swap3A_135], %gather3A_132 {strides = array<i32>} : memref<2x128x64xf32, #tpu.memory_space<vmem>>, vector<16xf32>,
        %add3A_137 = arith.constant 32 : i32
        %add3A_138 = vector.broadcast %add3A_137 : i32 to vector<16xi32>
        %add3A_139 = arith.addi %iota3A, %add3A_138 : vector<16xi32>
        %gather3A_140 = tpu.vector_load_idx %arg4[%broadcast_in_dim3A, %add3A_139, %broadcast_in_dim3A_122] : memref<2x64x137xf32, #tpu.memory_space<vmem>>[vector<16xi32>, vector<16xi32>, vector<16xi32>], vector<16xf32>,
        %swap3A_141 = arith.index_cast %rem3A_93 : i32 to index
        %swap3A_142 = arith.index_cast %add3A_121 : i32 to index
        %swap3A_143 = arith.constant 32 : index
        %swap3A_144 = tpu.vector_load %arg5[%swap3A_141, %swap3A_142, %swap3A_143] {strides = array<i32>} : memref<2x128x64xf32, #tpu.memory_space<vmem>>, vector<16xf32>,
        tpu.vector_store %arg5[%swap3A_141, %swap3A_142, %swap3A_143], %gather3A_140 {strides = array<i32>} : memref<2x128x64xf32, #tpu.memory_space<vmem>>, vector<16xf32>,
        %add3A_145 = arith.constant 48 : i32
        %add3A_146 = vector.broadcast %add3A_145 : i32 to vector<16xi32>
        %add3A_147 = arith.addi %iota3A, %add3A_146 : vector<16xi32>
        %gather3A_148 = tpu.vector_load_idx %arg4[%broadcast_in_dim3A, %add3A_147, %broadcast_in_dim3A_122] : memref<2x64x137xf32, #tpu.memory_space<vmem>>[vector<16xi32>, vector<16xi32>, vector<16xi32>], vector<16xf32>,
        %swap3A_149 = arith.index_cast %rem3A_93 : i32 to index
        %swap3A_150 = arith.index_cast %add3A_121 : i32 to index
        %swap3A_151 = arith.constant 48 : index
        %swap3A_152 = tpu.vector_load %arg5[%swap3A_149, %swap3A_150, %swap3A_151] {strides = array<i32>} : memref<2x128x64xf32, #tpu.memory_space<vmem>>, vector<16xf32>,
        tpu.vector_store %arg5[%swap3A_149, %swap3A_150, %swap3A_151], %gather3A_148 {strides = array<i32>} : memref<2x128x64xf32, #tpu.memory_space<vmem>>, vector<16xf32>,
        %mul3A_153 = arith.constant 8 : i32
        %mul3A_154 = arith.muli %scan3A_117, %mul3A_153 : i32
        %add3A_155 = arith.constant 1 : i32
        %add3A_156 = arith.addi %mul3A_154, %add3A_155 : i32
        %broadcast_in_dim3A_157 = vector.broadcast %add3A_156 : i32 to vector<16xi32>
        %add3A_158 = arith.constant 0 : i32
        %add3A_159 = vector.broadcast %add3A_158 : i32 to vector<16xi32>
        %add3A_160 = arith.addi %iota3A, %add3A_159 : vector<16xi32>
        %gather3A_161 = tpu.vector_load_idx %arg4[%broadcast_in_dim3A, %add3A_160, %broadcast_in_dim3A_157] : memref<2x64x137xf32, #tpu.memory_space<vmem>>[vector<16xi32>, vector<16xi32>, vector<16xi32>], vector<16xf32>,
        %swap3A_162 = arith.index_cast %rem3A_93 : i32 to index
        %swap3A_163 = arith.index_cast %add3A_156 : i32 to index
        %swap3A_164 = arith.constant 0 : index
        %swap3A_165 = tpu.vector_load %arg5[%swap3A_162, %swap3A_163, %swap3A_164] {strides = array<i32>} : memref<2x128x64xf32, #tpu.memory_space<vmem>>, vector<16xf32>,
        tpu.vector_store %arg5[%swap3A_162, %swap3A_163, %swap3A_164], %gather3A_161 {strides = array<i32>} : memref<2x128x64xf32, #tpu.memory_space<vmem>>, vector<16xf32>,
        %add3A_166 = arith.constant 16 : i32
        %add3A_167 = vector.broadcast %add3A_166 : i32 to vector<16xi32>
        %add3A_168 = arith.addi %iota3A, %add3A_167 : vector<16xi32>
        %gather3A_169 = tpu.vector_load_idx %arg4[%broadcast_in_dim3A, %add3A_168, %broadcast_in_dim3A_157] : memref<2x64x137xf32, #tpu.memory_space<vmem>>[vector<16xi32>, vector<16xi32>, vector<16xi32>], vector<16xf32>,
        %swap3A_170 = arith.index_cast %rem3A_93 : i32 to index
        %swap3A_171 = arith.index_cast %add3A_156 : i32 to index
        %swap3A_172 = arith.constant 16 : index
        %swap3A_173 = tpu.vector_load %arg5[%swap3A_170, %swap3A_171, %swap3A_172] {strides = array<i32>} : memref<2x128x64xf32, #tpu.memory_space<vmem>>, vector<16xf32>,
        tpu.vector_store %arg5[%swap3A_170, %swap3A_171, %swap3A_172], %gather3A_169 {strides = array<i32>} : memref<2x128x64xf32, #tpu.memory_space<vmem>>, vector<16xf32>,
        %add3A_174 = arith.constant 32 : i32
        %add3A_175 = vector.broadcast %add3A_174 : i32 to vector<16xi32>
        %add3A_176 = arith.addi %iota3A, %add3A_175 : vector<16xi32>
        %gather3A_177 = tpu.vector_load_idx %arg4[%broadcast_in_dim3A, %add3A_176, %broadcast_in_dim3A_157] : memref<2x64x137xf32, #tpu.memory_space<vmem>>[vector<16xi32>, vector<16xi32>, vector<16xi32>], vector<16xf32>,
        %swap3A_178 = arith.index_cast %rem3A_93 : i32 to index
        %swap3A_179 = arith.index_cast %add3A_156 : i32 to index
        %swap3A_180 = arith.constant 32 : index
        %swap3A_181 = tpu.vector_load %arg5[%swap3A_178, %swap3A_179, %swap3A_180] {strides = array<i32>} : memref<2x128x64xf32, #tpu.memory_space<vmem>>, vector<16xf32>,
        tpu.vector_store %arg5[%swap3A_178, %swap3A_179, %swap3A_180], %gather3A_177 {strides = array<i32>} : memref<2x128x64xf32, #tpu.memory_space<vmem>>, vector<16xf32>,
        %add3A_182 = arith.constant 48 : i32
        %add3A_183 = vector.broadcast %add3A_182 : i32 to vector<16xi32>
        %add3A_184 = arith.addi %iota3A, %add3A_183 : vector<16xi32>
        %gather3A_185 = tpu.vector_load_idx %arg4[%broadcast_in_dim3A, %add3A_184, %broadcast_in_dim3A_157] : memref<2x64x137xf32, #tpu.memory_space<vmem>>[vector<16xi32>, vector<16xi32>, vector<16xi32>], vector<16xf32>,
        %swap3A_186 = arith.index_cast %rem3A_93 : i32 to index
        %swap3A_187 = arith.index_cast %add3A_156 : i32 to index
        %swap3A_188 = arith.constant 48 : index
        %swap3A_189 = tpu.vector_load %arg5[%swap3A_186, %swap3A_187, %swap3A_188] {strides = array<i32>} : memref<2x128x64xf32, #tpu.memory_space<vmem>>, vector<16xf32>,
        tpu.vector_store %arg5[%swap3A_186, %swap3A_187, %swap3A_188], %gather3A_185 {strides = array<i32>} : memref<2x128x64xf32, #tpu.memory_space<vmem>>, vector<16xf32>,
        %mul3A_190 = arith.constant 8 : i32
        %mul3A_191 = arith.muli %scan3A_117, %mul3A_190 : i32
        %add3A_192 = arith.constant 2 : i32
        %add3A_193 = arith.addi %mul3A_191, %add3A_192 : i32
        %broadcast_in_dim3A_194 = vector.broadcast %add3A_193 : i32 to vector<16xi32>
        %add3A_195 = arith.constant 0 : i32
        %add3A_196 = vector.broadcast %add3A_195 : i32 to vector<16xi32>
        %add3A_197 = arith.addi %iota3A, %add3A_196 : vector<16xi32>
        %gather3A_198 = tpu.vector_load_idx %arg4[%broadcast_in_dim3A, %add3A_197, %broadcast_in_dim3A_194] : memref<2x64x137xf32, #tpu.memory_space<vmem>>[vector<16xi32>, vector<16xi32>, vector<16xi32>], vector<16xf32>,
        %swap3A_199 = arith.index_cast %rem3A_93 : i32 to index
        %swap3A_200 = arith.index_cast %add3A_193 : i32 to index
        %swap3A_201 = arith.constant 0 : index
        %swap3A_202 = tpu.vector_load %arg5[%swap3A_199, %swap3A_200, %swap3A_201] {strides = array<i32>} : memref<2x128x64xf32, #tpu.memory_space<vmem>>, vector<16xf32>,
        tpu.vector_store %arg5[%swap3A_199, %swap3A_200, %swap3A_201], %gather3A_198 {strides = array<i32>} : memref<2x128x64xf32, #tpu.memory_space<vmem>>, vector<16xf32>,
        %add3A_203 = arith.constant 16 : i32
        %add3A_204 = vector.broadcast %add3A_203 : i32 to vector<16xi32>
        %add3A_205 = arith.addi %iota3A, %add3A_204 : vector<16xi32>
        %gather3A_206 = tpu.vector_load_idx %arg4[%broadcast_in_dim3A, %add3A_205, %broadcast_in_dim3A_194] : memref<2x64x137xf32, #tpu.memory_space<vmem>>[vector<16xi32>, vector<16xi32>, vector<16xi32>], vector<16xf32>,
        %swap3A_207 = arith.index_cast %rem3A_93 : i32 to index
        %swap3A_208 = arith.index_cast %add3A_193 : i32 to index
        %swap3A_209 = arith.constant 16 : index
        %swap3A_210 = tpu.vector_load %arg5[%swap3A_207, %swap3A_208, %swap3A_209] {strides = array<i32>} : memref<2x128x64xf32, #tpu.memory_space<vmem>>, vector<16xf32>,
        tpu.vector_store %arg5[%swap3A_207, %swap3A_208, %swap3A_209], %gather3A_206 {strides = array<i32>} : memref<2x128x64xf32, #tpu.memory_space<vmem>>, vector<16xf32>,
        %add3A_211 = arith.constant 32 : i32
        %add3A_212 = vector.broadcast %add3A_211 : i32 to vector<16xi32>
        %add3A_213 = arith.addi %iota3A, %add3A_212 : vector<16xi32>
        %gather3A_214 = tpu.vector_load_idx %arg4[%broadcast_in_dim3A, %add3A_213, %broadcast_in_dim3A_194] : memref<2x64x137xf32, #tpu.memory_space<vmem>>[vector<16xi32>, vector<16xi32>, vector<16xi32>], vector<16xf32>,
        %swap3A_215 = arith.index_cast %rem3A_93 : i32 to index
        %swap3A_216 = arith.index_cast %add3A_193 : i32 to index
        %swap3A_217 = arith.constant 32 : index
        %swap3A_218 = tpu.vector_load %arg5[%swap3A_215, %swap3A_216, %swap3A_217] {strides = array<i32>} : memref<2x128x64xf32, #tpu.memory_space<vmem>>, vector<16xf32>,
        tpu.vector_store %arg5[%swap3A_215, %swap3A_216, %swap3A_217], %gather3A_214 {strides = array<i32>} : memref<2x128x64xf32, #tpu.memory_space<vmem>>, vector<16xf32>,
        %add3A_219 = arith.constant 48 : i32
        %add3A_220 = vector.broadcast %add3A_219 : i32 to vector<16xi32>
        %add3A_221 = arith.addi %iota3A, %add3A_220 : vector<16xi32>
        %gather3A_222 = tpu.vector_load_idx %arg4[%broadcast_in_dim3A, %add3A_221, %broadcast_in_dim3A_194] : memref<2x64x137xf32, #tpu.memory_space<vmem>>[vector<16xi32>, vector<16xi32>, vector<16xi32>], vector<16xf32>,
        %swap3A_223 = arith.index_cast %rem3A_93 : i32 to index
        %swap3A_224 = arith.index_cast %add3A_193 : i32 to index
        %swap3A_225 = arith.constant 48 : index
        %swap3A_226 = tpu.vector_load %arg5[%swap3A_223, %swap3A_224, %swap3A_225] {strides = array<i32>} : memref<2x128x64xf32, #tpu.memory_space<vmem>>, vector<16xf32>,
        tpu.vector_store %arg5[%swap3A_223, %swap3A_224, %swap3A_225], %gather3A_222 {strides = array<i32>} : memref<2x128x64xf32, #tpu.memory_space<vmem>>, vector<16xf32>,
        %mul3A_227 = arith.constant 8 : i32
        %mul3A_228 = arith.muli %scan3A_117, %mul3A_227 : i32
        %add3A_229 = arith.constant 3 : i32
        %add3A_230 = arith.addi %mul3A_228, %add3A_229 : i32
        %broadcast_in_dim3A_231 = vector.broadcast %add3A_230 : i32 to vector<16xi32>
        %add3A_232 = arith.constant 0 : i32
        %add3A_233 = vector.broadcast %add3A_232 : i32 to vector<16xi32>
        %add3A_234 = arith.addi %iota3A, %add3A_233 : vector<16xi32>
        %gather3A_235 = tpu.vector_load_idx %arg4[%broadcast_in_dim3A, %add3A_234, %broadcast_in_dim3A_231] : memref<2x64x137xf32, #tpu.memory_space<vmem>>[vector<16xi32>, vector<16xi32>, vector<16xi32>], vector<16xf32>,
        %swap3A_236 = arith.index_cast %rem3A_93 : i32 to index
        %swap3A_237 = arith.index_cast %add3A_230 : i32 to index
        %swap3A_238 = arith.constant 0 : index
        %swap3A_239 = tpu.vector_load %arg5[%swap3A_236, %swap3A_237, %swap3A_238] {strides = array<i32>} : memref<2x128x64xf32, #tpu.memory_space<vmem>>, vector<16xf32>,
        tpu.vector_store %arg5[%swap3A_236, %swap3A_237, %swap3A_238], %gather3A_235 {strides = array<i32>} : memref<2x128x64xf32, #tpu.memory_space<vmem>>, vector<16xf32>,
        %add3A_240 = arith.constant 16 : i32
        %add3A_241 = vector.broadcast %add3A_240 : i32 to vector<16xi32>
        %add3A_242 = arith.addi %iota3A, %add3A_241 : vector<16xi32>
        %gather3A_243 = tpu.vector_load_idx %arg4[%broadcast_in_dim3A, %add3A_242, %broadcast_in_dim3A_231] : memref<2x64x137xf32, #tpu.memory_space<vmem>>[vector<16xi32>, vector<16xi32>, vector<16xi32>], vector<16xf32>,
        %swap3A_244 = arith.index_cast %rem3A_93 : i32 to index
        %swap3A_245 = arith.index_cast %add3A_230 : i32 to index
        %swap3A_246 = arith.constant 16 : index
        %swap3A_247 = tpu.vector_load %arg5[%swap3A_244, %swap3A_245, %swap3A_246] {strides = array<i32>} : memref<2x128x64xf32, #tpu.memory_space<vmem>>, vector<16xf32>,
        tpu.vector_store %arg5[%swap3A_244, %swap3A_245, %swap3A_246], %gather3A_243 {strides = array<i32>} : memref<2x128x64xf32, #tpu.memory_space<vmem>>, vector<16xf32>,
        %add3A_248 = arith.constant 32 : i32
        %add3A_249 = vector.broadcast %add3A_248 : i32 to vector<16xi32>
        %add3A_250 = arith.addi %iota3A, %add3A_249 : vector<16xi32>
        %gather3A_251 = tpu.vector_load_idx %arg4[%broadcast_in_dim3A, %add3A_250, %broadcast_in_dim3A_231] : memref<2x64x137xf32, #tpu.memory_space<vmem>>[vector<16xi32>, vector<16xi32>, vector<16xi32>], vector<16xf32>,
        %swap3A_252 = arith.index_cast %rem3A_93 : i32 to index
        %swap3A_253 = arith.index_cast %add3A_230 : i32 to index
        %swap3A_254 = arith.constant 32 : index
        %swap3A_255 = tpu.vector_load %arg5[%swap3A_252, %swap3A_253, %swap3A_254] {strides = array<i32>} : memref<2x128x64xf32, #tpu.memory_space<vmem>>, vector<16xf32>,
        tpu.vector_store %arg5[%swap3A_252, %swap3A_253, %swap3A_254], %gather3A_251 {strides = array<i32>} : memref<2x128x64xf32, #tpu.memory_space<vmem>>, vector<16xf32>,
        %add3A_256 = arith.constant 48 : i32
        %add3A_257 = vector.broadcast %add3A_256 : i32 to vector<16xi32>
        %add3A_258 = arith.addi %iota3A, %add3A_257 : vector<16xi32>
        %gather3A_259 = tpu.vector_load_idx %arg4[%broadcast_in_dim3A, %add3A_258, %broadcast_in_dim3A_231] : memref<2x64x137xf32, #tpu.memory_space<vmem>>[vector<16xi32>, vector<16xi32>, vector<16xi32>], vector<16xf32>,
        %swap3A_260 = arith.index_cast %rem3A_93 : i32 to index
        %swap3A_261 = arith.index_cast %add3A_230 : i32 to index
        %swap3A_262 = arith.constant 48 : index
        %swap3A_263 = tpu.vector_load %arg5[%swap3A_260, %swap3A_261, %swap3A_262] {strides = array<i32>} : memref<2x128x64xf32, #tpu.memory_space<vmem>>, vector<16xf32>,
        tpu.vector_store %arg5[%swap3A_260, %swap3A_261, %swap3A_262], %gather3A_259 {strides = array<i32>} : memref<2x128x64xf32, #tpu.memory_space<vmem>>, vector<16xf32>,
        %mul3A_264 = arith.constant 8 : i32
        %mul3A_265 = arith.muli %scan3A_117, %mul3A_264 : i32
        %add3A_266 = arith.constant 4 : i32
        %add3A_267 = arith.addi %mul3A_265, %add3A_266 : i32
        %broadcast_in_dim3A_268 = vector.broadcast %add3A_267 : i32 to vector<16xi32>
        %add3A_269 = arith.constant 0 : i32
        %add3A_270 = vector.broadcast %add3A_269 : i32 to vector<16xi32>
        %add3A_271 = arith.addi %iota3A, %add3A_270 : vector<16xi32>
        %gather3A_272 = tpu.vector_load_idx %arg4[%broadcast_in_dim3A, %add3A_271, %broadcast_in_dim3A_268] : memref<2x64x137xf32, #tpu.memory_space<vmem>>[vector<16xi32>, vector<16xi32>, vector<16xi32>], vector<16xf32>,
        %swap3A_273 = arith.index_cast %rem3A_93 : i32 to index
        %swap3A_274 = arith.index_cast %add3A_267 : i32 to index
        %swap3A_275 = arith.constant 0 : index
        %swap3A_276 = tpu.vector_load %arg5[%swap3A_273, %swap3A_274, %swap3A_275] {strides = array<i32>} : memref<2x128x64xf32, #tpu.memory_space<vmem>>, vector<16xf32>,
        tpu.vector_store %arg5[%swap3A_273, %swap3A_274, %swap3A_275], %gather3A_272 {strides = array<i32>} : memref<2x128x64xf32, #tpu.memory_space<vmem>>, vector<16xf32>,
        %add3A_277 = arith.constant 16 : i32
        %add3A_278 = vector.broadcast %add3A_277 : i32 to vector<16xi32>
        %add3A_279 = arith.addi %iota3A, %add3A_278 : vector<16xi32>
        %gather3A_280 = tpu.vector_load_idx %arg4[%broadcast_in_dim3A, %add3A_279, %broadcast_in_dim3A_268] : memref<2x64x137xf32, #tpu.memory_space<vmem>>[vector<16xi32>, vector<16xi32>, vector<16xi32>], vector<16xf32>,
        %swap3A_281 = arith.index_cast %rem3A_93 : i32 to index
        %swap3A_282 = arith.index_cast %add3A_267 : i32 to index
        %swap3A_283 = arith.constant 16 : index
        %swap3A_284 = tpu.vector_load %arg5[%swap3A_281, %swap3A_282, %swap3A_283] {strides = array<i32>} : memref<2x128x64xf32, #tpu.memory_space<vmem>>, vector<16xf32>,
        tpu.vector_store %arg5[%swap3A_281, %swap3A_282, %swap3A_283], %gather3A_280 {strides = array<i32>} : memref<2x128x64xf32, #tpu.memory_space<vmem>>, vector<16xf32>,
        %add3A_285 = arith.constant 32 : i32
        %add3A_286 = vector.broadcast %add3A_285 : i32 to vector<16xi32>
        %add3A_287 = arith.addi %iota3A, %add3A_286 : vector<16xi32>
        %gather3A_288 = tpu.vector_load_idx %arg4[%broadcast_in_dim3A, %add3A_287, %broadcast_in_dim3A_268] : memref<2x64x137xf32, #tpu.memory_space<vmem>>[vector<16xi32>, vector<16xi32>, vector<16xi32>], vector<16xf32>,
        %swap3A_289 = arith.index_cast %rem3A_93 : i32 to index
        %swap3A_290 = arith.index_cast %add3A_267 : i32 to index
        %swap3A_291 = arith.constant 32 : index
        %swap3A_292 = tpu.vector_load %arg5[%swap3A_289, %swap3A_290, %swap3A_291] {strides = array<i32>} : memref<2x128x64xf32, #tpu.memory_space<vmem>>, vector<16xf32>,
        tpu.vector_store %arg5[%swap3A_289, %swap3A_290, %swap3A_291], %gather3A_288 {strides = array<i32>} : memref<2x128x64xf32, #tpu.memory_space<vmem>>, vector<16xf32>,
        %add3A_293 = arith.constant 48 : i32
        %add3A_294 = vector.broadcast %add3A_293 : i32 to vector<16xi32>
        %add3A_295 = arith.addi %iota3A, %add3A_294 : vector<16xi32>
        %gather3A_296 = tpu.vector_load_idx %arg4[%broadcast_in_dim3A, %add3A_295, %broadcast_in_dim3A_268] : memref<2x64x137xf32, #tpu.memory_space<vmem>>[vector<16xi32>, vector<16xi32>, vector<16xi32>], vector<16xf32>,
        %swap3A_297 = arith.index_cast %rem3A_93 : i32 to index
        %swap3A_298 = arith.index_cast %add3A_267 : i32 to index
        %swap3A_299 = arith.constant 48 : index
        %swap3A_300 = tpu.vector_load %arg5[%swap3A_297, %swap3A_298, %swap3A_299] {strides = array<i32>} : memref<2x128x64xf32, #tpu.memory_space<vmem>>, vector<16xf32>,
        tpu.vector_store %arg5[%swap3A_297, %swap3A_298, %swap3A_299], %gather3A_296 {strides = array<i32>} : memref<2x128x64xf32, #tpu.memory_space<vmem>>, vector<16xf32>,
        %mul3A_301 = arith.constant 8 : i32
        %mul3A_302 = arith.muli %scan3A_117, %mul3A_301 : i32
        %add3A_303 = arith.constant 5 : i32
        %add3A_304 = arith.addi %mul3A_302, %add3A_303 : i32
        %broadcast_in_dim3A_305 = vector.broadcast %add3A_304 : i32 to vector<16xi32>
        %add3A_306 = arith.constant 0 : i32
        %add3A_307 = vector.broadcast %add3A_306 : i32 to vector<16xi32>
        %add3A_308 = arith.addi %iota3A, %add3A_307 : vector<16xi32>
        %gather3A_309 = tpu.vector_load_idx %arg4[%broadcast_in_dim3A, %add3A_308, %broadcast_in_dim3A_305] : memref<2x64x137xf32, #tpu.memory_space<vmem>>[vector<16xi32>, vector<16xi32>, vector<16xi32>], vector<16xf32>,
        %swap3A_310 = arith.index_cast %rem3A_93 : i32 to index
        %swap3A_311 = arith.index_cast %add3A_304 : i32 to index
        %swap3A_312 = arith.constant 0 : index
        %swap3A_313 = tpu.vector_load %arg5[%swap3A_310, %swap3A_311, %swap3A_312] {strides = array<i32>} : memref<2x128x64xf32, #tpu.memory_space<vmem>>, vector<16xf32>,
        tpu.vector_store %arg5[%swap3A_310, %swap3A_311, %swap3A_312], %gather3A_309 {strides = array<i32>} : memref<2x128x64xf32, #tpu.memory_space<vmem>>, vector<16xf32>,
        %add3A_314 = arith.constant 16 : i32
        %add3A_315 = vector.broadcast %add3A_314 : i32 to vector<16xi32>
        %add3A_316 = arith.addi %iota3A, %add3A_315 : vector<16xi32>
        %gather3A_317 = tpu.vector_load_idx %arg4[%broadcast_in_dim3A, %add3A_316, %broadcast_in_dim3A_305] : memref<2x64x137xf32, #tpu.memory_space<vmem>>[vector<16xi32>, vector<16xi32>, vector<16xi32>], vector<16xf32>,
        %swap3A_318 = arith.index_cast %rem3A_93 : i32 to index
        %swap3A_319 = arith.index_cast %add3A_304 : i32 to index
        %swap3A_320 = arith.constant 16 : index
        %swap3A_321 = tpu.vector_load %arg5[%swap3A_318, %swap3A_319, %swap3A_320] {strides = array<i32>} : memref<2x128x64xf32, #tpu.memory_space<vmem>>, vector<16xf32>,
        tpu.vector_store %arg5[%swap3A_318, %swap3A_319, %swap3A_320], %gather3A_317 {strides = array<i32>} : memref<2x128x64xf32, #tpu.memory_space<vmem>>, vector<16xf32>,
        %add3A_322 = arith.constant 32 : i32
        %add3A_323 = vector.broadcast %add3A_322 : i32 to vector<16xi32>
        %add3A_324 = arith.addi %iota3A, %add3A_323 : vector<16xi32>
        %gather3A_325 = tpu.vector_load_idx %arg4[%broadcast_in_dim3A, %add3A_324, %broadcast_in_dim3A_305] : memref<2x64x137xf32, #tpu.memory_space<vmem>>[vector<16xi32>, vector<16xi32>, vector<16xi32>], vector<16xf32>,
        %swap3A_326 = arith.index_cast %rem3A_93 : i32 to index
        %swap3A_327 = arith.index_cast %add3A_304 : i32 to index
        %swap3A_328 = arith.constant 32 : index
        %swap3A_329 = tpu.vector_load %arg5[%swap3A_326, %swap3A_327, %swap3A_328] {strides = array<i32>} : memref<2x128x64xf32, #tpu.memory_space<vmem>>, vector<16xf32>,
        tpu.vector_store %arg5[%swap3A_326, %swap3A_327, %swap3A_328], %gather3A_325 {strides = array<i32>} : memref<2x128x64xf32, #tpu.memory_space<vmem>>, vector<16xf32>,
        %add3A_330 = arith.constant 48 : i32
        %add3A_331 = vector.broadcast %add3A_330 : i32 to vector<16xi32>
        %add3A_332 = arith.addi %iota3A, %add3A_331 : vector<16xi32>
        %gather3A_333 = tpu.vector_load_idx %arg4[%broadcast_in_dim3A, %add3A_332, %broadcast_in_dim3A_305] : memref<2x64x137xf32, #tpu.memory_space<vmem>>[vector<16xi32>, vector<16xi32>, vector<16xi32>], vector<16xf32>,
        %swap3A_334 = arith.index_cast %rem3A_93 : i32 to index
        %swap3A_335 = arith.index_cast %add3A_304 : i32 to index
        %swap3A_336 = arith.constant 48 : index
        %swap3A_337 = tpu.vector_load %arg5[%swap3A_334, %swap3A_335, %swap3A_336] {strides = array<i32>} : memref<2x128x64xf32, #tpu.memory_space<vmem>>, vector<16xf32>,
        tpu.vector_store %arg5[%swap3A_334, %swap3A_335, %swap3A_336], %gather3A_333 {strides = array<i32>} : memref<2x128x64xf32, #tpu.memory_space<vmem>>, vector<16xf32>,
        %mul3A_338 = arith.constant 8 : i32
        %mul3A_339 = arith.muli %scan3A_117, %mul3A_338 : i32
        %add3A_340 = arith.constant 6 : i32
        %add3A_341 = arith.addi %mul3A_339, %add3A_340 : i32
        %broadcast_in_dim3A_342 = vector.broadcast %add3A_341 : i32 to vector<16xi32>
        %add3A_343 = arith.constant 0 : i32
        %add3A_344 = vector.broadcast %add3A_343 : i32 to vector<16xi32>
        %add3A_345 = arith.addi %iota3A, %add3A_344 : vector<16xi32>
        %gather3A_346 = tpu.vector_load_idx %arg4[%broadcast_in_dim3A, %add3A_345, %broadcast_in_dim3A_342] : memref<2x64x137xf32, #tpu.memory_space<vmem>>[vector<16xi32>, vector<16xi32>, vector<16xi32>], vector<16xf32>,
        %swap3A_347 = arith.index_cast %rem3A_93 : i32 to index
        %swap3A_348 = arith.index_cast %add3A_341 : i32 to index
        %swap3A_349 = arith.constant 0 : index
        %swap3A_350 = tpu.vector_load %arg5[%swap3A_347, %swap3A_348, %swap3A_349] {strides = array<i32>} : memref<2x128x64xf32, #tpu.memory_space<vmem>>, vector<16xf32>,
        tpu.vector_store %arg5[%swap3A_347, %swap3A_348, %swap3A_349], %gather3A_346 {strides = array<i32>} : memref<2x128x64xf32, #tpu.memory_space<vmem>>, vector<16xf32>,
        %add3A_351 = arith.constant 16 : i32
        %add3A_352 = vector.broadcast %add3A_351 : i32 to vector<16xi32>
        %add3A_353 = arith.addi %iota3A, %add3A_352 : vector<16xi32>
        %gather3A_354 = tpu.vector_load_idx %arg4[%broadcast_in_dim3A, %add3A_353, %broadcast_in_dim3A_342] : memref<2x64x137xf32, #tpu.memory_space<vmem>>[vector<16xi32>, vector<16xi32>, vector<16xi32>], vector<16xf32>,
        %swap3A_355 = arith.index_cast %rem3A_93 : i32 to index
        %swap3A_356 = arith.index_cast %add3A_341 : i32 to index
        %swap3A_357 = arith.constant 16 : index
        %swap3A_358 = tpu.vector_load %arg5[%swap3A_355, %swap3A_356, %swap3A_357] {strides = array<i32>} : memref<2x128x64xf32, #tpu.memory_space<vmem>>, vector<16xf32>,
        tpu.vector_store %arg5[%swap3A_355, %swap3A_356, %swap3A_357], %gather3A_354 {strides = array<i32>} : memref<2x128x64xf32, #tpu.memory_space<vmem>>, vector<16xf32>,
        %add3A_359 = arith.constant 32 : i32
        %add3A_360 = vector.broadcast %add3A_359 : i32 to vector<16xi32>
        %add3A_361 = arith.addi %iota3A, %add3A_360 : vector<16xi32>
        %gather3A_362 = tpu.vector_load_idx %arg4[%broadcast_in_dim3A, %add3A_361, %broadcast_in_dim3A_342] : memref<2x64x137xf32, #tpu.memory_space<vmem>>[vector<16xi32>, vector<16xi32>, vector<16xi32>], vector<16xf32>,
        %swap3A_363 = arith.index_cast %rem3A_93 : i32 to index
        %swap3A_364 = arith.index_cast %add3A_341 : i32 to index
        %swap3A_365 = arith.constant 32 : index
        %swap3A_366 = tpu.vector_load %arg5[%swap3A_363, %swap3A_364, %swap3A_365] {strides = array<i32>} : memref<2x128x64xf32, #tpu.memory_space<vmem>>, vector<16xf32>,
        tpu.vector_store %arg5[%swap3A_363, %swap3A_364, %swap3A_365], %gather3A_362 {strides = array<i32>} : memref<2x128x64xf32, #tpu.memory_space<vmem>>, vector<16xf32>,
        %add3A_367 = arith.constant 48 : i32
        %add3A_368 = vector.broadcast %add3A_367 : i32 to vector<16xi32>
        %add3A_369 = arith.addi %iota3A, %add3A_368 : vector<16xi32>
        %gather3A_370 = tpu.vector_load_idx %arg4[%broadcast_in_dim3A, %add3A_369, %broadcast_in_dim3A_342] : memref<2x64x137xf32, #tpu.memory_space<vmem>>[vector<16xi32>, vector<16xi32>, vector<16xi32>], vector<16xf32>,
        %swap3A_371 = arith.index_cast %rem3A_93 : i32 to index
        %swap3A_372 = arith.index_cast %add3A_341 : i32 to index
        %swap3A_373 = arith.constant 48 : index
        %swap3A_374 = tpu.vector_load %arg5[%swap3A_371, %swap3A_372, %swap3A_373] {strides = array<i32>} : memref<2x128x64xf32, #tpu.memory_space<vmem>>, vector<16xf32>,
        tpu.vector_store %arg5[%swap3A_371, %swap3A_372, %swap3A_373], %gather3A_370 {strides = array<i32>} : memref<2x128x64xf32, #tpu.memory_space<vmem>>, vector<16xf32>,
        %mul3A_375 = arith.constant 8 : i32
        %mul3A_376 = arith.muli %scan3A_117, %mul3A_375 : i32
        %add3A_377 = arith.constant 7 : i32
        %add3A_378 = arith.addi %mul3A_376, %add3A_377 : i32
        %broadcast_in_dim3A_379 = vector.broadcast %add3A_378 : i32 to vector<16xi32>
        %add3A_380 = arith.constant 0 : i32
        %add3A_381 = vector.broadcast %add3A_380 : i32 to vector<16xi32>
        %add3A_382 = arith.addi %iota3A, %add3A_381 : vector<16xi32>
        %gather3A_383 = tpu.vector_load_idx %arg4[%broadcast_in_dim3A, %add3A_382, %broadcast_in_dim3A_379] : memref<2x64x137xf32, #tpu.memory_space<vmem>>[vector<16xi32>, vector<16xi32>, vector<16xi32>], vector<16xf32>,
        %swap3A_384 = arith.index_cast %rem3A_93 : i32 to index
        %swap3A_385 = arith.index_cast %add3A_378 : i32 to index
        %swap3A_386 = arith.constant 0 : index
        %swap3A_387 = tpu.vector_load %arg5[%swap3A_384, %swap3A_385, %swap3A_386] {strides = array<i32>} : memref<2x128x64xf32, #tpu.memory_space<vmem>>, vector<16xf32>,
        tpu.vector_store %arg5[%swap3A_384, %swap3A_385, %swap3A_386], %gather3A_383 {strides = array<i32>} : memref<2x128x64xf32, #tpu.memory_space<vmem>>, vector<16xf32>,
        %add3A_388 = arith.constant 16 : i32
        %add3A_389 = vector.broadcast %add3A_388 : i32 to vector<16xi32>
        %add3A_390 = arith.addi %iota3A, %add3A_389 : vector<16xi32>
        %gather3A_391 = tpu.vector_load_idx %arg4[%broadcast_in_dim3A, %add3A_390, %broadcast_in_dim3A_379] : memref<2x64x137xf32, #tpu.memory_space<vmem>>[vector<16xi32>, vector<16xi32>, vector<16xi32>], vector<16xf32>,
        %swap3A_392 = arith.index_cast %rem3A_93 : i32 to index
        %swap3A_393 = arith.index_cast %add3A_378 : i32 to index
        %swap3A_394 = arith.constant 16 : index
        %swap3A_395 = tpu.vector_load %arg5[%swap3A_392, %swap3A_393, %swap3A_394] {strides = array<i32>} : memref<2x128x64xf32, #tpu.memory_space<vmem>>, vector<16xf32>,
        tpu.vector_store %arg5[%swap3A_392, %swap3A_393, %swap3A_394], %gather3A_391 {strides = array<i32>} : memref<2x128x64xf32, #tpu.memory_space<vmem>>, vector<16xf32>,
        %add3A_396 = arith.constant 32 : i32
        %add3A_397 = vector.broadcast %add3A_396 : i32 to vector<16xi32>
        %add3A_398 = arith.addi %iota3A, %add3A_397 : vector<16xi32>
        %gather3A_399 = tpu.vector_load_idx %arg4[%broadcast_in_dim3A, %add3A_398, %broadcast_in_dim3A_379] : memref<2x64x137xf32, #tpu.memory_space<vmem>>[vector<16xi32>, vector<16xi32>, vector<16xi32>], vector<16xf32>,
        %swap3A_400 = arith.index_cast %rem3A_93 : i32 to index
        %swap3A_401 = arith.index_cast %add3A_378 : i32 to index
        %swap3A_402 = arith.constant 32 : index
        %swap3A_403 = tpu.vector_load %arg5[%swap3A_400, %swap3A_401, %swap3A_402] {strides = array<i32>} : memref<2x128x64xf32, #tpu.memory_space<vmem>>, vector<16xf32>,
        tpu.vector_store %arg5[%swap3A_400, %swap3A_401, %swap3A_402], %gather3A_399 {strides = array<i32>} : memref<2x128x64xf32, #tpu.memory_space<vmem>>, vector<16xf32>,
        %add3A_404 = arith.constant 48 : i32
        %add3A_405 = vector.broadcast %add3A_404 : i32 to vector<16xi32>
        %add3A_406 = arith.addi %iota3A, %add3A_405 : vector<16xi32>
        %gather3A_407 = tpu.vector_load_idx %arg4[%broadcast_in_dim3A, %add3A_406, %broadcast_in_dim3A_379] : memref<2x64x137xf32, #tpu.memory_space<vmem>>[vector<16xi32>, vector<16xi32>, vector<16xi32>], vector<16xf32>,
        %swap3A_408 = arith.index_cast %rem3A_93 : i32 to index
        %swap3A_409 = arith.index_cast %add3A_378 : i32 to index
        %swap3A_410 = arith.constant 48 : index
        %swap3A_411 = tpu.vector_load %arg5[%swap3A_408, %swap3A_409, %swap3A_410] {strides = array<i32>} : memref<2x128x64xf32, #tpu.memory_space<vmem>>, vector<16xf32>,
        tpu.vector_store %arg5[%swap3A_408, %swap3A_409, %swap3A_410], %gather3A_407 {strides = array<i32>} : memref<2x128x64xf32, #tpu.memory_space<vmem>>, vector<16xf32>,
      }
      %scan3A_99 = arith.constant 16 : i32
      %add3A_100 = arith.addi %mul3A_2, %scan3A_65 : i32
      %rem3A_101 = arith.constant 2 : i32
      %rem3A_102 = arith.remsi %scan3A_65, %rem3A_101 : i32
      %mul3A_103 = arith.constant 128 : i32
      %mul3A_104 = arith.muli %add3A_100, %mul3A_103 : i32
      %dma_start3A_105 = arith.constant 0 : i32
      %dma_start3A_106 = arith.constant 0 : i32
      %dma_start3A_107 = tpu.memref_slice %arg5[%rem3A_102, %dma_start3A_105, %dma_start3A_106] : memref<2x128x64xf32, #tpu.memory_space<vmem>> -> memref<1x128x64xf32, #tpu.memory_space<vmem>>
      %dma_start3A_108 = tpu.memref_squeeze %dma_start3A_107 : memref<1x128x64xf32, #tpu.memory_space<vmem>> -> memref<128x64xf32, #tpu.memory_space<vmem>>
      %dma_start3A_109 = arith.constant 0 : i32
      %dma_start3A_110 = tpu.memref_slice %arg3[%mul3A_104, %dma_start3A_109] : memref<1000000x64xf32, #tpu.memory_space<hbm>> -> memref<128x64xf32, #tpu.memory_space<hbm>>
      %dma_start3A_111 = arith.constant 0 : i32
      %dma_start3A_112 = tpu.memref_slice %arg3[%mul3A_104, %dma_start3A_111] : memref<1000000x64xf32, #tpu.memory_space<hbm>> -> memref<128x64xf32, #tpu.memory_space<hbm>>
      %dma_start3A_113 = arith.constant 0 : i32
      %dma_start3A_114 = arith.constant 0 : i32
      %dma_start3A_115 = tpu.memref_slice %arg5[%rem3A_102, %dma_start3A_113, %dma_start3A_114] : memref<2x128x64xf32, #tpu.memory_space<vmem>> -> memref<1x128x64xf32, #tpu.memory_space<vmem>>
      %dma_start3A_116 = tpu.memref_squeeze %dma_start3A_115 : memref<1x128x64xf32, #tpu.memory_space<vmem>> -> memref<128x64xf32, #tpu.memory_space<vmem>>
      tpu.enqueue_dma source(%dma_start3A_116 : memref<128x64xf32, #tpu.memory_space<vmem>>) target(%dma_start3A_112 : memref<128x64xf32, #tpu.memory_space<hbm>>) target_semaphore(%arg7 : memref<!tpu.dma_semaphore, #tpu.memory_space<semaphore_mem>>)
    }
    %scan3A_22 = arith.constant 244 : i32
    %add3A_23 = arith.constant 244 : i32
    %add3A_24 = arith.addi %mul3A_2, %add3A_23 : i32
    %sub3A = arith.constant 2 : i32
    %sub3A_25 = arith.subi %add3A_24, %sub3A : i32
    %rem3A_26 = arith.constant 242 : i32
    %rem3A_27 = arith.constant 2 : i32
    %rem3A_28 = arith.remsi %rem3A_26, %rem3A_27 : i32
    %mul3A_29 = arith.constant 128 : i32
    %mul3A_30 = arith.muli %sub3A_25, %mul3A_29 : i32
    %dma_wait3A = arith.constant 0 : i32
    %dma_wait3A_31 = arith.constant 0 : i32
    %dma_wait3A_32 = tpu.memref_slice %arg5[%rem3A_28, %dma_wait3A, %dma_wait3A_31] : memref<2x128x64xf32, #tpu.memory_space<vmem>> -> memref<1x128x64xf32, #tpu.memory_space<vmem>>
    %dma_wait3A_33 = tpu.memref_squeeze %dma_wait3A_32 : memref<1x128x64xf32, #tpu.memory_space<vmem>> -> memref<128x64xf32, #tpu.memory_space<vmem>>
    %dma_wait3A_34 = arith.constant 0 : i32
    %dma_wait3A_35 = tpu.memref_slice %arg3[%mul3A_30, %dma_wait3A_34] : memref<1000000x64xf32, #tpu.memory_space<hbm>> -> memref<128x64xf32, #tpu.memory_space<hbm>>
    %dma_wait3A_36 = arith.constant 0 : i32
    %dma_wait3A_37 = tpu.memref_slice %arg3[%mul3A_30, %dma_wait3A_36] : memref<1000000x64xf32, #tpu.memory_space<hbm>> -> memref<128x64xf32, #tpu.memory_space<hbm>>
    %dma_wait3A_38 = arith.constant 0 : i32
    %dma_wait3A_39 = arith.constant 0 : i32
    %dma_wait3A_40 = tpu.memref_slice %arg5[%rem3A_28, %dma_wait3A_38, %dma_wait3A_39] : memref<2x128x64xf32, #tpu.memory_space<vmem>> -> memref<1x128x64xf32, #tpu.memory_space<vmem>>
    %dma_wait3A_41 = tpu.memref_squeeze %dma_wait3A_40 : memref<1x128x64xf32, #tpu.memory_space<vmem>> -> memref<128x64xf32, #tpu.memory_space<vmem>>
    tpu.wait_dma2 semaphore(%arg7 : memref<!tpu.dma_semaphore, #tpu.memory_space<semaphore_mem>>) src(%dma_wait3A_41 : memref<128x64xf32, #tpu.memory_space<vmem>>) dst(%dma_wait3A_37 : memref<128x64xf32, #tpu.memory_space<hbm>>)
    %add3A_42 = arith.constant 244 : i32
    %add3A_43 = arith.addi %mul3A_2, %add3A_42 : i32
    %sub3A_44 = arith.constant 1 : i32
    %sub3A_45 = arith.subi %add3A_43, %sub3A_44 : i32
    %rem3A_46 = arith.constant 243 : i32
    %rem3A_47 = arith.constant 2 : i32
    %rem3A_48 = arith.remsi %rem3A_46, %rem3A_47 : i32
    %mul3A_49 = arith.constant 128 : i32
    %mul3A_50 = arith.muli %sub3A_45, %mul3A_49 : i32
    %dma_wait3A_51 = arith.constant 0 : i32
    %dma_wait3A_52 = arith.constant 0 : i32
    %dma_wait3A_53 = tpu.memref_slice %arg5[%rem3A_48, %dma_wait3A_51, %dma_wait3A_52] : memref<2x128x64xf32, #tpu.memory_space<vmem>> -> memref<1x128x64xf32, #tpu.memory_space<vmem>>
    %dma_wait3A_54 = tpu.memref_squeeze %dma_wait3A_53 : memref<1x128x64xf32, #tpu.memory_space<vmem>> -> memref<128x64xf32, #tpu.memory_space<vmem>>
    %dma_wait3A_55 = arith.constant 0 : i32
    %dma_wait3A_56 = tpu.memref_slice %arg3[%mul3A_50, %dma_wait3A_55] : memref<1000000x64xf32, #tpu.memory_space<hbm>> -> memref<128x64xf32, #tpu.memory_space<hbm>>
    %dma_wait3A_57 = arith.constant 0 : i32
    %dma_wait3A_58 = tpu.memref_slice %arg3[%mul3A_50, %dma_wait3A_57] : memref<1000000x64xf32, #tpu.memory_space<hbm>> -> memref<128x64xf32, #tpu.memory_space<hbm>>
    %dma_wait3A_59 = arith.constant 0 : i32
    %dma_wait3A_60 = arith.constant 0 : i32
    %dma_wait3A_61 = tpu.memref_slice %arg5[%rem3A_48, %dma_wait3A_59, %dma_wait3A_60] : memref<2x128x64xf32, #tpu.memory_space<vmem>> -> memref<1x128x64xf32, #tpu.memory_space<vmem>>
    %dma_wait3A_62 = tpu.memref_squeeze %dma_wait3A_61 : memref<1x128x64xf32, #tpu.memory_space<vmem>> -> memref<128x64xf32, #tpu.memory_space<vmem>>
    tpu.wait_dma2 semaphore(%arg7 : memref<!tpu.dma_semaphore, #tpu.memory_space<semaphore_mem>>) src(%dma_wait3A_62 : memref<128x64xf32, #tpu.memory_space<vmem>>) dst(%dma_wait3A_58 : memref<128x64xf32, #tpu.memory_space<hbm>>)
    %lt3A = arith.constant 4 : i32
    %lt3A_63 = arith.cmpi slt, %add3A, %lt3A : i32
    %convert_element_type3A = arith.extui %lt3A_63 : i1 to i32
    %cond3A = arith.constant 0 : i32
    %cond3A_64 = arith.cmpi ne, %convert_element_type3A, %cond3A : i32
    scf.if %cond3A_64 {
      %add3A_65 = arith.constant 7808 : i32
      %add3A_66 = arith.addi %add3A_65, %add3A : i32
      %rem3A_67 = arith.constant 0 : i32
      %rem3A_68 = arith.constant 2 : i32
      %rem3A_69 = arith.remsi %rem3A_67, %rem3A_68 : i32
      %mul3A_70 = arith.constant 128 : i32
      %mul3A_71 = arith.muli %add3A_66, %mul3A_70 : i32
      %dma_start3A_72 = arith.constant 0 : i32
      %dma_start3A_73 = arith.constant 0 : i32
      %dma_start3A_74 = tpu.memref_slice %arg4[%rem3A_69, %dma_start3A_72, %dma_start3A_73] : memref<2x64x137xf32, #tpu.memory_space<vmem>> -> memref<1x64x128xf32, #tpu.memory_space<vmem>>
      %dma_start3A_75 = tpu.memref_squeeze %dma_start3A_74 : memref<1x64x128xf32, #tpu.memory_space<vmem>> -> memref<64x128xf32, #tpu.memory_space<vmem>>
      %dma_start3A_76 = arith.constant 0 : i32
      %dma_start3A_77 = tpu.memref_slice %arg2[%dma_start3A_76, %mul3A_71] : memref<64x1000000xf32, #tpu.memory_space<hbm>> -> memref<64x128xf32, #tpu.memory_space<hbm>>
      %dma_start3A_78 = arith.constant 0 : i32
      %dma_start3A_79 = arith.constant 0 : i32
      %dma_start3A_80 = tpu.memref_slice %arg4[%rem3A_69, %dma_start3A_78, %dma_start3A_79] : memref<2x64x137xf32, #tpu.memory_space<vmem>> -> memref<1x64x128xf32, #tpu.memory_space<vmem>>
      %dma_start3A_81 = tpu.memref_squeeze %dma_start3A_80 : memref<1x64x128xf32, #tpu.memory_space<vmem>> -> memref<64x128xf32, #tpu.memory_space<vmem>>
      %dma_start3A_82 = arith.constant 0 : i32
      %dma_start3A_83 = tpu.memref_slice %arg2[%dma_start3A_82, %mul3A_71] : memref<64x1000000xf32, #tpu.memory_space<hbm>> -> memref<64x128xf32, #tpu.memory_space<hbm>>
      tpu.enqueue_dma source(%dma_start3A_83 : memref<64x128xf32, #tpu.memory_space<hbm>>) target(%dma_start3A_81 : memref<64x128xf32, #tpu.memory_space<vmem>>) target_semaphore(%arg6 : memref<!tpu.dma_semaphore, #tpu.memory_space<semaphore_mem>>)
      %rem3A_84 = arith.constant 0 : i32
      %rem3A_85 = arith.constant 2 : i32
      %rem3A_86 = arith.remsi %rem3A_84, %rem3A_85 : i32
      %mul3A_87 = arith.constant 128 : i32
      %mul3A_88 = arith.muli %add3A_66, %mul3A_87 : i32
      %dma_wait3A_89 = arith.constant 0 : i32
      %dma_wait3A_90 = arith.constant 0 : i32
      %dma_wait3A_91 = tpu.memref_slice %arg4[%rem3A_86, %dma_wait3A_89, %dma_wait3A_90] : memref<2x64x137xf32, #tpu.memory_space<vmem>> -> memref<1x64x128xf32, #tpu.memory_space<vmem>>
      %dma_wait3A_92 = tpu.memref_squeeze %dma_wait3A_91 : memref<1x64x128xf32, #tpu.memory_space<vmem>> -> memref<64x128xf32, #tpu.memory_space<vmem>>
      %dma_wait3A_93 = arith.constant 0 : i32
      %dma_wait3A_94 = tpu.memref_slice %arg2[%dma_wait3A_93, %mul3A_88] : memref<64x1000000xf32, #tpu.memory_space<hbm>> -> memref<64x128xf32, #tpu.memory_space<hbm>>
      %dma_wait3A_95 = arith.constant 0 : i32
      %dma_wait3A_96 = arith.constant 0 : i32
      %dma_wait3A_97 = tpu.memref_slice %arg4[%rem3A_86, %dma_wait3A_95, %dma_wait3A_96] : memref<2x64x137xf32, #tpu.memory_space<vmem>> -> memref<1x64x128xf32, #tpu.memory_space<vmem>>
      %dma_wait3A_98 = tpu.memref_squeeze %dma_wait3A_97 : memref<1x64x128xf32, #tpu.memory_space<vmem>> -> memref<64x128xf32, #tpu.memory_space<vmem>>
      %dma_wait3A_99 = arith.constant 0 : i32
      %dma_wait3A_100 = tpu.memref_slice %arg2[%dma_wait3A_99, %mul3A_88] : memref<64x1000000xf32, #tpu.memory_space<hbm>> -> memref<64x128xf32, #tpu.memory_space<hbm>>
      tpu.wait_dma2 semaphore(%arg6 : memref<!tpu.dma_semaphore, #tpu.memory_space<semaphore_mem>>) src(%dma_wait3A_100 : memref<64x128xf32, #tpu.memory_space<hbm>>) dst(%dma_wait3A_98 : memref<64x128xf32, #tpu.memory_space<vmem>>)
      %rem3A_101 = arith.constant 0 : i32
      %rem3A_102 = arith.constant 2 : i32
      %rem3A_103 = arith.remsi %rem3A_101, %rem3A_102 : i32
      %broadcast_in_dim3A = vector.broadcast %rem3A_103 : i32 to vector<16xi32>
      %scan3A_104 = arith.constant 0 : i32
      %scan3A_105 = arith.constant 0 : i32
      %scan3A_106 = arith.constant 16 : i32
      %scan3A_107 = arith.addi %scan3A_105, %scan3A_106 : i32
      %scan3A_108 = arith.constant 1 : i32
      scf.for %scan3A_144 = %scan3A_105 to %scan3A_107 step %scan3A_108  : i32 {
        %mul3A_145 = arith.constant 8 : i32
        %mul3A_146 = arith.muli %scan3A_144, %mul3A_145 : i32
        %add3A_147 = arith.constant 0 : i32
        %add3A_148 = arith.addi %mul3A_146, %add3A_147 : i32
        %broadcast_in_dim3A_149 = vector.broadcast %add3A_148 : i32 to vector<16xi32>
        %add3A_150 = arith.constant 0 : i32
        %add3A_151 = vector.broadcast %add3A_150 : i32 to vector<16xi32>
        %add3A_152 = arith.addi %iota3A, %add3A_151 : vector<16xi32>
        %gather3A = tpu.vector_load_idx %arg4[%broadcast_in_dim3A, %add3A_152, %broadcast_in_dim3A_149] : memref<2x64x137xf32, #tpu.memory_space<vmem>>[vector<16xi32>, vector<16xi32>, vector<16xi32>], vector<16xf32>,
        %swap3A = arith.index_cast %rem3A_103 : i32 to index
        %swap3A_153 = arith.index_cast %add3A_148 : i32 to index
        %swap3A_154 = arith.constant 0 : index
        %swap3A_155 = tpu.vector_load %arg5[%swap3A, %swap3A_153, %swap3A_154] {strides = array<i32>} : memref<2x128x64xf32, #tpu.memory_space<vmem>>, vector<16xf32>,
        tpu.vector_store %arg5[%swap3A, %swap3A_153, %swap3A_154], %gather3A {strides = array<i32>} : memref<2x128x64xf32, #tpu.memory_space<vmem>>, vector<16xf32>,
        %add3A_156 = arith.constant 16 : i32
        %add3A_157 = vector.broadcast %add3A_156 : i32 to vector<16xi32>
        %add3A_158 = arith.addi %iota3A, %add3A_157 : vector<16xi32>
        %gather3A_159 = tpu.vector_load_idx %arg4[%broadcast_in_dim3A, %add3A_158, %broadcast_in_dim3A_149] : memref<2x64x137xf32, #tpu.memory_space<vmem>>[vector<16xi32>, vector<16xi32>, vector<16xi32>], vector<16xf32>,
        %swap3A_160 = arith.index_cast %rem3A_103 : i32 to index
        %swap3A_161 = arith.index_cast %add3A_148 : i32 to index
        %swap3A_162 = arith.constant 16 : index
        %swap3A_163 = tpu.vector_load %arg5[%swap3A_160, %swap3A_161, %swap3A_162] {strides = array<i32>} : memref<2x128x64xf32, #tpu.memory_space<vmem>>, vector<16xf32>,
        tpu.vector_store %arg5[%swap3A_160, %swap3A_161, %swap3A_162], %gather3A_159 {strides = array<i32>} : memref<2x128x64xf32, #tpu.memory_space<vmem>>, vector<16xf32>,
        %add3A_164 = arith.constant 32 : i32
        %add3A_165 = vector.broadcast %add3A_164 : i32 to vector<16xi32>
        %add3A_166 = arith.addi %iota3A, %add3A_165 : vector<16xi32>
        %gather3A_167 = tpu.vector_load_idx %arg4[%broadcast_in_dim3A, %add3A_166, %broadcast_in_dim3A_149] : memref<2x64x137xf32, #tpu.memory_space<vmem>>[vector<16xi32>, vector<16xi32>, vector<16xi32>], vector<16xf32>,
        %swap3A_168 = arith.index_cast %rem3A_103 : i32 to index
        %swap3A_169 = arith.index_cast %add3A_148 : i32 to index
        %swap3A_170 = arith.constant 32 : index
        %swap3A_171 = tpu.vector_load %arg5[%swap3A_168, %swap3A_169, %swap3A_170] {strides = array<i32>} : memref<2x128x64xf32, #tpu.memory_space<vmem>>, vector<16xf32>,
        tpu.vector_store %arg5[%swap3A_168, %swap3A_169, %swap3A_170], %gather3A_167 {strides = array<i32>} : memref<2x128x64xf32, #tpu.memory_space<vmem>>, vector<16xf32>,
        %add3A_172 = arith.constant 48 : i32
        %add3A_173 = vector.broadcast %add3A_172 : i32 to vector<16xi32>
        %add3A_174 = arith.addi %iota3A, %add3A_173 : vector<16xi32>
        %gather3A_175 = tpu.vector_load_idx %arg4[%broadcast_in_dim3A, %add3A_174, %broadcast_in_dim3A_149] : memref<2x64x137xf32, #tpu.memory_space<vmem>>[vector<16xi32>, vector<16xi32>, vector<16xi32>], vector<16xf32>,
        %swap3A_176 = arith.index_cast %rem3A_103 : i32 to index
        %swap3A_177 = arith.index_cast %add3A_148 : i32 to index
        %swap3A_178 = arith.constant 48 : index
        %swap3A_179 = tpu.vector_load %arg5[%swap3A_176, %swap3A_177, %swap3A_178] {strides = array<i32>} : memref<2x128x64xf32, #tpu.memory_space<vmem>>, vector<16xf32>,
        tpu.vector_store %arg5[%swap3A_176, %swap3A_177, %swap3A_178], %gather3A_175 {strides = array<i32>} : memref<2x128x64xf32, #tpu.memory_space<vmem>>, vector<16xf32>,
        %mul3A_180 = arith.constant 8 : i32
        %mul3A_181 = arith.muli %scan3A_144, %mul3A_180 : i32
        %add3A_182 = arith.constant 1 : i32
        %add3A_183 = arith.addi %mul3A_181, %add3A_182 : i32
        %broadcast_in_dim3A_184 = vector.broadcast %add3A_183 : i32 to vector<16xi32>
        %add3A_185 = arith.constant 0 : i32
        %add3A_186 = vector.broadcast %add3A_185 : i32 to vector<16xi32>
        %add3A_187 = arith.addi %iota3A, %add3A_186 : vector<16xi32>
        %gather3A_188 = tpu.vector_load_idx %arg4[%broadcast_in_dim3A, %add3A_187, %broadcast_in_dim3A_184] : memref<2x64x137xf32, #tpu.memory_space<vmem>>[vector<16xi32>, vector<16xi32>, vector<16xi32>], vector<16xf32>,
        %swap3A_189 = arith.index_cast %rem3A_103 : i32 to index
        %swap3A_190 = arith.index_cast %add3A_183 : i32 to index
        %swap3A_191 = arith.constant 0 : index
        %swap3A_192 = tpu.vector_load %arg5[%swap3A_189, %swap3A_190, %swap3A_191] {strides = array<i32>} : memref<2x128x64xf32, #tpu.memory_space<vmem>>, vector<16xf32>,
        tpu.vector_store %arg5[%swap3A_189, %swap3A_190, %swap3A_191], %gather3A_188 {strides = array<i32>} : memref<2x128x64xf32, #tpu.memory_space<vmem>>, vector<16xf32>,
        %add3A_193 = arith.constant 16 : i32
        %add3A_194 = vector.broadcast %add3A_193 : i32 to vector<16xi32>
        %add3A_195 = arith.addi %iota3A, %add3A_194 : vector<16xi32>
        %gather3A_196 = tpu.vector_load_idx %arg4[%broadcast_in_dim3A, %add3A_195, %broadcast_in_dim3A_184] : memref<2x64x137xf32, #tpu.memory_space<vmem>>[vector<16xi32>, vector<16xi32>, vector<16xi32>], vector<16xf32>,
        %swap3A_197 = arith.index_cast %rem3A_103 : i32 to index
        %swap3A_198 = arith.index_cast %add3A_183 : i32 to index
        %swap3A_199 = arith.constant 16 : index
        %swap3A_200 = tpu.vector_load %arg5[%swap3A_197, %swap3A_198, %swap3A_199] {strides = array<i32>} : memref<2x128x64xf32, #tpu.memory_space<vmem>>, vector<16xf32>,
        tpu.vector_store %arg5[%swap3A_197, %swap3A_198, %swap3A_199], %gather3A_196 {strides = array<i32>} : memref<2x128x64xf32, #tpu.memory_space<vmem>>, vector<16xf32>,
        %add3A_201 = arith.constant 32 : i32
        %add3A_202 = vector.broadcast %add3A_201 : i32 to vector<16xi32>
        %add3A_203 = arith.addi %iota3A, %add3A_202 : vector<16xi32>
        %gather3A_204 = tpu.vector_load_idx %arg4[%broadcast_in_dim3A, %add3A_203, %broadcast_in_dim3A_184] : memref<2x64x137xf32, #tpu.memory_space<vmem>>[vector<16xi32>, vector<16xi32>, vector<16xi32>], vector<16xf32>,
        %swap3A_205 = arith.index_cast %rem3A_103 : i32 to index
        %swap3A_206 = arith.index_cast %add3A_183 : i32 to index
        %swap3A_207 = arith.constant 32 : index
        %swap3A_208 = tpu.vector_load %arg5[%swap3A_205, %swap3A_206, %swap3A_207] {strides = array<i32>} : memref<2x128x64xf32, #tpu.memory_space<vmem>>, vector<16xf32>,
        tpu.vector_store %arg5[%swap3A_205, %swap3A_206, %swap3A_207], %gather3A_204 {strides = array<i32>} : memref<2x128x64xf32, #tpu.memory_space<vmem>>, vector<16xf32>,
        %add3A_209 = arith.constant 48 : i32
        %add3A_210 = vector.broadcast %add3A_209 : i32 to vector<16xi32>
        %add3A_211 = arith.addi %iota3A, %add3A_210 : vector<16xi32>
        %gather3A_212 = tpu.vector_load_idx %arg4[%broadcast_in_dim3A, %add3A_211, %broadcast_in_dim3A_184] : memref<2x64x137xf32, #tpu.memory_space<vmem>>[vector<16xi32>, vector<16xi32>, vector<16xi32>], vector<16xf32>,
        %swap3A_213 = arith.index_cast %rem3A_103 : i32 to index
        %swap3A_214 = arith.index_cast %add3A_183 : i32 to index
        %swap3A_215 = arith.constant 48 : index
        %swap3A_216 = tpu.vector_load %arg5[%swap3A_213, %swap3A_214, %swap3A_215] {strides = array<i32>} : memref<2x128x64xf32, #tpu.memory_space<vmem>>, vector<16xf32>,
        tpu.vector_store %arg5[%swap3A_213, %swap3A_214, %swap3A_215], %gather3A_212 {strides = array<i32>} : memref<2x128x64xf32, #tpu.memory_space<vmem>>, vector<16xf32>,
        %mul3A_217 = arith.constant 8 : i32
        %mul3A_218 = arith.muli %scan3A_144, %mul3A_217 : i32
        %add3A_219 = arith.constant 2 : i32
        %add3A_220 = arith.addi %mul3A_218, %add3A_219 : i32
        %broadcast_in_dim3A_221 = vector.broadcast %add3A_220 : i32 to vector<16xi32>
        %add3A_222 = arith.constant 0 : i32
        %add3A_223 = vector.broadcast %add3A_222 : i32 to vector<16xi32>
        %add3A_224 = arith.addi %iota3A, %add3A_223 : vector<16xi32>
        %gather3A_225 = tpu.vector_load_idx %arg4[%broadcast_in_dim3A, %add3A_224, %broadcast_in_dim3A_221] : memref<2x64x137xf32, #tpu.memory_space<vmem>>[vector<16xi32>, vector<16xi32>, vector<16xi32>], vector<16xf32>,
        %swap3A_226 = arith.index_cast %rem3A_103 : i32 to index
        %swap3A_227 = arith.index_cast %add3A_220 : i32 to index
        %swap3A_228 = arith.constant 0 : index
        %swap3A_229 = tpu.vector_load %arg5[%swap3A_226, %swap3A_227, %swap3A_228] {strides = array<i32>} : memref<2x128x64xf32, #tpu.memory_space<vmem>>, vector<16xf32>,
        tpu.vector_store %arg5[%swap3A_226, %swap3A_227, %swap3A_228], %gather3A_225 {strides = array<i32>} : memref<2x128x64xf32, #tpu.memory_space<vmem>>, vector<16xf32>,
        %add3A_230 = arith.constant 16 : i32
        %add3A_231 = vector.broadcast %add3A_230 : i32 to vector<16xi32>
        %add3A_232 = arith.addi %iota3A, %add3A_231 : vector<16xi32>
        %gather3A_233 = tpu.vector_load_idx %arg4[%broadcast_in_dim3A, %add3A_232, %broadcast_in_dim3A_221] : memref<2x64x137xf32, #tpu.memory_space<vmem>>[vector<16xi32>, vector<16xi32>, vector<16xi32>], vector<16xf32>,
        %swap3A_234 = arith.index_cast %rem3A_103 : i32 to index
        %swap3A_235 = arith.index_cast %add3A_220 : i32 to index
        %swap3A_236 = arith.constant 16 : index
        %swap3A_237 = tpu.vector_load %arg5[%swap3A_234, %swap3A_235, %swap3A_236] {strides = array<i32>} : memref<2x128x64xf32, #tpu.memory_space<vmem>>, vector<16xf32>,
        tpu.vector_store %arg5[%swap3A_234, %swap3A_235, %swap3A_236], %gather3A_233 {strides = array<i32>} : memref<2x128x64xf32, #tpu.memory_space<vmem>>, vector<16xf32>,
        %add3A_238 = arith.constant 32 : i32
        %add3A_239 = vector.broadcast %add3A_238 : i32 to vector<16xi32>
        %add3A_240 = arith.addi %iota3A, %add3A_239 : vector<16xi32>
        %gather3A_241 = tpu.vector_load_idx %arg4[%broadcast_in_dim3A, %add3A_240, %broadcast_in_dim3A_221] : memref<2x64x137xf32, #tpu.memory_space<vmem>>[vector<16xi32>, vector<16xi32>, vector<16xi32>], vector<16xf32>,
        %swap3A_242 = arith.index_cast %rem3A_103 : i32 to index
        %swap3A_243 = arith.index_cast %add3A_220 : i32 to index
        %swap3A_244 = arith.constant 32 : index
        %swap3A_245 = tpu.vector_load %arg5[%swap3A_242, %swap3A_243, %swap3A_244] {strides = array<i32>} : memref<2x128x64xf32, #tpu.memory_space<vmem>>, vector<16xf32>,
        tpu.vector_store %arg5[%swap3A_242, %swap3A_243, %swap3A_244], %gather3A_241 {strides = array<i32>} : memref<2x128x64xf32, #tpu.memory_space<vmem>>, vector<16xf32>,
        %add3A_246 = arith.constant 48 : i32
        %add3A_247 = vector.broadcast %add3A_246 : i32 to vector<16xi32>
        %add3A_248 = arith.addi %iota3A, %add3A_247 : vector<16xi32>
        %gather3A_249 = tpu.vector_load_idx %arg4[%broadcast_in_dim3A, %add3A_248, %broadcast_in_dim3A_221] : memref<2x64x137xf32, #tpu.memory_space<vmem>>[vector<16xi32>, vector<16xi32>, vector<16xi32>], vector<16xf32>,
        %swap3A_250 = arith.index_cast %rem3A_103 : i32 to index
        %swap3A_251 = arith.index_cast %add3A_220 : i32 to index
        %swap3A_252 = arith.constant 48 : index
        %swap3A_253 = tpu.vector_load %arg5[%swap3A_250, %swap3A_251, %swap3A_252] {strides = array<i32>} : memref<2x128x64xf32, #tpu.memory_space<vmem>>, vector<16xf32>,
        tpu.vector_store %arg5[%swap3A_250, %swap3A_251, %swap3A_252], %gather3A_249 {strides = array<i32>} : memref<2x128x64xf32, #tpu.memory_space<vmem>>, vector<16xf32>,
        %mul3A_254 = arith.constant 8 : i32
        %mul3A_255 = arith.muli %scan3A_144, %mul3A_254 : i32
        %add3A_256 = arith.constant 3 : i32
        %add3A_257 = arith.addi %mul3A_255, %add3A_256 : i32
        %broadcast_in_dim3A_258 = vector.broadcast %add3A_257 : i32 to vector<16xi32>
        %add3A_259 = arith.constant 0 : i32
        %add3A_260 = vector.broadcast %add3A_259 : i32 to vector<16xi32>
        %add3A_261 = arith.addi %iota3A, %add3A_260 : vector<16xi32>
        %gather3A_262 = tpu.vector_load_idx %arg4[%broadcast_in_dim3A, %add3A_261, %broadcast_in_dim3A_258] : memref<2x64x137xf32, #tpu.memory_space<vmem>>[vector<16xi32>, vector<16xi32>, vector<16xi32>], vector<16xf32>,
        %swap3A_263 = arith.index_cast %rem3A_103 : i32 to index
        %swap3A_264 = arith.index_cast %add3A_257 : i32 to index
        %swap3A_265 = arith.constant 0 : index
        %swap3A_266 = tpu.vector_load %arg5[%swap3A_263, %swap3A_264, %swap3A_265] {strides = array<i32>} : memref<2x128x64xf32, #tpu.memory_space<vmem>>, vector<16xf32>,
        tpu.vector_store %arg5[%swap3A_263, %swap3A_264, %swap3A_265], %gather3A_262 {strides = array<i32>} : memref<2x128x64xf32, #tpu.memory_space<vmem>>, vector<16xf32>,
        %add3A_267 = arith.constant 16 : i32
        %add3A_268 = vector.broadcast %add3A_267 : i32 to vector<16xi32>
        %add3A_269 = arith.addi %iota3A, %add3A_268 : vector<16xi32>
        %gather3A_270 = tpu.vector_load_idx %arg4[%broadcast_in_dim3A, %add3A_269, %broadcast_in_dim3A_258] : memref<2x64x137xf32, #tpu.memory_space<vmem>>[vector<16xi32>, vector<16xi32>, vector<16xi32>], vector<16xf32>,
        %swap3A_271 = arith.index_cast %rem3A_103 : i32 to index
        %swap3A_272 = arith.index_cast %add3A_257 : i32 to index
        %swap3A_273 = arith.constant 16 : index
        %swap3A_274 = tpu.vector_load %arg5[%swap3A_271, %swap3A_272, %swap3A_273] {strides = array<i32>} : memref<2x128x64xf32, #tpu.memory_space<vmem>>, vector<16xf32>,
        tpu.vector_store %arg5[%swap3A_271, %swap3A_272, %swap3A_273], %gather3A_270 {strides = array<i32>} : memref<2x128x64xf32, #tpu.memory_space<vmem>>, vector<16xf32>,
        %add3A_275 = arith.constant 32 : i32
        %add3A_276 = vector.broadcast %add3A_275 : i32 to vector<16xi32>
        %add3A_277 = arith.addi %iota3A, %add3A_276 : vector<16xi32>
        %gather3A_278 = tpu.vector_load_idx %arg4[%broadcast_in_dim3A, %add3A_277, %broadcast_in_dim3A_258] : memref<2x64x137xf32, #tpu.memory_space<vmem>>[vector<16xi32>, vector<16xi32>, vector<16xi32>], vector<16xf32>,
        %swap3A_279 = arith.index_cast %rem3A_103 : i32 to index
        %swap3A_280 = arith.index_cast %add3A_257 : i32 to index
        %swap3A_281 = arith.constant 32 : index
        %swap3A_282 = tpu.vector_load %arg5[%swap3A_279, %swap3A_280, %swap3A_281] {strides = array<i32>} : memref<2x128x64xf32, #tpu.memory_space<vmem>>, vector<16xf32>,
        tpu.vector_store %arg5[%swap3A_279, %swap3A_280, %swap3A_281], %gather3A_278 {strides = array<i32>} : memref<2x128x64xf32, #tpu.memory_space<vmem>>, vector<16xf32>,
        %add3A_283 = arith.constant 48 : i32
        %add3A_284 = vector.broadcast %add3A_283 : i32 to vector<16xi32>
        %add3A_285 = arith.addi %iota3A, %add3A_284 : vector<16xi32>
        %gather3A_286 = tpu.vector_load_idx %arg4[%broadcast_in_dim3A, %add3A_285, %broadcast_in_dim3A_258] : memref<2x64x137xf32, #tpu.memory_space<vmem>>[vector<16xi32>, vector<16xi32>, vector<16xi32>], vector<16xf32>,
        %swap3A_287 = arith.index_cast %rem3A_103 : i32 to index
        %swap3A_288 = arith.index_cast %add3A_257 : i32 to index
        %swap3A_289 = arith.constant 48 : index
        %swap3A_290 = tpu.vector_load %arg5[%swap3A_287, %swap3A_288, %swap3A_289] {strides = array<i32>} : memref<2x128x64xf32, #tpu.memory_space<vmem>>, vector<16xf32>,
        tpu.vector_store %arg5[%swap3A_287, %swap3A_288, %swap3A_289], %gather3A_286 {strides = array<i32>} : memref<2x128x64xf32, #tpu.memory_space<vmem>>, vector<16xf32>,
        %mul3A_291 = arith.constant 8 : i32
        %mul3A_292 = arith.muli %scan3A_144, %mul3A_291 : i32
        %add3A_293 = arith.constant 4 : i32
        %add3A_294 = arith.addi %mul3A_292, %add3A_293 : i32
        %broadcast_in_dim3A_295 = vector.broadcast %add3A_294 : i32 to vector<16xi32>
        %add3A_296 = arith.constant 0 : i32
        %add3A_297 = vector.broadcast %add3A_296 : i32 to vector<16xi32>
        %add3A_298 = arith.addi %iota3A, %add3A_297 : vector<16xi32>
        %gather3A_299 = tpu.vector_load_idx %arg4[%broadcast_in_dim3A, %add3A_298, %broadcast_in_dim3A_295] : memref<2x64x137xf32, #tpu.memory_space<vmem>>[vector<16xi32>, vector<16xi32>, vector<16xi32>], vector<16xf32>,
        %swap3A_300 = arith.index_cast %rem3A_103 : i32 to index
        %swap3A_301 = arith.index_cast %add3A_294 : i32 to index
        %swap3A_302 = arith.constant 0 : index
        %swap3A_303 = tpu.vector_load %arg5[%swap3A_300, %swap3A_301, %swap3A_302] {strides = array<i32>} : memref<2x128x64xf32, #tpu.memory_space<vmem>>, vector<16xf32>,
        tpu.vector_store %arg5[%swap3A_300, %swap3A_301, %swap3A_302], %gather3A_299 {strides = array<i32>} : memref<2x128x64xf32, #tpu.memory_space<vmem>>, vector<16xf32>,
        %add3A_304 = arith.constant 16 : i32
        %add3A_305 = vector.broadcast %add3A_304 : i32 to vector<16xi32>
        %add3A_306 = arith.addi %iota3A, %add3A_305 : vector<16xi32>
        %gather3A_307 = tpu.vector_load_idx %arg4[%broadcast_in_dim3A, %add3A_306, %broadcast_in_dim3A_295] : memref<2x64x137xf32, #tpu.memory_space<vmem>>[vector<16xi32>, vector<16xi32>, vector<16xi32>], vector<16xf32>,
        %swap3A_308 = arith.index_cast %rem3A_103 : i32 to index
        %swap3A_309 = arith.index_cast %add3A_294 : i32 to index
        %swap3A_310 = arith.constant 16 : index
        %swap3A_311 = tpu.vector_load %arg5[%swap3A_308, %swap3A_309, %swap3A_310] {strides = array<i32>} : memref<2x128x64xf32, #tpu.memory_space<vmem>>, vector<16xf32>,
        tpu.vector_store %arg5[%swap3A_308, %swap3A_309, %swap3A_310], %gather3A_307 {strides = array<i32>} : memref<2x128x64xf32, #tpu.memory_space<vmem>>, vector<16xf32>,
        %add3A_312 = arith.constant 32 : i32
        %add3A_313 = vector.broadcast %add3A_312 : i32 to vector<16xi32>
        %add3A_314 = arith.addi %iota3A, %add3A_313 : vector<16xi32>
        %gather3A_315 = tpu.vector_load_idx %arg4[%broadcast_in_dim3A, %add3A_314, %broadcast_in_dim3A_295] : memref<2x64x137xf32, #tpu.memory_space<vmem>>[vector<16xi32>, vector<16xi32>, vector<16xi32>], vector<16xf32>,
        %swap3A_316 = arith.index_cast %rem3A_103 : i32 to index
        %swap3A_317 = arith.index_cast %add3A_294 : i32 to index
        %swap3A_318 = arith.constant 32 : index
        %swap3A_319 = tpu.vector_load %arg5[%swap3A_316, %swap3A_317, %swap3A_318] {strides = array<i32>} : memref<2x128x64xf32, #tpu.memory_space<vmem>>, vector<16xf32>,
        tpu.vector_store %arg5[%swap3A_316, %swap3A_317, %swap3A_318], %gather3A_315 {strides = array<i32>} : memref<2x128x64xf32, #tpu.memory_space<vmem>>, vector<16xf32>,
        %add3A_320 = arith.constant 48 : i32
        %add3A_321 = vector.broadcast %add3A_320 : i32 to vector<16xi32>
        %add3A_322 = arith.addi %iota3A, %add3A_321 : vector<16xi32>
        %gather3A_323 = tpu.vector_load_idx %arg4[%broadcast_in_dim3A, %add3A_322, %broadcast_in_dim3A_295] : memref<2x64x137xf32, #tpu.memory_space<vmem>>[vector<16xi32>, vector<16xi32>, vector<16xi32>], vector<16xf32>,
        %swap3A_324 = arith.index_cast %rem3A_103 : i32 to index
        %swap3A_325 = arith.index_cast %add3A_294 : i32 to index
        %swap3A_326 = arith.constant 48 : index
        %swap3A_327 = tpu.vector_load %arg5[%swap3A_324, %swap3A_325, %swap3A_326] {strides = array<i32>} : memref<2x128x64xf32, #tpu.memory_space<vmem>>, vector<16xf32>,
        tpu.vector_store %arg5[%swap3A_324, %swap3A_325, %swap3A_326], %gather3A_323 {strides = array<i32>} : memref<2x128x64xf32, #tpu.memory_space<vmem>>, vector<16xf32>,
        %mul3A_328 = arith.constant 8 : i32
        %mul3A_329 = arith.muli %scan3A_144, %mul3A_328 : i32
        %add3A_330 = arith.constant 5 : i32
        %add3A_331 = arith.addi %mul3A_329, %add3A_330 : i32
        %broadcast_in_dim3A_332 = vector.broadcast %add3A_331 : i32 to vector<16xi32>
        %add3A_333 = arith.constant 0 : i32
        %add3A_334 = vector.broadcast %add3A_333 : i32 to vector<16xi32>
        %add3A_335 = arith.addi %iota3A, %add3A_334 : vector<16xi32>
        %gather3A_336 = tpu.vector_load_idx %arg4[%broadcast_in_dim3A, %add3A_335, %broadcast_in_dim3A_332] : memref<2x64x137xf32, #tpu.memory_space<vmem>>[vector<16xi32>, vector<16xi32>, vector<16xi32>], vector<16xf32>,
        %swap3A_337 = arith.index_cast %rem3A_103 : i32 to index
        %swap3A_338 = arith.index_cast %add3A_331 : i32 to index
        %swap3A_339 = arith.constant 0 : index
        %swap3A_340 = tpu.vector_load %arg5[%swap3A_337, %swap3A_338, %swap3A_339] {strides = array<i32>} : memref<2x128x64xf32, #tpu.memory_space<vmem>>, vector<16xf32>,
        tpu.vector_store %arg5[%swap3A_337, %swap3A_338, %swap3A_339], %gather3A_336 {strides = array<i32>} : memref<2x128x64xf32, #tpu.memory_space<vmem>>, vector<16xf32>,
        %add3A_341 = arith.constant 16 : i32
        %add3A_342 = vector.broadcast %add3A_341 : i32 to vector<16xi32>
        %add3A_343 = arith.addi %iota3A, %add3A_342 : vector<16xi32>
        %gather3A_344 = tpu.vector_load_idx %arg4[%broadcast_in_dim3A, %add3A_343, %broadcast_in_dim3A_332] : memref<2x64x137xf32, #tpu.memory_space<vmem>>[vector<16xi32>, vector<16xi32>, vector<16xi32>], vector<16xf32>,
        %swap3A_345 = arith.index_cast %rem3A_103 : i32 to index
        %swap3A_346 = arith.index_cast %add3A_331 : i32 to index
        %swap3A_347 = arith.constant 16 : index
        %swap3A_348 = tpu.vector_load %arg5[%swap3A_345, %swap3A_346, %swap3A_347] {strides = array<i32>} : memref<2x128x64xf32, #tpu.memory_space<vmem>>, vector<16xf32>,
        tpu.vector_store %arg5[%swap3A_345, %swap3A_346, %swap3A_347], %gather3A_344 {strides = array<i32>} : memref<2x128x64xf32, #tpu.memory_space<vmem>>, vector<16xf32>,
        %add3A_349 = arith.constant 32 : i32
        %add3A_350 = vector.broadcast %add3A_349 : i32 to vector<16xi32>
        %add3A_351 = arith.addi %iota3A, %add3A_350 : vector<16xi32>
        %gather3A_352 = tpu.vector_load_idx %arg4[%broadcast_in_dim3A, %add3A_351, %broadcast_in_dim3A_332] : memref<2x64x137xf32, #tpu.memory_space<vmem>>[vector<16xi32>, vector<16xi32>, vector<16xi32>], vector<16xf32>,
        %swap3A_353 = arith.index_cast %rem3A_103 : i32 to index
        %swap3A_354 = arith.index_cast %add3A_331 : i32 to index
        %swap3A_355 = arith.constant 32 : index
        %swap3A_356 = tpu.vector_load %arg5[%swap3A_353, %swap3A_354, %swap3A_355] {strides = array<i32>} : memref<2x128x64xf32, #tpu.memory_space<vmem>>, vector<16xf32>,
        tpu.vector_store %arg5[%swap3A_353, %swap3A_354, %swap3A_355], %gather3A_352 {strides = array<i32>} : memref<2x128x64xf32, #tpu.memory_space<vmem>>, vector<16xf32>,
        %add3A_357 = arith.constant 48 : i32
        %add3A_358 = vector.broadcast %add3A_357 : i32 to vector<16xi32>
        %add3A_359 = arith.addi %iota3A, %add3A_358 : vector<16xi32>
        %gather3A_360 = tpu.vector_load_idx %arg4[%broadcast_in_dim3A, %add3A_359, %broadcast_in_dim3A_332] : memref<2x64x137xf32, #tpu.memory_space<vmem>>[vector<16xi32>, vector<16xi32>, vector<16xi32>], vector<16xf32>,
        %swap3A_361 = arith.index_cast %rem3A_103 : i32 to index
        %swap3A_362 = arith.index_cast %add3A_331 : i32 to index
        %swap3A_363 = arith.constant 48 : index
        %swap3A_364 = tpu.vector_load %arg5[%swap3A_361, %swap3A_362, %swap3A_363] {strides = array<i32>} : memref<2x128x64xf32, #tpu.memory_space<vmem>>, vector<16xf32>,
        tpu.vector_store %arg5[%swap3A_361, %swap3A_362, %swap3A_363], %gather3A_360 {strides = array<i32>} : memref<2x128x64xf32, #tpu.memory_space<vmem>>, vector<16xf32>,
        %mul3A_365 = arith.constant 8 : i32
        %mul3A_366 = arith.muli %scan3A_144, %mul3A_365 : i32
        %add3A_367 = arith.constant 6 : i32
        %add3A_368 = arith.addi %mul3A_366, %add3A_367 : i32
        %broadcast_in_dim3A_369 = vector.broadcast %add3A_368 : i32 to vector<16xi32>
        %add3A_370 = arith.constant 0 : i32
        %add3A_371 = vector.broadcast %add3A_370 : i32 to vector<16xi32>
        %add3A_372 = arith.addi %iota3A, %add3A_371 : vector<16xi32>
        %gather3A_373 = tpu.vector_load_idx %arg4[%broadcast_in_dim3A, %add3A_372, %broadcast_in_dim3A_369] : memref<2x64x137xf32, #tpu.memory_space<vmem>>[vector<16xi32>, vector<16xi32>, vector<16xi32>], vector<16xf32>,
        %swap3A_374 = arith.index_cast %rem3A_103 : i32 to index
        %swap3A_375 = arith.index_cast %add3A_368 : i32 to index
        %swap3A_376 = arith.constant 0 : index
        %swap3A_377 = tpu.vector_load %arg5[%swap3A_374, %swap3A_375, %swap3A_376] {strides = array<i32>} : memref<2x128x64xf32, #tpu.memory_space<vmem>>, vector<16xf32>,
        tpu.vector_store %arg5[%swap3A_374, %swap3A_375, %swap3A_376], %gather3A_373 {strides = array<i32>} : memref<2x128x64xf32, #tpu.memory_space<vmem>>, vector<16xf32>,
        %add3A_378 = arith.constant 16 : i32
        %add3A_379 = vector.broadcast %add3A_378 : i32 to vector<16xi32>
        %add3A_380 = arith.addi %iota3A, %add3A_379 : vector<16xi32>
        %gather3A_381 = tpu.vector_load_idx %arg4[%broadcast_in_dim3A, %add3A_380, %broadcast_in_dim3A_369] : memref<2x64x137xf32, #tpu.memory_space<vmem>>[vector<16xi32>, vector<16xi32>, vector<16xi32>], vector<16xf32>,
        %swap3A_382 = arith.index_cast %rem3A_103 : i32 to index
        %swap3A_383 = arith.index_cast %add3A_368 : i32 to index
        %swap3A_384 = arith.constant 16 : index
        %swap3A_385 = tpu.vector_load %arg5[%swap3A_382, %swap3A_383, %swap3A_384] {strides = array<i32>} : memref<2x128x64xf32, #tpu.memory_space<vmem>>, vector<16xf32>,
        tpu.vector_store %arg5[%swap3A_382, %swap3A_383, %swap3A_384], %gather3A_381 {strides = array<i32>} : memref<2x128x64xf32, #tpu.memory_space<vmem>>, vector<16xf32>,
        %add3A_386 = arith.constant 32 : i32
        %add3A_387 = vector.broadcast %add3A_386 : i32 to vector<16xi32>
        %add3A_388 = arith.addi %iota3A, %add3A_387 : vector<16xi32>
        %gather3A_389 = tpu.vector_load_idx %arg4[%broadcast_in_dim3A, %add3A_388, %broadcast_in_dim3A_369] : memref<2x64x137xf32, #tpu.memory_space<vmem>>[vector<16xi32>, vector<16xi32>, vector<16xi32>], vector<16xf32>,
        %swap3A_390 = arith.index_cast %rem3A_103 : i32 to index
        %swap3A_391 = arith.index_cast %add3A_368 : i32 to index
        %swap3A_392 = arith.constant 32 : index
        %swap3A_393 = tpu.vector_load %arg5[%swap3A_390, %swap3A_391, %swap3A_392] {strides = array<i32>} : memref<2x128x64xf32, #tpu.memory_space<vmem>>, vector<16xf32>,
        tpu.vector_store %arg5[%swap3A_390, %swap3A_391, %swap3A_392], %gather3A_389 {strides = array<i32>} : memref<2x128x64xf32, #tpu.memory_space<vmem>>, vector<16xf32>,
        %add3A_394 = arith.constant 48 : i32
        %add3A_395 = vector.broadcast %add3A_394 : i32 to vector<16xi32>
        %add3A_396 = arith.addi %iota3A, %add3A_395 : vector<16xi32>
        %gather3A_397 = tpu.vector_load_idx %arg4[%broadcast_in_dim3A, %add3A_396, %broadcast_in_dim3A_369] : memref<2x64x137xf32, #tpu.memory_space<vmem>>[vector<16xi32>, vector<16xi32>, vector<16xi32>], vector<16xf32>,
        %swap3A_398 = arith.index_cast %rem3A_103 : i32 to index
        %swap3A_399 = arith.index_cast %add3A_368 : i32 to index
        %swap3A_400 = arith.constant 48 : index
        %swap3A_401 = tpu.vector_load %arg5[%swap3A_398, %swap3A_399, %swap3A_400] {strides = array<i32>} : memref<2x128x64xf32, #tpu.memory_space<vmem>>, vector<16xf32>,
        tpu.vector_store %arg5[%swap3A_398, %swap3A_399, %swap3A_400], %gather3A_397 {strides = array<i32>} : memref<2x128x64xf32, #tpu.memory_space<vmem>>, vector<16xf32>,
        %mul3A_402 = arith.constant 8 : i32
        %mul3A_403 = arith.muli %scan3A_144, %mul3A_402 : i32
        %add3A_404 = arith.constant 7 : i32
        %add3A_405 = arith.addi %mul3A_403, %add3A_404 : i32
        %broadcast_in_dim3A_406 = vector.broadcast %add3A_405 : i32 to vector<16xi32>
        %add3A_407 = arith.constant 0 : i32
        %add3A_408 = vector.broadcast %add3A_407 : i32 to vector<16xi32>
        %add3A_409 = arith.addi %iota3A, %add3A_408 : vector<16xi32>
        %gather3A_410 = tpu.vector_load_idx %arg4[%broadcast_in_dim3A, %add3A_409, %broadcast_in_dim3A_406] : memref<2x64x137xf32, #tpu.memory_space<vmem>>[vector<16xi32>, vector<16xi32>, vector<16xi32>], vector<16xf32>,
        %swap3A_411 = arith.index_cast %rem3A_103 : i32 to index
        %swap3A_412 = arith.index_cast %add3A_405 : i32 to index
        %swap3A_413 = arith.constant 0 : index
        %swap3A_414 = tpu.vector_load %arg5[%swap3A_411, %swap3A_412, %swap3A_413] {strides = array<i32>} : memref<2x128x64xf32, #tpu.memory_space<vmem>>, vector<16xf32>,
        tpu.vector_store %arg5[%swap3A_411, %swap3A_412, %swap3A_413], %gather3A_410 {strides = array<i32>} : memref<2x128x64xf32, #tpu.memory_space<vmem>>, vector<16xf32>,
        %add3A_415 = arith.constant 16 : i32
        %add3A_416 = vector.broadcast %add3A_415 : i32 to vector<16xi32>
        %add3A_417 = arith.addi %iota3A, %add3A_416 : vector<16xi32>
        %gather3A_418 = tpu.vector_load_idx %arg4[%broadcast_in_dim3A, %add3A_417, %broadcast_in_dim3A_406] : memref<2x64x137xf32, #tpu.memory_space<vmem>>[vector<16xi32>, vector<16xi32>, vector<16xi32>], vector<16xf32>,
        %swap3A_419 = arith.index_cast %rem3A_103 : i32 to index
        %swap3A_420 = arith.index_cast %add3A_405 : i32 to index
        %swap3A_421 = arith.constant 16 : index
        %swap3A_422 = tpu.vector_load %arg5[%swap3A_419, %swap3A_420, %swap3A_421] {strides = array<i32>} : memref<2x128x64xf32, #tpu.memory_space<vmem>>, vector<16xf32>,
        tpu.vector_store %arg5[%swap3A_419, %swap3A_420, %swap3A_421], %gather3A_418 {strides = array<i32>} : memref<2x128x64xf32, #tpu.memory_space<vmem>>, vector<16xf32>,
        %add3A_423 = arith.constant 32 : i32
        %add3A_424 = vector.broadcast %add3A_423 : i32 to vector<16xi32>
        %add3A_425 = arith.addi %iota3A, %add3A_424 : vector<16xi32>
        %gather3A_426 = tpu.vector_load_idx %arg4[%broadcast_in_dim3A, %add3A_425, %broadcast_in_dim3A_406] : memref<2x64x137xf32, #tpu.memory_space<vmem>>[vector<16xi32>, vector<16xi32>, vector<16xi32>], vector<16xf32>,
        %swap3A_427 = arith.index_cast %rem3A_103 : i32 to index
        %swap3A_428 = arith.index_cast %add3A_405 : i32 to index
        %swap3A_429 = arith.constant 32 : index
        %swap3A_430 = tpu.vector_load %arg5[%swap3A_427, %swap3A_428, %swap3A_429] {strides = array<i32>} : memref<2x128x64xf32, #tpu.memory_space<vmem>>, vector<16xf32>,
        tpu.vector_store %arg5[%swap3A_427, %swap3A_428, %swap3A_429], %gather3A_426 {strides = array<i32>} : memref<2x128x64xf32, #tpu.memory_space<vmem>>, vector<16xf32>,
        %add3A_431 = arith.constant 48 : i32
        %add3A_432 = vector.broadcast %add3A_431 : i32 to vector<16xi32>
        %add3A_433 = arith.addi %iota3A, %add3A_432 : vector<16xi32>
        %gather3A_434 = tpu.vector_load_idx %arg4[%broadcast_in_dim3A, %add3A_433, %broadcast_in_dim3A_406] : memref<2x64x137xf32, #tpu.memory_space<vmem>>[vector<16xi32>, vector<16xi32>, vector<16xi32>], vector<16xf32>,
        %swap3A_435 = arith.index_cast %rem3A_103 : i32 to index
        %swap3A_436 = arith.index_cast %add3A_405 : i32 to index
        %swap3A_437 = arith.constant 48 : index
        %swap3A_438 = tpu.vector_load %arg5[%swap3A_435, %swap3A_436, %swap3A_437] {strides = array<i32>} : memref<2x128x64xf32, #tpu.memory_space<vmem>>, vector<16xf32>,
        tpu.vector_store %arg5[%swap3A_435, %swap3A_436, %swap3A_437], %gather3A_434 {strides = array<i32>} : memref<2x128x64xf32, #tpu.memory_space<vmem>>, vector<16xf32>,
      }
      %scan3A_109 = arith.constant 16 : i32
      %rem3A_110 = arith.constant 0 : i32
      %rem3A_111 = arith.constant 2 : i32
      %rem3A_112 = arith.remsi %rem3A_110, %rem3A_111 : i32
      %mul3A_113 = arith.constant 128 : i32
      %mul3A_114 = arith.muli %add3A_66, %mul3A_113 : i32
      %dma_start3A_115 = arith.constant 0 : i32
      %dma_start3A_116 = arith.constant 0 : i32
      %dma_start3A_117 = tpu.memref_slice %arg5[%rem3A_112, %dma_start3A_115, %dma_start3A_116] : memref<2x128x64xf32, #tpu.memory_space<vmem>> -> memref<1x128x64xf32, #tpu.memory_space<vmem>>
      %dma_start3A_118 = tpu.memref_squeeze %dma_start3A_117 : memref<1x128x64xf32, #tpu.memory_space<vmem>> -> memref<128x64xf32, #tpu.memory_space<vmem>>
      %dma_start3A_119 = arith.constant 0 : i32
      %dma_start3A_120 = tpu.memref_slice %arg3[%mul3A_114, %dma_start3A_119] : memref<1000000x64xf32, #tpu.memory_space<hbm>> -> memref<128x64xf32, #tpu.memory_space<hbm>>
      %dma_start3A_121 = arith.constant 0 : i32
      %dma_start3A_122 = tpu.memref_slice %arg3[%mul3A_114, %dma_start3A_121] : memref<1000000x64xf32, #tpu.memory_space<hbm>> -> memref<128x64xf32, #tpu.memory_space<hbm>>
      %dma_start3A_123 = arith.constant 0 : i32
      %dma_start3A_124 = arith.constant 0 : i32
      %dma_start3A_125 = tpu.memref_slice %arg5[%rem3A_112, %dma_start3A_123, %dma_start3A_124] : memref<2x128x64xf32, #tpu.memory_space<vmem>> -> memref<1x128x64xf32, #tpu.memory_space<vmem>>
      %dma_start3A_126 = tpu.memref_squeeze %dma_start3A_125 : memref<1x128x64xf32, #tpu.memory_space<vmem>> -> memref<128x64xf32, #tpu.memory_space<vmem>>
      tpu.enqueue_dma source(%dma_start3A_126 : memref<128x64xf32, #tpu.memory_space<vmem>>) target(%dma_start3A_122 : memref<128x64xf32, #tpu.memory_space<hbm>>) target_semaphore(%arg7 : memref<!tpu.dma_semaphore, #tpu.memory_space<semaphore_mem>>)
      %rem3A_127 = arith.constant 0 : i32
      %rem3A_128 = arith.constant 2 : i32
      %rem3A_129 = arith.remsi %rem3A_127, %rem3A_128 : i32
      %mul3A_130 = arith.constant 128 : i32
      %mul3A_131 = arith.muli %add3A_66, %mul3A_130 : i32
      %dma_wait3A_132 = arith.constant 0 : i32
      %dma_wait3A_133 = arith.constant 0 : i32
      %dma_wait3A_134 = tpu.memref_slice %arg5[%rem3A_129, %dma_wait3A_132, %dma_wait3A_133] : memref<2x128x64xf32, #tpu.memory_space<vmem>> -> memref<1x128x64xf32, #tpu.memory_space<vmem>>
      %dma_wait3A_135 = tpu.memref_squeeze %dma_wait3A_134 : memref<1x128x64xf32, #tpu.memory_space<vmem>> -> memref<128x64xf32, #tpu.memory_space<vmem>>
      %dma_wait3A_136 = arith.constant 0 : i32
      %dma_wait3A_137 = tpu.memref_slice %arg3[%mul3A_131, %dma_wait3A_136] : memref<1000000x64xf32, #tpu.memory_space<hbm>> -> memref<128x64xf32, #tpu.memory_space<hbm>>
      %dma_wait3A_138 = arith.constant 0 : i32
      %dma_wait3A_139 = tpu.memref_slice %arg3[%mul3A_131, %dma_wait3A_138] : memref<1000000x64xf32, #tpu.memory_space<hbm>> -> memref<128x64xf32, #tpu.memory_space<hbm>>
      %dma_wait3A_140 = arith.constant 0 : i32
      %dma_wait3A_141 = arith.constant 0 : i32
      %dma_wait3A_142 = tpu.memref_slice %arg5[%rem3A_129, %dma_wait3A_140, %dma_wait3A_141] : memref<2x128x64xf32, #tpu.memory_space<vmem>> -> memref<1x128x64xf32, #tpu.memory_space<vmem>>
      %dma_wait3A_143 = tpu.memref_squeeze %dma_wait3A_142 : memref<1x128x64xf32, #tpu.memory_space<vmem>> -> memref<128x64xf32, #tpu.memory_space<vmem>>
      tpu.wait_dma2 semaphore(%arg7 : memref<!tpu.dma_semaphore, #tpu.memory_space<semaphore_mem>>) src(%dma_wait3A_143 : memref<128x64xf32, #tpu.memory_space<vmem>>) dst(%dma_wait3A_139 : memref<128x64xf32, #tpu.memory_space<hbm>>)
    } else {
    }
    return
  }
}

</mosaic_0001>

<sc_bundles>
// kernel: _center_loss_partials.4.cloned.1.call-start
scs
__scs_entry_jumppad:
0x0: {  	(pc) =	sbr.rel $0x88, $3  }
0x1: {  	(tag) =	ssettag $0x0;
	lr =	simm.s32 $0x1  }
0x2: {  	[smem:$0x3F9D] =	sst lr;
	_ =	strace $0xD0000000  }
0x3: {  	_ = 	snop  }
0x4: {  	_ = 	snop  }
0x5: {  	_ = 	snop  }
0x6: {  	_ = 	snop  }
0x7: {  	_ = 	snop  }
__scs_overlays_trampoline_lowered:
0x8: {  	[smem:$0x3FAC] =	sst s0  }
0x9: {  	[smem:$0x3FAD] =	sst s1  }
0xa: {  	[smem:$0x3FAE] =	sst s2  }
0xb: {  	[smem:$0x3FAF] =	sst s3  }
0xc: {  	[smem:$0x3FB0] =	sst s4  }
0xd: {  	[smem:$0x3FB1] =	sst s5  }
0xe: {  	[smem:$0x3FB2] =	sst s6  }
0xf: {  	[smem:$0x3FB3] =	sst s7  }
0x10: {  	[smem:$0x3FB4] =	sst s8  }
0x11: {  	[smem:$0x3FB5] =	sst s9;
	s0 =	simm.s32 @!p0 $0x0  }
0x12: {  	s1 =	sld [smem:$0x3F9B];
	s0 =	simm.s32 @p0 $0x1  }
0x13: {  	[smem:$0x3FB6] =	sst s0;
	s0 =	simm.s32 @!p1 $0x0  }
0x14: {  	s2 =	sld [smem:$0x3F9A];
	s0 =	simm.s32 @p1 $0x1  }
0x15: {  	[smem:$0x3FB7] =	sst s0;
	s0 =	simm.s32 @!p2 $0x0  }
0x16: {  	s3 =	sld [smem:$0x3FDB];
	s0 =	simm.s32 @p2 $0x1  }
0x17: {  	s4 =	simm.s32 $0x1BF5;
	[smem:$0x3FB9] =	sst s0  }
0x18: {  	s0 =	sld [smem:$0x3F9C];
	_ =	swait.ge [sflag:s4], $0x0  }
0x19: {  	s7 =	sld [smem:$0x3F9D]  }
0x1a: {  	s8 =	sadd.s32 $0xFFFFE003, lr  }
0x1b: {  	s9 =	sadd.s32 $0xFFFFFEF7, lr;
	s5 =	simm.s32 $0xFFFFFFFF;
	p2 =	slt.u32 s8, $0xFFFFF086  }
0x1c: {  	p1 =	slt.u32 s9, $0xF7A;
	s5 =	simm.s32 @!p2 $0x0  }
0x1d: {  	s5 =	simm.s32 @p1 $0x1;
	p0 =	seq.s32 s7, s2  }
0x1e: {  	s7 =	smul.u32 @!p0 $0xF7A, s2;
	p2 =	seq.s32 @!p0 s5, $0x0  }
0x1f: {  	s9 =	smul.u32 $0xF7A, s1;
	s8 =	simm.s32 @!p0 $0x1BF5;
	p2 =	por !p2, p0  }
0x20: {  	[sflag:s8] =	ssyncset.s32 @!p0 $0xFFFFF086;
	s6 =	sadd.s32 @!p0 s3, s7;
	s7 =	simm.s32 @!p0 $0x108  }
0x21: {  	s3 =	sadd.s32 s3, s9;
	s6 =	sadd.s32 @!p0 $0x88, s6;
	s7 =	simm.s32 @p2 $0x1082  }
0x22: {  	[simem:s7], [sflag:s8] =	dma.local @!p0 [hbm:s6], $0xF7A  }
0x23: {  	s9 =	sor.u32 $0xD0000000, s2;
	s6 =	simm.s32 $0x108;
	_ =	swait.ge @!p0 [sflag:s8], $0x0  }
0x24: {  	s3 =	sadd.s32 $0x88, s3;
	s6 =	simm.s32 @!p1 $0x1082;
	[sflag:s4] =	ssyncset.s32 $0xFFFFF086  }
0x25: {  	[simem:s6], [sflag:s4] =	dma.local [hbm:s3], $0xF7A  }
0x26: {  	[smem:$0x3F9D] =	sst s1;
	(tag) =	ssettag s2;
	_ =	strace s9  }
0x27: {  	s1 =	sld [smem:$0x3FAD]  }
0x28: {  	s2 =	sld [smem:$0x3FAE]  }
0x29: {  	s4 =	sld [smem:$0x3FB0]  }
0x2a: {  	p0 =	seq.s32 s5, $0x0;
	s5 =	sld [smem:$0x3FB1]  }
0x2b: {  	s6 =	sld [smem:$0x3FB2]  }
0x2c: {  	s7 =	sld [smem:$0x3FB3]  }
0x2d: {  	s3 =	simm.s32 $0x108;
	s8 =	sld [smem:$0x3FB4]  }
0x2e: {  	s3 =	simm.s32 @!p0 $0x1082;
	s9 =	sld [smem:$0x3FB5]  }
0x2f: {  	lr =	sadd.s32 s0, s3;
	s0 =	sld [smem:$0x3FAC]  }
0x30: {  	s3 =	sld [smem:$0x3FAF]  }
0x31: {  	[smem:$0x3FB8] =	sst s10  }
0x32: {  	s10 =	sld [smem:$0x3FB6];
	_ =	sdelay $0x3  }
0x33: {  	p0 =	seq.s32 s10, $0x1;
	s10 =	sld [smem:$0x3FB8];
	_ =	sdelay $0x3  }
0x34: {  	[smem:$0x3FB8] =	sst s10  }
0x35: {  	s10 =	sld [smem:$0x3FB7];
	_ =	sdelay $0x3  }
0x36: {  	p1 =	seq.s32 s10, $0x1;
	s10 =	sld [smem:$0x3FB8];
	_ =	sdelay $0x3  }
0x37: {  	[smem:$0x3FB8] =	sst s10  }
0x38: {  	s10 =	sld [smem:$0x3FB9]  }
0x39: {  	_ = 	snop;
	(pc) =	sbr.ind lr, $3  }
0x3a: {  	_ = 	snop  }
0x3b: {  	_ = 	snop  }
0x3c: {  	p2 =	seq.s32 s10, $0x1;
	s10 =	sld [smem:$0x3FB8]  }
0x3d: {  	_ =	shalt  }
0x3e: {  	_ =	shalt  }
0x3f: {  	_ =	shalt  }
0x40: {  	_ =	shalt  }
0x41: {  	_ =	shalt  }
0x42: {  	_ =	shalt  }
0x43: {  	_ =	shalt  }
0x44: {  	_ =	shalt  }
0x45: {  	_ =	shalt  }
0x46: {  	_ =	shalt  }
0x47: {  	_ =	shalt  }
0x48: {  	_ =	shalt  }
0x49: {  	_ =	shalt  }
0x4a: {  	_ =	shalt  }
0x4b: {  	_ =	shalt  }
0x4c: {  	_ =	shalt  }
0x4d: {  	_ =	shalt  }
0x4e: {  	_ =	shalt  }
0x4f: {  	_ =	shalt  }
0x50: {  	_ =	shalt  }
0x51: {  	_ =	shalt  }
0x52: {  	_ =	shalt  }
0x53: {  	_ =	shalt  }
0x54: {  	_ =	shalt  }
0x55: {  	_ =	shalt  }
0x56: {  	_ =	shalt  }
0x57: {  	_ =	shalt  }
0x58: {  	_ =	shalt  }
0x59: {  	_ =	shalt  }
0x5a: {  	_ =	shalt  }
0x5b: {  	_ =	shalt  }
0x5c: {  	_ =	shalt  }
0x5d: {  	_ =	shalt  }
0x5e: {  	_ =	shalt  }
0x5f: {  	_ =	shalt  }
0x60: {  	_ =	shalt  }
0x61: {  	_ =	shalt  }
0x62: {  	_ =	shalt  }
0x63: {  	_ =	shalt  }
0x64: {  	_ =	shalt  }
0x65: {  	_ =	shalt  }
0x66: {  	_ =	shalt  }
0x67: {  	_ =	shalt  }
0x68: {  	_ =	shalt  }
0x69: {  	_ =	shalt  }
0x6a: {  	_ =	shalt  }
0x6b: {  	_ =	shalt  }
0x6c: {  	_ =	shalt  }
0x6d: {  	_ =	shalt  }
0x6e: {  	_ =	shalt  }
0x6f: {  	_ =	shalt  }
0x70: {  	_ =	shalt  }
0x71: {  	_ =	shalt  }
0x72: {  	_ =	shalt  }
0x73: {  	_ =	shalt  }
0x74: {  	_ =	shalt  }
0x75: {  	_ =	shalt  }
0x76: {  	_ =	shalt  }
0x77: {  	_ =	shalt  }
0x78: {  	_ =	shalt  }
0x79: {  	_ =	shalt  }
0x7a: {  	_ =	shalt  }
0x7b: {  	_ =	shalt  }
0x7c: {  	_ =	shalt  }
0x7d: {  	_ =	shalt  }
0x7e: {  	_ =	shalt  }
0x7f: {  	_ =	shalt  }
0x80: {  	_ =	shalt  }
0x81: {  	_ =	shalt  }
0x82: {  	_ =	shalt  }
0x83: {  	_ =	shalt  }
0x84: {  	_ =	shalt  }
0x85: {  	_ =	shalt  }
0x86: {  	_ =	shalt  }
0x87: {  	_ =	shalt  }
.Lfunc_end0:
.L_simem_size_0:
called_computation_lowered:
.L_overlay_start_0:
0x88: {  	s2 =	sld [smem:$0x3FD9]  }
0x89: {  	s3 =	sld [smem:$0x3FFE];
	_ =	sdelay $0x1  }
0x8a: {  	s1 =	srdreg.scid  }
0x8b: {  	s0 =	sand.u32 $0x1, s1  }
0x8c: {  	s17 =	sshll.u32 s0, $0xA;
	s2 =	sadd.s32 s3, s2  }
0x8d: {  	s2 =	sadd.s32 s2, s17  }
0x8e: {  	[smem:$0x3FC4] =	sst s2  }
0x8f: {  	_ = 	snop  }
0x90: {  	s2 =	sld [smem:$0x3FC7];
	(tm) =	ssettm $0x1  }
0x91: {  	s18 =	sld [smem:$0x3FFB];
	_ =	sdelay $0x3  }
0x92: {  	_ =	strace s18  }
0x93: {  	s3 =	sld [smem:$0x3FFC];
	_ =	sdelay $0x3  }
0x94: {  	_ =	strace s3  }
0x95: {  	s3 =	sld [smem:$0x3FFD];
	_ =	sdelay $0x3  }
0x96: {  	_ =	strace s3  }
0x97: {  	_ =	strace $0x8FFFFFFF  }
0x98: {  	s19 =	sld [smem:$0x3FDB];
	_ =	sdelay $0x1  }
0x99: {  	s4 =	simm.s32 $_scs_section_size  }
0x9a: {  	s5 =	simm.s32 $_size__tile_overlayer_lowered;
	s6 =	simm.s32 $_tile_overlayer_lowered  }
0x9b: {  	s22 =	simm.s32 $0x1BFF;
	s21 =	sshll.u32 s6, $0x1;
	s3 =	sadd.s32 s4, s19  }
0x9c: {  	s7 =	simm.s32 $0x0;
	s20 =	sshll.u32 s5, $0x1;
	s5 =	sadd.s32 s21, s3  }
0x9d: {  	[timem:s7], [sflag:s22] =	dma.local [hbm:s5], s20  }
0x9e: {  	_ =	swait.ge [sflag:s22], s20  }
0x9f: {  	s4 =	ssub.s32 $0x0, s20;
	[sflag:s22] =	ssyncset.done $0x0  }
0xa0: {  	[sflag:s22] =	ssyncadd.s32 s4;
	_ =	sdelay $0x1  }
0xa1: {  	s23 =	simm.s32 $0x1B8B  }
0xa2: {  	_ =	swait.ge [sflag:s23], $0x1  }
0xa3: {  	[sflag:s23] =	ssyncset.done $0x0  }
0xa4: {  	s25 =	simm.s32 $0x1B8E;
	s24 =	sld [smem:$0x3FFE];
	[sflag:s23] =	ssyncadd.s32 $0xFFFFFFFF  }
0xa5: {  	s26 =	simm.s32 $execute0_lowered;
	[smem:$0x3FD2] =	sst s25  }
0xa6: {  	s5 =	sshll.u32 s26, $0x1;
	_ =	strace $0x80000046;
	[dreg:$0x1] =	wrdreg $0xFFFFFFFF  }
0xa7: {  	s28 =	simm.s32 $_size_execute0_lowered;
	s3 =	sadd.s32 s3, s5;
	[dreg:$0x0] =	wrdreg $0x0  }
0xa8: {  	s5 =	sshll.u32 s28, $0x1;
	[dreg:$0x2] =	wrdreg s3  }
0xa9: {  	[dreg:$0x3] =	wrdreg s5  }
0xaa: {  	[dreg:$0x4] =	wrdreg $0xC0  }
0xab: {  	_ =	task [dreg:s7], $0x5FFFF  }
0xac: {  	[dreg:$0x1] =	wrdreg $0xFFFFFFFF  }
0xad: {  	[dreg:$0x0] =	wrdreg $0x60  }
0xae: {  	[dreg:$0x2] =	wrdreg s2  }
0xaf: {  	[dreg:$0x3] =	wrdreg s24  }
0xb0: {  	[dreg:$0x4] =	wrdreg $0x9  }
0xb1: {  	_ =	task.clear_ibuf [dreg:s7], $0x5FFFF;
	_ =	strace $0x90000046  }
0xb2: {  	s29 =	simm.s32 $0x9;
	_ =	strace $0x80000048  }
0xb3: {  	_ =	swait.ge [sflag:s29], $0x1  }
0xb4: {  	[sflag:s29] =	ssyncadd.s32 $0xFFFFFFFF  }
0xb5: {  	_ =	strace $0x90000048  }
0xb6: {  	_ =	sfence  }
0xb7: {  	s30 =	sld [smem:$0x0];
	_ =	sdelay $0x2  }
0xb8: {  	s31 =	sshll.u32 s1, $0xD;
	s1 =	sshrl.u32 s1, $0x2  }
0xb9: {  	s3 =	sand.u32 $0x4000, s31;
	s1 =	sadd.s32 s1, s30  }
0xba: {  	s0 =	sor.u32 s3, s0;
	s1 =	sshll.u32 s1, $0x11  }
0xbb: {  	s0 =	sor.u32 s1, s0  }
0xbc: {  	s0 =	sadd.s32 $0x8F2B, s0  }
0xbd: {  	[sflag:s0] =	ssyncadd.remote.s32 $0x1  }
0xbe: {  	_ =	sfence.sel $0xFFFF  }
0xbf: {  	[dreg:$0x0] =	wrdreg $0xFFFFFFFF;
	(pc) =	sbr.abs _section_cstart, $3  }
0xc0: {  	[dreg:$0x1] =	wrdreg $0xFFFFFFFF  }
0xc1: {  	_ =	task.clear_ibuf [dreg:s7], $0x2FFFF;
	_ =	strace $0x9FFFFFFF  }
0xc2: {  	(tm) =	ssettm $0x7FFFFFFF  }
0xc3: {  	_ =	shalt  }
tec
execute0_lowered:
.L_overlay_start_1:
0x0: {  	(tag) =	ssettag $0x1  }
0x1: {  	v0 =	vimm.s32 $0xB80  }
0x2: {  	vm14 =	vcmask $0x300;
	vm13 =	vcmask $0x704;
	vm12 =	vcmask $0xB08  }
0x3: {  	vm11 =	vcmask $0xF0C;
	vm10 =	vcmask $0x1310;
	vm9 =	vcmask $0x1714  }
0x4: {  	vm8 =	vcmask $0x1B18;
	vm7 =	vcmask $0x1F1C;
	vm6 =	vcmask $0x2320  }
0x5: {  	vm5 =	vcmask $0x2724;
	vm4 =	vcmask $0x2B28;
	vm3 =	vcmask $0x2F2C  }
0x6: {  	vm2 =	vcmask $0x3330;
	vm1 =	vcmask $0x3734;
	vm0 =	vcmask $0x3B38  }
0x7: {  	v1 =	vimm.s32 $0x1B80;
	v2 =	vimm.s32 $0x2B80;
	v3 =	vimm.s32 $0x3B80  }
0x8: {  	v0 =	vsel vm14, $0x0, v0;
	v1 =	vsel vm14, $0x1000, v1;
	v2 =	vsel vm14, $0x2000, v2  }
0x9: {  	v3 =	vsel vm14, $0x3000, v3;
	v0 =	vsel vm13, $0x80, v0;
	v1 =	vsel vm13, $0x1080, v1  }
0xa: {  	v2 =	vsel vm13, $0x2080, v2;
	v3 =	vsel vm13, $0x3080, v3;
	v0 =	vsel vm12, $0x100, v0  }
0xb: {  	v1 =	vsel vm12, $0x1100, v1;
	v2 =	vsel vm12, $0x2100, v2;
	v3 =	vsel vm12, $0x3100, v3  }
0xc: {  	v0 =	vsel vm11, $0x180, v0;
	v1 =	vsel vm11, $0x1180, v1;
	v2 =	vsel vm11, $0x2180, v2  }
0xd: {  	s0 =	srdreg.scid;
	s1 =	rddreg [dreg:$0x0];
	v3 =	vsel vm11, $0x3180, v3;
	v0 =	vsel vm10, $0x200, v0;
	v1 =	vsel vm10, $0x1200, v1  }
0xe: {  	s12 =	stileid.u32;
	s4 =	rddreg [dreg:$0x1];
	s19 =	simm.s32 $0x1000;
	v2 =	vsel vm10, $0x2200, v2;
	v3 =	vsel vm10, $0x3200, v3;
	v0 =	vsel vm9, $0x280, v0  }
0xf: {  	s20 =	simm.s32 $0x1800;
	s21 =	simm.s32 $0x2000;
	s22 =	simm.s32 $0x2800;
	v1 =	vsel vm9, $0x1280, v1;
	v2 =	vsel vm9, $0x2280, v2;
	v3 =	vsel vm9, $0x3280, v3  }
0x10: {  	s23 =	simm.s32 $0x3000;
	s24 =	simm.s32 $0x3800;
	s25 =	simm.s32 $0x1;
	v0 =	vsel vm8, $0x300, v0;
	v1 =	vsel vm8, $0x1300, v1;
	v2 =	vsel vm8, $0x2300, v2  }
0x11: {  	s26 =	simm.s32 $0x2;
	s29 =	simm.s32 $0x0;
	s0 =	sand.u32 $0x1, s0;
	v3 =	vsel vm8, $0x3300, v3;
	v0 =	vsel vm7, $0x380, v0;
	v1 =	vsel vm7, $0x1380, v1  }
0x12: {  	s2 =	sshll.u32 s12, $0x1;
	s4 =	sadd.s32 $0x800, s4;
	s8 =	sadd.s32 $0x80, s1;
	v2 =	vsel vm7, $0x2380, v2;
	v3 =	vsel vm7, $0x3380, v3;
	v0 =	vsel vm6, $0x800, v0  }
0x13: {  	p0 =	sgt.u32 s12, $0x1;
	s7 =	sor.u32 s0, s2;
	s2 =	simm.s32 $0x0;
	v1 =	vsel vm6, $0x1800, v1;
	v2 =	vsel vm6, $0x2800, v2;
	v3 =	vsel vm6, $0x3800, v3  }
0x14: {  	s0 =	ssub.s32 $0x2, s0;
	s3 =	smul.u32 $0x7A00, s7;
	[smem:$0x7FF] =	sst s2;
	v0 =	vsel vm5, $0x880, v0;
	v1 =	vsel vm5, $0x1880, v1;
	v2 =	vsel vm5, $0x2880, v2  }
0x15: {  	s5 =	sshrl.u32 s0, $0x1;
	s6 =	smul.u32 $0xF4, s7;
	s9 =	sshll.u32 s7, $0x7;
	v3 =	vsel vm5, $0x3880, v3;
	v0 =	vsel vm4, $0x900, v0;
	v1 =	vsel vm4, $0x1900, v1  }
0x16: {  	_ =	strace $0x80000047;
	s11 =	sor.u32 $0xF4000, s9;
	s3 =	sadd.s32 s1, s3;
	v2 =	vsel vm4, $0x2900, v2;
	v3 =	vsel vm4, $0x3900, v3;
	v0 =	vsel vm3, $0x980, v0  }
.Ltmp0:
0x17: {  	s0 =	ssub.s32 s0, s5;
	s5 =	sadd.s32 $0x1E8500, s3;
	v1 =	vsel vm3, $0x1980, v1;
	v2 =	vsel vm3, $0x2980, v2;
	v3 =	vsel vm3, $0x3980, v3;
	(pc) =	sbr.rel .LBB2_1-.Ltmp0, $4  }
0x18: {  	s10 =	sadd.s32 s1, s11;
	s7 =	sadd.s32 $0x2DC780, s3;
	s9 =	sadd.s32 $0x3D0A00, s3;
	v0 =	vsel vm2, $0xA00, v0;
	v1 =	vsel vm2, $0x1A00, v1;
	v2 =	vsel vm2, $0x2A00, v2  }
0x19: {  	s31 =	sshll.u32 s11, $0x4;
	s15 =	smax.u32 s0, $0x1;
	s11 =	sadd.s32 $0x4C4C80, s3;
	v3 =	vsel vm2, $0x3A00, v3;
	v0 =	vsel vm1, $0xA80, v0;
	v1 =	vsel vm1, $0x1A80, v1  }
0x1a: {  	s17 =	sadd.s32 $0xF3, s6;
	s1 =	sadd.s32 s4, s31;
	s14 =	sadd.s32 $0x5B8F00, s3;
	v2 =	vsel vm1, $0x2A80, v2;
	v3 =	vsel vm1, $0x3A80, v3;
	v0 =	vsel vm0, $0xB00, v0  }
0x1b: {  	s13 =	sadd.s32 $0xF4280, s3;
	s16 =	sadd.s32 $0x6AD180, s3;
	[dreg:$0x3] =	wrdreg s1;
	v1 =	vsel vm0, $0x1B00, v1;
	v2 =	vsel vm0, $0x2B00, v2;
	v3 =	vsel vm0, $0x3B00, v3  }
.LBB2_9:
0x1c: {  	s29 =	sadd.s32 $0x1, s29  }
0x1d: {  	p1 =	sne.s32 s29, s15  }
.Ltmp1:
0x1e: {  	_ = 	snop;
	(pc) =	sbr.rel @!p1 .LBB2_10-.Ltmp1, $1  }
0x1f: {  	_ =	sdelay $0x3  }
.LBB2_1:
0x20: {  	[tilespmem:s2], [sflag:$0x1] =	stream.linear.gather [hbm4b:s3+s2], $0x400, $0x38;
	[tilespmem:$0x10000] =	vst v63  }
0x21: {  	s0 =	simm.s32 $0x800  }
0x22: {  	[tilespmem:s0], [sflag:$0x1] =	stream.linear.gather [hbm4b:s13+s2], $0x400, $0x38;
	[tilespmem:$0x10000] =	vst v63  }
0x23: {  	_ = 	snop  }
0x24: {  	[tilespmem:s19], [sflag:$0x1] =	stream.linear.gather [hbm4b:s5+s2], $0x400, $0x38;
	[tilespmem:$0x10000] =	vst v63  }
0x25: {  	_ = 	snop  }
0x26: {  	[tilespmem:s20], [sflag:$0x1] =	stream.linear.gather [hbm4b:s7+s2], $0x400, $0x38;
	[tilespmem:$0x10000] =	vst v63  }
0x27: {  	_ = 	snop  }
0x28: {  	[tilespmem:s21], [sflag:$0x1] =	stream.linear.gather [hbm4b:s9+s2], $0x400, $0x38;
	[tilespmem:$0x10000] =	vst v63  }
0x29: {  	_ = 	snop  }
0x2a: {  	[tilespmem:s22], [sflag:$0x1] =	stream.linear.gather [hbm4b:s11+s2], $0x400, $0x38;
	[tilespmem:$0x10000] =	vst v63  }
0x2b: {  	_ = 	snop  }
0x2c: {  	[tilespmem:s23], [sflag:$0x1] =	stream.linear.gather [hbm4b:s14+s2], $0x400, $0x38;
	[tilespmem:$0x10000] =	vst v63  }
0x2d: {  	p1 =	por $0x0, $0x0;
	s30 =	simm.s32 $0x0  }
0x2e: {  	[tilespmem:s24], [sflag:$0x1] =	stream.linear.gather [hbm4b:s16+s2], $0x400, $0x38;
	[tilespmem:$0x10000] =	vst v63  }
.LBB2_2:
0x2f: {  	p2 =	seq.s32 s30, $0xF3  }
0x30: {  	s0 =	sxor.u32 @!p2 $0xFFFFFFFF, s30;
	s31 =	sadd.s32 @!p2 s6, s30  }
0x31: {  	s0 =	sshll.u32 @!p2 s0, $0xE;
	s1 =	sshll.u32 @!p2 s31, $0x7  }
0x32: {  	s12 =	simm.s32 @!p2 $0x0;
	s0 =	sand.u32 @!p2 $0x4000, s0;
	s1 =	sadd.s32 @!p2 s1, s8  }
0x33: {  	[tilespmem:s0], [sflag:$0x1] =	stream.linear.gather @!p2 [hbm4b:s1+s12], $0x400, $0x38;
	[tilespmem:$0x10000] =	vst v63  }
0x34: {  	s18 =	sadd.s32 @!p2 $0xF4280, s1;
	s28 =	sor.u32 @!p2 $0x800, s0  }
0x35: {  	[tilespmem:s28], [sflag:$0x1] =	stream.linear.gather @!p2 [hbm4b:s18+s12], $0x400, $0x38;
	[tilespmem:$0x10000] =	vst v63  }
0x36: {  	s18 =	sadd.s32 @!p2 $0x1E8500, s1;
	s28 =	sor.u32 @!p2 $0x1000, s0  }
0x37: {  	[tilespmem:s28], [sflag:$0x1] =	stream.linear.gather @!p2 [hbm4b:s18+s12], $0x400, $0x38;
	[tilespmem:$0x10000] =	vst v63  }
0x38: {  	s18 =	sadd.s32 @!p2 $0x2DC780, s1;
	s28 =	sor.u32 @!p2 $0x1800, s0  }
0x39: {  	[tilespmem:s28], [sflag:$0x1] =	stream.linear.gather @!p2 [hbm4b:s18+s12], $0x400, $0x38;
	[tilespmem:$0x10000] =	vst v63  }
0x3a: {  	s18 =	sadd.s32 @!p2 $0x3D0A00, s1;
	s28 =	sor.u32 @!p2 $0x2000, s0  }
0x3b: {  	[tilespmem:s28], [sflag:$0x1] =	stream.linear.gather @!p2 [hbm4b:s18+s12], $0x400, $0x38;
	[tilespmem:$0x10000] =	vst v63  }
0x3c: {  	s18 =	sadd.s32 @!p2 $0x4C4C80, s1;
	s28 =	sor.u32 @!p2 $0x2800, s0  }
0x3d: {  	[tilespmem:s28], [sflag:$0x1] =	stream.linear.gather @!p2 [hbm4b:s18+s12], $0x400, $0x38;
	[tilespmem:$0x10000] =	vst v63  }
0x3e: {  	s18 =	sadd.s32 @!p2 $0x5B8F00, s1;
	s28 =	sor.u32 @!p2 $0x3000, s0  }
0x3f: {  	[tilespmem:s28], [sflag:$0x1] =	stream.linear.gather @!p2 [hbm4b:s18+s12], $0x400, $0x38;
	[tilespmem:$0x10000] =	vst v63  }
0x40: {  	s1 =	sadd.s32 @!p2 $0x6AD180, s1;
	s0 =	sor.u32 @!p2 $0x3800, s0  }
0x41: {  	[tilespmem:s0], [sflag:$0x1] =	stream.linear.gather @!p2 [hbm4b:s1+s12], $0x400, $0x38;
	[tilespmem:$0x10000] =	vst v63  }
0x42: {  	s12 =	sand.u32 $0x1, s30  }
0x43: {  	s1 =	sshll.u32 s12, $0xE  }
0x44: {  	s18 =	simm.s32 $0x0;
	_ =	swait.ge [sflag:s25], $0x2000;
	v4 =	vor.u32 s1, v0  }
0x45: {  	p3 =	slt.u32 s30, $0x2;
	[sflag:s25] =	ssyncset.done $0x0;
	v6 =	vor.u32 s18, v4  }
0x46: {  	s0 =	simm.s32 @!p3 $0x2;
	[sflag:s25] =	ssyncadd.s32 $0xFFFFE000  }
0x47: {  	_ =	swait.ge @!p3 [sflag:s0], $0x4000  }
0x48: {  	[sflag:s0] =	ssyncset.done @!p3 $0x0  }
0x49: {  	[sflag:s0] =	ssyncadd.s32 @!p3 $0xFFFFC000  }
0x4a: {  	v5 =	vor.u32 s1, v1;
	v6 =	vld.idx.msk [tilespmem:v6+s2+$0x0], $0xffff  }
0x4b: {  	v7 =	vor.u32 s18, v5;
	s0 =	simm.s32 $0x1  }
0x4c: {  	s0 =	simm.s32 @!p1 $0x0  }
0x4d: {  	s0 =	sshll.u32 s0, $0xE  }
0x4e: {  	s0 =	sor.u32 $0x8200, s0  }
0x4f: {  	[tilespmem:s0+$0xFFFFFE00] =	vst v6  }
0x50: {  	v6 =	vor.u32 s1, v2;
	v7 =	vld.idx.msk [tilespmem:v7+s2+$0x0], $0xffff  }
0x51: {  	v8 =	vor.u32 s18, v6;
	_ =	sdelay $0x3  }
0x52: {  	[tilespmem:s0+$0xFFFFFE10] =	vst v7  }
0x53: {  	v7 =	vor.u32 s1, v3;
	v8 =	vld.idx.msk [tilespmem:v8+s2+$0x0], $0xffff  }
0x54: {  	v9 =	vor.u32 s18, v7;
	_ =	sdelay $0x3  }
0x55: {  	[tilespmem:s0+$0xFFFFFE20] =	vst v8  }
0x56: {  	s18 =	simm.s32 $0x1;
	v8 =	vld.idx.msk [tilespmem:v9+s2+$0x0], $0xffff  }
0x57: {  	v9 =	vor.u32 s18, v4;
	_ =	sdelay $0x3  }
0x58: {  	[tilespmem:s0+$0xFFFFFE30] =	vst v8  }
0x59: {  	v8 =	vld.idx.msk [tilespmem:v9+s2+$0x0], $0xffff  }
0x5a: {  	v9 =	vor.u32 s18, v5;
	_ =	sdelay $0x3  }
0x5b: {  	[tilespmem:s0+$0xFFFFFE80] =	vst v8  }
0x5c: {  	v8 =	vld.idx.msk [tilespmem:v9+s2+$0x0], $0xffff  }
0x5d: {  	v9 =	vor.u32 s18, v6;
	_ =	sdelay $0x3  }
0x5e: {  	[tilespmem:s0+$0xFFFFFE90] =	vst v8  }
0x5f: {  	v8 =	vld.idx.msk [tilespmem:v9+s2+$0x0], $0xffff  }
0x60: {  	v9 =	vor.u32 s18, v7;
	_ =	sdelay $0x3  }
0x61: {  	[tilespmem:s0+$0xFFFFFEA0] =	vst v8  }
0x62: {  	s18 =	simm.s32 $0x2;
	v8 =	vld.idx.msk [tilespmem:v9+s2+$0x0], $0xffff  }
0x63: {  	v9 =	vor.u32 s18, v4;
	_ =	sdelay $0x3  }
0x64: {  	[tilespmem:s0+$0xFFFFFEB0] =	vst v8  }
0x65: {  	v8 =	vld.idx.msk [tilespmem:v9+s2+$0x0], $0xffff  }
0x66: {  	v9 =	vor.u32 s18, v5;
	_ =	sdelay $0x3  }
0x67: {  	[tilespmem:s0+$0xFFFFFF00] =	vst v8  }
0x68: {  	v8 =	vld.idx.msk [tilespmem:v9+s2+$0x0], $0xffff  }
0x69: {  	v9 =	vor.u32 s18, v6;
	_ =	sdelay $0x3  }
0x6a: {  	[tilespmem:s0+$0xFFFFFF10] =	vst v8  }
0x6b: {  	v8 =	vld.idx.msk [tilespmem:v9+s2+$0x0], $0xffff  }
0x6c: {  	v9 =	vor.u32 s18, v7;
	_ =	sdelay $0x3  }
0x6d: {  	[tilespmem:s0+$0xFFFFFF20] =	vst v8  }
0x6e: {  	s18 =	simm.s32 $0x3;
	v8 =	vld.idx.msk [tilespmem:v9+s2+$0x0], $0xffff  }
0x6f: {  	v9 =	vor.u32 s18, v4;
	_ =	sdelay $0x3  }
0x70: {  	[tilespmem:s0+$0xFFFFFF30] =	vst v8  }
0x71: {  	v8 =	vld.idx.msk [tilespmem:v9+s2+$0x0], $0xffff  }
0x72: {  	v9 =	vor.u32 s18, v5;
	_ =	sdelay $0x3  }
0x73: {  	[tilespmem:s0+$0xFFFFFF80] =	vst v8  }
0x74: {  	v8 =	vld.idx.msk [tilespmem:v9+s2+$0x0], $0xffff  }
0x75: {  	v9 =	vor.u32 s18, v6;
	_ =	sdelay $0x3  }
0x76: {  	[tilespmem:s0+$0xFFFFFF90] =	vst v8  }
0x77: {  	v8 =	vld.idx.msk [tilespmem:v9+s2+$0x0], $0xffff  }
0x78: {  	v9 =	vor.u32 s18, v7;
	_ =	sdelay $0x3  }
0x79: {  	[tilespmem:s0+$0xFFFFFFA0] =	vst v8  }
0x7a: {  	s18 =	simm.s32 $0x4;
	v8 =	vld.idx.msk [tilespmem:v9+s2+$0x0], $0xffff  }
0x7b: {  	v9 =	vor.u32 s18, v4;
	_ =	sdelay $0x3  }
0x7c: {  	[tilespmem:s0+$0xFFFFFFB0] =	vst v8  }
0x7d: {  	v8 =	vld.idx.msk [tilespmem:v9+s2+$0x0], $0xffff  }
0x7e: {  	v9 =	vor.u32 s18, v5;
	_ =	sdelay $0x3  }
0x7f: {  	[tilespmem:s0+$0x0] =	vst v8  }
0x80: {  	v8 =	vld.idx.msk [tilespmem:v9+s2+$0x0], $0xffff  }
0x81: {  	v9 =	vor.u32 s18, v6;
	_ =	sdelay $0x3  }
0x82: {  	[tilespmem:s0+$0x10] =	vst v8  }
0x83: {  	v8 =	vld.idx.msk [tilespmem:v9+s2+$0x0], $0xffff  }
0x84: {  	v9 =	vor.u32 s18, v7;
	_ =	sdelay $0x3  }
0x85: {  	[tilespmem:s0+$0x20] =	vst v8  }
0x86: {  	s18 =	simm.s32 $0x5;
	v8 =	vld.idx.msk [tilespmem:v9+s2+$0x0], $0xffff  }
0x87: {  	v9 =	vor.u32 s18, v4;
	_ =	sdelay $0x3  }
0x88: {  	[tilespmem:s0+$0x30] =	vst v8  }
0x89: {  	v8 =	vld.idx.msk [tilespmem:v9+s2+$0x0], $0xffff  }
0x8a: {  	v9 =	vor.u32 s18, v5;
	_ =	sdelay $0x3  }
0x8b: {  	[tilespmem:s0+$0x80] =	vst v8  }
0x8c: {  	v8 =	vld.idx.msk [tilespmem:v9+s2+$0x0], $0xffff  }
0x8d: {  	v9 =	vor.u32 s18, v6;
	_ =	sdelay $0x3  }
0x8e: {  	[tilespmem:s0+$0x90] =	vst v8  }
0x8f: {  	v8 =	vld.idx.msk [tilespmem:v9+s2+$0x0], $0xffff  }
0x90: {  	v9 =	vor.u32 s18, v7;
	_ =	sdelay $0x3  }
0x91: {  	[tilespmem:s0+$0xA0] =	vst v8  }
0x92: {  	s18 =	simm.s32 $0x6;
	v8 =	vld.idx.msk [tilespmem:v9+s2+$0x0], $0xffff  }
0x93: {  	v9 =	vor.u32 s18, v4;
	_ =	sdelay $0x3  }
0x94: {  	[tilespmem:s0+$0xB0] =	vst v8  }
0x95: {  	v8 =	vld.idx.msk [tilespmem:v9+s2+$0x0], $0xffff  }
0x96: {  	v9 =	vor.u32 s18, v5;
	_ =	sdelay $0x3  }
0x97: {  	[tilespmem:s0+$0x100] =	vst v8  }
0x98: {  	v8 =	vld.idx.msk [tilespmem:v9+s2+$0x0], $0xffff  }
0x99: {  	v9 =	vor.u32 s18, v6;
	_ =	sdelay $0x3  }
0x9a: {  	[tilespmem:s0+$0x110] =	vst v8  }
0x9b: {  	v8 =	vld.idx.msk [tilespmem:v9+s2+$0x0], $0xffff  }
0x9c: {  	v9 =	vor.u32 s18, v7;
	_ =	sdelay $0x3  }
0x9d: {  	[tilespmem:s0+$0x120] =	vst v8  }
0x9e: {  	s18 =	simm.s32 $0x7;
	v8 =	vld.idx.msk [tilespmem:v9+s2+$0x0], $0xffff  }
0x9f: {  	v9 =	vor.u32 s18, v4;
	_ =	sdelay $0x3  }
0xa0: {  	[tilespmem:s0+$0x130] =	vst v8  }
0xa1: {  	v8 =	vld.idx.msk [tilespmem:v9+s2+$0x0], $0xffff  }
0xa2: {  	v9 =	vor.u32 s18, v5;
	_ =	sdelay $0x3  }
0xa3: {  	[tilespmem:s0+$0x180] =	vst v8  }
0xa4: {  	v8 =	vld.idx.msk [tilespmem:v9+s2+$0x0], $0xffff  }
0xa5: {  	v9 =	vor.u32 s18, v6;
	_ =	sdelay $0x3  }
0xa6: {  	[tilespmem:s0+$0x190] =	vst v8  }
0xa7: {  	v8 =	vld.idx.msk [tilespmem:v9+s2+$0x0], $0xffff  }
0xa8: {  	v9 =	vor.u32 s18, v7;
	_ =	sdelay $0x3  }
0xa9: {  	s31 =	smov.u32 @p2 s17;
	s28 =	simm.s32 $0xF;
	[tilespmem:s0+$0x1A0] =	vst v8  }
0xaa: {  	s12 =	simm.s32 $0x17;
	s1 =	sor.u32 $0x8000, s1;
	s18 =	simm.s32 $0x8;
	v8 =	vld.idx.msk [tilespmem:v9+s2+$0x0], $0xffff  }
.LBB2_3:
0xab: {  	p2 =	sne.s32 s12, $0x7F;
	v9 =	vor.u32 s18, v4;
	_ =	sdelay $0x3  }
0xac: {  	[tilespmem:s0+$0x1B0] =	vst v8  }
0xad: {  	v8 =	vld.idx.msk [tilespmem:v9+s2+$0x0], $0xffff;
	_ =	sdelay $0x1  }
0xae: {  	v9 =	vor.u32 s18, v5;
	_ =	sdelay $0x2  }
0xaf: {  	s0 =	sadd.s32 $0x400, s0  }
0xb0: {  	[tilespmem:s0+$0xFFFFFE00] =	vst v8  }
0xb1: {  	v8 =	vld.idx.msk [tilespmem:v9+s2+$0x0], $0xffff;
	_ =	sdelay $0x1  }
0xb2: {  	v9 =	vor.u32 s18, v6;
	_ =	sdelay $0x3  }
0xb3: {  	[tilespmem:s0+$0xFFFFFE10] =	vst v8  }
0xb4: {  	v8 =	vld.idx.msk [tilespmem:v9+s2+$0x0], $0xffff;
	_ =	sdelay $0x1  }
0xb5: {  	v9 =	vor.u32 s18, v7;
	_ =	sdelay $0x3  }
0xb6: {  	[tilespmem:s0+$0xFFFFFE20] =	vst v8  }
0xb7: {  	v8 =	vld.idx.msk [tilespmem:v9+s2+$0x0], $0xffff  }
0xb8: {  	s18 =	sadd.s32 $0xFFFFFFFA, s28  }
0xb9: {  	v9 =	vor.u32 s18, v4;
	_ =	sdelay $0x3  }
0xba: {  	[tilespmem:s0+$0xFFFFFE30] =	vst v8  }
0xbb: {  	v8 =	vld.idx.msk [tilespmem:v9+s2+$0x0], $0xffff;
	_ =	sdelay $0x1  }
0xbc: {  	v9 =	vor.u32 s18, v5;
	_ =	sdelay $0x3  }
0xbd: {  	[tilespmem:s0+$0xFFFFFE80] =	vst v8  }
0xbe: {  	v8 =	vld.idx.msk [tilespmem:v9+s2+$0x0], $0xffff;
	_ =	sdelay $0x1  }
0xbf: {  	v9 =	vor.u32 s18, v6;
	_ =	sdelay $0x3  }
0xc0: {  	[tilespmem:s0+$0xFFFFFE90] =	vst v8  }
0xc1: {  	v8 =	vld.idx.msk [tilespmem:v9+s2+$0x0], $0xffff;
	_ =	sdelay $0x1  }
0xc2: {  	v9 =	vor.u32 s18, v7;
	_ =	sdelay $0x3  }
0xc3: {  	[tilespmem:s0+$0xFFFFFEA0] =	vst v8  }
0xc4: {  	v8 =	vld.idx.msk [tilespmem:v9+s2+$0x0], $0xffff  }
0xc5: {  	s18 =	sadd.s32 $0xFFFFFFFB, s28  }
0xc6: {  	v9 =	vor.u32 s18, v4;
	_ =	sdelay $0x3  }
0xc7: {  	[tilespmem:s0+$0xFFFFFEB0] =	vst v8  }
0xc8: {  	v8 =	vld.idx.msk [tilespmem:v9+s2+$0x0], $0xffff;
	_ =	sdelay $0x1  }
0xc9: {  	v9 =	vor.u32 s18, v5;
	_ =	sdelay $0x3  }
0xca: {  	[tilespmem:s0+$0xFFFFFF00] =	vst v8  }
0xcb: {  	v8 =	vld.idx.msk [tilespmem:v9+s2+$0x0], $0xffff;
	_ =	sdelay $0x1  }
0xcc: {  	v9 =	vor.u32 s18, v6;
	_ =	sdelay $0x3  }
0xcd: {  	[tilespmem:s0+$0xFFFFFF10] =	vst v8  }
0xce: {  	v8 =	vld.idx.msk [tilespmem:v9+s2+$0x0], $0xffff;
	_ =	sdelay $0x1  }
0xcf: {  	v9 =	vor.u32 s18, v7;
	_ =	sdelay $0x3  }
0xd0: {  	[tilespmem:s0+$0xFFFFFF20] =	vst v8  }
0xd1: {  	v8 =	vld.idx.msk [tilespmem:v9+s2+$0x0], $0xffff  }
0xd2: {  	s18 =	sadd.s32 $0xFFFFFFFC, s28  }
0xd3: {  	v9 =	vor.u32 s18, v4;
	_ =	sdelay $0x3  }
0xd4: {  	[tilespmem:s0+$0xFFFFFF30] =	vst v8  }
0xd5: {  	v8 =	vld.idx.msk [tilespmem:v9+s2+$0x0], $0xffff;
	_ =	sdelay $0x1  }
0xd6: {  	v9 =	vor.u32 s18, v5;
	_ =	sdelay $0x3  }
0xd7: {  	[tilespmem:s0+$0xFFFFFF80] =	vst v8  }
0xd8: {  	v8 =	vld.idx.msk [tilespmem:v9+s2+$0x0], $0xffff;
	_ =	sdelay $0x1  }
0xd9: {  	v9 =	vor.u32 s18, v6;
	_ =	sdelay $0x3  }
0xda: {  	[tilespmem:s0+$0xFFFFFF90] =	vst v8  }
0xdb: {  	v8 =	vld.idx.msk [tilespmem:v9+s2+$0x0], $0xffff;
	_ =	sdelay $0x1  }
0xdc: {  	v9 =	vor.u32 s18, v7;
	_ =	sdelay $0x3  }
0xdd: {  	[tilespmem:s0+$0xFFFFFFA0] =	vst v8  }
0xde: {  	v8 =	vld.idx.msk [tilespmem:v9+s2+$0x0], $0xffff  }
0xdf: {  	s18 =	sadd.s32 $0xFFFFFFFD, s28  }
0xe0: {  	v9 =	vor.u32 s18, v4;
	_ =	sdelay $0x3  }
0xe1: {  	[tilespmem:s0+$0xFFFFFFB0] =	vst v8  }
0xe2: {  	v8 =	vld.idx.msk [tilespmem:v9+s2+$0x0], $0xffff;
	_ =	sdelay $0x1  }
0xe3: {  	v9 =	vor.u32 s18, v5;
	_ =	sdelay $0x3  }
0xe4: {  	[tilespmem:s0+$0x0] =	vst v8  }
0xe5: {  	v8 =	vld.idx.msk [tilespmem:v9+s2+$0x0], $0xffff;
	_ =	sdelay $0x1  }
0xe6: {  	v9 =	vor.u32 s18, v6;
	_ =	sdelay $0x3  }
0xe7: {  	[tilespmem:s0+$0x10] =	vst v8  }
0xe8: {  	v8 =	vld.idx.msk [tilespmem:v9+s2+$0x0], $0xffff;
	_ =	sdelay $0x1  }
0xe9: {  	v9 =	vor.u32 s18, v7;
	_ =	sdelay $0x3  }
0xea: {  	[tilespmem:s0+$0x20] =	vst v8  }
0xeb: {  	v8 =	vld.idx.msk [tilespmem:v9+s2+$0x0], $0xffff  }
0xec: {  	s18 =	sadd.s32 $0xFFFFFFFE, s28  }
0xed: {  	v9 =	vor.u32 s18, v4;
	_ =	sdelay $0x3  }
0xee: {  	[tilespmem:s0+$0x30] =	vst v8  }
0xef: {  	v8 =	vld.idx.msk [tilespmem:v9+s2+$0x0], $0xffff;
	_ =	sdelay $0x1  }
0xf0: {  	v9 =	vor.u32 s18, v5;
	_ =	sdelay $0x3  }
0xf1: {  	[tilespmem:s0+$0x80] =	vst v8  }
0xf2: {  	v8 =	vld.idx.msk [tilespmem:v9+s2+$0x0], $0xffff;
	_ =	sdelay $0x1  }
0xf3: {  	v9 =	vor.u32 s18, v6;
	_ =	sdelay $0x3  }
0xf4: {  	[tilespmem:s0+$0x90] =	vst v8  }
0xf5: {  	v8 =	vld.idx.msk [tilespmem:v9+s2+$0x0], $0xffff;
	_ =	sdelay $0x1  }
0xf6: {  	v9 =	vor.u32 s18, v7;
	_ =	sdelay $0x3  }
0xf7: {  	[tilespmem:s0+$0xA0] =	vst v8  }
0xf8: {  	v8 =	vld.idx.msk [tilespmem:v9+s2+$0x0], $0xffff  }
0xf9: {  	s18 =	sadd.s32 $0xFFFFFFFF, s28  }
0xfa: {  	v9 =	vor.u32 s18, v4;
	_ =	sdelay $0x3  }
0xfb: {  	[tilespmem:s0+$0xB0] =	vst v8  }
0xfc: {  	v8 =	vld.idx.msk [tilespmem:v9+s2+$0x0], $0xffff;
	_ =	sdelay $0x1  }
0xfd: {  	v9 =	vor.u32 s18, v5;
	_ =	sdelay $0x3  }
0xfe: {  	[tilespmem:s0+$0x100] =	vst v8  }
0xff: {  	v8 =	vld.idx.msk [tilespmem:v9+s2+$0x0], $0xffff;
	_ =	sdelay $0x1  }
0x100: {  	v9 =	vor.u32 s18, v6;
	_ =	sdelay $0x3  }
0x101: {  	[tilespmem:s0+$0x110] =	vst v8  }
0x102: {  	v8 =	vld.idx.msk [tilespmem:v9+s2+$0x0], $0xffff;
	_ =	sdelay $0x1  }
0x103: {  	v9 =	vor.u32 s18, v7;
	_ =	sdelay $0x3  }
0x104: {  	[tilespmem:s0+$0x120] =	vst v8  }
0x105: {  	v8 =	vld.idx.msk [tilespmem:v9+s2+$0x0], $0xffff;
	_ =	sdelay $0x1  }
0x106: {  	v9 =	vor.u32 s28, v4;
	_ =	sdelay $0x3  }
0x107: {  	[tilespmem:s0+$0x130] =	vst v8  }
0x108: {  	v8 =	vld.idx.msk [tilespmem:v9+s2+$0x0], $0xffff;
	_ =	sdelay $0x1  }
0x109: {  	v9 =	vor.u32 s28, v5;
	_ =	sdelay $0x3  }
0x10a: {  	[tilespmem:s0+$0x180] =	vst v8  }
0x10b: {  	v8 =	vld.idx.msk [tilespmem:v9+s2+$0x0], $0xffff;
	_ =	sdelay $0x1  }
0x10c: {  	v9 =	vor.u32 s28, v6;
	_ =	sdelay $0x3  }
0x10d: {  	[tilespmem:s0+$0x190] =	vst v8  }
0x10e: {  	v8 =	vld.idx.msk [tilespmem:v9+s2+$0x0], $0xffff;
	_ =	sdelay $0x1  }
0x10f: {  	v9 =	vor.u32 s28, v7;
	s28 =	smov.u32 s12;
	_ =	sdelay $0x1  }
.Ltmp2:
0x110: {  	(pc) =	sbr.rel @p2 .LBB2_3-.Ltmp2, $4  }
0x111: {  	_ = 	snop  }
0x112: {  	[tilespmem:s0+$0x1A0] =	vst v8  }
0x113: {  	v8 =	vld.idx.msk [tilespmem:v9+s2+$0x0], $0xffff  }
0x114: {  	s12 =	sadd.s32 $0x8, s12;
	s18 =	sadd.s32 $0xFFFFFFF9, s28  }
0x115: {  	v9 =	vor.u32 s18, v4;
	_ =	sdelay $0x3  }
0x116: {  	[tilespmem:s0+$0x1B0] =	vst v8  }
0x117: {  	v8 =	vld.idx.msk [tilespmem:v9+s2+$0x0], $0xffff  }
0x118: {  	v37 =	vor.u32 s18, v5;
	_ =	sdelay $0x2  }
0x119: {  	s0 =	sadd.s32 $0x400, s0  }
0x11a: {  	[tilespmem:s0+$0xFFFFFE00] =	vst v8  }
0x11b: {  	v8 =	vld.idx.msk [tilespmem:v37+s2+$0x0], $0xffff  }
0x11c: {  	v38 =	vor.u32 s18, v6;
	_ =	sdelay $0x3  }
0x11d: {  	[tilespmem:s0+$0xFFFFFE10] =	vst v8  }
0x11e: {  	v8 =	vld.idx.msk [tilespmem:v38+s2+$0x0], $0xffff  }
0x11f: {  	v39 =	vor.u32 s18, v7;
	_ =	sdelay $0x3  }
0x120: {  	[tilespmem:s0+$0xFFFFFE20] =	vst v8  }
0x121: {  	s12 =	sadd.s32 $0xFFFFFFFA, s28;
	v8 =	vld.idx.msk [tilespmem:v39+s2+$0x0], $0xffff  }
0x122: {  	v40 =	vor.u32 s12, v4;
	_ =	sdelay $0x3  }
0x123: {  	[tilespmem:s0+$0xFFFFFE30] =	vst v8  }
0x124: {  	v8 =	vld.idx.msk [tilespmem:v40+s2+$0x0], $0xffff  }
0x125: {  	v41 =	vor.u32 s12, v5;
	_ =	sdelay $0x3  }
0x126: {  	[tilespmem:s0+$0xFFFFFE80] =	vst v8  }
0x127: {  	v8 =	vld.idx.msk [tilespmem:v41+s2+$0x0], $0xffff  }
0x128: {  	v42 =	vor.u32 s12, v6;
	_ =	sdelay $0x3  }
0x129: {  	[tilespmem:s0+$0xFFFFFE90] =	vst v8  }
0x12a: {  	v8 =	vld.idx.msk [tilespmem:v42+s2+$0x0], $0xffff  }
0x12b: {  	v43 =	vor.u32 s12, v7;
	_ =	sdelay $0x3  }
0x12c: {  	[tilespmem:s0+$0xFFFFFEA0] =	vst v8  }
0x12d: {  	s18 =	sadd.s32 $0xFFFFFFFB, s28;
	v8 =	vld.idx.msk [tilespmem:v43+s2+$0x0], $0xffff  }
0x12e: {  	v44 =	vor.u32 s18, v4;
	_ =	sdelay $0x3  }
0x12f: {  	[tilespmem:s0+$0xFFFFFEB0] =	vst v8  }
0x130: {  	v8 =	vld.idx.msk [tilespmem:v44+s2+$0x0], $0xffff  }
0x131: {  	v45 =	vor.u32 s18, v5;
	_ =	sdelay $0x3  }
0x132: {  	[tilespmem:s0+$0xFFFFFF00] =	vst v8  }
0x133: {  	v8 =	vld.idx.msk [tilespmem:v45+s2+$0x0], $0xffff  }
0x134: {  	v46 =	vor.u32 s18, v6;
	_ =	sdelay $0x3  }
0x135: {  	[tilespmem:s0+$0xFFFFFF10] =	vst v8  }
0x136: {  	v8 =	vld.idx.msk [tilespmem:v46+s2+$0x0], $0xffff  }
0x137: {  	v47 =	vor.u32 s18, v7;
	_ =	sdelay $0x3  }
0x138: {  	[tilespmem:s0+$0xFFFFFF20] =	vst v8  }
0x139: {  	s18 =	sadd.s32 $0xFFFFFFFC, s28;
	v8 =	vld.idx.msk [tilespmem:v47+s2+$0x0], $0xffff  }
0x13a: {  	v48 =	vor.u32 s18, v4;
	_ =	sdelay $0x3  }
0x13b: {  	[tilespmem:s0+$0xFFFFFF30] =	vst v8  }
0x13c: {  	v8 =	vld.idx.msk [tilespmem:v48+s2+$0x0], $0xffff  }
0x13d: {  	v49 =	vor.u32 s18, v5;
	_ =	sdelay $0x3  }
0x13e: {  	[tilespmem:s0+$0xFFFFFF80] =	vst v8  }
0x13f: {  	v8 =	vld.idx.msk [tilespmem:v49+s2+$0x0], $0xffff  }
0x140: {  	v50 =	vor.u32 s18, v6;
	_ =	sdelay $0x3  }
0x141: {  	[tilespmem:s0+$0xFFFFFF90] =	vst v8  }
0x142: {  	v8 =	vld.idx.msk [tilespmem:v50+s2+$0x0], $0xffff  }
0x143: {  	v51 =	vor.u32 s18, v7;
	_ =	sdelay $0x3  }
0x144: {  	[tilespmem:s0+$0xFFFFFFA0] =	vst v8  }
0x145: {  	s18 =	sadd.s32 $0xFFFFFFFD, s28;
	v8 =	vld.idx.msk [tilespmem:v51+s2+$0x0], $0xffff  }
0x146: {  	v52 =	vor.u32 s18, v4;
	_ =	sdelay $0x3  }
0x147: {  	[tilespmem:s0+$0xFFFFFFB0] =	vst v8  }
0x148: {  	v8 =	vld.idx.msk [tilespmem:v52+s2+$0x0], $0xffff  }
0x149: {  	v53 =	vor.u32 s18, v5;
	_ =	sdelay $0x3  }
0x14a: {  	[tilespmem:s0+$0x0] =	vst v8  }
0x14b: {  	v8 =	vld.idx.msk [tilespmem:v53+s2+$0x0], $0xffff  }
0x14c: {  	v54 =	vor.u32 s18, v6;
	_ =	sdelay $0x3  }
0x14d: {  	[tilespmem:s0+$0x10] =	vst v8  }
0x14e: {  	v8 =	vld.idx.msk [tilespmem:v54+s2+$0x0], $0xffff  }
0x14f: {  	v55 =	vor.u32 s18, v7;
	_ =	sdelay $0x3  }
0x150: {  	[tilespmem:s0+$0x20] =	vst v8  }
0x151: {  	s18 =	sadd.s32 $0xFFFFFFFE, s28;
	v8 =	vld.idx.msk [tilespmem:v55+s2+$0x0], $0xffff  }
0x152: {  	v56 =	vor.u32 s18, v4;
	_ =	sdelay $0x3  }
0x153: {  	[tilespmem:s0+$0x30] =	vst v8  }
0x154: {  	v8 =	vld.idx.msk [tilespmem:v56+s2+$0x0], $0xffff  }
0x155: {  	v57 =	vor.u32 s18, v5;
	_ =	sdelay $0x3  }
0x156: {  	[tilespmem:s0+$0x80] =	vst v8  }
0x157: {  	v8 =	vld.idx.msk [tilespmem:v57+s2+$0x0], $0xffff  }
0x158: {  	v58 =	vor.u32 s18, v6;
	_ =	sdelay $0x3  }
0x159: {  	[tilespmem:s0+$0x90] =	vst v8  }
0x15a: {  	v8 =	vld.idx.msk [tilespmem:v58+s2+$0x0], $0xffff  }
0x15b: {  	v59 =	vor.u32 s18, v7;
	_ =	sdelay $0x3  }
0x15c: {  	[tilespmem:s0+$0xA0] =	vst v8  }
0x15d: {  	s18 =	sadd.s32 $0xFFFFFFFF, s28;
	v8 =	vld.idx.msk [tilespmem:v59+s2+$0x0], $0xffff  }
0x15e: {  	v60 =	vor.u32 s18, v4;
	_ =	sdelay $0x3  }
0x15f: {  	[tilespmem:s0+$0xB0] =	vst v8  }
0x160: {  	v8 =	vld.idx.msk [tilespmem:v60+s2+$0x0], $0xffff  }
0x161: {  	v61 =	vor.u32 s18, v5;
	_ =	sdelay $0x3  }
0x162: {  	[tilespmem:s0+$0x100] =	vst v8  }
0x163: {  	v8 =	vld.idx.msk [tilespmem:v61+s2+$0x0], $0xffff  }
0x164: {  	v62 =	vor.u32 s18, v6;
	_ =	sdelay $0x3  }
0x165: {  	[tilespmem:s0+$0x110] =	vst v8  }
0x166: {  	v8 =	vld.idx.msk [tilespmem:v62+s2+$0x0], $0xffff  }
0x167: {  	v63 =	vor.u32 s18, v7;
	_ =	sdelay $0x3  }
0x168: {  	[tilespmem:s0+$0x120] =	vst v8  }
0x169: {  	v8 =	vld.idx.msk [tilespmem:v63+s2+$0x0], $0xffff  }
0x16a: {  	v4 =	vor.u32 s28, v4;
	_ =	sdelay $0x3  }
0x16b: {  	[tilespmem:s0+$0x130] =	vst v8  }
0x16c: {  	v4 =	vld.idx.msk [tilespmem:v4+s2+$0x0], $0xffff  }
0x16d: {  	v5 =	vor.u32 s28, v5;
	_ =	sdelay $0x3  }
0x16e: {  	[tilespmem:s0+$0x180] =	vst v4  }
0x16f: {  	v4 =	vld.idx.msk [tilespmem:v5+s2+$0x0], $0xffff  }
0x170: {  	v5 =	vor.u32 s28, v6;
	_ =	sdelay $0x3  }
0x171: {  	[tilespmem:s0+$0x190] =	vst v4  }
0x172: {  	v4 =	vld.idx.msk [tilespmem:v5+s2+$0x0], $0xffff  }
0x173: {  	v5 =	vor.u32 s28, v7;
	_ =	sdelay $0x3  }
0x174: {  	[tilespmem:s0+$0x1A0] =	vst v4  }
0x175: {  	s30 =	sadd.s32 $0x1, s30;
	v4 =	vld.idx.msk [tilespmem:v5+s2+$0x0], $0xffff  }
0x176: {  	p2 =	sne.s32 s30, $0xF4  }
.Ltmp3:
0x177: {  	_ = 	snop;
	(pc) =	sbr.rel @p2 .LBB2_2-.Ltmp3, $4  }
0x178: {  	_ = 	snop  }
0x179: {  	s28 =	sshll.u32 s31, $0xB  }
0x17a: {  	p1 =	por !p1, !p1;
	s31 =	sadd.s32 s4, s28;
	[tilespmem:s0+$0x1B0] =	vst v4  }
0x17b: {  	[hbm4b:s31+s2] =	stream.linear.scatter [tilespmem:s1], [sflag:$0x2], $0x4000, $0x38;
	[tilespmem:$0x10000] =	vst v63  }
0x17c: {  	_ =	swait.ge [sflag:s26], $0x4000  }
.Ltmp4:
0x17d: {  	[sflag:s26] =	ssyncset.done $0x0;
	(pc) =	sbr.rel @p0 .LBB2_9-.Ltmp4, $4  }
0x17e: {  	[sflag:s26] =	ssyncadd.s32 $0xFFFFC000  }
0x17f: {  	_ =	swait.ge [sflag:s26], $0x4000  }
0x180: {  	[sflag:s26] =	ssyncset.done $0x0  }
0x181: {  	[sflag:s26] =	ssyncadd.s32 $0xFFFFC000  }
0x182: {  	[tilespmem:s2], [sflag:$0x1] =	stream.linear.gather [hbm4b:s10+s2], $0x400, $0x38;
	[tilespmem:$0x10000] =	vst v63  }
0x183: {  	s0 =	sadd.s32 $0xF4280, s10;
	s1 =	simm.s32 $0x800  }
0x184: {  	[tilespmem:s1], [sflag:$0x1] =	stream.linear.gather [hbm4b:s0+s2], $0x400, $0x38;
	[tilespmem:$0x10000] =	vst v63  }
0x185: {  	s28 =	sadd.s32 $0x1E8500, s10  }
0x186: {  	[tilespmem:s19], [sflag:$0x1] =	stream.linear.gather [hbm4b:s28+s2], $0x400, $0x38;
	[tilespmem:$0x10000] =	vst v63  }
0x187: {  	s30 =	sadd.s32 $0x2DC780, s10  }
0x188: {  	[tilespmem:s20], [sflag:$0x1] =	stream.linear.gather [hbm4b:s30+s2], $0x400, $0x38;
	[tilespmem:$0x10000] =	vst v63  }
0x189: {  	s31 =	sadd.s32 $0x3D0A00, s10  }
0x18a: {  	[tilespmem:s21], [sflag:$0x1] =	stream.linear.gather [hbm4b:s31+s2], $0x400, $0x38;
	[tilespmem:$0x10000] =	vst v63  }
0x18b: {  	s1 =	sadd.s32 $0x4C4C80, s10  }
0x18c: {  	[tilespmem:s22], [sflag:$0x1] =	stream.linear.gather [hbm4b:s1+s2], $0x400, $0x38;
	[tilespmem:$0x10000] =	vst v63  }
0x18d: {  	s12 =	sadd.s32 $0x5B8F00, s10;
	s18 =	simm.s32 $0x0  }
0x18e: {  	[tilespmem:s23], [sflag:$0x1] =	stream.linear.gather [hbm4b:s12+s2], $0x400, $0x38;
	[tilespmem:$0x10000] =	vst v63  }
0x18f: {  	v4 =	vor.u32 s18, v0;
	s28 =	sadd.s32 $0x6AD180, s10  }
0x190: {  	[tilespmem:s24], [sflag:$0x1] =	stream.linear.gather [hbm4b:s28+s2], $0x400, $0x38;
	[tilespmem:$0x10000] =	vst v63  }
0x191: {  	_ =	swait.ge [sflag:s25], $0x2000  }
0x192: {  	[sflag:s25] =	ssyncset.done $0x0  }
0x193: {  	[sflag:s25] =	ssyncadd.s32 $0xFFFFE000  }
0x194: {  	v4 =	vld.idx.msk [tilespmem:v4+s2+$0x0], $0xffff  }
0x195: {  	v5 =	vor.u32 s18, v1;
	_ =	sdelay $0x2  }
0x196: {  	s0 =	simm.s32 $0x8200  }
0x197: {  	[tilespmem:s0+$0xFFFFFE00] =	vst v4  }
0x198: {  	v4 =	vld.idx.msk [tilespmem:v5+s2+$0x0], $0xffff  }
0x199: {  	v5 =	vor.u32 s18, v2;
	_ =	sdelay $0x3  }
0x19a: {  	[tilespmem:s0+$0xFFFFFE10] =	vst v4  }
0x19b: {  	v4 =	vld.idx.msk [tilespmem:v5+s2+$0x0], $0xffff  }
0x19c: {  	v5 =	vor.u32 s18, v3;
	_ =	sdelay $0x3  }
0x19d: {  	[tilespmem:s0+$0xFFFFFE20] =	vst v4  }
0x19e: {  	s30 =	simm.s32 $0x1;
	v4 =	vld.idx.msk [tilespmem:v5+s2+$0x0], $0xffff  }
0x19f: {  	v5 =	vor.u32 s30, v0;
	_ =	sdelay $0x3  }
0x1a0: {  	[tilespmem:s0+$0xFFFFFE30] =	vst v4  }
0x1a1: {  	v4 =	vld.idx.msk [tilespmem:v5+s2+$0x0], $0xffff  }
0x1a2: {  	v5 =	vor.u32 s30, v1;
	_ =	sdelay $0x3  }
0x1a3: {  	[tilespmem:s0+$0xFFFFFE80] =	vst v4  }
0x1a4: {  	v4 =	vld.idx.msk [tilespmem:v5+s2+$0x0], $0xffff  }
0x1a5: {  	v5 =	vor.u32 s30, v2;
	_ =	sdelay $0x3  }
0x1a6: {  	[tilespmem:s0+$0xFFFFFE90] =	vst v4  }
0x1a7: {  	v4 =	vld.idx.msk [tilespmem:v5+s2+$0x0], $0xffff  }
0x1a8: {  	v5 =	vor.u32 s30, v3;
	_ =	sdelay $0x3  }
0x1a9: {  	[tilespmem:s0+$0xFFFFFEA0] =	vst v4  }
0x1aa: {  	s31 =	simm.s32 $0x2;
	v4 =	vld.idx.msk [tilespmem:v5+s2+$0x0], $0xffff  }
0x1ab: {  	v5 =	vor.u32 s31, v0;
	_ =	sdelay $0x3  }
0x1ac: {  	[tilespmem:s0+$0xFFFFFEB0] =	vst v4  }
0x1ad: {  	v4 =	vld.idx.msk [tilespmem:v5+s2+$0x0], $0xffff  }
0x1ae: {  	v5 =	vor.u32 s31, v1;
	_ =	sdelay $0x3  }
0x1af: {  	[tilespmem:s0+$0xFFFFFF00] =	vst v4  }
0x1b0: {  	v4 =	vld.idx.msk [tilespmem:v5+s2+$0x0], $0xffff  }
0x1b1: {  	v5 =	vor.u32 s31, v2;
	_ =	sdelay $0x3  }
0x1b2: {  	[tilespmem:s0+$0xFFFFFF10] =	vst v4  }
0x1b3: {  	v4 =	vld.idx.msk [tilespmem:v5+s2+$0x0], $0xffff  }
0x1b4: {  	v5 =	vor.u32 s31, v3;
	_ =	sdelay $0x3  }
0x1b5: {  	[tilespmem:s0+$0xFFFFFF20] =	vst v4  }
0x1b6: {  	s12 =	simm.s32 $0x3;
	v4 =	vld.idx.msk [tilespmem:v5+s2+$0x0], $0xffff  }
0x1b7: {  	v5 =	vor.u32 s12, v0;
	_ =	sdelay $0x3  }
0x1b8: {  	[tilespmem:s0+$0xFFFFFF30] =	vst v4  }
0x1b9: {  	v4 =	vld.idx.msk [tilespmem:v5+s2+$0x0], $0xffff  }
0x1ba: {  	v5 =	vor.u32 s12, v1;
	_ =	sdelay $0x3  }
0x1bb: {  	[tilespmem:s0+$0xFFFFFF80] =	vst v4  }
0x1bc: {  	v4 =	vld.idx.msk [tilespmem:v5+s2+$0x0], $0xffff  }
0x1bd: {  	v5 =	vor.u32 s12, v2;
	_ =	sdelay $0x3  }
0x1be: {  	[tilespmem:s0+$0xFFFFFF90] =	vst v4  }
0x1bf: {  	v4 =	vld.idx.msk [tilespmem:v5+s2+$0x0], $0xffff  }
0x1c0: {  	v5 =	vor.u32 s12, v3;
	_ =	sdelay $0x3  }
0x1c1: {  	[tilespmem:s0+$0xFFFFFFA0] =	vst v4  }
0x1c2: {  	s18 =	simm.s32 $0x4;
	v4 =	vld.idx.msk [tilespmem:v5+s2+$0x0], $0xffff  }
0x1c3: {  	v5 =	vor.u32 s18, v0;
	_ =	sdelay $0x3  }
0x1c4: {  	[tilespmem:s0+$0xFFFFFFB0] =	vst v4  }
0x1c5: {  	v4 =	vld.idx.msk [tilespmem:v5+s2+$0x0], $0xffff  }
0x1c6: {  	v5 =	vor.u32 s18, v1;
	_ =	sdelay $0x3  }
0x1c7: {  	[tilespmem:s0+$0x0] =	vst v4  }
0x1c8: {  	v4 =	vld.idx.msk [tilespmem:v5+s2+$0x0], $0xffff  }
0x1c9: {  	v5 =	vor.u32 s18, v2;
	_ =	sdelay $0x3  }
0x1ca: {  	[tilespmem:s0+$0x10] =	vst v4  }
0x1cb: {  	v4 =	vld.idx.msk [tilespmem:v5+s2+$0x0], $0xffff  }
0x1cc: {  	v5 =	vor.u32 s18, v3;
	_ =	sdelay $0x3  }
0x1cd: {  	[tilespmem:s0+$0x20] =	vst v4  }
0x1ce: {  	s28 =	simm.s32 $0x5;
	v4 =	vld.idx.msk [tilespmem:v5+s2+$0x0], $0xffff  }
0x1cf: {  	v5 =	vor.u32 s28, v0;
	_ =	sdelay $0x3  }
0x1d0: {  	[tilespmem:s0+$0x30] =	vst v4  }
0x1d1: {  	v4 =	vld.idx.msk [tilespmem:v5+s2+$0x0], $0xffff  }
0x1d2: {  	v5 =	vor.u32 s28, v1;
	_ =	sdelay $0x3  }
0x1d3: {  	[tilespmem:s0+$0x80] =	vst v4  }
0x1d4: {  	v4 =	vld.idx.msk [tilespmem:v5+s2+$0x0], $0xffff  }
0x1d5: {  	v5 =	vor.u32 s28, v2;
	_ =	sdelay $0x3  }
0x1d6: {  	[tilespmem:s0+$0x90] =	vst v4  }
0x1d7: {  	v4 =	vld.idx.msk [tilespmem:v5+s2+$0x0], $0xffff  }
0x1d8: {  	v5 =	vor.u32 s28, v3;
	_ =	sdelay $0x3  }
0x1d9: {  	[tilespmem:s0+$0xA0] =	vst v4  }
0x1da: {  	s30 =	simm.s32 $0x6;
	v4 =	vld.idx.msk [tilespmem:v5+s2+$0x0], $0xffff  }
0x1db: {  	v5 =	vor.u32 s30, v0;
	_ =	sdelay $0x3  }
0x1dc: {  	[tilespmem:s0+$0xB0] =	vst v4  }
0x1dd: {  	v4 =	vld.idx.msk [tilespmem:v5+s2+$0x0], $0xffff  }
0x1de: {  	v5 =	vor.u32 s30, v1;
	_ =	sdelay $0x3  }
0x1df: {  	[tilespmem:s0+$0x100] =	vst v4  }
0x1e0: {  	v4 =	vld.idx.msk [tilespmem:v5+s2+$0x0], $0xffff  }
0x1e1: {  	v5 =	vor.u32 s30, v2;
	_ =	sdelay $0x3  }
0x1e2: {  	[tilespmem:s0+$0x110] =	vst v4  }
0x1e3: {  	v4 =	vld.idx.msk [tilespmem:v5+s2+$0x0], $0xffff  }
0x1e4: {  	v5 =	vor.u32 s30, v3;
	_ =	sdelay $0x3  }
0x1e5: {  	[tilespmem:s0+$0x120] =	vst v4  }
0x1e6: {  	s31 =	simm.s32 $0x7;
	v4 =	vld.idx.msk [tilespmem:v5+s2+$0x0], $0xffff  }
0x1e7: {  	v5 =	vor.u32 s31, v0;
	_ =	sdelay $0x3  }
0x1e8: {  	[tilespmem:s0+$0x130] =	vst v4  }
0x1e9: {  	v4 =	vld.idx.msk [tilespmem:v5+s2+$0x0], $0xffff  }
0x1ea: {  	v5 =	vor.u32 s31, v1;
	_ =	sdelay $0x3  }
0x1eb: {  	[tilespmem:s0+$0x180] =	vst v4  }
0x1ec: {  	v4 =	vld.idx.msk [tilespmem:v5+s2+$0x0], $0xffff  }
0x1ed: {  	v5 =	vor.u32 s31, v2;
	_ =	sdelay $0x3  }
0x1ee: {  	[tilespmem:s0+$0x190] =	vst v4  }
0x1ef: {  	v4 =	vld.idx.msk [tilespmem:v5+s2+$0x0], $0xffff  }
0x1f0: {  	v5 =	vor.u32 s31, v3;
	_ =	sdelay $0x3  }
0x1f1: {  	[tilespmem:s0+$0x1A0] =	vst v4  }
0x1f2: {  	s1 =	simm.s32 $0xF;
	s12 =	simm.s32 $0x17;
	s18 =	simm.s32 $0x8;
	v4 =	vld.idx.msk [tilespmem:v5+s2+$0x0], $0xffff  }
.LBB2_7:
0x1f3: {  	p1 =	sne.s32 s12, $0x7F;
	v5 =	vor.u32 s18, v0;
	_ =	sdelay $0x3  }
0x1f4: {  	[tilespmem:s0+$0x1B0] =	vst v4  }
0x1f5: {  	v4 =	vld.idx.msk [tilespmem:v5+s2+$0x0], $0xffff;
	_ =	sdelay $0x1  }
0x1f6: {  	v5 =	vor.u32 s18, v1;
	_ =	sdelay $0x2  }
0x1f7: {  	s0 =	sadd.s32 $0x400, s0  }
0x1f8: {  	[tilespmem:s0+$0xFFFFFE00] =	vst v4  }
0x1f9: {  	v4 =	vld.idx.msk [tilespmem:v5+s2+$0x0], $0xffff;
	_ =	sdelay $0x1  }
0x1fa: {  	v5 =	vor.u32 s18, v2;
	_ =	sdelay $0x3  }
0x1fb: {  	[tilespmem:s0+$0xFFFFFE10] =	vst v4  }
0x1fc: {  	v4 =	vld.idx.msk [tilespmem:v5+s2+$0x0], $0xffff;
	_ =	sdelay $0x1  }
0x1fd: {  	v5 =	vor.u32 s18, v3;
	_ =	sdelay $0x3  }
0x1fe: {  	[tilespmem:s0+$0xFFFFFE20] =	vst v4  }
0x1ff: {  	v4 =	vld.idx.msk [tilespmem:v5+s2+$0x0], $0xffff  }
0x200: {  	s18 =	sadd.s32 $0xFFFFFFFA, s1  }
0x201: {  	v5 =	vor.u32 s18, v0;
	_ =	sdelay $0x3  }
0x202: {  	[tilespmem:s0+$0xFFFFFE30] =	vst v4  }
0x203: {  	v4 =	vld.idx.msk [tilespmem:v5+s2+$0x0], $0xffff;
	_ =	sdelay $0x1  }
0x204: {  	v5 =	vor.u32 s18, v1;
	_ =	sdelay $0x3  }
0x205: {  	[tilespmem:s0+$0xFFFFFE80] =	vst v4  }
0x206: {  	v4 =	vld.idx.msk [tilespmem:v5+s2+$0x0], $0xffff;
	_ =	sdelay $0x1  }
0x207: {  	v5 =	vor.u32 s18, v2;
	_ =	sdelay $0x3  }
0x208: {  	[tilespmem:s0+$0xFFFFFE90] =	vst v4  }
0x209: {  	v4 =	vld.idx.msk [tilespmem:v5+s2+$0x0], $0xffff;
	_ =	sdelay $0x1  }
0x20a: {  	v5 =	vor.u32 s18, v3;
	_ =	sdelay $0x3  }
0x20b: {  	[tilespmem:s0+$0xFFFFFEA0] =	vst v4  }
0x20c: {  	v4 =	vld.idx.msk [tilespmem:v5+s2+$0x0], $0xffff  }
0x20d: {  	s18 =	sadd.s32 $0xFFFFFFFB, s1  }
0x20e: {  	v5 =	vor.u32 s18, v0;
	_ =	sdelay $0x3  }
0x20f: {  	[tilespmem:s0+$0xFFFFFEB0] =	vst v4  }
0x210: {  	v4 =	vld.idx.msk [tilespmem:v5+s2+$0x0], $0xffff;
	_ =	sdelay $0x1  }
0x211: {  	v5 =	vor.u32 s18, v1;
	_ =	sdelay $0x3  }
0x212: {  	[tilespmem:s0+$0xFFFFFF00] =	vst v4  }
0x213: {  	v4 =	vld.idx.msk [tilespmem:v5+s2+$0x0], $0xffff;
	_ =	sdelay $0x1  }
0x214: {  	v5 =	vor.u32 s18, v2;
	_ =	sdelay $0x3  }
0x215: {  	[tilespmem:s0+$0xFFFFFF10] =	vst v4  }
0x216: {  	v4 =	vld.idx.msk [tilespmem:v5+s2+$0x0], $0xffff;
	_ =	sdelay $0x1  }
0x217: {  	v5 =	vor.u32 s18, v3;
	_ =	sdelay $0x3  }
0x218: {  	[tilespmem:s0+$0xFFFFFF20] =	vst v4  }
0x219: {  	v4 =	vld.idx.msk [tilespmem:v5+s2+$0x0], $0xffff  }
0x21a: {  	s18 =	sadd.s32 $0xFFFFFFFC, s1  }
0x21b: {  	v5 =	vor.u32 s18, v0;
	_ =	sdelay $0x3  }
0x21c: {  	[tilespmem:s0+$0xFFFFFF30] =	vst v4  }
0x21d: {  	v4 =	vld.idx.msk [tilespmem:v5+s2+$0x0], $0xffff;
	_ =	sdelay $0x1  }
0x21e: {  	v5 =	vor.u32 s18, v1;
	_ =	sdelay $0x3  }
0x21f: {  	[tilespmem:s0+$0xFFFFFF80] =	vst v4  }
0x220: {  	v4 =	vld.idx.msk [tilespmem:v5+s2+$0x0], $0xffff;
	_ =	sdelay $0x1  }
0x221: {  	v5 =	vor.u32 s18, v2;
	_ =	sdelay $0x3  }
0x222: {  	[tilespmem:s0+$0xFFFFFF90] =	vst v4  }
0x223: {  	v4 =	vld.idx.msk [tilespmem:v5+s2+$0x0], $0xffff;
	_ =	sdelay $0x1  }
0x224: {  	v5 =	vor.u32 s18, v3;
	_ =	sdelay $0x3  }
0x225: {  	[tilespmem:s0+$0xFFFFFFA0] =	vst v4  }
0x226: {  	v4 =	vld.idx.msk [tilespmem:v5+s2+$0x0], $0xffff  }
0x227: {  	s18 =	sadd.s32 $0xFFFFFFFD, s1  }
0x228: {  	v5 =	vor.u32 s18, v0;
	_ =	sdelay $0x3  }
0x229: {  	[tilespmem:s0+$0xFFFFFFB0] =	vst v4  }
0x22a: {  	v4 =	vld.idx.msk [tilespmem:v5+s2+$0x0], $0xffff;
	_ =	sdelay $0x1  }
0x22b: {  	v5 =	vor.u32 s18, v1;
	_ =	sdelay $0x3  }
0x22c: {  	[tilespmem:s0+$0x0] =	vst v4  }
0x22d: {  	v4 =	vld.idx.msk [tilespmem:v5+s2+$0x0], $0xffff;
	_ =	sdelay $0x1  }
0x22e: {  	v5 =	vor.u32 s18, v2;
	_ =	sdelay $0x3  }
0x22f: {  	[tilespmem:s0+$0x10] =	vst v4  }
0x230: {  	v4 =	vld.idx.msk [tilespmem:v5+s2+$0x0], $0xffff;
	_ =	sdelay $0x1  }
0x231: {  	v5 =	vor.u32 s18, v3;
	_ =	sdelay $0x3  }
0x232: {  	[tilespmem:s0+$0x20] =	vst v4  }
0x233: {  	v4 =	vld.idx.msk [tilespmem:v5+s2+$0x0], $0xffff  }
0x234: {  	s18 =	sadd.s32 $0xFFFFFFFE, s1  }
0x235: {  	v5 =	vor.u32 s18, v0;
	_ =	sdelay $0x3  }
0x236: {  	[tilespmem:s0+$0x30] =	vst v4  }
0x237: {  	v4 =	vld.idx.msk [tilespmem:v5+s2+$0x0], $0xffff;
	_ =	sdelay $0x1  }
0x238: {  	v5 =	vor.u32 s18, v1;
	_ =	sdelay $0x3  }
0x239: {  	[tilespmem:s0+$0x80] =	vst v4  }
0x23a: {  	v4 =	vld.idx.msk [tilespmem:v5+s2+$0x0], $0xffff;
	_ =	sdelay $0x1  }
0x23b: {  	v5 =	vor.u32 s18, v2;
	_ =	sdelay $0x3  }
0x23c: {  	[tilespmem:s0+$0x90] =	vst v4  }
0x23d: {  	v4 =	vld.idx.msk [tilespmem:v5+s2+$0x0], $0xffff;
	_ =	sdelay $0x1  }
0x23e: {  	v5 =	vor.u32 s18, v3;
	_ =	sdelay $0x3  }
0x23f: {  	[tilespmem:s0+$0xA0] =	vst v4  }
0x240: {  	v4 =	vld.idx.msk [tilespmem:v5+s2+$0x0], $0xffff  }
0x241: {  	s18 =	sadd.s32 $0xFFFFFFFF, s1  }
0x242: {  	v5 =	vor.u32 s18, v0;
	_ =	sdelay $0x3  }
0x243: {  	[tilespmem:s0+$0xB0] =	vst v4  }
0x244: {  	v4 =	vld.idx.msk [tilespmem:v5+s2+$0x0], $0xffff;
	_ =	sdelay $0x1  }
0x245: {  	v5 =	vor.u32 s18, v1;
	_ =	sdelay $0x3  }
0x246: {  	[tilespmem:s0+$0x100] =	vst v4  }
0x247: {  	v4 =	vld.idx.msk [tilespmem:v5+s2+$0x0], $0xffff;
	_ =	sdelay $0x1  }
0x248: {  	v5 =	vor.u32 s18, v2;
	_ =	sdelay $0x3  }
0x249: {  	[tilespmem:s0+$0x110] =	vst v4  }
0x24a: {  	v4 =	vld.idx.msk [tilespmem:v5+s2+$0x0], $0xffff;
	_ =	sdelay $0x1  }
0x24b: {  	v5 =	vor.u32 s18, v3;
	_ =	sdelay $0x3  }
0x24c: {  	[tilespmem:s0+$0x120] =	vst v4  }
0x24d: {  	v4 =	vld.idx.msk [tilespmem:v5+s2+$0x0], $0xffff;
	_ =	sdelay $0x1  }
0x24e: {  	v5 =	vor.u32 s1, v0;
	_ =	sdelay $0x3  }
0x24f: {  	[tilespmem:s0+$0x130] =	vst v4  }
0x250: {  	v4 =	vld.idx.msk [tilespmem:v5+s2+$0x0], $0xffff;
	_ =	sdelay $0x1  }
0x251: {  	v5 =	vor.u32 s1, v1;
	_ =	sdelay $0x3  }
0x252: {  	[tilespmem:s0+$0x180] =	vst v4  }
0x253: {  	v4 =	vld.idx.msk [tilespmem:v5+s2+$0x0], $0xffff;
	_ =	sdelay $0x1  }
0x254: {  	v5 =	vor.u32 s1, v2;
	_ =	sdelay $0x3  }
0x255: {  	[tilespmem:s0+$0x190] =	vst v4  }
0x256: {  	v4 =	vld.idx.msk [tilespmem:v5+s2+$0x0], $0xffff;
	_ =	sdelay $0x1  }
0x257: {  	v5 =	vor.u32 s1, v3;
	s1 =	smov.u32 s12;
	_ =	sdelay $0x1  }
.Ltmp5:
0x258: {  	(pc) =	sbr.rel @p1 .LBB2_7-.Ltmp5, $4  }
0x259: {  	_ = 	snop  }
0x25a: {  	[tilespmem:s0+$0x1A0] =	vst v4  }
0x25b: {  	v4 =	vld.idx.msk [tilespmem:v5+s2+$0x0], $0xffff  }
0x25c: {  	s12 =	sadd.s32 $0x8, s12;
	s18 =	sadd.s32 $0xFFFFFFF9, s1  }
0x25d: {  	v5 =	vor.u32 s18, v0;
	_ =	sdelay $0x3  }
0x25e: {  	[tilespmem:s0+$0x1B0] =	vst v4  }
0x25f: {  	v4 =	vld.idx.msk [tilespmem:v5+s2+$0x0], $0xffff  }
0x260: {  	v5 =	vor.u32 s18, v1;
	_ =	sdelay $0x2  }
0x261: {  	s0 =	sadd.s32 $0x400, s0  }
0x262: {  	[tilespmem:s0+$0xFFFFFE00] =	vst v4  }
0x263: {  	v4 =	vld.idx.msk [tilespmem:v5+s2+$0x0], $0xffff  }
0x264: {  	v5 =	vor.u32 s18, v2;
	_ =	sdelay $0x3  }
0x265: {  	[tilespmem:s0+$0xFFFFFE10] =	vst v4  }
0x266: {  	v4 =	vld.idx.msk [tilespmem:v5+s2+$0x0], $0xffff  }
0x267: {  	v5 =	vor.u32 s18, v3;
	_ =	sdelay $0x3  }
0x268: {  	[tilespmem:s0+$0xFFFFFE20] =	vst v4  }
0x269: {  	s12 =	sadd.s32 $0xFFFFFFFA, s1;
	v4 =	vld.idx.msk [tilespmem:v5+s2+$0x0], $0xffff  }
0x26a: {  	v5 =	vor.u32 s12, v0;
	_ =	sdelay $0x3  }
0x26b: {  	[tilespmem:s0+$0xFFFFFE30] =	vst v4  }
0x26c: {  	v4 =	vld.idx.msk [tilespmem:v5+s2+$0x0], $0xffff  }
0x26d: {  	v5 =	vor.u32 s12, v1;
	_ =	sdelay $0x3  }
0x26e: {  	[tilespmem:s0+$0xFFFFFE80] =	vst v4  }
0x26f: {  	v4 =	vld.idx.msk [tilespmem:v5+s2+$0x0], $0xffff  }
0x270: {  	v5 =	vor.u32 s12, v2;
	_ =	sdelay $0x3  }
0x271: {  	[tilespmem:s0+$0xFFFFFE90] =	vst v4  }
0x272: {  	v4 =	vld.idx.msk [tilespmem:v5+s2+$0x0], $0xffff  }
0x273: {  	v5 =	vor.u32 s12, v3;
	_ =	sdelay $0x3  }
0x274: {  	[tilespmem:s0+$0xFFFFFEA0] =	vst v4  }
0x275: {  	s28 =	sadd.s32 $0xFFFFFFFB, s1;
	v4 =	vld.idx.msk [tilespmem:v5+s2+$0x0], $0xffff  }
0x276: {  	v5 =	vor.u32 s28, v0;
	_ =	sdelay $0x3  }
0x277: {  	[tilespmem:s0+$0xFFFFFEB0] =	vst v4  }
0x278: {  	v4 =	vld.idx.msk [tilespmem:v5+s2+$0x0], $0xffff  }
0x279: {  	v5 =	vor.u32 s28, v1;
	_ =	sdelay $0x3  }
0x27a: {  	[tilespmem:s0+$0xFFFFFF00] =	vst v4  }
0x27b: {  	v4 =	vld.idx.msk [tilespmem:v5+s2+$0x0], $0xffff  }
0x27c: {  	v5 =	vor.u32 s28, v2;
	_ =	sdelay $0x3  }
0x27d: {  	[tilespmem:s0+$0xFFFFFF10] =	vst v4  }
0x27e: {  	v4 =	vld.idx.msk [tilespmem:v5+s2+$0x0], $0xffff  }
0x27f: {  	v5 =	vor.u32 s28, v3;
	_ =	sdelay $0x3  }
0x280: {  	[tilespmem:s0+$0xFFFFFF20] =	vst v4  }
0x281: {  	s30 =	sadd.s32 $0xFFFFFFFC, s1;
	v4 =	vld.idx.msk [tilespmem:v5+s2+$0x0], $0xffff  }
0x282: {  	v5 =	vor.u32 s30, v0;
	_ =	sdelay $0x3  }
0x283: {  	[tilespmem:s0+$0xFFFFFF30] =	vst v4  }
0x284: {  	v4 =	vld.idx.msk [tilespmem:v5+s2+$0x0], $0xffff  }
0x285: {  	v5 =	vor.u32 s30, v1;
	_ =	sdelay $0x3  }
0x286: {  	[tilespmem:s0+$0xFFFFFF80] =	vst v4  }
0x287: {  	v4 =	vld.idx.msk [tilespmem:v5+s2+$0x0], $0xffff  }
0x288: {  	v5 =	vor.u32 s30, v2;
	_ =	sdelay $0x3  }
0x289: {  	[tilespmem:s0+$0xFFFFFF90] =	vst v4  }
0x28a: {  	v4 =	vld.idx.msk [tilespmem:v5+s2+$0x0], $0xffff  }
0x28b: {  	v5 =	vor.u32 s30, v3;
	_ =	sdelay $0x3  }
0x28c: {  	[tilespmem:s0+$0xFFFFFFA0] =	vst v4  }
0x28d: {  	s31 =	sadd.s32 $0xFFFFFFFD, s1;
	v4 =	vld.idx.msk [tilespmem:v5+s2+$0x0], $0xffff  }
0x28e: {  	v5 =	vor.u32 s31, v0;
	_ =	sdelay $0x3  }
0x28f: {  	[tilespmem:s0+$0xFFFFFFB0] =	vst v4  }
0x290: {  	v4 =	vld.idx.msk [tilespmem:v5+s2+$0x0], $0xffff  }
0x291: {  	v5 =	vor.u32 s31, v1;
	_ =	sdelay $0x3  }
0x292: {  	[tilespmem:s0+$0x0] =	vst v4  }
0x293: {  	v4 =	vld.idx.msk [tilespmem:v5+s2+$0x0], $0xffff  }
0x294: {  	v5 =	vor.u32 s31, v2;
	_ =	sdelay $0x3  }
0x295: {  	[tilespmem:s0+$0x10] =	vst v4  }
0x296: {  	v4 =	vld.idx.msk [tilespmem:v5+s2+$0x0], $0xffff  }
0x297: {  	v5 =	vor.u32 s31, v3;
	_ =	sdelay $0x3  }
0x298: {  	[tilespmem:s0+$0x20] =	vst v4  }
0x299: {  	s18 =	sadd.s32 $0xFFFFFFFE, s1;
	v4 =	vld.idx.msk [tilespmem:v5+s2+$0x0], $0xffff  }
0x29a: {  	v5 =	vor.u32 s18, v0;
	_ =	sdelay $0x3  }
0x29b: {  	[tilespmem:s0+$0x30] =	vst v4  }
0x29c: {  	v4 =	vld.idx.msk [tilespmem:v5+s2+$0x0], $0xffff  }
0x29d: {  	v5 =	vor.u32 s18, v1;
	_ =	sdelay $0x3  }
0x29e: {  	[tilespmem:s0+$0x80] =	vst v4  }
0x29f: {  	v4 =	vld.idx.msk [tilespmem:v5+s2+$0x0], $0xffff  }
0x2a0: {  	v5 =	vor.u32 s18, v2;
	_ =	sdelay $0x3  }
0x2a1: {  	[tilespmem:s0+$0x90] =	vst v4  }
0x2a2: {  	v4 =	vld.idx.msk [tilespmem:v5+s2+$0x0], $0xffff  }
0x2a3: {  	v5 =	vor.u32 s18, v3;
	_ =	sdelay $0x3  }
0x2a4: {  	[tilespmem:s0+$0xA0] =	vst v4  }
0x2a5: {  	s28 =	sadd.s32 $0xFFFFFFFF, s1;
	v4 =	vld.idx.msk [tilespmem:v5+s2+$0x0], $0xffff  }
0x2a6: {  	v5 =	vor.u32 s28, v0;
	_ =	sdelay $0x3  }
0x2a7: {  	[tilespmem:s0+$0xB0] =	vst v4  }
0x2a8: {  	v4 =	vld.idx.msk [tilespmem:v5+s2+$0x0], $0xffff  }
0x2a9: {  	v5 =	vor.u32 s28, v1;
	_ =	sdelay $0x3  }
0x2aa: {  	[tilespmem:s0+$0x100] =	vst v4  }
0x2ab: {  	v4 =	vld.idx.msk [tilespmem:v5+s2+$0x0], $0xffff  }
0x2ac: {  	v5 =	vor.u32 s28, v2;
	_ =	sdelay $0x3  }
0x2ad: {  	[tilespmem:s0+$0x110] =	vst v4  }
0x2ae: {  	v4 =	vld.idx.msk [tilespmem:v5+s2+$0x0], $0xffff  }
0x2af: {  	v5 =	vor.u32 s28, v3;
	_ =	sdelay $0x3  }
0x2b0: {  	[tilespmem:s0+$0x120] =	vst v4  }
0x2b1: {  	v4 =	vld.idx.msk [tilespmem:v5+s2+$0x0], $0xffff  }
0x2b2: {  	v5 =	vor.u32 s1, v0;
	_ =	sdelay $0x3  }
0x2b3: {  	[tilespmem:s0+$0x130] =	vst v4  }
0x2b4: {  	v4 =	vld.idx.msk [tilespmem:v5+s2+$0x0], $0xffff  }
0x2b5: {  	v5 =	vor.u32 s1, v1;
	_ =	sdelay $0x3  }
0x2b6: {  	[tilespmem:s0+$0x180] =	vst v4  }
0x2b7: {  	v4 =	vld.idx.msk [tilespmem:v5+s2+$0x0], $0xffff  }
0x2b8: {  	v5 =	vor.u32 s1, v2;
	_ =	sdelay $0x3  }
0x2b9: {  	[tilespmem:s0+$0x190] =	vst v4  }
0x2ba: {  	v4 =	vld.idx.msk [tilespmem:v5+s2+$0x0], $0xffff  }
0x2bb: {  	v5 =	vor.u32 s1, v3;
	_ =	sdelay $0x3  }
0x2bc: {  	[tilespmem:s0+$0x1A0] =	vst v4  }
0x2bd: {  	v4 =	vld.idx.msk [tilespmem:v5+s2+$0x0], $0xffff;
	_ =	sdelay $0x4  }
.Ltmp6:
0x2be: {  	s30 =	rddreg [dreg:$0x3];
	s31 =	simm.s32 $0x8000;
	[tilespmem:s0+$0x1B0] =	vst v4;
	(pc) =	sbr.rel .LBB2_9-.Ltmp6, $4  }
0x2bf: {  	[hbm4b:s30+s2] =	stream.linear.scatter [tilespmem:s31], [sflag:$0x2], $0x4000, $0x38;
	[tilespmem:$0x10000] =	vst v63  }
0x2c0: {  	_ =	swait.ge [sflag:s26], $0x4000  }
0x2c1: {  	[sflag:s26] =	ssyncset.done $0x0  }
0x2c2: {  	[sflag:s26] =	ssyncadd.s32 $0xFFFFC000  }
.LBB2_10:
0x2c3: {  	_ =	sfence.sel $0x180000  }
0x2c4: {  	[bflag:$0x0] =	sbarrier.arrive $0xFFFF  }
0x2c5: {  	_ =	strace $0x90000047  }
0x2c6: {  	s0 =	stileid.u32;
	[bflag:$0x2] =	sbarrier.arrive $0xFFFF  }
0x2c7: {  	p0 =	sne.s32 s0, $0x0;
	s0 =	rddreg [dreg:$0x2]  }
0x2c8: {  	s0 =	sadd.s32 @!p0 $0x100000, s0  }
0x2c9: {  	[sflag:s0] =	ssyncadd.tile.s32 @!p0 $0x1;
	_ =	shalt  }
.Lfunc_end2:
_tile_overlayer_lowered:
.L_overlay_start_2:
0x2ca: {  	(tag) =	ssettag $0x2  }
0x2cb: {  	s0 =	rddreg [dreg:$0x0];
	s2 =	stileid.u32  }
0x2cc: {  	s1 =	rddreg [dreg:$0x1];
	p0 =	sne.s32 s2, $0x0  }
0x2cd: {  	s3 =	rddreg [dreg:$0x2];
	[bflag:$0x3] =	sbarrier.arrive $0xFFFF;
	s2 =	simm.s32 @!p0 $0x1C03  }
0x2ce: {  	[timem:s3], [sflag:s2] =	dma.local @!p0 [hbm:s0], s1  }
0x2cf: {  	s0 =	simm.s32 @!p0 $0x3  }
0x2d0: {  	_ =	swait.ge @!p0 [sflag:s0], s1  }
0x2d1: {  	s1 =	ssub.s32 @!p0 $0x0, s1;
	[sflag:s0] =	ssyncset.done @!p0 $0x0  }
0x2d2: {  	[sflag:s0] =	ssyncadd.s32 @!p0 s1  }
0x2d3: {  	[bflag:$0x3] =	sbarrier.arrive $0xFFFF  }
0x2d4: {  	_ =	shalt  }

// kernel: _center_loss_partials.7.cloned.1.call-start
scs
__scs_entry_jumppad:
0x0: {  	(pc) =	sbr.rel $0x88, $3  }
0x1: {  	(tag) =	ssettag $0x0;
	lr =	simm.s32 $0x1  }
0x2: {  	[smem:$0x3F9D] =	sst lr;
	_ =	strace $0xD0000000  }
0x3: {  	_ = 	snop  }
0x4: {  	_ = 	snop  }
0x5: {  	_ = 	snop  }
0x6: {  	_ = 	snop  }
0x7: {  	_ = 	snop  }
__scs_overlays_trampoline_lowered:
0x8: {  	[smem:$0x3FAC] =	sst s0  }
0x9: {  	[smem:$0x3FAD] =	sst s1  }
0xa: {  	[smem:$0x3FAE] =	sst s2  }
0xb: {  	[smem:$0x3FAF] =	sst s3  }
0xc: {  	[smem:$0x3FB0] =	sst s4  }
0xd: {  	[smem:$0x3FB1] =	sst s5  }
0xe: {  	[smem:$0x3FB2] =	sst s6  }
0xf: {  	[smem:$0x3FB3] =	sst s7  }
0x10: {  	[smem:$0x3FB4] =	sst s8  }
0x11: {  	[smem:$0x3FB5] =	sst s9;
	s0 =	simm.s32 @!p0 $0x0  }
0x12: {  	s1 =	sld [smem:$0x3F9B];
	s0 =	simm.s32 @p0 $0x1  }
0x13: {  	[smem:$0x3FB6] =	sst s0;
	s0 =	simm.s32 @!p1 $0x0  }
0x14: {  	s2 =	sld [smem:$0x3F9A];
	s0 =	simm.s32 @p1 $0x1  }
0x15: {  	[smem:$0x3FB7] =	sst s0;
	s0 =	simm.s32 @!p2 $0x0  }
0x16: {  	s3 =	sld [smem:$0x3FDB];
	s0 =	simm.s32 @p2 $0x1  }
0x17: {  	s4 =	simm.s32 $0x1BF5;
	[smem:$0x3FB9] =	sst s0  }
0x18: {  	s0 =	sld [smem:$0x3F9C];
	_ =	swait.ge [sflag:s4], $0x0  }
0x19: {  	s7 =	sld [smem:$0x3F9D]  }
0x1a: {  	s8 =	sadd.s32 $0xFFFFE003, lr  }
0x1b: {  	s9 =	sadd.s32 $0xFFFFFEF7, lr;
	s5 =	simm.s32 $0xFFFFFFFF;
	p2 =	slt.u32 s8, $0xFFFFF086  }
0x1c: {  	p1 =	slt.u32 s9, $0xF7A;
	s5 =	simm.s32 @!p2 $0x0  }
0x1d: {  	s5 =	simm.s32 @p1 $0x1;
	p0 =	seq.s32 s7, s2  }
0x1e: {  	s7 =	smul.u32 @!p0 $0xF7A, s2;
	p2 =	seq.s32 @!p0 s5, $0x0  }
0x1f: {  	s9 =	smul.u32 $0xF7A, s1;
	s8 =	simm.s32 @!p0 $0x1BF5;
	p2 =	por !p2, p0  }
0x20: {  	[sflag:s8] =	ssyncset.s32 @!p0 $0xFFFFF086;
	s6 =	sadd.s32 @!p0 s3, s7;
	s7 =	simm.s32 @!p0 $0x108  }
0x21: {  	s3 =	sadd.s32 s3, s9;
	s6 =	sadd.s32 @!p0 $0x88, s6;
	s7 =	simm.s32 @p2 $0x1082  }
0x22: {  	[simem:s7], [sflag:s8] =	dma.local @!p0 [hbm:s6], $0xF7A  }
0x23: {  	s9 =	sor.u32 $0xD0000000, s2;
	s6 =	simm.s32 $0x108;
	_ =	swait.ge @!p0 [sflag:s8], $0x0  }
0x24: {  	s3 =	sadd.s32 $0x88, s3;
	s6 =	simm.s32 @!p1 $0x1082;
	[sflag:s4] =	ssyncset.s32 $0xFFFFF086  }
0x25: {  	[simem:s6], [sflag:s4] =	dma.local [hbm:s3], $0xF7A  }
0x26: {  	[smem:$0x3F9D] =	sst s1;
	(tag) =	ssettag s2;
	_ =	strace s9  }
0x27: {  	s1 =	sld [smem:$0x3FAD]  }
0x28: {  	s2 =	sld [smem:$0x3FAE]  }
0x29: {  	s4 =	sld [smem:$0x3FB0]  }
0x2a: {  	p0 =	seq.s32 s5, $0x0;
	s5 =	sld [smem:$0x3FB1]  }
0x2b: {  	s6 =	sld [smem:$0x3FB2]  }
0x2c: {  	s7 =	sld [smem:$0x3FB3]  }
0x2d: {  	s3 =	simm.s32 $0x108;
	s8 =	sld [smem:$0x3FB4]  }
0x2e: {  	s3 =	simm.s32 @!p0 $0x1082;
	s9 =	sld [smem:$0x3FB5]  }
0x2f: {  	lr =	sadd.s32 s0, s3;
	s0 =	sld [smem:$0x3FAC]  }
0x30: {  	s3 =	sld [smem:$0x3FAF]  }
0x31: {  	[smem:$0x3FB8] =	sst s10  }
0x32: {  	s10 =	sld [smem:$0x3FB6];
	_ =	sdelay $0x3  }
0x33: {  	p0 =	seq.s32 s10, $0x1;
	s10 =	sld [smem:$0x3FB8];
	_ =	sdelay $0x3  }
0x34: {  	[smem:$0x3FB8] =	sst s10  }
0x35: {  	s10 =	sld [smem:$0x3FB7];
	_ =	sdelay $0x3  }
0x36: {  	p1 =	seq.s32 s10, $0x1;
	s10 =	sld [smem:$0x3FB8];
	_ =	sdelay $0x3  }
0x37: {  	[smem:$0x3FB8] =	sst s10  }
0x38: {  	s10 =	sld [smem:$0x3FB9]  }
0x39: {  	_ = 	snop;
	(pc) =	sbr.ind lr, $3  }
0x3a: {  	_ = 	snop  }
0x3b: {  	_ = 	snop  }
0x3c: {  	p2 =	seq.s32 s10, $0x1;
	s10 =	sld [smem:$0x3FB8]  }
0x3d: {  	_ =	shalt  }
0x3e: {  	_ =	shalt  }
0x3f: {  	_ =	shalt  }
0x40: {  	_ =	shalt  }
0x41: {  	_ =	shalt  }
0x42: {  	_ =	shalt  }
0x43: {  	_ =	shalt  }
0x44: {  	_ =	shalt  }
0x45: {  	_ =	shalt  }
0x46: {  	_ =	shalt  }
0x47: {  	_ =	shalt  }
0x48: {  	_ =	shalt  }
0x49: {  	_ =	shalt  }
0x4a: {  	_ =	shalt  }
0x4b: {  	_ =	shalt  }
0x4c: {  	_ =	shalt  }
0x4d: {  	_ =	shalt  }
0x4e: {  	_ =	shalt  }
0x4f: {  	_ =	shalt  }
0x50: {  	_ =	shalt  }
0x51: {  	_ =	shalt  }
0x52: {  	_ =	shalt  }
0x53: {  	_ =	shalt  }
0x54: {  	_ =	shalt  }
0x55: {  	_ =	shalt  }
0x56: {  	_ =	shalt  }
0x57: {  	_ =	shalt  }
0x58: {  	_ =	shalt  }
0x59: {  	_ =	shalt  }
0x5a: {  	_ =	shalt  }
0x5b: {  	_ =	shalt  }
0x5c: {  	_ =	shalt  }
0x5d: {  	_ =	shalt  }
0x5e: {  	_ =	shalt  }
0x5f: {  	_ =	shalt  }
0x60: {  	_ =	shalt  }
0x61: {  	_ =	shalt  }
0x62: {  	_ =	shalt  }
0x63: {  	_ =	shalt  }
0x64: {  	_ =	shalt  }
0x65: {  	_ =	shalt  }
0x66: {  	_ =	shalt  }
0x67: {  	_ =	shalt  }
0x68: {  	_ =	shalt  }
0x69: {  	_ =	shalt  }
0x6a: {  	_ =	shalt  }
0x6b: {  	_ =	shalt  }
0x6c: {  	_ =	shalt  }
0x6d: {  	_ =	shalt  }
0x6e: {  	_ =	shalt  }
0x6f: {  	_ =	shalt  }
0x70: {  	_ =	shalt  }
0x71: {  	_ =	shalt  }
0x72: {  	_ =	shalt  }
0x73: {  	_ =	shalt  }
0x74: {  	_ =	shalt  }
0x75: {  	_ =	shalt  }
0x76: {  	_ =	shalt  }
0x77: {  	_ =	shalt  }
0x78: {  	_ =	shalt  }
0x79: {  	_ =	shalt  }
0x7a: {  	_ =	shalt  }
0x7b: {  	_ =	shalt  }
0x7c: {  	_ =	shalt  }
0x7d: {  	_ =	shalt  }
0x7e: {  	_ =	shalt  }
0x7f: {  	_ =	shalt  }
0x80: {  	_ =	shalt  }
0x81: {  	_ =	shalt  }
0x82: {  	_ =	shalt  }
0x83: {  	_ =	shalt  }
0x84: {  	_ =	shalt  }
0x85: {  	_ =	shalt  }
0x86: {  	_ =	shalt  }
0x87: {  	_ =	shalt  }
.Lfunc_end0:
.L_simem_size_0:
called_computation.1_lowered:
.L_overlay_start_0:
0x88: {  	s2 =	sld [smem:$0x3FD9]  }
0x89: {  	s3 =	sld [smem:$0x3FFE];
	_ =	sdelay $0x1  }
0x8a: {  	s1 =	srdreg.scid  }
0x8b: {  	s0 =	sand.u32 $0x1, s1  }
0x8c: {  	s17 =	sshll.u32 s0, $0xA;
	s2 =	sadd.s32 s3, s2  }
0x8d: {  	s2 =	sadd.s32 s2, s17  }
0x8e: {  	[smem:$0x3FC4] =	sst s2  }
0x8f: {  	_ = 	snop  }
0x90: {  	s2 =	sld [smem:$0x3FC9]  }
0x91: {  	s18 =	sld [smem:$0x3FC8]  }
0x92: {  	s4 =	sld [smem:$0x3FC6]  }
0x93: {  	s5 =	sld [smem:$0x3FD0];
	(tm) =	ssettm $0x1  }
0x94: {  	s6 =	sld [smem:$0x3FFB];
	_ =	sdelay $0x3  }
0x95: {  	_ =	strace s6  }
0x96: {  	s6 =	sld [smem:$0x3FFC];
	_ =	sdelay $0x3  }
0x97: {  	_ =	strace s6  }
0x98: {  	s6 =	sld [smem:$0x3FFD];
	_ =	sdelay $0x3  }
0x99: {  	_ =	strace s6  }
0x9a: {  	_ =	strace $0x8FFFFFFF  }
0x9b: {  	s19 =	sld [smem:$0x3FDB];
	_ =	sdelay $0x1  }
0x9c: {  	s7 =	simm.s32 $_scs_section_size  }
0x9d: {  	s8 =	simm.s32 $_size__tile_overlayer_lowered;
	s9 =	simm.s32 $_tile_overlayer_lowered  }
0x9e: {  	s22 =	simm.s32 $0x1BFF;
	s21 =	sshll.u32 s9, $0x1;
	s6 =	sadd.s32 s7, s19  }
0x9f: {  	s10 =	simm.s32 $0x0;
	s20 =	sshll.u32 s8, $0x1;
	s8 =	sadd.s32 s21, s6  }
0xa0: {  	[timem:s10], [sflag:s22] =	dma.local [hbm:s8], s20  }
0xa1: {  	_ =	swait.ge [sflag:s22], s20  }
0xa2: {  	s7 =	ssub.s32 $0x0, s20;
	[sflag:s22] =	ssyncset.done $0x0  }
0xa3: {  	[sflag:s22] =	ssyncadd.s32 s7;
	_ =	sdelay $0x1  }
0xa4: {  	s23 =	simm.s32 $0x1B8B  }
0xa5: {  	_ =	swait.ge [sflag:s23], $0x1  }
0xa6: {  	[sflag:s23] =	ssyncset.done $0x0  }
0xa7: {  	s25 =	simm.s32 $0x1B8E;
	s24 =	sld [smem:$0x3FFE];
	[sflag:s23] =	ssyncadd.s32 $0xFFFFFFFF  }
0xa8: {  	s26 =	simm.s32 $execute0_lowered;
	[smem:$0x3FD2] =	sst s25  }
0xa9: {  	s8 =	sshll.u32 s26, $0x1;
	_ =	strace $0x80000049;
	[dreg:$0x1] =	wrdreg $0xFFFFFFFF  }
0xaa: {  	s28 =	simm.s32 $_size_execute0_lowered;
	s6 =	sadd.s32 s6, s8;
	[dreg:$0x0] =	wrdreg $0x0  }
0xab: {  	s8 =	sshll.u32 s28, $0x1;
	[dreg:$0x2] =	wrdreg s6  }
0xac: {  	[dreg:$0x3] =	wrdreg s8  }
0xad: {  	[dreg:$0x4] =	wrdreg $0xC0  }
0xae: {  	_ =	task [dreg:s10], $0x5FFFF  }
0xaf: {  	[dreg:$0x1] =	wrdreg $0xFFFFFFFF  }
0xb0: {  	[dreg:$0x0] =	wrdreg $0x60  }
0xb1: {  	[dreg:$0x2] =	wrdreg s2  }
0xb2: {  	[dreg:$0x3] =	wrdreg s18  }
0xb3: {  	[dreg:$0x4] =	wrdreg s24  }
0xb4: {  	[dreg:$0x5] =	wrdreg s4  }
0xb5: {  	[dreg:$0x6] =	wrdreg s5  }
0xb6: {  	[dreg:$0x7] =	wrdreg $0x9  }
0xb7: {  	_ =	task.clear_ibuf [dreg:s10], $0x8FFFF;
	_ =	strace $0x90000049  }
0xb8: {  	s29 =	simm.s32 $0x9;
	_ =	strace $0x8000004B  }
0xb9: {  	_ =	swait.ge [sflag:s29], $0x1  }
0xba: {  	[sflag:s29] =	ssyncadd.s32 $0xFFFFFFFF  }
0xbb: {  	_ =	strace $0x9000004B  }
0xbc: {  	_ =	sfence  }
0xbd: {  	s30 =	sld [smem:$0x0];
	_ =	sdelay $0x2  }
0xbe: {  	s31 =	sshll.u32 s1, $0xD;
	s1 =	sshrl.u32 s1, $0x2  }
0xbf: {  	s3 =	sand.u32 $0x4000, s31;
	s1 =	sadd.s32 s1, s30  }
0xc0: {  	s0 =	sor.u32 s3, s0;
	s1 =	sshll.u32 s1, $0x11  }
0xc1: {  	s0 =	sor.u32 s1, s0  }
0xc2: {  	s0 =	sadd.s32 $0x8F2B, s0  }
0xc3: {  	[sflag:s0] =	ssyncadd.remote.s32 $0x1  }
0xc4: {  	_ =	sfence.sel $0xFFFF  }
0xc5: {  	[dreg:$0x0] =	wrdreg $0xFFFFFFFF;
	(pc) =	sbr.abs _section_cstart, $3  }
0xc6: {  	[dreg:$0x1] =	wrdreg $0xFFFFFFFF  }
0xc7: {  	_ =	task.clear_ibuf [dreg:s10], $0x2FFFF;
	_ =	strace $0x9FFFFFFF  }
0xc8: {  	(tm) =	ssettm $0x7FFFFFFF  }
0xc9: {  	_ =	shalt  }
tec
execute0_lowered:
.L_overlay_start_1:
0x0: {  	(tag) =	ssettag $0x1  }
0x1: {  	s0 =	rddreg [dreg:$0x0]  }
0x2: {  	s1 =	rddreg [dreg:$0x1]  }
0x3: {  	s2 =	rddreg [dreg:$0x2]  }
0x4: {  	s7 =	rddreg [dreg:$0x4];
	s3 =	simm.s32 $0x0  }
0x5: {  	s4 =	srdreg.scid;
	s8 =	stileid.u32;
	s9 =	simm.s32 $0x3  }
0x6: {  	s28 =	simm.s32 $0x9E00;
	s29 =	simm.s32 $0xA200;
	s30 =	simm.s32 $0xA600  }
0x7: {  	s31 =	simm.s32 $0xAA00;
	s10 =	simm.s32 $0xBA00;
	s11 =	simm.s32 $0xBE00  }
0x8: {  	s12 =	simm.s32 $0x2;
	s13 =	simm.s32 $0x1;
	s14 =	simm.s32 $0x1A200  }
0x9: {  	s15 =	simm.s32 $0x0;
	[smem:$0x7FF] =	sst s3;
	s5 =	sand.u32 $0x1, s4  }
0xa: {  	s8 =	sshll.u32 s8, $0x1;
	s4 =	sadd.s32 $0x800, s2;
	_ =	strace $0x8000004A  }
.Ltmp0:
0xb: {  	s6 =	ssub.s32 $0x2, s5;
	s8 =	sor.u32 s5, s8;
	(pc) =	sbr.rel .LBB2_1-.Ltmp0, $4  }
0xc: {  	s24 =	sshrl.u32 s6, $0x1;
	s5 =	sshll.u32 s8, $0x6;
	s25 =	sshll.u32 s8, $0xC  }
0xd: {  	s26 =	sshll.u32 s8, $0x1;
	s2 =	ssub.s32 s6, s24;
	s5 =	sadd.s32 s0, s5  }
0xe: {  	s6 =	sadd.s32 s1, s25;
	s7 =	sadd.s32 s7, s26;
	s0 =	simm.s32 $0xAE00  }
0xf: {  	s1 =	simm.s32 $0xB600;
	s8 =	smax.u32 s2, $0x1;
	s2 =	simm.s32 $0xB200  }
.LBB2_5:
0x10: {  	v0 =	vadd.f32 v3, v4;
	v1 =	vadd.f32 v1, v2;
	_ =	sdelay $0x1  }
0x11: {  	s15 =	sadd.s32 $0x1, s15;
	v0 =	vadd.f32 v1, v0  }
0x12: {  	p0 =	sne.s32 s15, s8  }
.Ltmp1:
0x13: {  	[tilespmem:$0x1A200] =	vst v0;
	(pc) =	sbr.rel @!p0 .LBB2_6-.Ltmp1, $4  }
0x14: {  	[hbm4b:s7+s3] =	stream.linear.scatter [tilespmem:s14], [sflag:$0x3], $0x10, $0x38;
	[tilespmem:$0x1A280] =	vst v63  }
0x15: {  	_ =	swait.ge [sflag:s9], $0x10  }
0x16: {  	[sflag:s9] =	ssyncset.done $0x0  }
0x17: {  	[sflag:s9] =	ssyncadd.s32 $0xFFFFFFF0  }
.LBB2_1:
0x18: {  	[tilespmem:s3], [sflag:$0x3] =	stream.linear.gather [hbm4b:s5+s3], $0x200, $0x38;
	[tilespmem:$0x1A280] =	vst v63  }
0x19: {  	_ =	swait.ge [sflag:s9], $0x200  }
0x1a: {  	[sflag:s9] =	ssyncset.done $0x0  }
0x1b: {  	[sflag:s9] =	ssyncadd.s32 $0xFFFFFE00  }
0x1c: {  	s17 =	simm.s32 $0x18200;
	s16 =	rddreg [dreg:$0x3]  }
0x1d: {  	[tilespmem:s17], [sflag:$0x3] =	stream.linear.gather [hbm4b:s16+s3], $0x2000, $0x38;
	[tilespmem:$0x1A280] =	vst v63  }
0x1e: {  	_ =	swait.ge [sflag:s9], $0x2000  }
0x1f: {  	[sflag:s9] =	ssyncset.done $0x0  }
0x20: {  	s18 =	simm.s32 $0x10200;
	[sflag:s9] =	ssyncadd.s32 $0xFFFFE000  }
0x21: {  	[tilespmem:s18], [sflag:$0x2] =	stream.linear.gather [hbm4b:s6+s3], $0x8000, $0x38;
	[tilespmem:$0x1A280] =	vst v63  }
0x22: {  	v0 =	vld [tilespmem:$0x0];
	_ =	sdelay $0x4  }
0x23: {  	v0 =	vand.u32 $0xFFFFFFF8, v0  }
0x24: {  	v0 =	vshll.u32 v0, $0x4  }
0x25: {  	v0 =	vadd.s32 s4, v0  }
0x26: {  	(v2sf) =	vpush v0, $0x0;
	_ =	sdelay $0x1  }
0x27: {  	(v2sf) =	vpush v0, $0x1;
	_ =	sdelay $0x1  }
0x28: {  	(v2sf) =	vpush v0, $0x2;
	_ =	sdelay $0x1  }
0x29: {  	(v2sf) =	vpush v0, $0x3;
	_ =	sdelay $0x1  }
0x2a: {  	(v2sf) =	vpush v0, $0x4;
	_ =	sdelay $0x1  }
0x2b: {  	(v2sf) =	vpush v0, $0x5;
	_ =	sdelay $0x1  }
0x2c: {  	(v2sf) =	vpush v0, $0x6;
	_ =	sdelay $0x1  }
0x2d: {  	(v2sf) =	vpush v0, $0x7  }
0x2e: {  	s20 =	simm.s32 $0x200;
	s19 =	spop (v2sf)  }
0x2f: {  	(v2sf) =	vpush v0, $0x8;
	[tilespmem:s20], [sflag:$0x1] =	stream.linear.gather [hbm4b:s19+s3], $0x400, $0x38;
	[tilespmem:$0x1A280] =	vst v63  }
0x30: {  	s22 =	simm.s32 $0x600;
	s21 =	spop (v2sf)  }
0x31: {  	(v2sf) =	vpush v0, $0x9;
	[tilespmem:s22], [sflag:$0x1] =	stream.linear.gather [hbm4b:s21+s3], $0x400, $0x38;
	[tilespmem:$0x1A280] =	vst v63  }
0x32: {  	s24 =	simm.s32 $0xA00;
	s23 =	spop (v2sf)  }
0x33: {  	(v2sf) =	vpush v0, $0xA;
	[tilespmem:s24], [sflag:$0x1] =	stream.linear.gather [hbm4b:s23+s3], $0x400, $0x38;
	[tilespmem:$0x1A280] =	vst v63  }
0x34: {  	s26 =	simm.s32 $0xE00;
	s25 =	spop (v2sf)  }
0x35: {  	(v2sf) =	vpush v0, $0xB;
	[tilespmem:s26], [sflag:$0x1] =	stream.linear.gather [hbm4b:s25+s3], $0x400, $0x38;
	[tilespmem:$0x1A280] =	vst v63  }
0x36: {  	s18 =	simm.s32 $0x1200;
	s17 =	spop (v2sf)  }
0x37: {  	(v2sf) =	vpush v0, $0xC;
	[tilespmem:s18], [sflag:$0x1] =	stream.linear.gather [hbm4b:s17+s3], $0x400, $0x38;
	[tilespmem:$0x1A280] =	vst v63  }
0x38: {  	s20 =	simm.s32 $0x1600;
	s19 =	spop (v2sf)  }
0x39: {  	(v2sf) =	vpush v0, $0xD;
	[tilespmem:s20], [sflag:$0x1] =	stream.linear.gather [hbm4b:s19+s3], $0x400, $0x38;
	[tilespmem:$0x1A280] =	vst v63  }
0x3a: {  	s22 =	simm.s32 $0x1A00;
	s21 =	spop (v2sf)  }
0x3b: {  	(v2sf) =	vpush v0, $0xE;
	[tilespmem:s22], [sflag:$0x1] =	stream.linear.gather [hbm4b:s21+s3], $0x400, $0x38;
	[tilespmem:$0x1A280] =	vst v63  }
0x3c: {  	s24 =	simm.s32 $0x1E00;
	s23 =	spop (v2sf)  }
0x3d: {  	(v2sf) =	vpush v0, $0xF;
	[tilespmem:s24], [sflag:$0x1] =	stream.linear.gather [hbm4b:s23+s3], $0x400, $0x38;
	[tilespmem:$0x1A280] =	vst v63  }
0x3e: {  	s26 =	simm.s32 $0x2200;
	s25 =	spop (v2sf)  }
0x3f: {  	[tilespmem:s26], [sflag:$0x1] =	stream.linear.gather [hbm4b:s25+s3], $0x400, $0x38;
	[tilespmem:$0x1A280] =	vst v63  }
0x40: {  	s18 =	simm.s32 $0x2600;
	s17 =	spop (v2sf)  }
0x41: {  	[tilespmem:s18], [sflag:$0x1] =	stream.linear.gather [hbm4b:s17+s3], $0x400, $0x38;
	[tilespmem:$0x1A280] =	vst v63  }
0x42: {  	s20 =	simm.s32 $0x2A00;
	s19 =	spop (v2sf)  }
0x43: {  	[tilespmem:s20], [sflag:$0x1] =	stream.linear.gather [hbm4b:s19+s3], $0x400, $0x38;
	[tilespmem:$0x1A280] =	vst v63  }
0x44: {  	s22 =	simm.s32 $0x2E00;
	s21 =	spop (v2sf)  }
0x45: {  	[tilespmem:s22], [sflag:$0x1] =	stream.linear.gather [hbm4b:s21+s3], $0x400, $0x38;
	[tilespmem:$0x1A280] =	vst v63  }
0x46: {  	s24 =	simm.s32 $0x3200;
	s23 =	spop (v2sf)  }
0x47: {  	[tilespmem:s24], [sflag:$0x1] =	stream.linear.gather [hbm4b:s23+s3], $0x400, $0x38;
	[tilespmem:$0x1A280] =	vst v63  }
0x48: {  	s26 =	simm.s32 $0x3600;
	s25 =	spop (v2sf)  }
0x49: {  	[tilespmem:s26], [sflag:$0x1] =	stream.linear.gather [hbm4b:s25+s3], $0x400, $0x38;
	[tilespmem:$0x1A280] =	vst v63  }
0x4a: {  	s18 =	simm.s32 $0x3A00;
	s17 =	spop (v2sf)  }
0x4b: {  	[tilespmem:s18], [sflag:$0x1] =	stream.linear.gather [hbm4b:s17+s3], $0x400, $0x38;
	[tilespmem:$0x1A280] =	vst v63  }
0x4c: {  	s20 =	simm.s32 $0x3E00;
	s19 =	spop (v2sf)  }
0x4d: {  	[tilespmem:s20], [sflag:$0x1] =	stream.linear.gather [hbm4b:s19+s3], $0x400, $0x38;
	[tilespmem:$0x1A280] =	vst v63  }
0x4e: {  	v0 =	vld [tilespmem:$0x10];
	_ =	sdelay $0x4  }
0x4f: {  	v0 =	vand.u32 $0xFFFFFFF8, v0  }
0x50: {  	v0 =	vshll.u32 v0, $0x4  }
0x51: {  	v0 =	vadd.s32 s4, v0  }
0x52: {  	(v2sf) =	vpush v0, $0x0;
	_ =	sdelay $0x1  }
0x53: {  	(v2sf) =	vpush v0, $0x1;
	_ =	sdelay $0x1  }
0x54: {  	(v2sf) =	vpush v0, $0x2;
	_ =	sdelay $0x1  }
0x55: {  	(v2sf) =	vpush v0, $0x3;
	_ =	sdelay $0x1  }
0x56: {  	(v2sf) =	vpush v0, $0x4;
	_ =	sdelay $0x1  }
0x57: {  	(v2sf) =	vpush v0, $0x5;
	_ =	sdelay $0x1  }
0x58: {  	(v2sf) =	vpush v0, $0x6;
	_ =	sdelay $0x1  }
0x59: {  	(v2sf) =	vpush v0, $0x7  }
0x5a: {  	s22 =	simm.s32 $0x4200;
	s21 =	spop (v2sf)  }
0x5b: {  	(v2sf) =	vpush v0, $0x8;
	[tilespmem:s22], [sflag:$0x1] =	stream.linear.gather [hbm4b:s21+s3], $0x400, $0x38;
	[tilespmem:$0x1A280] =	vst v63  }
0x5c: {  	s24 =	simm.s32 $0x4600;
	s23 =	spop (v2sf)  }
0x5d: {  	(v2sf) =	vpush v0, $0x9;
	[tilespmem:s24], [sflag:$0x1] =	stream.linear.gather [hbm4b:s23+s3], $0x400, $0x38;
	[tilespmem:$0x1A280] =	vst v63  }
0x5e: {  	s26 =	simm.s32 $0x4A00;
	s25 =	spop (v2sf)  }
0x5f: {  	(v2sf) =	vpush v0, $0xA;
	[tilespmem:s26], [sflag:$0x1] =	stream.linear.gather [hbm4b:s25+s3], $0x400, $0x38;
	[tilespmem:$0x1A280] =	vst v63  }
0x60: {  	s18 =	simm.s32 $0x4E00;
	s17 =	spop (v2sf)  }
0x61: {  	(v2sf) =	vpush v0, $0xB;
	[tilespmem:s18], [sflag:$0x1] =	stream.linear.gather [hbm4b:s17+s3], $0x400, $0x38;
	[tilespmem:$0x1A280] =	vst v63  }
0x62: {  	s20 =	simm.s32 $0x5200;
	s19 =	spop (v2sf)  }
0x63: {  	(v2sf) =	vpush v0, $0xC;
	[tilespmem:s20], [sflag:$0x1] =	stream.linear.gather [hbm4b:s19+s3], $0x400, $0x38;
	[tilespmem:$0x1A280] =	vst v63  }
0x64: {  	s22 =	simm.s32 $0x5600;
	s21 =	spop (v2sf)  }
0x65: {  	(v2sf) =	vpush v0, $0xD;
	[tilespmem:s22], [sflag:$0x1] =	stream.linear.gather [hbm4b:s21+s3], $0x400, $0x38;
	[tilespmem:$0x1A280] =	vst v63  }
0x66: {  	s24 =	simm.s32 $0x5A00;
	s23 =	spop (v2sf)  }
0x67: {  	(v2sf) =	vpush v0, $0xE;
	[tilespmem:s24], [sflag:$0x1] =	stream.linear.gather [hbm4b:s23+s3], $0x400, $0x38;
	[tilespmem:$0x1A280] =	vst v63  }
0x68: {  	s26 =	simm.s32 $0x5E00;
	s25 =	spop (v2sf)  }
0x69: {  	(v2sf) =	vpush v0, $0xF;
	[tilespmem:s26], [sflag:$0x1] =	stream.linear.gather [hbm4b:s25+s3], $0x400, $0x38;
	[tilespmem:$0x1A280] =	vst v63  }
0x6a: {  	s18 =	simm.s32 $0x6200;
	s17 =	spop (v2sf)  }
0x6b: {  	[tilespmem:s18], [sflag:$0x1] =	stream.linear.gather [hbm4b:s17+s3], $0x400, $0x38;
	[tilespmem:$0x1A280] =	vst v63  }
0x6c: {  	s20 =	simm.s32 $0x6600;
	s19 =	spop (v2sf)  }
0x6d: {  	[tilespmem:s20], [sflag:$0x1] =	stream.linear.gather [hbm4b:s19+s3], $0x400, $0x38;
	[tilespmem:$0x1A280] =	vst v63  }
0x6e: {  	s22 =	simm.s32 $0x6A00;
	s21 =	spop (v2sf)  }
0x6f: {  	[tilespmem:s22], [sflag:$0x1] =	stream.linear.gather [hbm4b:s21+s3], $0x400, $0x38;
	[tilespmem:$0x1A280] =	vst v63  }
0x70: {  	s24 =	simm.s32 $0x6E00;
	s23 =	spop (v2sf)  }
0x71: {  	[tilespmem:s24], [sflag:$0x1] =	stream.linear.gather [hbm4b:s23+s3], $0x400, $0x38;
	[tilespmem:$0x1A280] =	vst v63  }
0x72: {  	s26 =	simm.s32 $0x7200;
	s25 =	spop (v2sf)  }
0x73: {  	[tilespmem:s26], [sflag:$0x1] =	stream.linear.gather [hbm4b:s25+s3], $0x400, $0x38;
	[tilespmem:$0x1A280] =	vst v63  }
0x74: {  	s18 =	simm.s32 $0x7600;
	s17 =	spop (v2sf)  }
0x75: {  	[tilespmem:s18], [sflag:$0x1] =	stream.linear.gather [hbm4b:s17+s3], $0x400, $0x38;
	[tilespmem:$0x1A280] =	vst v63  }
0x76: {  	s20 =	simm.s32 $0x7A00;
	s19 =	spop (v2sf)  }
0x77: {  	[tilespmem:s20], [sflag:$0x1] =	stream.linear.gather [hbm4b:s19+s3], $0x400, $0x38;
	[tilespmem:$0x1A280] =	vst v63  }
0x78: {  	s22 =	simm.s32 $0x7E00;
	s21 =	spop (v2sf)  }
0x79: {  	[tilespmem:s22], [sflag:$0x1] =	stream.linear.gather [hbm4b:s21+s3], $0x400, $0x38;
	[tilespmem:$0x1A280] =	vst v63  }
0x7a: {  	v0 =	vld [tilespmem:$0x20];
	_ =	sdelay $0x4  }
0x7b: {  	v0 =	vand.u32 $0xFFFFFFF8, v0  }
0x7c: {  	v0 =	vshll.u32 v0, $0x4  }
0x7d: {  	v0 =	vadd.s32 s4, v0  }
0x7e: {  	(v2sf) =	vpush v0, $0x0;
	_ =	sdelay $0x1  }
0x7f: {  	(v2sf) =	vpush v0, $0x1;
	_ =	sdelay $0x1  }
0x80: {  	(v2sf) =	vpush v0, $0x2;
	_ =	sdelay $0x1  }
0x81: {  	(v2sf) =	vpush v0, $0x3;
	_ =	sdelay $0x1  }
0x82: {  	(v2sf) =	vpush v0, $0x4;
	_ =	sdelay $0x1  }
0x83: {  	(v2sf) =	vpush v0, $0x5;
	_ =	sdelay $0x1  }
0x84: {  	(v2sf) =	vpush v0, $0x6;
	_ =	sdelay $0x1  }
0x85: {  	(v2sf) =	vpush v0, $0x7  }
0x86: {  	s24 =	simm.s32 $0x8200;
	s23 =	spop (v2sf)  }
0x87: {  	(v2sf) =	vpush v0, $0x8;
	[tilespmem:s24], [sflag:$0x1] =	stream.linear.gather [hbm4b:s23+s3], $0x400, $0x38;
	[tilespmem:$0x1A280] =	vst v63  }
0x88: {  	s26 =	simm.s32 $0x8600;
	s25 =	spop (v2sf)  }
0x89: {  	(v2sf) =	vpush v0, $0x9;
	[tilespmem:s26], [sflag:$0x1] =	stream.linear.gather [hbm4b:s25+s3], $0x400, $0x38;
	[tilespmem:$0x1A280] =	vst v63  }
0x8a: {  	s18 =	simm.s32 $0x8A00;
	s17 =	spop (v2sf)  }
0x8b: {  	(v2sf) =	vpush v0, $0xA;
	[tilespmem:s18], [sflag:$0x1] =	stream.linear.gather [hbm4b:s17+s3], $0x400, $0x38;
	[tilespmem:$0x1A280] =	vst v63  }
0x8c: {  	s20 =	simm.s32 $0x8E00;
	s19 =	spop (v2sf)  }
0x8d: {  	(v2sf) =	vpush v0, $0xB;
	[tilespmem:s20], [sflag:$0x1] =	stream.linear.gather [hbm4b:s19+s3], $0x400, $0x38;
	[tilespmem:$0x1A280] =	vst v63  }
0x8e: {  	s22 =	simm.s32 $0x9200;
	s21 =	spop (v2sf)  }
0x8f: {  	(v2sf) =	vpush v0, $0xC;
	[tilespmem:s22], [sflag:$0x1] =	stream.linear.gather [hbm4b:s21+s3], $0x400, $0x38;
	[tilespmem:$0x1A280] =	vst v63  }
0x90: {  	s24 =	simm.s32 $0x9600;
	s23 =	spop (v2sf)  }
0x91: {  	(v2sf) =	vpush v0, $0xD;
	[tilespmem:s24], [sflag:$0x1] =	stream.linear.gather [hbm4b:s23+s3], $0x400, $0x38;
	[tilespmem:$0x1A280] =	vst v63  }
0x92: {  	s26 =	simm.s32 $0x9A00;
	s25 =	spop (v2sf)  }
0x93: {  	(v2sf) =	vpush v0, $0xE;
	[tilespmem:s26], [sflag:$0x1] =	stream.linear.gather [hbm4b:s25+s3], $0x400, $0x38;
	[tilespmem:$0x1A280] =	vst v63  }
0x94: {  	s18 =	spop (v2sf)  }
0x95: {  	(v2sf) =	vpush v0, $0xF;
	[tilespmem:s28], [sflag:$0x1] =	stream.linear.gather [hbm4b:s18+s3], $0x400, $0x38;
	[tilespmem:$0x1A280] =	vst v63  }
0x96: {  	s19 =	spop (v2sf)  }
0x97: {  	[tilespmem:s29], [sflag:$0x1] =	stream.linear.gather [hbm4b:s19+s3], $0x400, $0x38;
	[tilespmem:$0x1A280] =	vst v63  }
0x98: {  	s20 =	spop (v2sf)  }
0x99: {  	[tilespmem:s30], [sflag:$0x1] =	stream.linear.gather [hbm4b:s20+s3], $0x400, $0x38;
	[tilespmem:$0x1A280] =	vst v63  }
0x9a: {  	s21 =	spop (v2sf)  }
0x9b: {  	[tilespmem:s31], [sflag:$0x1] =	stream.linear.gather [hbm4b:s21+s3], $0x400, $0x38;
	[tilespmem:$0x1A280] =	vst v63  }
0x9c: {  	s22 =	spop (v2sf)  }
0x9d: {  	[tilespmem:s0], [sflag:$0x1] =	stream.linear.gather [hbm4b:s22+s3], $0x400, $0x38;
	[tilespmem:$0x1A280] =	vst v63  }
0x9e: {  	s23 =	spop (v2sf)  }
0x9f: {  	[tilespmem:s2], [sflag:$0x1] =	stream.linear.gather [hbm4b:s23+s3], $0x400, $0x38;
	[tilespmem:$0x1A280] =	vst v63  }
0xa0: {  	s24 =	spop (v2sf)  }
0xa1: {  	[tilespmem:s1], [sflag:$0x1] =	stream.linear.gather [hbm4b:s24+s3], $0x400, $0x38;
	[tilespmem:$0x1A280] =	vst v63  }
0xa2: {  	s25 =	spop (v2sf)  }
0xa3: {  	[tilespmem:s10], [sflag:$0x1] =	stream.linear.gather [hbm4b:s25+s3], $0x400, $0x38;
	[tilespmem:$0x1A280] =	vst v63  }
.Ltmp2:
0xa4: {  	s26 =	spop (v2sf);
	(pc) =	sbr.rel .LBB2_2-.Ltmp2, $4  }
0xa5: {  	[tilespmem:s11], [sflag:$0x1] =	stream.linear.gather [hbm4b:s26+s3], $0x400, $0x38;
	[tilespmem:$0x1A280] =	vst v63  }
0xa6: {  	_ =	swait.ge [sflag:s12], $0x8000  }
0xa7: {  	v1 =	vimm.f32 $0.0e+00;
	s16 =	simm.s32 $0x10400;
	s17 =	simm.s32 $0x0;
	[sflag:s12] =	ssyncset.done $0x0  }
0xa8: {  	v2 =	vimm.f32 $0.0e+00;
	v3 =	vimm.f32 $0.0e+00;
	v4 =	vimm.f32 $0.0e+00;
	s18 =	simm.s32 $0x0;
	s19 =	simm.s32 $0x0;
	[sflag:s12] =	ssyncadd.s32 $0xFFFF8000  }
.LBB2_4:
0xa9: {  	_ =	swait.ge [sflag:s13], $0x400  }
0xaa: {  	[sflag:s13] =	ssyncset.done $0x0  }
0xab: {  	[sflag:s13] =	ssyncadd.s32 $0xFFFFFC00  }
0xac: {  	_ =	swait.ge [sflag:s13], $0x400  }
0xad: {  	[sflag:s13] =	ssyncset.done $0x0  }
0xae: {  	[sflag:s13] =	ssyncadd.s32 $0xFFFFFC00  }
0xaf: {  	_ =	swait.ge [sflag:s13], $0x400  }
0xb0: {  	[sflag:s13] =	ssyncset.done $0x0  }
0xb1: {  	[sflag:s13] =	ssyncadd.s32 $0xFFFFFC00  }
0xb2: {  	_ =	swait.ge [sflag:s13], $0x400  }
0xb3: {  	[sflag:s13] =	ssyncset.done $0x0  }
0xb4: {  	[sflag:s13] =	ssyncadd.s32 $0xFFFFFC00  }
0xb5: {  	_ =	swait.ge [sflag:s13], $0x400  }
0xb6: {  	[sflag:s13] =	ssyncset.done $0x0  }
0xb7: {  	[sflag:s13] =	ssyncadd.s32 $0xFFFFFC00  }
0xb8: {  	_ =	swait.ge [sflag:s13], $0x400  }
0xb9: {  	[sflag:s13] =	ssyncset.done $0x0  }
0xba: {  	[sflag:s13] =	ssyncadd.s32 $0xFFFFFC00  }
0xbb: {  	_ =	swait.ge [sflag:s13], $0x400  }
0xbc: {  	[sflag:s13] =	ssyncset.done $0x0  }
0xbd: {  	[sflag:s13] =	ssyncadd.s32 $0xFFFFFC00  }
0xbe: {  	_ =	swait.ge [sflag:s13], $0x400  }
0xbf: {  	[sflag:s13] =	ssyncset.done $0x0  }
0xc0: {  	[sflag:s13] =	ssyncadd.s32 $0xFFFFFC00  }
0xc1: {  	_ =	swait.ge [sflag:s13], $0x400  }
0xc2: {  	[sflag:s13] =	ssyncset.done $0x0  }
0xc3: {  	[sflag:s13] =	ssyncadd.s32 $0xFFFFFC00  }
0xc4: {  	_ =	swait.ge [sflag:s13], $0x400  }
0xc5: {  	[sflag:s13] =	ssyncset.done $0x0  }
0xc6: {  	[sflag:s13] =	ssyncadd.s32 $0xFFFFFC00  }
0xc7: {  	_ =	swait.ge [sflag:s13], $0x400  }
0xc8: {  	[sflag:s13] =	ssyncset.done $0x0  }
0xc9: {  	[sflag:s13] =	ssyncadd.s32 $0xFFFFFC00  }
0xca: {  	_ =	swait.ge [sflag:s13], $0x400  }
0xcb: {  	[sflag:s13] =	ssyncset.done $0x0  }
0xcc: {  	[sflag:s13] =	ssyncadd.s32 $0xFFFFFC00  }
0xcd: {  	_ =	swait.ge [sflag:s13], $0x400  }
0xce: {  	[sflag:s13] =	ssyncset.done $0x0  }
0xcf: {  	[sflag:s13] =	ssyncadd.s32 $0xFFFFFC00  }
0xd0: {  	_ =	swait.ge [sflag:s13], $0x400  }
0xd1: {  	[sflag:s13] =	ssyncset.done $0x0  }
0xd2: {  	[sflag:s13] =	ssyncadd.s32 $0xFFFFFC00  }
0xd3: {  	_ =	swait.ge [sflag:s13], $0x400  }
0xd4: {  	[sflag:s13] =	ssyncset.done $0x0  }
0xd5: {  	[sflag:s13] =	ssyncadd.s32 $0xFFFFFC00  }
0xd6: {  	_ =	swait.ge [sflag:s13], $0x400  }
0xd7: {  	[sflag:s13] =	ssyncset.done $0x0  }
0xd8: {  	[sflag:s13] =	ssyncadd.s32 $0xFFFFFC00  }
0xd9: {  	v0 =	vld [tilespmem:s17+$0x0];
	_ =	sdelay $0x4  }
0xda: {  	(v2sf) =	vpush v0, $0x0;
	_ =	sdelay $0x7  }
0xdb: {  	(v2sf) =	vpush v0, $0x1;
	_ =	sdelay $0x6  }
0xdc: {  	s21 =	spop (v2sf)  }
0xdd: {  	(v2sf) =	vpush v0, $0x2;
	s22 =	sadd.s32 $0xFFF0BE00, s21  }
0xde: {  	p0 =	sgt.s32 s22, $0x0  }
0xdf: {  	s20 =	sand.u32 $0xC000, s18;
	s23 =	sshll.u32 s21, $0x7;
	s22 =	simm.s32 @!p0 $0x0  }
0xe0: {  	s20 =	sor.u32 $0x200, s20;
	s23 =	sand.u32 $0x380, s23;
	s22 =	sshll.u32 s22, $0x9  }
0xe1: {  	s24 =	sadd.s32 s23, s20;
	s22 =	sshra.s32 s22, $0x2  }
0xe2: {  	p0 =	sgt.s32 s21, $0xF41FF;
	s23 =	smov.u32 s24;
	s21 =	sadd.s32 $0x18200, s22  }
0xe3: {  	v13 =	vld [tilespmem:s16+$0xFFFFFE00];
	s23 =	smov.u32 @p0 s21  }
0xe4: {  	s25 =	sadd.s32 $0x18210, s22;
	s21 =	sor.u32 $0x10, s24;
	v28 =	vld [tilespmem:s23+$0x0];
	s23 =	spop (v2sf)  }
0xe5: {  	v31 =	vld [tilespmem:s16+$0xFFFFFE10];
	(v2sf) =	vpush v0, $0x3;
	s21 =	smov.u32 @p0 s25;
	s25 =	sadd.s32 $0x18220, s22;
	s26 =	sadd.s32 $0xFFF0BE00, s23  }
0xe6: {  	v20 =	vld [tilespmem:s21+$0x0];
	s21 =	sor.u32 $0x20, s24;
	s24 =	sor.u32 $0x30, s24;
	p1 =	sgt.s32 s26, $0x0  }
0xe7: {  	v37 =	vld [tilespmem:s16+$0xFFFFFE20];
	s21 =	smov.u32 @p0 s25;
	s25 =	sshll.u32 s23, $0x7;
	s26 =	simm.s32 @!p1 $0x0  }
0xe8: {  	v48 =	vld [tilespmem:s21+$0x0];
	s21 =	sadd.s32 $0x18230, s22;
	s25 =	sand.u32 $0x380, s25;
	s26 =	sshll.u32 s26, $0x9  }
0xe9: {  	v43 =	vld [tilespmem:s16+$0xFFFFFE30];
	s24 =	smov.u32 @p0 s21;
	s21 =	sadd.s32 s25, s20;
	s22 =	sshra.s32 s26, $0x2  }
0xea: {  	p0 =	sgt.s32 s23, $0xF41FF;
	v56 =	vld [tilespmem:s24+$0x0];
	s23 =	sadd.s32 $0x400, s21;
	s24 =	sadd.s32 $0x18200, s22  }
0xeb: {  	v9 =	vld [tilespmem:s16+$0xFFFFFE40];
	s23 =	smov.u32 @p0 s24  }
0xec: {  	s25 =	sadd.s32 $0x18210, s22;
	s24 =	sadd.s32 $0x410, s21;
	v18 =	vld [tilespmem:s23+$0x0];
	s23 =	spop (v2sf)  }
0xed: {  	v23 =	vld [tilespmem:s16+$0xFFFFFE50];
	s24 =	smov.u32 @p0 s25;
	s25 =	sadd.s32 $0x18220, s22;
	(v2sf) =	vpush v0, $0x4;
	s26 =	sadd.s32 $0xFFF0BE00, s23  }
0xee: {  	s22 =	sadd.s32 $0x18230, s22;
	v14 =	vld [tilespmem:s24+$0x0];
	s24 =	sadd.s32 $0x420, s21;
	p1 =	sgt.s32 s26, $0x0  }
0xef: {  	v29 =	vld [tilespmem:s16+$0xFFFFFE60];
	s24 =	smov.u32 @p0 s25;
	s25 =	sshll.u32 s23, $0x7;
	s26 =	simm.s32 @!p1 $0x0  }
0xf0: {  	v34 =	vld [tilespmem:s16+$0xFFFFFE70];
	s21 =	sadd.s32 $0x430, s21;
	s25 =	sand.u32 $0x380, s25;
	s26 =	sshll.u32 s26, $0x9  }
0xf1: {  	s21 =	smov.u32 @p0 s22;
	v38 =	vld [tilespmem:s24+$0x0];
	s22 =	sadd.s32 s25, s20;
	s24 =	sshra.s32 s26, $0x2  }
0xf2: {  	p0 =	sgt.s32 s23, $0xF41FF;
	v44 =	vld [tilespmem:s21+$0x0];
	s21 =	sor.u32 $0x800, s22;
	s23 =	sadd.s32 $0x18200, s24  }
0xf3: {  	v41 =	vld [tilespmem:s16+$0xFFFFFE80];
	s21 =	smov.u32 @p0 s23  }
0xf4: {  	s25 =	sadd.s32 $0x18210, s24;
	s23 =	sor.u32 $0x810, s22;
	v52 =	vld [tilespmem:s21+$0x0];
	s21 =	spop (v2sf)  }
0xf5: {  	v61 =	vld [tilespmem:s16+$0xFFFFFE90];
	s23 =	smov.u32 @p0 s25;
	s25 =	sadd.s32 $0x18220, s24;
	(v2sf) =	vpush v0, $0x5;
	s26 =	sadd.s32 $0xFFF0BE00, s21  }
0xf6: {  	v54 =	vld [tilespmem:s23+$0x0];
	s23 =	sor.u32 $0x820, s22;
	s22 =	sor.u32 $0x830, s22;
	p1 =	sgt.s32 s26, $0x0  }
0xf7: {  	v6 =	vld [tilespmem:s16+$0xFFFFFEA0];
	s23 =	smov.u32 @p0 s25;
	s25 =	sshll.u32 s21, $0x7;
	s26 =	simm.s32 @!p1 $0x0  }
0xf8: {  	v11 =	vld [tilespmem:s23+$0x0];
	s23 =	sadd.s32 $0x18230, s24;
	s25 =	sand.u32 $0x380, s25;
	s26 =	sshll.u32 s26, $0x9  }
0xf9: {  	v19 =	vld [tilespmem:s16+$0xFFFFFEB0];
	s22 =	smov.u32 @p0 s23;
	s23 =	sadd.s32 s25, s20;
	s24 =	sshra.s32 s26, $0x2  }
0xfa: {  	p0 =	sgt.s32 s21, $0xF41FF;
	v26 =	vld [tilespmem:s22+$0x0];
	s21 =	sadd.s32 $0xC00, s23;
	s22 =	sadd.s32 $0x18200, s24  }
0xfb: {  	v24 =	vld [tilespmem:s16+$0xFFFFFEC0];
	s21 =	smov.u32 @p0 s22  }
0xfc: {  	s25 =	sadd.s32 $0x18210, s24;
	s22 =	sadd.s32 $0xC10, s23;
	v32 =	vld [tilespmem:s21+$0x0];
	s21 =	spop (v2sf)  }
0xfd: {  	v53 =	vld [tilespmem:s16+$0xFFFFFED0];
	s22 =	smov.u32 @p0 s25;
	s25 =	sadd.s32 $0x18220, s24;
	(v2sf) =	vpush v0, $0x6;
	s26 =	sadd.s32 $0xFFF0BE00, s21  }
0xfe: {  	v39 =	vld [tilespmem:s22+$0x0];
	s22 =	sadd.s32 $0xC20, s23;
	s23 =	sadd.s32 $0xC30, s23;
	p1 =	sgt.s32 s26, $0x0  }
0xff: {  	v45 =	vld [tilespmem:s16+$0xFFFFFEE0];
	s22 =	smov.u32 @p0 s25;
	s25 =	sshll.u32 s21, $0x7;
	s26 =	simm.s32 @!p1 $0x0  }
0x100: {  	v57 =	vld [tilespmem:s22+$0x0];
	s22 =	sadd.s32 $0x18230, s24;
	s25 =	sand.u32 $0x380, s25;
	s26 =	sshll.u32 s26, $0x9  }
0x101: {  	v46 =	vld [tilespmem:s16+$0xFFFFFEF0];
	s23 =	smov.u32 @p0 s22;
	s22 =	sadd.s32 s25, s20;
	s24 =	sshra.s32 s26, $0x2  }
0x102: {  	p0 =	sgt.s32 s21, $0xF41FF;
	v58 =	vld [tilespmem:s23+$0x0];
	s21 =	sor.u32 $0x1000, s22;
	s23 =	sadd.s32 $0x18200, s24  }
0x103: {  	v8 =	vld [tilespmem:s16+$0xFFFFFF00];
	s21 =	smov.u32 @p0 s23  }
0x104: {  	s25 =	sadd.s32 $0x18210, s24;
	s23 =	sor.u32 $0x1010, s22;
	v16 =	vld [tilespmem:s21+$0x0];
	s21 =	spop (v2sf)  }
0x105: {  	v21 =	vld [tilespmem:s16+$0xFFFFFF10];
	s23 =	smov.u32 @p0 s25;
	s25 =	sadd.s32 $0x18220, s24;
	(v2sf) =	vpush v0, $0x7;
	s26 =	sadd.s32 $0xFFF0BE00, s21  }
0x106: {  	v12 =	vld [tilespmem:s23+$0x0];
	s23 =	sor.u32 $0x1020, s22;
	s22 =	sor.u32 $0x1030, s22;
	p1 =	sgt.s32 s26, $0x0  }
0x107: {  	v27 =	vld [tilespmem:s16+$0xFFFFFF20];
	s23 =	smov.u32 @p0 s25;
	s25 =	sshll.u32 s21, $0x7;
	s26 =	simm.s32 @!p1 $0x0  }
0x108: {  	v35 =	vld [tilespmem:s23+$0x0];
	s23 =	sadd.s32 $0x18230, s24;
	s25 =	sand.u32 $0x380, s25;
	s26 =	sshll.u32 s26, $0x9  }
0x109: {  	v33 =	vld [tilespmem:s16+$0xFFFFFF30];
	s22 =	smov.u32 @p0 s23;
	s23 =	sadd.s32 s25, s20;
	s24 =	sshra.s32 s26, $0x2  }
0x10a: {  	p0 =	sgt.s32 s21, $0xF41FF;
	v42 =	vld [tilespmem:s22+$0x0];
	s21 =	sadd.s32 $0x1400, s23;
	s22 =	sadd.s32 $0x18200, s24  }
0x10b: {  	v49 =	vld [tilespmem:s16+$0xFFFFFF40];
	s21 =	smov.u32 @p0 s22  }
0x10c: {  	s25 =	sadd.s32 $0x18210, s24;
	s22 =	sadd.s32 $0x1410, s23;
	v60 =	vld [tilespmem:s21+$0x0];
	s21 =	spop (v2sf)  }
0x10d: {  	v62 =	vld [tilespmem:s16+$0xFFFFFF50];
	s22 =	smov.u32 @p0 s25;
	s25 =	sadd.s32 $0x18220, s24;
	(v2sf) =	vpush v0, $0x8;
	s26 =	sadd.s32 $0xFFF0BE00, s21  }
0x10e: {  	v55 =	vld [tilespmem:s22+$0x0];
	s22 =	sadd.s32 $0x1420, s23;
	s23 =	sadd.s32 $0x1430, s23;
	p1 =	sgt.s32 s26, $0x0  }
0x10f: {  	v5 =	vld [tilespmem:s16+$0xFFFFFF60];
	s22 =	smov.u32 @p0 s25;
	s25 =	sshll.u32 s21, $0x7;
	s26 =	simm.s32 @!p1 $0x0  }
0x110: {  	v10 =	vld [tilespmem:s22+$0x0];
	s22 =	sadd.s32 $0x18230, s24;
	s25 =	sand.u32 $0x380, s25;
	s26 =	sshll.u32 s26, $0x9  }
0x111: {  	v17 =	vld [tilespmem:s16+$0xFFFFFF70];
	s23 =	smov.u32 @p0 s22;
	s22 =	sadd.s32 s25, s20;
	s24 =	sshra.s32 s26, $0x2  }
0x112: {  	p0 =	sgt.s32 s21, $0xF41FF;
	v25 =	vld [tilespmem:s23+$0x0];
	s21 =	sor.u32 $0x1800, s22;
	s23 =	sadd.s32 $0x18200, s24  }
0x113: {  	v22 =	vld [tilespmem:s16+$0xFFFFFF80];
	s21 =	smov.u32 @p0 s23  }
0x114: {  	s25 =	sadd.s32 $0x18210, s24;
	s23 =	sor.u32 $0x1810, s22;
	v30 =	vld [tilespmem:s21+$0x0];
	s21 =	spop (v2sf)  }
0x115: {  	v50 =	vld [tilespmem:s16+$0xFFFFFF90];
	s23 =	smov.u32 @p0 s25;
	s25 =	sadd.s32 $0x18220, s24;
	(v2sf) =	vpush v0, $0x9;
	s26 =	sadd.s32 $0xFFF0BE00, s21  }
0x116: {  	v36 =	vld [tilespmem:s23+$0x0];
	s23 =	sor.u32 $0x1820, s22;
	s22 =	sor.u32 $0x1830, s22;
	p1 =	sgt.s32 s26, $0x0  }
0x117: {  	v40 =	vld [tilespmem:s16+$0xFFFFFFA0];
	s23 =	smov.u32 @p0 s25;
	s25 =	sshll.u32 s21, $0x7;
	s26 =	simm.s32 @!p1 $0x0  }
0x118: {  	v51 =	vld [tilespmem:s23+$0x0];
	s23 =	sadd.s32 $0x18230, s24;
	s25 =	sand.u32 $0x380, s25;
	s26 =	sshll.u32 s26, $0x9  }
0x119: {  	v47 =	vld [tilespmem:s16+$0xFFFFFFB0];
	s22 =	smov.u32 @p0 s23;
	s23 =	sadd.s32 s25, s20;
	s24 =	sshra.s32 s26, $0x2  }
0x11a: {  	p0 =	sgt.s32 s21, $0xF41FF;
	v59 =	vld [tilespmem:s22+$0x0];
	s21 =	sadd.s32 $0x1C00, s23;
	s22 =	sadd.s32 $0x18200, s24  }
0x11b: {  	v7 =	vld [tilespmem:s16+$0xFFFFFFC0];
	s21 =	smov.u32 @p0 s22  }
0x11c: {  	v28 =	vsub.f32 v13, v28;
	v31 =	vsub.f32 v31, v20;
	s25 =	sadd.s32 $0x18210, s24;
	s22 =	sadd.s32 $0x1C10, s23;
	v15 =	vld [tilespmem:s21+$0x0];
	s21 =	spop (v2sf)  }
0x11d: {  	v20 =	vld [tilespmem:s16+$0xFFFFFFD0];
	v37 =	vsub.f32 v37, v48;
	(v2sf) =	vpush v0, $0xA;
	s22 =	smov.u32 @p0 s25;
	s25 =	sadd.s32 $0x18220, s24;
	s26 =	sadd.s32 $0xFFF0BE00, s21  }
0x11e: {  	v48 =	vmul.f32 v28, v28;
	v43 =	vsub.f32 v43, v56;
	v13 =	vld [tilespmem:s22+$0x0];
	s22 =	sadd.s32 $0x1C20, s23;
	s23 =	sadd.s32 $0x1C30, s23;
	p1 =	sgt.s32 s26, $0x0  }
0x11f: {  	v28 =	vld [tilespmem:s16+$0xFFFFFFE0];
	v63 =	vmul.f32 v31, v31;
	v37 =	vmul.f32 v37, v37;
	s22 =	smov.u32 @p0 s25;
	s25 =	sshll.u32 s21, $0x7;
	s26 =	simm.s32 @!p1 $0x0  }
0x120: {  	v48 =	vadd.f32 v48, v4;
	v43 =	vmul.f32 v43, v43;
	v31 =	vld [tilespmem:s22+$0x0];
	s22 =	sadd.s32 $0x18230, s24;
	s25 =	sand.u32 $0x380, s25;
	s26 =	sshll.u32 s26, $0x9  }
0x121: {  	v4 =	vld [tilespmem:s16+$0xFFFFFFF0];
	v56 =	vadd.f32 v63, v3;
	v37 =	vadd.f32 v37, v2;
	s23 =	smov.u32 @p0 s22;
	s22 =	sadd.s32 s25, s20;
	s24 =	sshra.s32 s26, $0x2  }
0x122: {  	v43 =	vadd.f32 v43, v1;
	v1 =	vsub.f32 v9, v18;
	p0 =	sgt.s32 s21, $0xF41FF;
	v2 =	vld [tilespmem:s23+$0x0];
	s21 =	sor.u32 $0x2000, s22;
	s23 =	sadd.s32 $0x18200, s24  }
0x123: {  	v3 =	vld [tilespmem:s16+$0x0];
	v9 =	vsub.f32 v23, v14;
	v14 =	vsub.f32 v29, v38;
	s21 =	smov.u32 @p0 s23  }
0x124: {  	s25 =	sadd.s32 $0x18210, s24;
	s23 =	sor.u32 $0x2010, s22;
	v23 =	vld [tilespmem:s21+$0x0];
	s21 =	spop (v2sf)  }
0x125: {  	v63 =	vsub.f32 v34, v44;
	v34 =	vld [tilespmem:s16+$0x10];
	v14 =	vmul.f32 v14, v14;
	(v2sf) =	vpush v0, $0xB;
	s23 =	smov.u32 @p0 s25;
	s25 =	sadd.s32 $0x18220, s24;
	s26 =	sadd.s32 $0xFFF0BE00, s21  }
0x126: {  	v9 =	vmul.f32 v9, v9;
	v18 =	vld [tilespmem:s23+$0x0];
	s23 =	sor.u32 $0x2020, s22;
	s22 =	sor.u32 $0x2030, s22;
	p1 =	sgt.s32 s26, $0x0  }
0x127: {  	v1 =	vmul.f32 v1, v1;
	v37 =	vadd.f32 v14, v37;
	v14 =	vld [tilespmem:s16+$0x30];
	s23 =	smov.u32 @p0 s25;
	s25 =	sshll.u32 s21, $0x7;
	s26 =	simm.s32 @!p1 $0x0  }
0x128: {  	v29 =	vmul.f32 v63, v63;
	v63 =	vadd.f32 v9, v56;
	v52 =	vsub.f32 v41, v52;
	v9 =	vld [tilespmem:s23+$0x0];
	s23 =	sadd.s32 $0x18230, s24;
	s25 =	sand.u32 $0x380, s25;
	s26 =	sshll.u32 s26, $0x9  }
0x129: {  	v54 =	vsub.f32 v61, v54;
	v61 =	vadd.f32 v1, v48;
	v1 =	vld [tilespmem:s16+$0x20];
	s22 =	smov.u32 @p0 s23;
	s23 =	sadd.s32 s25, s20;
	s24 =	sshra.s32 s26, $0x2  }
0x12a: {  	v43 =	vadd.f32 v29, v43;
	v26 =	vsub.f32 v19, v26;
	p0 =	sgt.s32 s21, $0xF41FF;
	v29 =	vld [tilespmem:s22+$0x0];
	s21 =	sadd.s32 $0x2400, s23;
	s22 =	sadd.s32 $0x18200, s24  }
0x12b: {  	v38 =	vmul.f32 v52, v52;
	v41 =	vmul.f32 v54, v54;
	v48 =	vsub.f32 v6, v11;
	v6 =	vld [tilespmem:s16+$0x40];
	s21 =	smov.u32 @p0 s22  }
0x12c: {  	v56 =	vmul.f32 v26, v26;
	v24 =	vsub.f32 v24, v32;
	v52 =	vsub.f32 v53, v39;
	s25 =	sadd.s32 $0x18210, s24;
	s22 =	sadd.s32 $0x2410, s23;
	v11 =	vld [tilespmem:s21+$0x0];
	s21 =	spop (v2sf)  }
0x12d: {  	v26 =	vld [tilespmem:s16+$0x60];
	v53 =	vmul.f32 v48, v48;
	v54 =	vsub.f32 v45, v57;
	s22 =	smov.u32 @p0 s25;
	s25 =	sadd.s32 $0x18220, s24;
	(v2sf) =	vpush v0, $0xC;
	s26 =	sadd.s32 $0xFFF0BE00, s21  }
0x12e: {  	v19 =	vld [tilespmem:s22+$0x0];
	s22 =	sadd.s32 $0x2420, s23;
	s23 =	sadd.s32 $0x2430, s23;
	p1 =	sgt.s32 s26, $0x0  }
0x12f: {  	v57 =	vmul.f32 v24, v24;
	v24 =	vld [tilespmem:s16+$0x50];
	v37 =	vadd.f32 v53, v37;
	v44 =	vmul.f32 v54, v54;
	s22 =	smov.u32 @p0 s25;
	s25 =	sshll.u32 s21, $0x7;
	s26 =	simm.s32 @!p1 $0x0  }
0x130: {  	v38 =	vadd.f32 v38, v61;
	v41 =	vadd.f32 v41, v63;
	v32 =	vld [tilespmem:s22+$0x0];
	s22 =	sadd.s32 $0x18230, s24;
	s25 =	sand.u32 $0x380, s25;
	s26 =	sshll.u32 s26, $0x9  }
0x131: {  	v43 =	vadd.f32 v56, v43;
	v48 =	vadd.f32 v44, v37;
	v37 =	vld [tilespmem:s16+$0x70];
	s23 =	smov.u32 @p0 s22;
	s22 =	sadd.s32 s25, s20;
	s24 =	sshra.s32 s26, $0x2  }
0x132: {  	v46 =	vsub.f32 v46, v58;
	v63 =	vadd.f32 v57, v38;
	p0 =	sgt.s32 s21, $0xF41FF;
	v38 =	vld [tilespmem:s23+$0x0];
	s21 =	sor.u32 $0x2800, s22;
	s23 =	sadd.s32 $0x18200, s24  }
0x133: {  	v16 =	vsub.f32 v8, v16;
	v8 =	vld [tilespmem:s16+$0x80];
	v21 =	vsub.f32 v21, v12;
	s21 =	smov.u32 @p0 s23  }
0x134: {  	v61 =	vmul.f32 v52, v52;
	v46 =	vmul.f32 v46, v46;
	v33 =	vsub.f32 v33, v42;
	s25 =	sadd.s32 $0x18210, s24;
	s23 =	sor.u32 $0x2810, s22;
	v12 =	vld [tilespmem:s21+$0x0];
	s21 =	spop (v2sf)  }
0x135: {  	v27 =	vsub.f32 v27, v35;
	v54 =	vmul.f32 v21, v21;
	v21 =	vld [tilespmem:s16+$0x90];
	s23 =	smov.u32 @p0 s25;
	s25 =	sadd.s32 $0x18220, s24;
	(v2sf) =	vpush v0, $0xD;
	s26 =	sadd.s32 $0xFFF0BE00, s21  }
0x136: {  	v43 =	vadd.f32 v46, v43;
	v52 =	vmul.f32 v16, v16;
	v33 =	vmul.f32 v33, v33;
	v16 =	vld [tilespmem:s23+$0x0];
	s23 =	sor.u32 $0x2820, s22;
	s22 =	sor.u32 $0x2830, s22;
	p1 =	sgt.s32 s26, $0x0  }
0x137: {  	v39 =	vadd.f32 v61, v41;
	v57 =	vmul.f32 v27, v27;
	v27 =	vld [tilespmem:s16+$0xA0];
	s23 =	smov.u32 @p0 s25;
	s25 =	sshll.u32 s21, $0x7;
	s26 =	simm.s32 @!p1 $0x0  }
0x138: {  	v53 =	vsub.f32 v49, v60;
	v43 =	vadd.f32 v33, v43;
	v33 =	vld [tilespmem:s23+$0x0];
	s23 =	sadd.s32 $0x18230, s24;
	s25 =	sand.u32 $0x380, s25;
	s26 =	sshll.u32 s26, $0x9  }
0x139: {  	v35 =	vadd.f32 v52, v63;
	v39 =	vadd.f32 v54, v39;
	v54 =	vld [tilespmem:s16+$0x130];
	s22 =	smov.u32 @p0 s23;
	s23 =	sadd.s32 s25, s20;
	s24 =	sshra.s32 s26, $0x2  }
0x13a: {  	v56 =	vsub.f32 v62, v55;
	v42 =	vmul.f32 v53, v53;
	v25 =	vsub.f32 v17, v25;
	p0 =	sgt.s32 s21, $0xF41FF;
	v17 =	vld [tilespmem:s22+$0x0];
	s21 =	sadd.s32 $0x2C00, s23;
	s22 =	sadd.s32 $0x18200, s24  }
0x13b: {  	v41 =	vadd.f32 v57, v48;
	v5 =	vsub.f32 v5, v10;
	v10 =	vld [tilespmem:s16+$0xC0];
	s21 =	smov.u32 @p0 s22  }
0x13c: {  	v58 =	vmul.f32 v56, v56;
	v42 =	vadd.f32 v42, v35;
	v22 =	vsub.f32 v22, v30;
	s25 =	sadd.s32 $0x18210, s24;
	s22 =	sadd.s32 $0x2C10, s23;
	v30 =	vld [tilespmem:s21+$0x0];
	s21 =	spop (v2sf)  }
0x13d: {  	v35 =	vld [tilespmem:s16+$0xB0];
	v5 =	vmul.f32 v5, v5;
	v36 =	vsub.f32 v50, v36;
	s22 =	smov.u32 @p0 s25;
	s25 =	sadd.s32 $0x18220, s24;
	(v2sf) =	vpush v0, $0xE;
	s26 =	sadd.s32 $0xFFF0BE00, s21  }
0x13e: {  	v25 =	vmul.f32 v25, v25;
	v60 =	vmul.f32 v22, v22;
	v40 =	vsub.f32 v40, v51;
	v22 =	vld [tilespmem:s22+$0x0];
	s22 =	sadd.s32 $0x2C20, s23;
	s23 =	sadd.s32 $0x2C30, s23;
	p1 =	sgt.s32 s26, $0x0  }
0x13f: {  	v39 =	vadd.f32 v58, v39;
	v41 =	vadd.f32 v5, v41;
	v5 =	vld [tilespmem:s16+$0xE0];
	v62 =	vmul.f32 v36, v36;
	s22 =	smov.u32 @p0 s25;
	s25 =	sshll.u32 s21, $0x7;
	s26 =	simm.s32 @!p1 $0x0  }
0x140: {  	v43 =	vadd.f32 v25, v43;
	v42 =	vadd.f32 v60, v42;
	v40 =	vmul.f32 v40, v40;
	v25 =	vld [tilespmem:s22+$0x0];
	s22 =	sadd.s32 $0x18230, s24;
	s25 =	sand.u32 $0x380, s25;
	s26 =	sshll.u32 s26, $0x9  }
0x141: {  	v50 =	vld [tilespmem:s16+$0x110];
	v61 =	vsub.f32 v47, v59;
	v39 =	vadd.f32 v62, v39;
	s23 =	smov.u32 @p0 s22;
	s22 =	sadd.s32 s25, s20;
	s24 =	sshra.s32 s26, $0x2  }
0x142: {  	v40 =	vadd.f32 v40, v41;
	v15 =	vsub.f32 v7, v15;
	p0 =	sgt.s32 s21, $0xF41FF;
	v49 =	vld [tilespmem:s23+$0x0];
	s21 =	sor.u32 $0x3000, s22;
	s23 =	sadd.s32 $0x18200, s24  }
0x143: {  	v36 =	vld [tilespmem:s16+$0xD0];
	v63 =	vmul.f32 v61, v61;
	v20 =	vsub.f32 v20, v13;
	v28 =	vsub.f32 v28, v31;
	s21 =	smov.u32 @p0 s23  }
0x144: {  	v15 =	vmul.f32 v15, v15;
	v4 =	vsub.f32 v4, v2;
	v3 =	vsub.f32 v3, v23;
	s25 =	sadd.s32 $0x18210, s24;
	s23 =	sor.u32 $0x3010, s22;
	v23 =	vld [tilespmem:s21+$0x0];
	s21 =	spop (v2sf)  }
0x145: {  	v51 =	vld [tilespmem:s16+$0x120];
	v48 =	vadd.f32 v63, v43;
	v20 =	vmul.f32 v20, v20;
	s23 =	smov.u32 @p0 s25;
	(v2sf) =	vpush v0, $0xF;
	s25 =	sadd.s32 $0x18220, s24;
	s26 =	sadd.s32 $0xFFF0BE00, s21  }
0x146: {  	v15 =	vadd.f32 v15, v42;
	v28 =	vmul.f32 v28, v28;
	v4 =	vmul.f32 v4, v4;
	v0 =	vld [tilespmem:s23+$0x0];
	s23 =	sor.u32 $0x3020, s22;
	s22 =	sor.u32 $0x3030, s22;
	p1 =	sgt.s32 s26, $0x0  }
0x147: {  	v59 =	vld [tilespmem:s16+$0x140];
	v20 =	vadd.f32 v20, v39;
	v18 =	vsub.f32 v34, v18;
	v3 =	vmul.f32 v3, v3;
	s23 =	smov.u32 @p0 s25;
	s25 =	sshll.u32 s21, $0x7;
	s26 =	simm.s32 @!p1 $0x0  }
0x148: {  	v28 =	vadd.f32 v28, v40;
	v4 =	vadd.f32 v4, v48;
	v52 =	vld [tilespmem:s23+$0x0];
	s23 =	sadd.s32 $0x18230, s24;
	s25 =	sand.u32 $0x380, s25;
	s26 =	sshll.u32 s26, $0x9  }
0x149: {  	v41 =	vld [tilespmem:s16+$0x170];
	v18 =	vmul.f32 v18, v18;
	v1 =	vsub.f32 v1, v9;
	v3 =	vadd.f32 v3, v15;
	s22 =	smov.u32 @p0 s23;
	s23 =	sadd.s32 s25, s20;
	s24 =	sshra.s32 s26, $0x2  }
0x14a: {  	v14 =	vsub.f32 v14, v29;
	v6 =	vsub.f32 v6, v11;
	p0 =	sgt.s32 s21, $0xF41FF;
	v56 =	vld [tilespmem:s22+$0x0];
	s21 =	sadd.s32 $0x3400, s23;
	s22 =	sadd.s32 $0x18200, s24  }
0x14b: {  	v7 =	vld [tilespmem:s16+$0xF0];
	v53 =	vadd.f32 v18, v20;
	v1 =	vmul.f32 v1, v1;
	v55 =	vsub.f32 v24, v19;
	s25 =	sadd.s32 $0x18210, s24;
	s21 =	smov.u32 @p0 s22;
	s22 =	sadd.s32 $0x3410, s23  }
0x14c: {  	v14 =	vmul.f32 v14, v14;
	v6 =	vmul.f32 v6, v6;
	v57 =	vsub.f32 v26, v32;
	s26 =	spop (v2sf);
	v60 =	vld [tilespmem:s21+$0x0];
	s22 =	smov.u32 @p0 s25  }
0x14d: {  	v1 =	vadd.f32 v1, v28;
	v11 =	vmul.f32 v55, v55;
	v58 =	vsub.f32 v37, v38;
	s21 =	sadd.s32 $0x3420, s23;
	s25 =	sadd.s32 $0xFFF0BE00, s26;
	v63 =	vld [tilespmem:s22+$0x0];
	s22 =	sadd.s32 $0x18220, s24  }
0x14e: {  	v43 =	vld [tilespmem:s16+$0x180];
	v4 =	vadd.f32 v14, v4;
	v3 =	vadd.f32 v6, v3;
	v61 =	vmul.f32 v57, v57;
	p1 =	sgt.s32 s25, $0x0;
	s21 =	smov.u32 @p0 s22  }
0x14f: {  	v2 =	vld [tilespmem:s16+$0x100];
	v6 =	vadd.f32 v11, v53;
	v62 =	vmul.f32 v58, v58;
	v8 =	vsub.f32 v8, v12;
	s22 =	sadd.s32 $0x3430, s23;
	s25 =	simm.s32 @!p1 $0x0;
	s23 =	sshll.u32 s26, $0x7  }
0x150: {  	v1 =	vadd.f32 v61, v1;
	v38 =	vsub.f32 v21, v16;
	v39 =	vld [tilespmem:s21+$0x0];
	s21 =	sadd.s32 $0x18230, s24;
	s23 =	sand.u32 $0x380, s23;
	s25 =	sshll.u32 s25, $0x9  }
0x151: {  	v48 =	vld [tilespmem:s16+$0x190];
	v4 =	vadd.f32 v62, v4;
	v8 =	vmul.f32 v8, v8;
	v40 =	vsub.f32 v27, v33;
	s22 =	smov.u32 @p0 s21;
	s21 =	sadd.s32 s23, s20;
	s23 =	sshra.s32 s25, $0x2  }
0x152: {  	v12 =	vmul.f32 v38, v38;
	v17 =	vsub.f32 v35, v17;
	v10 =	vsub.f32 v10, v30;
	p0 =	sgt.s32 s26, $0xF41FF;
	v42 =	vld [tilespmem:s22+$0x0];
	s22 =	sor.u32 $0x3800, s21;
	s24 =	sadd.s32 $0x18200, s23  }
0x153: {  	v32 =	vld [tilespmem:s16+$0x150];
	v3 =	vadd.f32 v8, v3;
	v16 =	vmul.f32 v40, v40;
	v22 =	vsub.f32 v36, v22;
	s22 =	smov.u32 @p0 s24  }
0x154: {  	v6 =	vadd.f32 v12, v6;
	v17 =	vmul.f32 v17, v17;
	v44 =	vmul.f32 v10, v10;
	s25 =	sadd.s32 $0x18210, s23;
	s24 =	sor.u32 $0x3810, s21;
	v45 =	vld [tilespmem:s22+$0x0];
	s22 =	spop (v2sf)  }
0x155: {  	v37 =	vld [tilespmem:s16+$0x160];
	v1 =	vadd.f32 v16, v1;
	v46 =	vmul.f32 v22, v22;
	v5 =	vsub.f32 v5, v25;
	s24 =	smov.u32 @p0 s25;
	s25 =	sadd.s32 $0x18220, s23;
	s26 =	sadd.s32 $0xFFF0BE00, s22  }
0x156: {  	v4 =	vadd.f32 v17, v4;
	v3 =	vadd.f32 v44, v3;
	s23 =	sadd.s32 $0x18230, s23;
	v47 =	vld [tilespmem:s24+$0x0];
	s24 =	sor.u32 $0x3820, s21;
	p1 =	sgt.s32 s26, $0x0  }
0x157: {  	v58 =	vld [tilespmem:s16+$0x1E0];
	v6 =	vadd.f32 v46, v6;
	v7 =	vsub.f32 v7, v49;
	v5 =	vmul.f32 v5, v5;
	s24 =	smov.u32 @p0 s25;
	s25 =	sshll.u32 s22, $0x7;
	s26 =	simm.s32 @!p1 $0x0  }
0x158: {  	v2 =	vsub.f32 v2, v23;
	v0 =	vsub.f32 v50, v0;
	s21 =	sor.u32 $0x3830, s21;
	v49 =	vld [tilespmem:s24+$0x0];
	s24 =	sand.u32 $0x380, s25;
	s26 =	sshll.u32 s26, $0x9  }
0x159: {  	v7 =	vmul.f32 v7, v7;
	v1 =	vadd.f32 v5, v1;
	v50 =	vld [tilespmem:s16+$0x1A0];
	v9 =	vsub.f32 v51, v52;
	s21 =	smov.u32 @p0 s23;
	s20 =	sadd.s32 s24, s20;
	s26 =	sshra.s32 s26, $0x2  }
0x15a: {  	v2 =	vmul.f32 v2, v2;
	v0 =	vmul.f32 v0, v0;
	v51 =	vsub.f32 v54, v56;
	p0 =	sgt.s32 s22, $0xF41FF;
	v5 =	vld [tilespmem:s21+$0x0];
	s21 =	sadd.s32 $0x3C00, s20;
	s22 =	sadd.s32 $0x18200, s26  }
0x15b: {  	v4 =	vadd.f32 v7, v4;
	v52 =	vld [tilespmem:s16+$0x1B0];
	v7 =	vmul.f32 v9, v9;
	s21 =	smov.u32 @p0 s22  }
0x15c: {  	v2 =	vadd.f32 v2, v3;
	v0 =	vadd.f32 v0, v6;
	v53 =	vmul.f32 v51, v51;
	s22 =	sadd.s32 $0x18210, s26;
	v3 =	vld [tilespmem:s21+$0x0];
	s21 =	sadd.s32 $0x3C10, s20  }
0x15d: {  	v54 =	vld [tilespmem:s16+$0x1C0];
	v1 =	vadd.f32 v7, v1;
	v7 =	vsub.f32 v59, v60;
	s21 =	smov.u32 @p0 s22  }
0x15e: {  	v4 =	vadd.f32 v53, v4;
	v55 =	vsub.f32 v32, v63;
	s22 =	sadd.s32 $0x18220, s26;
	v56 =	vld [tilespmem:s21+$0x0];
	s21 =	sadd.s32 $0x3C20, s20  }
0x15f: {  	v6 =	vld [tilespmem:s16+$0x1D0];
	v14 =	vsub.f32 v37, v39;
	v57 =	vsub.f32 v41, v42;
	s21 =	smov.u32 @p0 s22  }
0x160: {  	v7 =	vmul.f32 v7, v7;
	v9 =	vmul.f32 v55, v55;
	v10 =	vsub.f32 v43, v45;
	s20 =	sadd.s32 $0x3C30, s20;
	v59 =	vld [tilespmem:s21+$0x0];
	s21 =	sadd.s32 $0x18230, s26  }
0x161: {  	v60 =	vld [tilespmem:s16+$0x1F0];
	v14 =	vmul.f32 v14, v14;
	v15 =	vmul.f32 v57, v57;
	v8 =	vsub.f32 v48, v47;
	s20 =	smov.u32 @p0 s21  }
0x162: {  	v2 =	vadd.f32 v7, v2;
	v0 =	vadd.f32 v9, v0;
	v7 =	vmul.f32 v10, v10;
	v61 =	vld [tilespmem:s20+$0x0]  }
0x163: {  	v1 =	vadd.f32 v14, v1;
	v4 =	vadd.f32 v15, v4;
	v8 =	vmul.f32 v8, v8  }
0x164: {  	v5 =	vsub.f32 v52, v5;
	v2 =	vadd.f32 v7, v2  }
0x165: {  	v7 =	vsub.f32 v50, v49;
	v0 =	vadd.f32 v8, v0  }
0x166: {  	s18 =	sadd.s32 $0x4000, s18;
	v5 =	vmul.f32 v5, v5;
	v3 =	vsub.f32 v54, v3;
	v6 =	vsub.f32 v6, v56  }
0x167: {  	v7 =	vmul.f32 v7, v7;
	p0 =	sne.s32 s18, $0x80000;
	v62 =	vsub.f32 v58, v59;
	v9 =	vsub.f32 v60, v61  }
.Ltmp3:
0x168: {  	v5 =	vadd.f32 v5, v4;
	v3 =	vmul.f32 v3, v3;
	v6 =	vmul.f32 v6, v6;
	(pc) =	sbr.rel @!p0 .LBB2_5-.Ltmp3, $4  }
0x169: {  	v1 =	vadd.f32 v7, v1;
	v7 =	vmul.f32 v62, v62;
	v63 =	vmul.f32 v9, v9  }
0x16a: {  	v4 =	vadd.f32 v3, v2;
	v3 =	vadd.f32 v6, v0  }
0x16b: {  	v2 =	vadd.f32 v7, v1;
	v1 =	vadd.f32 v63, v5  }
0x16c: {  	s19 =	sadd.s32 $0x1, s19;
	s17 =	sadd.s32 $0x10, s17;
	s16 =	sadd.s32 $0x400, s16  }
.LBB2_2:
0x16d: {  	p0 =	sgt.u32 s19, $0x1C  }
.Ltmp4:
0x16e: {  	_ = 	snop;
	(pc) =	sbr.rel @p0 .LBB2_4-.Ltmp4, $1  }
0x16f: {  	_ =	sdelay $0x3  }
0x170: {  	v0 =	vld [tilespmem:s17+$0x30];
	_ =	sdelay $0x4  }
0x171: {  	v0 =	vand.u32 $0xFFFFFFF8, v0  }
0x172: {  	v0 =	vshll.u32 v0, $0x4  }
0x173: {  	v0 =	vadd.s32 s4, v0  }
0x174: {  	(v2sf) =	vpush v0, $0x0;
	_ =	sdelay $0x1  }
0x175: {  	(v2sf) =	vpush v0, $0x1;
	_ =	sdelay $0x1  }
0x176: {  	(v2sf) =	vpush v0, $0x2;
	_ =	sdelay $0x1  }
0x177: {  	(v2sf) =	vpush v0, $0x3;
	_ =	sdelay $0x1  }
0x178: {  	(v2sf) =	vpush v0, $0x4;
	_ =	sdelay $0x1  }
0x179: {  	(v2sf) =	vpush v0, $0x5;
	_ =	sdelay $0x1  }
0x17a: {  	(v2sf) =	vpush v0, $0x6  }
0x17b: {  	s20 =	sadd.s32 $0xC000, s18  }
0x17c: {  	s20 =	sand.u32 $0xC000, s20;
	(v2sf) =	vpush v0, $0x7  }
0x17d: {  	s21 =	sor.u32 $0x200, s20;
	s22 =	spop (v2sf)  }
0x17e: {  	(v2sf) =	vpush v0, $0x8;
	[tilespmem:s21], [sflag:$0x1] =	stream.linear.gather [hbm4b:s22+s3], $0x400, $0x38;
	[tilespmem:$0x1A280] =	vst v63  }
0x17f: {  	s23 =	sor.u32 $0x600, s20;
	s24 =	spop (v2sf)  }
0x180: {  	(v2sf) =	vpush v0, $0x9;
	[tilespmem:s23], [sflag:$0x1] =	stream.linear.gather [hbm4b:s24+s3], $0x400, $0x38;
	[tilespmem:$0x1A280] =	vst v63  }
0x181: {  	s25 =	sor.u32 $0xA00, s20;
	s26 =	spop (v2sf)  }
0x182: {  	(v2sf) =	vpush v0, $0xA;
	[tilespmem:s25], [sflag:$0x1] =	stream.linear.gather [hbm4b:s26+s3], $0x400, $0x38;
	[tilespmem:$0x1A280] =	vst v63  }
0x183: {  	s23 =	sor.u32 $0xE00, s20;
	s24 =	spop (v2sf)  }
0x184: {  	(v2sf) =	vpush v0, $0xB;
	[tilespmem:s23], [sflag:$0x1] =	stream.linear.gather [hbm4b:s24+s3], $0x400, $0x38;
	[tilespmem:$0x1A280] =	vst v63  }
0x185: {  	s25 =	sor.u32 $0x1200, s20;
	s26 =	spop (v2sf)  }
0x186: {  	(v2sf) =	vpush v0, $0xC;
	[tilespmem:s25], [sflag:$0x1] =	stream.linear.gather [hbm4b:s26+s3], $0x400, $0x38;
	[tilespmem:$0x1A280] =	vst v63  }
0x187: {  	s23 =	sor.u32 $0x1600, s20;
	s24 =	spop (v2sf)  }
0x188: {  	(v2sf) =	vpush v0, $0xD;
	[tilespmem:s23], [sflag:$0x1] =	stream.linear.gather [hbm4b:s24+s3], $0x400, $0x38;
	[tilespmem:$0x1A280] =	vst v63  }
0x189: {  	s25 =	sor.u32 $0x1A00, s20;
	s26 =	spop (v2sf)  }
0x18a: {  	[tilespmem:s25], [sflag:$0x1] =	stream.linear.gather [hbm4b:s26+s3], $0x400, $0x38;
	[tilespmem:$0x1A280] =	vst v63  }
0x18b: {  	(v2sf) =	vpush v0, $0xE;
	s23 =	sor.u32 $0x1E00, s20;
	s24 =	spop (v2sf)  }
0x18c: {  	[tilespmem:s23], [sflag:$0x1] =	stream.linear.gather [hbm4b:s24+s3], $0x400, $0x38;
	[tilespmem:$0x1A280] =	vst v63  }
0x18d: {  	(v2sf) =	vpush v0, $0xF;
	s26 =	sor.u32 $0x2200, s20;
	s25 =	spop (v2sf)  }
0x18e: {  	[tilespmem:s26], [sflag:$0x1] =	stream.linear.gather [hbm4b:s25+s3], $0x400, $0x38;
	[tilespmem:$0x1A280] =	vst v63  }
0x18f: {  	s24 =	sor.u32 $0x2600, s20;
	s23 =	spop (v2sf)  }
0x190: {  	[tilespmem:s24], [sflag:$0x1] =	stream.linear.gather [hbm4b:s23+s3], $0x400, $0x38;
	[tilespmem:$0x1A280] =	vst v63  }
0x191: {  	s25 =	spop (v2sf);
	s26 =	sor.u32 $0x2A00, s20  }
0x192: {  	[tilespmem:s26], [sflag:$0x1] =	stream.linear.gather [hbm4b:s25+s3], $0x400, $0x38;
	[tilespmem:$0x1A280] =	vst v63  }
0x193: {  	s23 =	spop (v2sf);
	s24 =	sor.u32 $0x2E00, s20  }
0x194: {  	[tilespmem:s24], [sflag:$0x1] =	stream.linear.gather [hbm4b:s23+s3], $0x400, $0x38;
	[tilespmem:$0x1A280] =	vst v63  }
0x195: {  	s25 =	spop (v2sf);
	s26 =	sor.u32 $0x3200, s20  }
0x196: {  	[tilespmem:s26], [sflag:$0x1] =	stream.linear.gather [hbm4b:s25+s3], $0x400, $0x38;
	[tilespmem:$0x1A280] =	vst v63  }
0x197: {  	s22 =	spop (v2sf);
	s23 =	sor.u32 $0x3600, s20  }
0x198: {  	[tilespmem:s23], [sflag:$0x1] =	stream.linear.gather [hbm4b:s22+s3], $0x400, $0x38;
	[tilespmem:$0x1A280] =	vst v63  }
.Ltmp5:
0x199: {  	_ = 	snop;
	(pc) =	sbr.rel .LBB2_4-.Ltmp5, $4  }
0x19a: {  	s24 =	spop (v2sf);
	s25 =	sor.u32 $0x3A00, s20  }
0x19b: {  	[tilespmem:s25], [sflag:$0x1] =	stream.linear.gather [hbm4b:s24+s3], $0x400, $0x38;
	[tilespmem:$0x1A280] =	vst v63  }
0x19c: {  	s20 =	sor.u32 $0x3E00, s20;
	s26 =	spop (v2sf)  }
0x19d: {  	[tilespmem:s20], [sflag:$0x1] =	stream.linear.gather [hbm4b:s26+s3], $0x400, $0x38;
	[tilespmem:$0x1A280] =	vst v63  }
.LBB2_6:
0x19e: {  	_ =	sfence.sel $0x180000  }
0x19f: {  	[bflag:$0x0] =	sbarrier.arrive $0xFFFF  }
0x1a0: {  	_ =	strace $0x9000004A  }
0x1a1: {  	s0 =	stileid.u32;
	[bflag:$0x2] =	sbarrier.arrive $0xFFFF  }
0x1a2: {  	p0 =	sne.s32 s0, $0x0;
	s0 =	rddreg [dreg:$0x5]  }
0x1a3: {  	s0 =	sadd.s32 @!p0 $0x100000, s0  }
0x1a4: {  	[sflag:s0] =	ssyncadd.tile.s32 @!p0 $0x1;
	_ =	shalt  }
.Lfunc_end2:
_tile_overlayer_lowered:
.L_overlay_start_2:
0x1a5: {  	(tag) =	ssettag $0x2  }
0x1a6: {  	s0 =	rddreg [dreg:$0x0];
	s2 =	stileid.u32  }
0x1a7: {  	s1 =	rddreg [dreg:$0x1];
	p0 =	sne.s32 s2, $0x0  }
0x1a8: {  	s3 =	rddreg [dreg:$0x2];
	[bflag:$0x3] =	sbarrier.arrive $0xFFFF;
	s2 =	simm.s32 @!p0 $0x1C03  }
0x1a9: {  	[timem:s3], [sflag:s2] =	dma.local @!p0 [hbm:s0], s1  }
0x1aa: {  	s0 =	simm.s32 @!p0 $0x3  }
0x1ab: {  	_ =	swait.ge @!p0 [sflag:s0], s1  }
0x1ac: {  	s1 =	ssub.s32 @!p0 $0x0, s1;
	[sflag:s0] =	ssyncset.done @!p0 $0x0  }
0x1ad: {  	[sflag:s0] =	ssyncadd.s32 @!p0 s1  }
0x1ae: {  	[bflag:$0x3] =	sbarrier.arrive $0xFFFF  }
0x1af: {  	_ =	shalt  }

</sc_bundles>
